<compile_context>
chip_gen: v7x
topology: tpu7x:2x2x1
jax: 0.10.2.dev20260603
libtpu: 0.0.44.dev20260713+nightly
codegen_flags: <defaults>
</compile_context>

<pallas_src>
import functools

import jax
import jax.numpy as jnp
import numpy as np
from jax import lax
from jax.experimental import pallas as pl
from jax.experimental.pallas import tpu as pltpu
from jax.experimental.pallas import tpu_sc as plsc

_B = 16384
_F = 26
_D = 16
_E = _F * _D
_NW = 32
_BPW = _B // _NW

_MS = (np.arange(_E)[None, :] % _D == np.arange(_D)[:, None]).astype(np.float32)


_WPAD = 1 << 20


def _fo_body(idx_hbm, w_hbm, out_hbm, idx_v, vals_v, acc_v, sem):
    wid = lax.axis_index("s") * 2 + lax.axis_index("c")
    pltpu.sync_copy(idx_hbm.at[wid], idx_v)
    pltpu.async_copy(w_hbm.at[idx_v], vals_v, sem).wait()
    for c in range(_BPW // 16):
        v = vals_v[pl.ds(c * 16, 16)]
        for f in range(1, _F):
            v = v + vals_v[pl.ds(f * _BPW + c * 16, 16)]
        acc_v[pl.ds(c * 16, 16)] = v
    pltpu.sync_copy(acc_v, out_hbm.at[pl.ds(wid * _BPW, _BPW)])


def _first_order(idx, w):
    fo_kernel = functools.partial(
        pl.kernel,
        out_type=jax.ShapeDtypeStruct((_B,), jnp.float32),
        mesh=plsc.VectorSubcoreMesh(core_axis_name="c", subcore_axis_name="s"),
        scratch_types=[
            pltpu.VMEM((_F * _BPW,), jnp.int32),
            pltpu.VMEM((_F * _BPW,), jnp.float32),
            pltpu.VMEM((_BPW,), jnp.float32),
            pltpu.SemaphoreType.DMA,
        ],
    )(_fo_body)
    return fo_kernel(idx, w)


def _so_body(xt_ref, ms_ref, o_ref):
    bc = o_ref.shape[0]
    cw = 512
    gc = 104
    for c in range(bc // cw):
        cs = pl.ds(c * cw, cw)
        q = jnp.zeros((cw,), jnp.float32)
        s = jnp.zeros((_D, cw), jnp.float32)
        for g in range(_E // gc):
            xg = xt_ref[pl.ds(g * gc, gc), cs]
            q = q + jnp.sum(xg * xg, axis=0)
            s = s + jnp.dot(ms_ref[:, pl.ds(g * gc, gc)], xg,
                            preferred_element_type=jnp.float32)
        ssq = jnp.sum(s * s, axis=0)
        o_ref[cs] = 0.5 * (ssq - q)


def _comb_body(a_ref, b_ref, o_ref):
    o_ref[...] = a_ref[...] + b_ref[...]


def _wflat_body(w_ref, o_ref, sem):
    cp = pltpu.make_async_copy(w_ref.at[:, 0], o_ref, sem)
    cp.start()
    cp.wait()


def _wflat(w):
    return pl.pallas_call(
        _wflat_body,
        in_specs=[pl.BlockSpec(memory_space=pltpu.MemorySpace.HBM)],
        out_specs=pl.BlockSpec(memory_space=pltpu.MemorySpace.HBM),
        out_shape=jax.ShapeDtypeStruct((w.shape[0],), jnp.float32),
        scratch_shapes=[pltpu.SemaphoreType.DMA],
    )(w)


def kernel(sparse_inputs, embed_inputs, w):
    idx = sparse_inputs.T.reshape(_F, _NW, _BPW).transpose(1, 0, 2).reshape(_NW, _F * _BPW)
    wp = jnp.concatenate(
        [w, jnp.zeros((_WPAD - w.shape[0], 1), jnp.float32)], axis=0).reshape(-1)
    fo = _first_order(idx, wp)

    xt = embed_inputs.reshape(_B, _E).T
    blk = 2048
    so = pl.pallas_call(
        _so_body,
        grid=(_B // blk,),
        in_specs=[
            pl.BlockSpec((_E, blk), lambda i: (0, i)),
            pl.BlockSpec((_D, _E), lambda i: (0, 0)),
        ],
        out_specs=pl.BlockSpec((blk,), lambda i: (i,)),
        out_shape=jax.ShapeDtypeStruct((_B,), jnp.float32),
    )(xt, jnp.asarray(_MS))

    out = pl.pallas_call(
        _comb_body,
        in_specs=[
            pl.BlockSpec((_B,), lambda: (0,)),
            pl.BlockSpec((_B,), lambda: (0,)),
        ],
        out_specs=pl.BlockSpec((_B,), lambda: (0,)),
        out_shape=jax.ShapeDtypeStruct((_B,), jnp.float32),
    )(fo, so)
    return out.reshape(_B, 1)

# --- scband reference (transcript-rebuilt; emitter-appended) ---
"""Pipeline reference for scband-fm-20615843021501 (READ-ONLY COPY).

The authoritative reference and input builder live on the scoring server;
editing this copy changes nothing except your own understanding.
"""

import jax, jax.numpy as jnp
import numpy as np

FEATURE_LENGTH = 1000000
BATCH = 16384
FIELDS = 26
EMBED_DIM = 16

def setup_inputs(seed: int = 0) -> dict:
    key = jax.random.key(seed)
    k1, k2, k3 = jax.random.split(key, 3)
    sparse_inputs = jax.random.randint(k1, (BATCH, FIELDS), 0, FEATURE_LENGTH, dtype=jnp.int64 if jax.config.jax_enable_x64 else jnp.int32).astype(jnp.int32)
    embed_inputs = jax.random.normal(k2, (BATCH, FIELDS, EMBED_DIM), dtype=jnp.float32)
    # learned first-order weight table w: (feature_length, 1), random_normal init
    w = jax.random.normal(k3, (FEATURE_LENGTH, 1), dtype=jnp.float32) * 0.05
    return {"sparse_inputs": sparse_inputs, "embed_inputs": embed_inputs, "w": w}

def reference(sparse_inputs, embed_inputs, w):
    # first order: sum over fields of w[feature_id] -> (B, 1)
    first_order = jnp.sum(jnp.take(w, sparse_inputs, axis=0), axis=1)
    # second order FM trick over embeddings
    square_sum = jnp.square(jnp.sum(embed_inputs, axis=1, keepdims=True))  # (B,1,D)
    sum_square = jnp.sum(jnp.square(embed_inputs), axis=1, keepdims=True)  # (B,1,D)
    second_order = 0.5 * jnp.sum(square_sum - sum_square, axis=2)  # (B,1)
    return first_order + second_order

if __name__ == "__main__":
    import jax
    _d = setup_inputs()
    print(jax.jit(kernel)(*tuple(_d.values())))

</pallas_src>

<mosaic_0001>
#map = affine_map<(d0, d1) -> (0, 0)>
#map1 = affine_map<(d0, d1) -> (0)>
module attributes {stable_mosaic.version = 14 : i64} {
  func.func @_fo_body(%arg0: i32, %arg1: i32, %arg2: memref<32x13312xi32, #tpu.memory_space<hbm>>, %arg3: memref<1048576xf32, #tpu.memory_space<hbm>>, %arg4: memref<16384xf32, #tpu.memory_space<hbm>>, %arg5: memref<13312xi32, #tpu.memory_space<vmem>>, %arg6: memref<13312xf32, #tpu.memory_space<vmem>>, %arg7: memref<512xf32, #tpu.memory_space<vmem>>, %arg8: memref<!tpu.dma_semaphore, #tpu.memory_space<semaphore_mem>>) attributes {dimension_semantics = [#tpu.dimension_semantics<core_parallel>, #tpu.dimension_semantics<subcore_parallel>], iteration_bounds = array<i64: 2, 16>, scalar_prefetch = 0 : i64, scratch_operands = 4 : i64, tpu.core_type = #tpu.core_type<sc_vector_subcore>, window_params = [{transform_indices = #map}, {transform_indices = #map1}, {transform_indices = #map1}]} {
    %mul3A = arith.constant 2 : i32
    %mul3A_0 = arith.muli %arg1, %mul3A : i32
    %add3A = arith.addi %mul3A_0, %arg0 : i32
    "tpu.region"() ({
      %run_scoped3A = tpu.sem_alloc : memref<!tpu.dma_semaphore, #tpu.memory_space<semaphore_mem>>
      %dma_start3A_3427 = arith.constant 0 : i32
      %dma_start3A_3428 = tpu.memref_slice %arg2[%add3A, %dma_start3A_3427] : memref<32x13312xi32, #tpu.memory_space<hbm>> -> memref<1x13312xi32, #tpu.memory_space<hbm>>
      %dma_start3A_3429 = tpu.memref_squeeze %dma_start3A_3428 : memref<1x13312xi32, #tpu.memory_space<hbm>> -> memref<13312xi32, #tpu.memory_space<hbm>>
      %dma_start3A_3430 = arith.constant 0 : i32
      %dma_start3A_3431 = tpu.memref_slice %arg2[%add3A, %dma_start3A_3430] : memref<32x13312xi32, #tpu.memory_space<hbm>> -> memref<1x13312xi32, #tpu.memory_space<hbm>>
      %dma_start3A_3432 = tpu.memref_squeeze %dma_start3A_3431 : memref<1x13312xi32, #tpu.memory_space<hbm>> -> memref<13312xi32, #tpu.memory_space<hbm>>
      tpu.enqueue_dma source(%dma_start3A_3432 : memref<13312xi32, #tpu.memory_space<hbm>>) target(%arg5 : memref<13312xi32, #tpu.memory_space<vmem>>) target_semaphore(%run_scoped3A : memref<!tpu.dma_semaphore, #tpu.memory_space<semaphore_mem>>)
      %dma_wait3A_3433 = arith.constant 0 : i32
      %dma_wait3A_3434 = tpu.memref_slice %arg2[%add3A, %dma_wait3A_3433] : memref<32x13312xi32, #tpu.memory_space<hbm>> -> memref<1x13312xi32, #tpu.memory_space<hbm>>
      %dma_wait3A_3435 = tpu.memref_squeeze %dma_wait3A_3434 : memref<1x13312xi32, #tpu.memory_space<hbm>> -> memref<13312xi32, #tpu.memory_space<hbm>>
      %dma_wait3A_3436 = arith.constant 0 : i32
      %dma_wait3A_3437 = tpu.memref_slice %arg2[%add3A, %dma_wait3A_3436] : memref<32x13312xi32, #tpu.memory_space<hbm>> -> memref<1x13312xi32, #tpu.memory_space<hbm>>
      %dma_wait3A_3438 = tpu.memref_squeeze %dma_wait3A_3437 : memref<1x13312xi32, #tpu.memory_space<hbm>> -> memref<13312xi32, #tpu.memory_space<hbm>>
      tpu.wait_dma2 semaphore(%run_scoped3A : memref<!tpu.dma_semaphore, #tpu.memory_space<semaphore_mem>>) src(%dma_wait3A_3438 : memref<13312xi32, #tpu.memory_space<hbm>>) dst(%arg5 : memref<13312xi32, #tpu.memory_space<vmem>>)
      tpu.yield
    }) : () -> ()
    %dma_start3A = arith.constant 0 : i32
    %dma_start3A_1 = tpu.memref_slice %arg3[%dma_start3A] : memref<1048576xf32, #tpu.memory_space<hbm>> -> memref<1048576xf32, #tpu.memory_space<hbm>>
    tpu.enqueue_indirect_dma source(%dma_start3A_1 : memref<1048576xf32, #tpu.memory_space<hbm>>) target(%arg6 : memref<13312xf32, #tpu.memory_space<vmem>>) offsets(%arg5 : memref<13312xi32, #tpu.memory_space<vmem>>) semaphore(%arg8 : memref<!tpu.dma_semaphore, #tpu.memory_space<semaphore_mem>>)
    %dma_wait3A = arith.constant 0 : i32
    %dma_wait3A_2 = tpu.memref_slice %arg3[%dma_wait3A] : memref<1048576xf32, #tpu.memory_space<hbm>> -> memref<1048576xf32, #tpu.memory_space<hbm>>
    tpu.wait_indirect_dma semaphore(%arg8 : memref<!tpu.dma_semaphore, #tpu.memory_space<semaphore_mem>>) src(%dma_wait3A_2 : memref<1048576xf32, #tpu.memory_space<hbm>>) dst(%arg6 : memref<13312xf32, #tpu.memory_space<vmem>>)
    %get3A = arith.constant 0 : index
    %get3A_3 = tpu.vector_load %arg6[%get3A] {strides = array<i32>} : memref<13312xf32, #tpu.memory_space<vmem>>, vector<16xf32>,
    %get3A_4 = vector.shape_cast %get3A_3 : vector<16xf32> to vector<16xf32>
    %get3A_5 = arith.constant 512 : index
    %get3A_6 = tpu.vector_load %arg6[%get3A_5] {strides = array<i32>} : memref<13312xf32, #tpu.memory_space<vmem>>, vector<16xf32>,
    %get3A_7 = vector.shape_cast %get3A_6 : vector<16xf32> to vector<16xf32>
    %add3A_8 = arith.addf %get3A_4, %get3A_7 : vector<16xf32>
    %get3A_9 = arith.constant 1024 : index
    %get3A_10 = tpu.vector_load %arg6[%get3A_9] {strides = array<i32>} : memref<13312xf32, #tpu.memory_space<vmem>>, vector<16xf32>,
    %get3A_11 = vector.shape_cast %get3A_10 : vector<16xf32> to vector<16xf32>
    %add3A_12 = arith.addf %add3A_8, %get3A_11 : vector<16xf32>
    %get3A_13 = arith.constant 1536 : index
    %get3A_14 = tpu.vector_load %arg6[%get3A_13] {strides = array<i32>} : memref<13312xf32, #tpu.memory_space<vmem>>, vector<16xf32>,
    %get3A_15 = vector.shape_cast %get3A_14 : vector<16xf32> to vector<16xf32>
    %add3A_16 = arith.addf %add3A_12, %get3A_15 : vector<16xf32>
    %get3A_17 = arith.constant 2048 : index
    %get3A_18 = tpu.vector_load %arg6[%get3A_17] {strides = array<i32>} : memref<13312xf32, #tpu.memory_space<vmem>>, vector<16xf32>,
    %get3A_19 = vector.shape_cast %get3A_18 : vector<16xf32> to vector<16xf32>
    %add3A_20 = arith.addf %add3A_16, %get3A_19 : vector<16xf32>
    %get3A_21 = arith.constant 2560 : index
    %get3A_22 = tpu.vector_load %arg6[%get3A_21] {strides = array<i32>} : memref<13312xf32, #tpu.memory_space<vmem>>, vector<16xf32>,
    %get3A_23 = vector.shape_cast %get3A_22 : vector<16xf32> to vector<16xf32>
    %add3A_24 = arith.addf %add3A_20, %get3A_23 : vector<16xf32>
    %get3A_25 = arith.constant 3072 : index
    %get3A_26 = tpu.vector_load %arg6[%get3A_25] {strides = array<i32>} : memref<13312xf32, #tpu.memory_space<vmem>>, vector<16xf32>,
    %get3A_27 = vector.shape_cast %get3A_26 : vector<16xf32> to vector<16xf32>
    %add3A_28 = arith.addf %add3A_24, %get3A_27 : vector<16xf32>
    %get3A_29 = arith.constant 3584 : index
    %get3A_30 = tpu.vector_load %arg6[%get3A_29] {strides = array<i32>} : memref<13312xf32, #tpu.memory_space<vmem>>, vector<16xf32>,
    %get3A_31 = vector.shape_cast %get3A_30 : vector<16xf32> to vector<16xf32>
    %add3A_32 = arith.addf %add3A_28, %get3A_31 : vector<16xf32>
    %get3A_33 = arith.constant 4096 : index
    %get3A_34 = tpu.vector_load %arg6[%get3A_33] {strides = array<i32>} : memref<13312xf32, #tpu.memory_space<vmem>>, vector<16xf32>,
    %get3A_35 = vector.shape_cast %get3A_34 : vector<16xf32> to vector<16xf32>
    %add3A_36 = arith.addf %add3A_32, %get3A_35 : vector<16xf32>
    %get3A_37 = arith.constant 4608 : index
    %get3A_38 = tpu.vector_load %arg6[%get3A_37] {strides = array<i32>} : memref<13312xf32, #tpu.memory_space<vmem>>, vector<16xf32>,
    %get3A_39 = vector.shape_cast %get3A_38 : vector<16xf32> to vector<16xf32>
    %add3A_40 = arith.addf %add3A_36, %get3A_39 : vector<16xf32>
    %get3A_41 = arith.constant 5120 : index
    %get3A_42 = tpu.vector_load %arg6[%get3A_41] {strides = array<i32>} : memref<13312xf32, #tpu.memory_space<vmem>>, vector<16xf32>,
    %get3A_43 = vector.shape_cast %get3A_42 : vector<16xf32> to vector<16xf32>
    %add3A_44 = arith.addf %add3A_40, %get3A_43 : vector<16xf32>
    %get3A_45 = arith.constant 5632 : index
    %get3A_46 = tpu.vector_load %arg6[%get3A_45] {strides = array<i32>} : memref<13312xf32, #tpu.memory_space<vmem>>, vector<16xf32>,
    %get3A_47 = vector.shape_cast %get3A_46 : vector<16xf32> to vector<16xf32>
    %add3A_48 = arith.addf %add3A_44, %get3A_47 : vector<16xf32>
    %get3A_49 = arith.constant 6144 : index
    %get3A_50 = tpu.vector_load %arg6[%get3A_49] {strides = array<i32>} : memref<13312xf32, #tpu.memory_space<vmem>>, vector<16xf32>,
    %get3A_51 = vector.shape_cast %get3A_50 : vector<16xf32> to vector<16xf32>
    %add3A_52 = arith.addf %add3A_48, %get3A_51 : vector<16xf32>
    %get3A_53 = arith.constant 6656 : index
    %get3A_54 = tpu.vector_load %arg6[%get3A_53] {strides = array<i32>} : memref<13312xf32, #tpu.memory_space<vmem>>, vector<16xf32>,
    %get3A_55 = vector.shape_cast %get3A_54 : vector<16xf32> to vector<16xf32>
    %add3A_56 = arith.addf %add3A_52, %get3A_55 : vector<16xf32>
    %get3A_57 = arith.constant 7168 : index
    %get3A_58 = tpu.vector_load %arg6[%get3A_57] {strides = array<i32>} : memref<13312xf32, #tpu.memory_space<vmem>>, vector<16xf32>,
    %get3A_59 = vector.shape_cast %get3A_58 : vector<16xf32> to vector<16xf32>
    %add3A_60 = arith.addf %add3A_56, %get3A_59 : vector<16xf32>
    %get3A_61 = arith.constant 7680 : index
    %get3A_62 = tpu.vector_load %arg6[%get3A_61] {strides = array<i32>} : memref<13312xf32, #tpu.memory_space<vmem>>, vector<16xf32>,
    %get3A_63 = vector.shape_cast %get3A_62 : vector<16xf32> to vector<16xf32>
    %add3A_64 = arith.addf %add3A_60, %get3A_63 : vector<16xf32>
    %get3A_65 = arith.constant 8192 : index
    %get3A_66 = tpu.vector_load %arg6[%get3A_65] {strides = array<i32>} : memref<13312xf32, #tpu.memory_space<vmem>>, vector<16xf32>,
    %get3A_67 = vector.shape_cast %get3A_66 : vector<16xf32> to vector<16xf32>
    %add3A_68 = arith.addf %add3A_64, %get3A_67 : vector<16xf32>
    %get3A_69 = arith.constant 8704 : index
    %get3A_70 = tpu.vector_load %arg6[%get3A_69] {strides = array<i32>} : memref<13312xf32, #tpu.memory_space<vmem>>, vector<16xf32>,
    %get3A_71 = vector.shape_cast %get3A_70 : vector<16xf32> to vector<16xf32>
    %add3A_72 = arith.addf %add3A_68, %get3A_71 : vector<16xf32>
    %get3A_73 = arith.constant 9216 : index
    %get3A_74 = tpu.vector_load %arg6[%get3A_73] {strides = array<i32>} : memref<13312xf32, #tpu.memory_space<vmem>>, vector<16xf32>,
    %get3A_75 = vector.shape_cast %get3A_74 : vector<16xf32> to vector<16xf32>
    %add3A_76 = arith.addf %add3A_72, %get3A_75 : vector<16xf32>
    %get3A_77 = arith.constant 9728 : index
    %get3A_78 = tpu.vector_load %arg6[%get3A_77] {strides = array<i32>} : memref<13312xf32, #tpu.memory_space<vmem>>, vector<16xf32>,
    %get3A_79 = vector.shape_cast %get3A_78 : vector<16xf32> to vector<16xf32>
    %add3A_80 = arith.addf %add3A_76, %get3A_79 : vector<16xf32>
    %get3A_81 = arith.constant 10240 : index
    %get3A_82 = tpu.vector_load %arg6[%get3A_81] {strides = array<i32>} : memref<13312xf32, #tpu.memory_space<vmem>>, vector<16xf32>,
    %get3A_83 = vector.shape_cast %get3A_82 : vector<16xf32> to vector<16xf32>
    %add3A_84 = arith.addf %add3A_80, %get3A_83 : vector<16xf32>
    %get3A_85 = arith.constant 10752 : index
    %get3A_86 = tpu.vector_load %arg6[%get3A_85] {strides = array<i32>} : memref<13312xf32, #tpu.memory_space<vmem>>, vector<16xf32>,
    %get3A_87 = vector.shape_cast %get3A_86 : vector<16xf32> to vector<16xf32>
    %add3A_88 = arith.addf %add3A_84, %get3A_87 : vector<16xf32>
    %get3A_89 = arith.constant 11264 : index
    %get3A_90 = tpu.vector_load %arg6[%get3A_89] {strides = array<i32>} : memref<13312xf32, #tpu.memory_space<vmem>>, vector<16xf32>,
    %get3A_91 = vector.shape_cast %get3A_90 : vector<16xf32> to vector<16xf32>
    %add3A_92 = arith.addf %add3A_88, %get3A_91 : vector<16xf32>
    %get3A_93 = arith.constant 11776 : index
    %get3A_94 = tpu.vector_load %arg6[%get3A_93] {strides = array<i32>} : memref<13312xf32, #tpu.memory_space<vmem>>, vector<16xf32>,
    %get3A_95 = vector.shape_cast %get3A_94 : vector<16xf32> to vector<16xf32>
    %add3A_96 = arith.addf %add3A_92, %get3A_95 : vector<16xf32>
    %get3A_97 = arith.constant 12288 : index
    %get3A_98 = tpu.vector_load %arg6[%get3A_97] {strides = array<i32>} : memref<13312xf32, #tpu.memory_space<vmem>>, vector<16xf32>,
    %get3A_99 = vector.shape_cast %get3A_98 : vector<16xf32> to vector<16xf32>
    %add3A_100 = arith.addf %add3A_96, %get3A_99 : vector<16xf32>
    %get3A_101 = arith.constant 12800 : index
    %get3A_102 = tpu.vector_load %arg6[%get3A_101] {strides = array<i32>} : memref<13312xf32, #tpu.memory_space<vmem>>, vector<16xf32>,
    %get3A_103 = vector.shape_cast %get3A_102 : vector<16xf32> to vector<16xf32>
    %add3A_104 = arith.addf %add3A_100, %get3A_103 : vector<16xf32>
    %swap3A = arith.constant 0 : index
    %swap3A_105 = tpu.vector_load %arg7[%swap3A] {strides = array<i32>} : memref<512xf32, #tpu.memory_space<vmem>>, vector<16xf32>,
    %swap3A_106 = vector.shape_cast %swap3A_105 : vector<16xf32> to vector<16xf32>
    %swap3A_107 = vector.shape_cast %add3A_104 : vector<16xf32> to vector<16xf32>
    tpu.vector_store %arg7[%swap3A], %swap3A_107 {strides = array<i32>} : memref<512xf32, #tpu.memory_space<vmem>>, vector<16xf32>,
    %get3A_108 = arith.constant 16 : index
    %get3A_109 = tpu.vector_load %arg6[%get3A_108] {strides = array<i32>} : memref<13312xf32, #tpu.memory_space<vmem>>, vector<16xf32>,
    %get3A_110 = vector.shape_cast %get3A_109 : vector<16xf32> to vector<16xf32>
    %get3A_111 = arith.constant 528 : index
    %get3A_112 = tpu.vector_load %arg6[%get3A_111] {strides = array<i32>} : memref<13312xf32, #tpu.memory_space<vmem>>, vector<16xf32>,
    %get3A_113 = vector.shape_cast %get3A_112 : vector<16xf32> to vector<16xf32>
    %add3A_114 = arith.addf %get3A_110, %get3A_113 : vector<16xf32>
    %get3A_115 = arith.constant 1040 : index
    %get3A_116 = tpu.vector_load %arg6[%get3A_115] {strides = array<i32>} : memref<13312xf32, #tpu.memory_space<vmem>>, vector<16xf32>,
    %get3A_117 = vector.shape_cast %get3A_116 : vector<16xf32> to vector<16xf32>
    %add3A_118 = arith.addf %add3A_114, %get3A_117 : vector<16xf32>
    %get3A_119 = arith.constant 1552 : index
    %get3A_120 = tpu.vector_load %arg6[%get3A_119] {strides = array<i32>} : memref<13312xf32, #tpu.memory_space<vmem>>, vector<16xf32>,
    %get3A_121 = vector.shape_cast %get3A_120 : vector<16xf32> to vector<16xf32>
    %add3A_122 = arith.addf %add3A_118, %get3A_121 : vector<16xf32>
    %get3A_123 = arith.constant 2064 : index
    %get3A_124 = tpu.vector_load %arg6[%get3A_123] {strides = array<i32>} : memref<13312xf32, #tpu.memory_space<vmem>>, vector<16xf32>,
    %get3A_125 = vector.shape_cast %get3A_124 : vector<16xf32> to vector<16xf32>
    %add3A_126 = arith.addf %add3A_122, %get3A_125 : vector<16xf32>
    %get3A_127 = arith.constant 2576 : index
    %get3A_128 = tpu.vector_load %arg6[%get3A_127] {strides = array<i32>} : memref<13312xf32, #tpu.memory_space<vmem>>, vector<16xf32>,
    %get3A_129 = vector.shape_cast %get3A_128 : vector<16xf32> to vector<16xf32>
    %add3A_130 = arith.addf %add3A_126, %get3A_129 : vector<16xf32>
    %get3A_131 = arith.constant 3088 : index
    %get3A_132 = tpu.vector_load %arg6[%get3A_131] {strides = array<i32>} : memref<13312xf32, #tpu.memory_space<vmem>>, vector<16xf32>,
    %get3A_133 = vector.shape_cast %get3A_132 : vector<16xf32> to vector<16xf32>
    %add3A_134 = arith.addf %add3A_130, %get3A_133 : vector<16xf32>
    %get3A_135 = arith.constant 3600 : index
    %get3A_136 = tpu.vector_load %arg6[%get3A_135] {strides = array<i32>} : memref<13312xf32, #tpu.memory_space<vmem>>, vector<16xf32>,
    %get3A_137 = vector.shape_cast %get3A_136 : vector<16xf32> to vector<16xf32>
    %add3A_138 = arith.addf %add3A_134, %get3A_137 : vector<16xf32>
    %get3A_139 = arith.constant 4112 : index
    %get3A_140 = tpu.vector_load %arg6[%get3A_139] {strides = array<i32>} : memref<13312xf32, #tpu.memory_space<vmem>>, vector<16xf32>,
    %get3A_141 = vector.shape_cast %get3A_140 : vector<16xf32> to vector<16xf32>
    %add3A_142 = arith.addf %add3A_138, %get3A_141 : vector<16xf32>
    %get3A_143 = arith.constant 4624 : index
    %get3A_144 = tpu.vector_load %arg6[%get3A_143] {strides = array<i32>} : memref<13312xf32, #tpu.memory_space<vmem>>, vector<16xf32>,
    %get3A_145 = vector.shape_cast %get3A_144 : vector<16xf32> to vector<16xf32>
    %add3A_146 = arith.addf %add3A_142, %get3A_145 : vector<16xf32>
    %get3A_147 = arith.constant 5136 : index
    %get3A_148 = tpu.vector_load %arg6[%get3A_147] {strides = array<i32>} : memref<13312xf32, #tpu.memory_space<vmem>>, vector<16xf32>,
    %get3A_149 = vector.shape_cast %get3A_148 : vector<16xf32> to vector<16xf32>
    %add3A_150 = arith.addf %add3A_146, %get3A_149 : vector<16xf32>
    %get3A_151 = arith.constant 5648 : index
    %get3A_152 = tpu.vector_load %arg6[%get3A_151] {strides = array<i32>} : memref<13312xf32, #tpu.memory_space<vmem>>, vector<16xf32>,
    %get3A_153 = vector.shape_cast %get3A_152 : vector<16xf32> to vector<16xf32>
    %add3A_154 = arith.addf %add3A_150, %get3A_153 : vector<16xf32>
    %get3A_155 = arith.constant 6160 : index
    %get3A_156 = tpu.vector_load %arg6[%get3A_155] {strides = array<i32>} : memref<13312xf32, #tpu.memory_space<vmem>>, vector<16xf32>,
    %get3A_157 = vector.shape_cast %get3A_156 : vector<16xf32> to vector<16xf32>
    %add3A_158 = arith.addf %add3A_154, %get3A_157 : vector<16xf32>
    %get3A_159 = arith.constant 6672 : index
    %get3A_160 = tpu.vector_load %arg6[%get3A_159] {strides = array<i32>} : memref<13312xf32, #tpu.memory_space<vmem>>, vector<16xf32>,
    %get3A_161 = vector.shape_cast %get3A_160 : vector<16xf32> to vector<16xf32>
    %add3A_162 = arith.addf %add3A_158, %get3A_161 : vector<16xf32>
    %get3A_163 = arith.constant 7184 : index
    %get3A_164 = tpu.vector_load %arg6[%get3A_163] {strides = array<i32>} : memref<13312xf32, #tpu.memory_space<vmem>>, vector<16xf32>,
    %get3A_165 = vector.shape_cast %get3A_164 : vector<16xf32> to vector<16xf32>
    %add3A_166 = arith.addf %add3A_162, %get3A_165 : vector<16xf32>
    %get3A_167 = arith.constant 7696 : index
    %get3A_168 = tpu.vector_load %arg6[%get3A_167] {strides = array<i32>} : memref<13312xf32, #tpu.memory_space<vmem>>, vector<16xf32>,
    %get3A_169 = vector.shape_cast %get3A_168 : vector<16xf32> to vector<16xf32>
    %add3A_170 = arith.addf %add3A_166, %get3A_169 : vector<16xf32>
    %get3A_171 = arith.constant 8208 : index
    %get3A_172 = tpu.vector_load %arg6[%get3A_171] {strides = array<i32>} : memref<13312xf32, #tpu.memory_space<vmem>>, vector<16xf32>,
    %get3A_173 = vector.shape_cast %get3A_172 : vector<16xf32> to vector<16xf32>
    %add3A_174 = arith.addf %add3A_170, %get3A_173 : vector<16xf32>
    %get3A_175 = arith.constant 8720 : index
    %get3A_176 = tpu.vector_load %arg6[%get3A_175] {strides = array<i32>} : memref<13312xf32, #tpu.memory_space<vmem>>, vector<16xf32>,
    %get3A_177 = vector.shape_cast %get3A_176 : vector<16xf32> to vector<16xf32>
    %add3A_178 = arith.addf %add3A_174, %get3A_177 : vector<16xf32>
    %get3A_179 = arith.constant 9232 : index
    %get3A_180 = tpu.vector_load %arg6[%get3A_179] {strides = array<i32>} : memref<13312xf32, #tpu.memory_space<vmem>>, vector<16xf32>,
    %get3A_181 = vector.shape_cast %get3A_180 : vector<16xf32> to vector<16xf32>
    %add3A_182 = arith.addf %add3A_178, %get3A_181 : vector<16xf32>
    %get3A_183 = arith.constant 9744 : index
    %get3A_184 = tpu.vector_load %arg6[%get3A_183] {strides = array<i32>} : memref<13312xf32, #tpu.memory_space<vmem>>, vector<16xf32>,
    %get3A_185 = vector.shape_cast %get3A_184 : vector<16xf32> to vector<16xf32>
    %add3A_186 = arith.addf %add3A_182, %get3A_185 : vector<16xf32>
    %get3A_187 = arith.constant 10256 : index
    %get3A_188 = tpu.vector_load %arg6[%get3A_187] {strides = array<i32>} : memref<13312xf32, #tpu.memory_space<vmem>>, vector<16xf32>,
    %get3A_189 = vector.shape_cast %get3A_188 : vector<16xf32> to vector<16xf32>
    %add3A_190 = arith.addf %add3A_186, %get3A_189 : vector<16xf32>
    %get3A_191 = arith.constant 10768 : index
    %get3A_192 = tpu.vector_load %arg6[%get3A_191] {strides = array<i32>} : memref<13312xf32, #tpu.memory_space<vmem>>, vector<16xf32>,
    %get3A_193 = vector.shape_cast %get3A_192 : vector<16xf32> to vector<16xf32>
    %add3A_194 = arith.addf %add3A_190, %get3A_193 : vector<16xf32>
    %get3A_195 = arith.constant 11280 : index
    %get3A_196 = tpu.vector_load %arg6[%get3A_195] {strides = array<i32>} : memref<13312xf32, #tpu.memory_space<vmem>>, vector<16xf32>,
    %get3A_197 = vector.shape_cast %get3A_196 : vector<16xf32> to vector<16xf32>
    %add3A_198 = arith.addf %add3A_194, %get3A_197 : vector<16xf32>
    %get3A_199 = arith.constant 11792 : index
    %get3A_200 = tpu.vector_load %arg6[%get3A_199] {strides = array<i32>} : memref<13312xf32, #tpu.memory_space<vmem>>, vector<16xf32>,
    %get3A_201 = vector.shape_cast %get3A_200 : vector<16xf32> to vector<16xf32>
    %add3A_202 = arith.addf %add3A_198, %get3A_201 : vector<16xf32>
    %get3A_203 = arith.constant 12304 : index
    %get3A_204 = tpu.vector_load %arg6[%get3A_203] {strides = array<i32>} : memref<13312xf32, #tpu.memory_space<vmem>>, vector<16xf32>,
    %get3A_205 = vector.shape_cast %get3A_204 : vector<16xf32> to vector<16xf32>
    %add3A_206 = arith.addf %add3A_202, %get3A_205 : vector<16xf32>
    %get3A_207 = arith.constant 12816 : index
    %get3A_208 = tpu.vector_load %arg6[%get3A_207] {strides = array<i32>} : memref<13312xf32, #tpu.memory_space<vmem>>, vector<16xf32>,
    %get3A_209 = vector.shape_cast %get3A_208 : vector<16xf32> to vector<16xf32>
    %add3A_210 = arith.addf %add3A_206, %get3A_209 : vector<16xf32>
    %swap3A_211 = arith.constant 16 : index
    %swap3A_212 = tpu.vector_load %arg7[%swap3A_211] {strides = array<i32>} : memref<512xf32, #tpu.memory_space<vmem>>, vector<16xf32>,
    %swap3A_213 = vector.shape_cast %swap3A_212 : vector<16xf32> to vector<16xf32>
    %swap3A_214 = vector.shape_cast %add3A_210 : vector<16xf32> to vector<16xf32>
    tpu.vector_store %arg7[%swap3A_211], %swap3A_214 {strides = array<i32>} : memref<512xf32, #tpu.memory_space<vmem>>, vector<16xf32>,
    %get3A_215 = arith.constant 32 : index
    %get3A_216 = tpu.vector_load %arg6[%get3A_215] {strides = array<i32>} : memref<13312xf32, #tpu.memory_space<vmem>>, vector<16xf32>,
    %get3A_217 = vector.shape_cast %get3A_216 : vector<16xf32> to vector<16xf32>
    %get3A_218 = arith.constant 544 : index
    %get3A_219 = tpu.vector_load %arg6[%get3A_218] {strides = array<i32>} : memref<13312xf32, #tpu.memory_space<vmem>>, vector<16xf32>,
    %get3A_220 = vector.shape_cast %get3A_219 : vector<16xf32> to vector<16xf32>
    %add3A_221 = arith.addf %get3A_217, %get3A_220 : vector<16xf32>
    %get3A_222 = arith.constant 1056 : index
    %get3A_223 = tpu.vector_load %arg6[%get3A_222] {strides = array<i32>} : memref<13312xf32, #tpu.memory_space<vmem>>, vector<16xf32>,
    %get3A_224 = vector.shape_cast %get3A_223 : vector<16xf32> to vector<16xf32>
    %add3A_225 = arith.addf %add3A_221, %get3A_224 : vector<16xf32>
    %get3A_226 = arith.constant 1568 : index
    %get3A_227 = tpu.vector_load %arg6[%get3A_226] {strides = array<i32>} : memref<13312xf32, #tpu.memory_space<vmem>>, vector<16xf32>,
    %get3A_228 = vector.shape_cast %get3A_227 : vector<16xf32> to vector<16xf32>
    %add3A_229 = arith.addf %add3A_225, %get3A_228 : vector<16xf32>
    %get3A_230 = arith.constant 2080 : index
    %get3A_231 = tpu.vector_load %arg6[%get3A_230] {strides = array<i32>} : memref<13312xf32, #tpu.memory_space<vmem>>, vector<16xf32>,
    %get3A_232 = vector.shape_cast %get3A_231 : vector<16xf32> to vector<16xf32>
    %add3A_233 = arith.addf %add3A_229, %get3A_232 : vector<16xf32>
    %get3A_234 = arith.constant 2592 : index
    %get3A_235 = tpu.vector_load %arg6[%get3A_234] {strides = array<i32>} : memref<13312xf32, #tpu.memory_space<vmem>>, vector<16xf32>,
    %get3A_236 = vector.shape_cast %get3A_235 : vector<16xf32> to vector<16xf32>
    %add3A_237 = arith.addf %add3A_233, %get3A_236 : vector<16xf32>
    %get3A_238 = arith.constant 3104 : index
    %get3A_239 = tpu.vector_load %arg6[%get3A_238] {strides = array<i32>} : memref<13312xf32, #tpu.memory_space<vmem>>, vector<16xf32>,
    %get3A_240 = vector.shape_cast %get3A_239 : vector<16xf32> to vector<16xf32>
    %add3A_241 = arith.addf %add3A_237, %get3A_240 : vector<16xf32>
    %get3A_242 = arith.constant 3616 : index
    %get3A_243 = tpu.vector_load %arg6[%get3A_242] {strides = array<i32>} : memref<13312xf32, #tpu.memory_space<vmem>>, vector<16xf32>,
    %get3A_244 = vector.shape_cast %get3A_243 : vector<16xf32> to vector<16xf32>
    %add3A_245 = arith.addf %add3A_241, %get3A_244 : vector<16xf32>
    %get3A_246 = arith.constant 4128 : index
    %get3A_247 = tpu.vector_load %arg6[%get3A_246] {strides = array<i32>} : memref<13312xf32, #tpu.memory_space<vmem>>, vector<16xf32>,
    %get3A_248 = vector.shape_cast %get3A_247 : vector<16xf32> to vector<16xf32>
    %add3A_249 = arith.addf %add3A_245, %get3A_248 : vector<16xf32>
    %get3A_250 = arith.constant 4640 : index
    %get3A_251 = tpu.vector_load %arg6[%get3A_250] {strides = array<i32>} : memref<13312xf32, #tpu.memory_space<vmem>>, vector<16xf32>,
    %get3A_252 = vector.shape_cast %get3A_251 : vector<16xf32> to vector<16xf32>
    %add3A_253 = arith.addf %add3A_249, %get3A_252 : vector<16xf32>
    %get3A_254 = arith.constant 5152 : index
    %get3A_255 = tpu.vector_load %arg6[%get3A_254] {strides = array<i32>} : memref<13312xf32, #tpu.memory_space<vmem>>, vector<16xf32>,
    %get3A_256 = vector.shape_cast %get3A_255 : vector<16xf32> to vector<16xf32>
    %add3A_257 = arith.addf %add3A_253, %get3A_256 : vector<16xf32>
    %get3A_258 = arith.constant 5664 : index
    %get3A_259 = tpu.vector_load %arg6[%get3A_258] {strides = array<i32>} : memref<13312xf32, #tpu.memory_space<vmem>>, vector<16xf32>,
    %get3A_260 = vector.shape_cast %get3A_259 : vector<16xf32> to vector<16xf32>
    %add3A_261 = arith.addf %add3A_257, %get3A_260 : vector<16xf32>
    %get3A_262 = arith.constant 6176 : index
    %get3A_263 = tpu.vector_load %arg6[%get3A_262] {strides = array<i32>} : memref<13312xf32, #tpu.memory_space<vmem>>, vector<16xf32>,
    %get3A_264 = vector.shape_cast %get3A_263 : vector<16xf32> to vector<16xf32>
    %add3A_265 = arith.addf %add3A_261, %get3A_264 : vector<16xf32>
    %get3A_266 = arith.constant 6688 : index
    %get3A_267 = tpu.vector_load %arg6[%get3A_266] {strides = array<i32>} : memref<13312xf32, #tpu.memory_space<vmem>>, vector<16xf32>,
    %get3A_268 = vector.shape_cast %get3A_267 : vector<16xf32> to vector<16xf32>
    %add3A_269 = arith.addf %add3A_265, %get3A_268 : vector<16xf32>
    %get3A_270 = arith.constant 7200 : index
    %get3A_271 = tpu.vector_load %arg6[%get3A_270] {strides = array<i32>} : memref<13312xf32, #tpu.memory_space<vmem>>, vector<16xf32>,
    %get3A_272 = vector.shape_cast %get3A_271 : vector<16xf32> to vector<16xf32>
    %add3A_273 = arith.addf %add3A_269, %get3A_272 : vector<16xf32>
    %get3A_274 = arith.constant 7712 : index
    %get3A_275 = tpu.vector_load %arg6[%get3A_274] {strides = array<i32>} : memref<13312xf32, #tpu.memory_space<vmem>>, vector<16xf32>,
    %get3A_276 = vector.shape_cast %get3A_275 : vector<16xf32> to vector<16xf32>
    %add3A_277 = arith.addf %add3A_273, %get3A_276 : vector<16xf32>
    %get3A_278 = arith.constant 8224 : index
    %get3A_279 = tpu.vector_load %arg6[%get3A_278] {strides = array<i32>} : memref<13312xf32, #tpu.memory_space<vmem>>, vector<16xf32>,
    %get3A_280 = vector.shape_cast %get3A_279 : vector<16xf32> to vector<16xf32>
    %add3A_281 = arith.addf %add3A_277, %get3A_280 : vector<16xf32>
    %get3A_282 = arith.constant 8736 : index
    %get3A_283 = tpu.vector_load %arg6[%get3A_282] {strides = array<i32>} : memref<13312xf32, #tpu.memory_space<vmem>>, vector<16xf32>,
    %get3A_284 = vector.shape_cast %get3A_283 : vector<16xf32> to vector<16xf32>
    %add3A_285 = arith.addf %add3A_281, %get3A_284 : vector<16xf32>
    %get3A_286 = arith.constant 9248 : index
    %get3A_287 = tpu.vector_load %arg6[%get3A_286] {strides = array<i32>} : memref<13312xf32, #tpu.memory_space<vmem>>, vector<16xf32>,
    %get3A_288 = vector.shape_cast %get3A_287 : vector<16xf32> to vector<16xf32>
    %add3A_289 = arith.addf %add3A_285, %get3A_288 : vector<16xf32>
    %get3A_290 = arith.constant 9760 : index
    %get3A_291 = tpu.vector_load %arg6[%get3A_290] {strides = array<i32>} : memref<13312xf32, #tpu.memory_space<vmem>>, vector<16xf32>,
    %get3A_292 = vector.shape_cast %get3A_291 : vector<16xf32> to vector<16xf32>
    %add3A_293 = arith.addf %add3A_289, %get3A_292 : vector<16xf32>
    %get3A_294 = arith.constant 10272 : index
    %get3A_295 = tpu.vector_load %arg6[%get3A_294] {strides = array<i32>} : memref<13312xf32, #tpu.memory_space<vmem>>, vector<16xf32>,
    %get3A_296 = vector.shape_cast %get3A_295 : vector<16xf32> to vector<16xf32>
    %add3A_297 = arith.addf %add3A_293, %get3A_296 : vector<16xf32>
    %get3A_298 = arith.constant 10784 : index
    %get3A_299 = tpu.vector_load %arg6[%get3A_298] {strides = array<i32>} : memref<13312xf32, #tpu.memory_space<vmem>>, vector<16xf32>,
    %get3A_300 = vector.shape_cast %get3A_299 : vector<16xf32> to vector<16xf32>
    %add3A_301 = arith.addf %add3A_297, %get3A_300 : vector<16xf32>
    %get3A_302 = arith.constant 11296 : index
    %get3A_303 = tpu.vector_load %arg6[%get3A_302] {strides = array<i32>} : memref<13312xf32, #tpu.memory_space<vmem>>, vector<16xf32>,
    %get3A_304 = vector.shape_cast %get3A_303 : vector<16xf32> to vector<16xf32>
    %add3A_305 = arith.addf %add3A_301, %get3A_304 : vector<16xf32>
    %get3A_306 = arith.constant 11808 : index
    %get3A_307 = tpu.vector_load %arg6[%get3A_306] {strides = array<i32>} : memref<13312xf32, #tpu.memory_space<vmem>>, vector<16xf32>,
    %get3A_308 = vector.shape_cast %get3A_307 : vector<16xf32> to vector<16xf32>
    %add3A_309 = arith.addf %add3A_305, %get3A_308 : vector<16xf32>
    %get3A_310 = arith.constant 12320 : index
    %get3A_311 = tpu.vector_load %arg6[%get3A_310] {strides = array<i32>} : memref<13312xf32, #tpu.memory_space<vmem>>, vector<16xf32>,
    %get3A_312 = vector.shape_cast %get3A_311 : vector<16xf32> to vector<16xf32>
    %add3A_313 = arith.addf %add3A_309, %get3A_312 : vector<16xf32>
    %get3A_314 = arith.constant 12832 : index
    %get3A_315 = tpu.vector_load %arg6[%get3A_314] {strides = array<i32>} : memref<13312xf32, #tpu.memory_space<vmem>>, vector<16xf32>,
    %get3A_316 = vector.shape_cast %get3A_315 : vector<16xf32> to vector<16xf32>
    %add3A_317 = arith.addf %add3A_313, %get3A_316 : vector<16xf32>
    %swap3A_318 = arith.constant 32 : index
    %swap3A_319 = tpu.vector_load %arg7[%swap3A_318] {strides = array<i32>} : memref<512xf32, #tpu.memory_space<vmem>>, vector<16xf32>,
    %swap3A_320 = vector.shape_cast %swap3A_319 : vector<16xf32> to vector<16xf32>
    %swap3A_321 = vector.shape_cast %add3A_317 : vector<16xf32> to vector<16xf32>
    tpu.vector_store %arg7[%swap3A_318], %swap3A_321 {strides = array<i32>} : memref<512xf32, #tpu.memory_space<vmem>>, vector<16xf32>,
    %get3A_322 = arith.constant 48 : index
    %get3A_323 = tpu.vector_load %arg6[%get3A_322] {strides = array<i32>} : memref<13312xf32, #tpu.memory_space<vmem>>, vector<16xf32>,
    %get3A_324 = vector.shape_cast %get3A_323 : vector<16xf32> to vector<16xf32>
    %get3A_325 = arith.constant 560 : index
    %get3A_326 = tpu.vector_load %arg6[%get3A_325] {strides = array<i32>} : memref<13312xf32, #tpu.memory_space<vmem>>, vector<16xf32>,
    %get3A_327 = vector.shape_cast %get3A_326 : vector<16xf32> to vector<16xf32>
    %add3A_328 = arith.addf %get3A_324, %get3A_327 : vector<16xf32>
    %get3A_329 = arith.constant 1072 : index
    %get3A_330 = tpu.vector_load %arg6[%get3A_329] {strides = array<i32>} : memref<13312xf32, #tpu.memory_space<vmem>>, vector<16xf32>,
    %get3A_331 = vector.shape_cast %get3A_330 : vector<16xf32> to vector<16xf32>
    %add3A_332 = arith.addf %add3A_328, %get3A_331 : vector<16xf32>
    %get3A_333 = arith.constant 1584 : index
    %get3A_334 = tpu.vector_load %arg6[%get3A_333] {strides = array<i32>} : memref<13312xf32, #tpu.memory_space<vmem>>, vector<16xf32>,
    %get3A_335 = vector.shape_cast %get3A_334 : vector<16xf32> to vector<16xf32>
    %add3A_336 = arith.addf %add3A_332, %get3A_335 : vector<16xf32>
    %get3A_337 = arith.constant 2096 : index
    %get3A_338 = tpu.vector_load %arg6[%get3A_337] {strides = array<i32>} : memref<13312xf32, #tpu.memory_space<vmem>>, vector<16xf32>,
    %get3A_339 = vector.shape_cast %get3A_338 : vector<16xf32> to vector<16xf32>
    %add3A_340 = arith.addf %add3A_336, %get3A_339 : vector<16xf32>
    %get3A_341 = arith.constant 2608 : index
    %get3A_342 = tpu.vector_load %arg6[%get3A_341] {strides = array<i32>} : memref<13312xf32, #tpu.memory_space<vmem>>, vector<16xf32>,
    %get3A_343 = vector.shape_cast %get3A_342 : vector<16xf32> to vector<16xf32>
    %add3A_344 = arith.addf %add3A_340, %get3A_343 : vector<16xf32>
    %get3A_345 = arith.constant 3120 : index
    %get3A_346 = tpu.vector_load %arg6[%get3A_345] {strides = array<i32>} : memref<13312xf32, #tpu.memory_space<vmem>>, vector<16xf32>,
    %get3A_347 = vector.shape_cast %get3A_346 : vector<16xf32> to vector<16xf32>
    %add3A_348 = arith.addf %add3A_344, %get3A_347 : vector<16xf32>
    %get3A_349 = arith.constant 3632 : index
    %get3A_350 = tpu.vector_load %arg6[%get3A_349] {strides = array<i32>} : memref<13312xf32, #tpu.memory_space<vmem>>, vector<16xf32>,
    %get3A_351 = vector.shape_cast %get3A_350 : vector<16xf32> to vector<16xf32>
    %add3A_352 = arith.addf %add3A_348, %get3A_351 : vector<16xf32>
    %get3A_353 = arith.constant 4144 : index
    %get3A_354 = tpu.vector_load %arg6[%get3A_353] {strides = array<i32>} : memref<13312xf32, #tpu.memory_space<vmem>>, vector<16xf32>,
    %get3A_355 = vector.shape_cast %get3A_354 : vector<16xf32> to vector<16xf32>
    %add3A_356 = arith.addf %add3A_352, %get3A_355 : vector<16xf32>
    %get3A_357 = arith.constant 4656 : index
    %get3A_358 = tpu.vector_load %arg6[%get3A_357] {strides = array<i32>} : memref<13312xf32, #tpu.memory_space<vmem>>, vector<16xf32>,
    %get3A_359 = vector.shape_cast %get3A_358 : vector<16xf32> to vector<16xf32>
    %add3A_360 = arith.addf %add3A_356, %get3A_359 : vector<16xf32>
    %get3A_361 = arith.constant 5168 : index
    %get3A_362 = tpu.vector_load %arg6[%get3A_361] {strides = array<i32>} : memref<13312xf32, #tpu.memory_space<vmem>>, vector<16xf32>,
    %get3A_363 = vector.shape_cast %get3A_362 : vector<16xf32> to vector<16xf32>
    %add3A_364 = arith.addf %add3A_360, %get3A_363 : vector<16xf32>
    %get3A_365 = arith.constant 5680 : index
    %get3A_366 = tpu.vector_load %arg6[%get3A_365] {strides = array<i32>} : memref<13312xf32, #tpu.memory_space<vmem>>, vector<16xf32>,
    %get3A_367 = vector.shape_cast %get3A_366 : vector<16xf32> to vector<16xf32>
    %add3A_368 = arith.addf %add3A_364, %get3A_367 : vector<16xf32>
    %get3A_369 = arith.constant 6192 : index
    %get3A_370 = tpu.vector_load %arg6[%get3A_369] {strides = array<i32>} : memref<13312xf32, #tpu.memory_space<vmem>>, vector<16xf32>,
    %get3A_371 = vector.shape_cast %get3A_370 : vector<16xf32> to vector<16xf32>
    %add3A_372 = arith.addf %add3A_368, %get3A_371 : vector<16xf32>
    %get3A_373 = arith.constant 6704 : index
    %get3A_374 = tpu.vector_load %arg6[%get3A_373] {strides = array<i32>} : memref<13312xf32, #tpu.memory_space<vmem>>, vector<16xf32>,
    %get3A_375 = vector.shape_cast %get3A_374 : vector<16xf32> to vector<16xf32>
    %add3A_376 = arith.addf %add3A_372, %get3A_375 : vector<16xf32>
    %get3A_377 = arith.constant 7216 : index
    %get3A_378 = tpu.vector_load %arg6[%get3A_377] {strides = array<i32>} : memref<13312xf32, #tpu.memory_space<vmem>>, vector<16xf32>,
    %get3A_379 = vector.shape_cast %get3A_378 : vector<16xf32> to vector<16xf32>
    %add3A_380 = arith.addf %add3A_376, %get3A_379 : vector<16xf32>
    %get3A_381 = arith.constant 7728 : index
    %get3A_382 = tpu.vector_load %arg6[%get3A_381] {strides = array<i32>} : memref<13312xf32, #tpu.memory_space<vmem>>, vector<16xf32>,
    %get3A_383 = vector.shape_cast %get3A_382 : vector<16xf32> to vector<16xf32>
    %add3A_384 = arith.addf %add3A_380, %get3A_383 : vector<16xf32>
    %get3A_385 = arith.constant 8240 : index
    %get3A_386 = tpu.vector_load %arg6[%get3A_385] {strides = array<i32>} : memref<13312xf32, #tpu.memory_space<vmem>>, vector<16xf32>,
    %get3A_387 = vector.shape_cast %get3A_386 : vector<16xf32> to vector<16xf32>
    %add3A_388 = arith.addf %add3A_384, %get3A_387 : vector<16xf32>
    %get3A_389 = arith.constant 8752 : index
    %get3A_390 = tpu.vector_load %arg6[%get3A_389] {strides = array<i32>} : memref<13312xf32, #tpu.memory_space<vmem>>, vector<16xf32>,
    %get3A_391 = vector.shape_cast %get3A_390 : vector<16xf32> to vector<16xf32>
    %add3A_392 = arith.addf %add3A_388, %get3A_391 : vector<16xf32>
    %get3A_393 = arith.constant 9264 : index
    %get3A_394 = tpu.vector_load %arg6[%get3A_393] {strides = array<i32>} : memref<13312xf32, #tpu.memory_space<vmem>>, vector<16xf32>,
    %get3A_395 = vector.shape_cast %get3A_394 : vector<16xf32> to vector<16xf32>
    %add3A_396 = arith.addf %add3A_392, %get3A_395 : vector<16xf32>
    %get3A_397 = arith.constant 9776 : index
    %get3A_398 = tpu.vector_load %arg6[%get3A_397] {strides = array<i32>} : memref<13312xf32, #tpu.memory_space<vmem>>, vector<16xf32>,
    %get3A_399 = vector.shape_cast %get3A_398 : vector<16xf32> to vector<16xf32>
    %add3A_400 = arith.addf %add3A_396, %get3A_399 : vector<16xf32>
    %get3A_401 = arith.constant 10288 : index
    %get3A_402 = tpu.vector_load %arg6[%get3A_401] {strides = array<i32>} : memref<13312xf32, #tpu.memory_space<vmem>>, vector<16xf32>,
    %get3A_403 = vector.shape_cast %get3A_402 : vector<16xf32> to vector<16xf32>
    %add3A_404 = arith.addf %add3A_400, %get3A_403 : vector<16xf32>
    %get3A_405 = arith.constant 10800 : index
    %get3A_406 = tpu.vector_load %arg6[%get3A_405] {strides = array<i32>} : memref<13312xf32, #tpu.memory_space<vmem>>, vector<16xf32>,
    %get3A_407 = vector.shape_cast %get3A_406 : vector<16xf32> to vector<16xf32>
    %add3A_408 = arith.addf %add3A_404, %get3A_407 : vector<16xf32>
    %get3A_409 = arith.constant 11312 : index
    %get3A_410 = tpu.vector_load %arg6[%get3A_409] {strides = array<i32>} : memref<13312xf32, #tpu.memory_space<vmem>>, vector<16xf32>,
    %get3A_411 = vector.shape_cast %get3A_410 : vector<16xf32> to vector<16xf32>
    %add3A_412 = arith.addf %add3A_408, %get3A_411 : vector<16xf32>
    %get3A_413 = arith.constant 11824 : index
    %get3A_414 = tpu.vector_load %arg6[%get3A_413] {strides = array<i32>} : memref<13312xf32, #tpu.memory_space<vmem>>, vector<16xf32>,
    %get3A_415 = vector.shape_cast %get3A_414 : vector<16xf32> to vector<16xf32>
    %add3A_416 = arith.addf %add3A_412, %get3A_415 : vector<16xf32>
    %get3A_417 = arith.constant 12336 : index
    %get3A_418 = tpu.vector_load %arg6[%get3A_417] {strides = array<i32>} : memref<13312xf32, #tpu.memory_space<vmem>>, vector<16xf32>,
    %get3A_419 = vector.shape_cast %get3A_418 : vector<16xf32> to vector<16xf32>
    %add3A_420 = arith.addf %add3A_416, %get3A_419 : vector<16xf32>
    %get3A_421 = arith.constant 12848 : index
    %get3A_422 = tpu.vector_load %arg6[%get3A_421] {strides = array<i32>} : memref<13312xf32, #tpu.memory_space<vmem>>, vector<16xf32>,
    %get3A_423 = vector.shape_cast %get3A_422 : vector<16xf32> to vector<16xf32>
    %add3A_424 = arith.addf %add3A_420, %get3A_423 : vector<16xf32>
    %swap3A_425 = arith.constant 48 : index
    %swap3A_426 = tpu.vector_load %arg7[%swap3A_425] {strides = array<i32>} : memref<512xf32, #tpu.memory_space<vmem>>, vector<16xf32>,
    %swap3A_427 = vector.shape_cast %swap3A_426 : vector<16xf32> to vector<16xf32>
    %swap3A_428 = vector.shape_cast %add3A_424 : vector<16xf32> to vector<16xf32>
    tpu.vector_store %arg7[%swap3A_425], %swap3A_428 {strides = array<i32>} : memref<512xf32, #tpu.memory_space<vmem>>, vector<16xf32>,
    %get3A_429 = arith.constant 64 : index
    %get3A_430 = tpu.vector_load %arg6[%get3A_429] {strides = array<i32>} : memref<13312xf32, #tpu.memory_space<vmem>>, vector<16xf32>,
    %get3A_431 = vector.shape_cast %get3A_430 : vector<16xf32> to vector<16xf32>
    %get3A_432 = arith.constant 576 : index
    %get3A_433 = tpu.vector_load %arg6[%get3A_432] {strides = array<i32>} : memref<13312xf32, #tpu.memory_space<vmem>>, vector<16xf32>,
    %get3A_434 = vector.shape_cast %get3A_433 : vector<16xf32> to vector<16xf32>
    %add3A_435 = arith.addf %get3A_431, %get3A_434 : vector<16xf32>
    %get3A_436 = arith.constant 1088 : index
    %get3A_437 = tpu.vector_load %arg6[%get3A_436] {strides = array<i32>} : memref<13312xf32, #tpu.memory_space<vmem>>, vector<16xf32>,
    %get3A_438 = vector.shape_cast %get3A_437 : vector<16xf32> to vector<16xf32>
    %add3A_439 = arith.addf %add3A_435, %get3A_438 : vector<16xf32>
    %get3A_440 = arith.constant 1600 : index
    %get3A_441 = tpu.vector_load %arg6[%get3A_440] {strides = array<i32>} : memref<13312xf32, #tpu.memory_space<vmem>>, vector<16xf32>,
    %get3A_442 = vector.shape_cast %get3A_441 : vector<16xf32> to vector<16xf32>
    %add3A_443 = arith.addf %add3A_439, %get3A_442 : vector<16xf32>
    %get3A_444 = arith.constant 2112 : index
    %get3A_445 = tpu.vector_load %arg6[%get3A_444] {strides = array<i32>} : memref<13312xf32, #tpu.memory_space<vmem>>, vector<16xf32>,
    %get3A_446 = vector.shape_cast %get3A_445 : vector<16xf32> to vector<16xf32>
    %add3A_447 = arith.addf %add3A_443, %get3A_446 : vector<16xf32>
    %get3A_448 = arith.constant 2624 : index
    %get3A_449 = tpu.vector_load %arg6[%get3A_448] {strides = array<i32>} : memref<13312xf32, #tpu.memory_space<vmem>>, vector<16xf32>,
    %get3A_450 = vector.shape_cast %get3A_449 : vector<16xf32> to vector<16xf32>
    %add3A_451 = arith.addf %add3A_447, %get3A_450 : vector<16xf32>
    %get3A_452 = arith.constant 3136 : index
    %get3A_453 = tpu.vector_load %arg6[%get3A_452] {strides = array<i32>} : memref<13312xf32, #tpu.memory_space<vmem>>, vector<16xf32>,
    %get3A_454 = vector.shape_cast %get3A_453 : vector<16xf32> to vector<16xf32>
    %add3A_455 = arith.addf %add3A_451, %get3A_454 : vector<16xf32>
    %get3A_456 = arith.constant 3648 : index
    %get3A_457 = tpu.vector_load %arg6[%get3A_456] {strides = array<i32>} : memref<13312xf32, #tpu.memory_space<vmem>>, vector<16xf32>,
    %get3A_458 = vector.shape_cast %get3A_457 : vector<16xf32> to vector<16xf32>
    %add3A_459 = arith.addf %add3A_455, %get3A_458 : vector<16xf32>
    %get3A_460 = arith.constant 4160 : index
    %get3A_461 = tpu.vector_load %arg6[%get3A_460] {strides = array<i32>} : memref<13312xf32, #tpu.memory_space<vmem>>, vector<16xf32>,
    %get3A_462 = vector.shape_cast %get3A_461 : vector<16xf32> to vector<16xf32>
    %add3A_463 = arith.addf %add3A_459, %get3A_462 : vector<16xf32>
    %get3A_464 = arith.constant 4672 : index
    %get3A_465 = tpu.vector_load %arg6[%get3A_464] {strides = array<i32>} : memref<13312xf32, #tpu.memory_space<vmem>>, vector<16xf32>,
    %get3A_466 = vector.shape_cast %get3A_465 : vector<16xf32> to vector<16xf32>
    %add3A_467 = arith.addf %add3A_463, %get3A_466 : vector<16xf32>
    %get3A_468 = arith.constant 5184 : index
    %get3A_469 = tpu.vector_load %arg6[%get3A_468] {strides = array<i32>} : memref<13312xf32, #tpu.memory_space<vmem>>, vector<16xf32>,
    %get3A_470 = vector.shape_cast %get3A_469 : vector<16xf32> to vector<16xf32>
    %add3A_471 = arith.addf %add3A_467, %get3A_470 : vector<16xf32>
    %get3A_472 = arith.constant 5696 : index
    %get3A_473 = tpu.vector_load %arg6[%get3A_472] {strides = array<i32>} : memref<13312xf32, #tpu.memory_space<vmem>>, vector<16xf32>,
    %get3A_474 = vector.shape_cast %get3A_473 : vector<16xf32> to vector<16xf32>
    %add3A_475 = arith.addf %add3A_471, %get3A_474 : vector<16xf32>
    %get3A_476 = arith.constant 6208 : index
    %get3A_477 = tpu.vector_load %arg6[%get3A_476] {strides = array<i32>} : memref<13312xf32, #tpu.memory_space<vmem>>, vector<16xf32>,
    %get3A_478 = vector.shape_cast %get3A_477 : vector<16xf32> to vector<16xf32>
    %add3A_479 = arith.addf %add3A_475, %get3A_478 : vector<16xf32>
    %get3A_480 = arith.constant 6720 : index
    %get3A_481 = tpu.vector_load %arg6[%get3A_480] {strides = array<i32>} : memref<13312xf32, #tpu.memory_space<vmem>>, vector<16xf32>,
    %get3A_482 = vector.shape_cast %get3A_481 : vector<16xf32> to vector<16xf32>
    %add3A_483 = arith.addf %add3A_479, %get3A_482 : vector<16xf32>
    %get3A_484 = arith.constant 7232 : index
    %get3A_485 = tpu.vector_load %arg6[%get3A_484] {strides = array<i32>} : memref<13312xf32, #tpu.memory_space<vmem>>, vector<16xf32>,
    %get3A_486 = vector.shape_cast %get3A_485 : vector<16xf32> to vector<16xf32>
    %add3A_487 = arith.addf %add3A_483, %get3A_486 : vector<16xf32>
    %get3A_488 = arith.constant 7744 : index
    %get3A_489 = tpu.vector_load %arg6[%get3A_488] {strides = array<i32>} : memref<13312xf32, #tpu.memory_space<vmem>>, vector<16xf32>,
    %get3A_490 = vector.shape_cast %get3A_489 : vector<16xf32> to vector<16xf32>
    %add3A_491 = arith.addf %add3A_487, %get3A_490 : vector<16xf32>
    %get3A_492 = arith.constant 8256 : index
    %get3A_493 = tpu.vector_load %arg6[%get3A_492] {strides = array<i32>} : memref<13312xf32, #tpu.memory_space<vmem>>, vector<16xf32>,
    %get3A_494 = vector.shape_cast %get3A_493 : vector<16xf32> to vector<16xf32>
    %add3A_495 = arith.addf %add3A_491, %get3A_494 : vector<16xf32>
    %get3A_496 = arith.constant 8768 : index
    %get3A_497 = tpu.vector_load %arg6[%get3A_496] {strides = array<i32>} : memref<13312xf32, #tpu.memory_space<vmem>>, vector<16xf32>,
    %get3A_498 = vector.shape_cast %get3A_497 : vector<16xf32> to vector<16xf32>
    %add3A_499 = arith.addf %add3A_495, %get3A_498 : vector<16xf32>
    %get3A_500 = arith.constant 9280 : index
    %get3A_501 = tpu.vector_load %arg6[%get3A_500] {strides = array<i32>} : memref<13312xf32, #tpu.memory_space<vmem>>, vector<16xf32>,
    %get3A_502 = vector.shape_cast %get3A_501 : vector<16xf32> to vector<16xf32>
    %add3A_503 = arith.addf %add3A_499, %get3A_502 : vector<16xf32>
    %get3A_504 = arith.constant 9792 : index
    %get3A_505 = tpu.vector_load %arg6[%get3A_504] {strides = array<i32>} : memref<13312xf32, #tpu.memory_space<vmem>>, vector<16xf32>,
    %get3A_506 = vector.shape_cast %get3A_505 : vector<16xf32> to vector<16xf32>
    %add3A_507 = arith.addf %add3A_503, %get3A_506 : vector<16xf32>
    %get3A_508 = arith.constant 10304 : index
    %get3A_509 = tpu.vector_load %arg6[%get3A_508] {strides = array<i32>} : memref<13312xf32, #tpu.memory_space<vmem>>, vector<16xf32>,
    %get3A_510 = vector.shape_cast %get3A_509 : vector<16xf32> to vector<16xf32>
    %add3A_511 = arith.addf %add3A_507, %get3A_510 : vector<16xf32>
    %get3A_512 = arith.constant 10816 : index
    %get3A_513 = tpu.vector_load %arg6[%get3A_512] {strides = array<i32>} : memref<13312xf32, #tpu.memory_space<vmem>>, vector<16xf32>,
    %get3A_514 = vector.shape_cast %get3A_513 : vector<16xf32> to vector<16xf32>
    %add3A_515 = arith.addf %add3A_511, %get3A_514 : vector<16xf32>
    %get3A_516 = arith.constant 11328 : index
    %get3A_517 = tpu.vector_load %arg6[%get3A_516] {strides = array<i32>} : memref<13312xf32, #tpu.memory_space<vmem>>, vector<16xf32>,
    %get3A_518 = vector.shape_cast %get3A_517 : vector<16xf32> to vector<16xf32>
    %add3A_519 = arith.addf %add3A_515, %get3A_518 : vector<16xf32>
    %get3A_520 = arith.constant 11840 : index
    %get3A_521 = tpu.vector_load %arg6[%get3A_520] {strides = array<i32>} : memref<13312xf32, #tpu.memory_space<vmem>>, vector<16xf32>,
    %get3A_522 = vector.shape_cast %get3A_521 : vector<16xf32> to vector<16xf32>
    %add3A_523 = arith.addf %add3A_519, %get3A_522 : vector<16xf32>
    %get3A_524 = arith.constant 12352 : index
    %get3A_525 = tpu.vector_load %arg6[%get3A_524] {strides = array<i32>} : memref<13312xf32, #tpu.memory_space<vmem>>, vector<16xf32>,
    %get3A_526 = vector.shape_cast %get3A_525 : vector<16xf32> to vector<16xf32>
    %add3A_527 = arith.addf %add3A_523, %get3A_526 : vector<16xf32>
    %get3A_528 = arith.constant 12864 : index
    %get3A_529 = tpu.vector_load %arg6[%get3A_528] {strides = array<i32>} : memref<13312xf32, #tpu.memory_space<vmem>>, vector<16xf32>,
    %get3A_530 = vector.shape_cast %get3A_529 : vector<16xf32> to vector<16xf32>
    %add3A_531 = arith.addf %add3A_527, %get3A_530 : vector<16xf32>
    %swap3A_532 = arith.constant 64 : index
    %swap3A_533 = tpu.vector_load %arg7[%swap3A_532] {strides = array<i32>} : memref<512xf32, #tpu.memory_space<vmem>>, vector<16xf32>,
    %swap3A_534 = vector.shape_cast %swap3A_533 : vector<16xf32> to vector<16xf32>
    %swap3A_535 = vector.shape_cast %add3A_531 : vector<16xf32> to vector<16xf32>
    tpu.vector_store %arg7[%swap3A_532], %swap3A_535 {strides = array<i32>} : memref<512xf32, #tpu.memory_space<vmem>>, vector<16xf32>,
    %get3A_536 = arith.constant 80 : index
    %get3A_537 = tpu.vector_load %arg6[%get3A_536] {strides = array<i32>} : memref<13312xf32, #tpu.memory_space<vmem>>, vector<16xf32>,
    %get3A_538 = vector.shape_cast %get3A_537 : vector<16xf32> to vector<16xf32>
    %get3A_539 = arith.constant 592 : index
    %get3A_540 = tpu.vector_load %arg6[%get3A_539] {strides = array<i32>} : memref<13312xf32, #tpu.memory_space<vmem>>, vector<16xf32>,
    %get3A_541 = vector.shape_cast %get3A_540 : vector<16xf32> to vector<16xf32>
    %add3A_542 = arith.addf %get3A_538, %get3A_541 : vector<16xf32>
    %get3A_543 = arith.constant 1104 : index
    %get3A_544 = tpu.vector_load %arg6[%get3A_543] {strides = array<i32>} : memref<13312xf32, #tpu.memory_space<vmem>>, vector<16xf32>,
    %get3A_545 = vector.shape_cast %get3A_544 : vector<16xf32> to vector<16xf32>
    %add3A_546 = arith.addf %add3A_542, %get3A_545 : vector<16xf32>
    %get3A_547 = arith.constant 1616 : index
    %get3A_548 = tpu.vector_load %arg6[%get3A_547] {strides = array<i32>} : memref<13312xf32, #tpu.memory_space<vmem>>, vector<16xf32>,
    %get3A_549 = vector.shape_cast %get3A_548 : vector<16xf32> to vector<16xf32>
    %add3A_550 = arith.addf %add3A_546, %get3A_549 : vector<16xf32>
    %get3A_551 = arith.constant 2128 : index
    %get3A_552 = tpu.vector_load %arg6[%get3A_551] {strides = array<i32>} : memref<13312xf32, #tpu.memory_space<vmem>>, vector<16xf32>,
    %get3A_553 = vector.shape_cast %get3A_552 : vector<16xf32> to vector<16xf32>
    %add3A_554 = arith.addf %add3A_550, %get3A_553 : vector<16xf32>
    %get3A_555 = arith.constant 2640 : index
    %get3A_556 = tpu.vector_load %arg6[%get3A_555] {strides = array<i32>} : memref<13312xf32, #tpu.memory_space<vmem>>, vector<16xf32>,
    %get3A_557 = vector.shape_cast %get3A_556 : vector<16xf32> to vector<16xf32>
    %add3A_558 = arith.addf %add3A_554, %get3A_557 : vector<16xf32>
    %get3A_559 = arith.constant 3152 : index
    %get3A_560 = tpu.vector_load %arg6[%get3A_559] {strides = array<i32>} : memref<13312xf32, #tpu.memory_space<vmem>>, vector<16xf32>,
    %get3A_561 = vector.shape_cast %get3A_560 : vector<16xf32> to vector<16xf32>
    %add3A_562 = arith.addf %add3A_558, %get3A_561 : vector<16xf32>
    %get3A_563 = arith.constant 3664 : index
    %get3A_564 = tpu.vector_load %arg6[%get3A_563] {strides = array<i32>} : memref<13312xf32, #tpu.memory_space<vmem>>, vector<16xf32>,
    %get3A_565 = vector.shape_cast %get3A_564 : vector<16xf32> to vector<16xf32>
    %add3A_566 = arith.addf %add3A_562, %get3A_565 : vector<16xf32>
    %get3A_567 = arith.constant 4176 : index
    %get3A_568 = tpu.vector_load %arg6[%get3A_567] {strides = array<i32>} : memref<13312xf32, #tpu.memory_space<vmem>>, vector<16xf32>,
    %get3A_569 = vector.shape_cast %get3A_568 : vector<16xf32> to vector<16xf32>
    %add3A_570 = arith.addf %add3A_566, %get3A_569 : vector<16xf32>
    %get3A_571 = arith.constant 4688 : index
    %get3A_572 = tpu.vector_load %arg6[%get3A_571] {strides = array<i32>} : memref<13312xf32, #tpu.memory_space<vmem>>, vector<16xf32>,
    %get3A_573 = vector.shape_cast %get3A_572 : vector<16xf32> to vector<16xf32>
    %add3A_574 = arith.addf %add3A_570, %get3A_573 : vector<16xf32>
    %get3A_575 = arith.constant 5200 : index
    %get3A_576 = tpu.vector_load %arg6[%get3A_575] {strides = array<i32>} : memref<13312xf32, #tpu.memory_space<vmem>>, vector<16xf32>,
    %get3A_577 = vector.shape_cast %get3A_576 : vector<16xf32> to vector<16xf32>
    %add3A_578 = arith.addf %add3A_574, %get3A_577 : vector<16xf32>
    %get3A_579 = arith.constant 5712 : index
    %get3A_580 = tpu.vector_load %arg6[%get3A_579] {strides = array<i32>} : memref<13312xf32, #tpu.memory_space<vmem>>, vector<16xf32>,
    %get3A_581 = vector.shape_cast %get3A_580 : vector<16xf32> to vector<16xf32>
    %add3A_582 = arith.addf %add3A_578, %get3A_581 : vector<16xf32>
    %get3A_583 = arith.constant 6224 : index
    %get3A_584 = tpu.vector_load %arg6[%get3A_583] {strides = array<i32>} : memref<13312xf32, #tpu.memory_space<vmem>>, vector<16xf32>,
    %get3A_585 = vector.shape_cast %get3A_584 : vector<16xf32> to vector<16xf32>
    %add3A_586 = arith.addf %add3A_582, %get3A_585 : vector<16xf32>
    %get3A_587 = arith.constant 6736 : index
    %get3A_588 = tpu.vector_load %arg6[%get3A_587] {strides = array<i32>} : memref<13312xf32, #tpu.memory_space<vmem>>, vector<16xf32>,
    %get3A_589 = vector.shape_cast %get3A_588 : vector<16xf32> to vector<16xf32>
    %add3A_590 = arith.addf %add3A_586, %get3A_589 : vector<16xf32>
    %get3A_591 = arith.constant 7248 : index
    %get3A_592 = tpu.vector_load %arg6[%get3A_591] {strides = array<i32>} : memref<13312xf32, #tpu.memory_space<vmem>>, vector<16xf32>,
    %get3A_593 = vector.shape_cast %get3A_592 : vector<16xf32> to vector<16xf32>
    %add3A_594 = arith.addf %add3A_590, %get3A_593 : vector<16xf32>
    %get3A_595 = arith.constant 7760 : index
    %get3A_596 = tpu.vector_load %arg6[%get3A_595] {strides = array<i32>} : memref<13312xf32, #tpu.memory_space<vmem>>, vector<16xf32>,
    %get3A_597 = vector.shape_cast %get3A_596 : vector<16xf32> to vector<16xf32>
    %add3A_598 = arith.addf %add3A_594, %get3A_597 : vector<16xf32>
    %get3A_599 = arith.constant 8272 : index
    %get3A_600 = tpu.vector_load %arg6[%get3A_599] {strides = array<i32>} : memref<13312xf32, #tpu.memory_space<vmem>>, vector<16xf32>,
    %get3A_601 = vector.shape_cast %get3A_600 : vector<16xf32> to vector<16xf32>
    %add3A_602 = arith.addf %add3A_598, %get3A_601 : vector<16xf32>
    %get3A_603 = arith.constant 8784 : index
    %get3A_604 = tpu.vector_load %arg6[%get3A_603] {strides = array<i32>} : memref<13312xf32, #tpu.memory_space<vmem>>, vector<16xf32>,
    %get3A_605 = vector.shape_cast %get3A_604 : vector<16xf32> to vector<16xf32>
    %add3A_606 = arith.addf %add3A_602, %get3A_605 : vector<16xf32>
    %get3A_607 = arith.constant 9296 : index
    %get3A_608 = tpu.vector_load %arg6[%get3A_607] {strides = array<i32>} : memref<13312xf32, #tpu.memory_space<vmem>>, vector<16xf32>,
    %get3A_609 = vector.shape_cast %get3A_608 : vector<16xf32> to vector<16xf32>
    %add3A_610 = arith.addf %add3A_606, %get3A_609 : vector<16xf32>
    %get3A_611 = arith.constant 9808 : index
    %get3A_612 = tpu.vector_load %arg6[%get3A_611] {strides = array<i32>} : memref<13312xf32, #tpu.memory_space<vmem>>, vector<16xf32>,
    %get3A_613 = vector.shape_cast %get3A_612 : vector<16xf32> to vector<16xf32>
    %add3A_614 = arith.addf %add3A_610, %get3A_613 : vector<16xf32>
    %get3A_615 = arith.constant 10320 : index
    %get3A_616 = tpu.vector_load %arg6[%get3A_615] {strides = array<i32>} : memref<13312xf32, #tpu.memory_space<vmem>>, vector<16xf32>,
    %get3A_617 = vector.shape_cast %get3A_616 : vector<16xf32> to vector<16xf32>
    %add3A_618 = arith.addf %add3A_614, %get3A_617 : vector<16xf32>
    %get3A_619 = arith.constant 10832 : index
    %get3A_620 = tpu.vector_load %arg6[%get3A_619] {strides = array<i32>} : memref<13312xf32, #tpu.memory_space<vmem>>, vector<16xf32>,
    %get3A_621 = vector.shape_cast %get3A_620 : vector<16xf32> to vector<16xf32>
    %add3A_622 = arith.addf %add3A_618, %get3A_621 : vector<16xf32>
    %get3A_623 = arith.constant 11344 : index
    %get3A_624 = tpu.vector_load %arg6[%get3A_623] {strides = array<i32>} : memref<13312xf32, #tpu.memory_space<vmem>>, vector<16xf32>,
    %get3A_625 = vector.shape_cast %get3A_624 : vector<16xf32> to vector<16xf32>
    %add3A_626 = arith.addf %add3A_622, %get3A_625 : vector<16xf32>
    %get3A_627 = arith.constant 11856 : index
    %get3A_628 = tpu.vector_load %arg6[%get3A_627] {strides = array<i32>} : memref<13312xf32, #tpu.memory_space<vmem>>, vector<16xf32>,
    %get3A_629 = vector.shape_cast %get3A_628 : vector<16xf32> to vector<16xf32>
    %add3A_630 = arith.addf %add3A_626, %get3A_629 : vector<16xf32>
    %get3A_631 = arith.constant 12368 : index
    %get3A_632 = tpu.vector_load %arg6[%get3A_631] {strides = array<i32>} : memref<13312xf32, #tpu.memory_space<vmem>>, vector<16xf32>,
    %get3A_633 = vector.shape_cast %get3A_632 : vector<16xf32> to vector<16xf32>
    %add3A_634 = arith.addf %add3A_630, %get3A_633 : vector<16xf32>
    %get3A_635 = arith.constant 12880 : index
    %get3A_636 = tpu.vector_load %arg6[%get3A_635] {strides = array<i32>} : memref<13312xf32, #tpu.memory_space<vmem>>, vector<16xf32>,
    %get3A_637 = vector.shape_cast %get3A_636 : vector<16xf32> to vector<16xf32>
    %add3A_638 = arith.addf %add3A_634, %get3A_637 : vector<16xf32>
    %swap3A_639 = arith.constant 80 : index
    %swap3A_640 = tpu.vector_load %arg7[%swap3A_639] {strides = array<i32>} : memref<512xf32, #tpu.memory_space<vmem>>, vector<16xf32>,
    %swap3A_641 = vector.shape_cast %swap3A_640 : vector<16xf32> to vector<16xf32>
    %swap3A_642 = vector.shape_cast %add3A_638 : vector<16xf32> to vector<16xf32>
    tpu.vector_store %arg7[%swap3A_639], %swap3A_642 {strides = array<i32>} : memref<512xf32, #tpu.memory_space<vmem>>, vector<16xf32>,
    %get3A_643 = arith.constant 96 : index
    %get3A_644 = tpu.vector_load %arg6[%get3A_643] {strides = array<i32>} : memref<13312xf32, #tpu.memory_space<vmem>>, vector<16xf32>,
    %get3A_645 = vector.shape_cast %get3A_644 : vector<16xf32> to vector<16xf32>
    %get3A_646 = arith.constant 608 : index
    %get3A_647 = tpu.vector_load %arg6[%get3A_646] {strides = array<i32>} : memref<13312xf32, #tpu.memory_space<vmem>>, vector<16xf32>,
    %get3A_648 = vector.shape_cast %get3A_647 : vector<16xf32> to vector<16xf32>
    %add3A_649 = arith.addf %get3A_645, %get3A_648 : vector<16xf32>
    %get3A_650 = arith.constant 1120 : index
    %get3A_651 = tpu.vector_load %arg6[%get3A_650] {strides = array<i32>} : memref<13312xf32, #tpu.memory_space<vmem>>, vector<16xf32>,
    %get3A_652 = vector.shape_cast %get3A_651 : vector<16xf32> to vector<16xf32>
    %add3A_653 = arith.addf %add3A_649, %get3A_652 : vector<16xf32>
    %get3A_654 = arith.constant 1632 : index
    %get3A_655 = tpu.vector_load %arg6[%get3A_654] {strides = array<i32>} : memref<13312xf32, #tpu.memory_space<vmem>>, vector<16xf32>,
    %get3A_656 = vector.shape_cast %get3A_655 : vector<16xf32> to vector<16xf32>
    %add3A_657 = arith.addf %add3A_653, %get3A_656 : vector<16xf32>
    %get3A_658 = arith.constant 2144 : index
    %get3A_659 = tpu.vector_load %arg6[%get3A_658] {strides = array<i32>} : memref<13312xf32, #tpu.memory_space<vmem>>, vector<16xf32>,
    %get3A_660 = vector.shape_cast %get3A_659 : vector<16xf32> to vector<16xf32>
    %add3A_661 = arith.addf %add3A_657, %get3A_660 : vector<16xf32>
    %get3A_662 = arith.constant 2656 : index
    %get3A_663 = tpu.vector_load %arg6[%get3A_662] {strides = array<i32>} : memref<13312xf32, #tpu.memory_space<vmem>>, vector<16xf32>,
    %get3A_664 = vector.shape_cast %get3A_663 : vector<16xf32> to vector<16xf32>
    %add3A_665 = arith.addf %add3A_661, %get3A_664 : vector<16xf32>
    %get3A_666 = arith.constant 3168 : index
    %get3A_667 = tpu.vector_load %arg6[%get3A_666] {strides = array<i32>} : memref<13312xf32, #tpu.memory_space<vmem>>, vector<16xf32>,
    %get3A_668 = vector.shape_cast %get3A_667 : vector<16xf32> to vector<16xf32>
    %add3A_669 = arith.addf %add3A_665, %get3A_668 : vector<16xf32>
    %get3A_670 = arith.constant 3680 : index
    %get3A_671 = tpu.vector_load %arg6[%get3A_670] {strides = array<i32>} : memref<13312xf32, #tpu.memory_space<vmem>>, vector<16xf32>,
    %get3A_672 = vector.shape_cast %get3A_671 : vector<16xf32> to vector<16xf32>
    %add3A_673 = arith.addf %add3A_669, %get3A_672 : vector<16xf32>
    %get3A_674 = arith.constant 4192 : index
    %get3A_675 = tpu.vector_load %arg6[%get3A_674] {strides = array<i32>} : memref<13312xf32, #tpu.memory_space<vmem>>, vector<16xf32>,
    %get3A_676 = vector.shape_cast %get3A_675 : vector<16xf32> to vector<16xf32>
    %add3A_677 = arith.addf %add3A_673, %get3A_676 : vector<16xf32>
    %get3A_678 = arith.constant 4704 : index
    %get3A_679 = tpu.vector_load %arg6[%get3A_678] {strides = array<i32>} : memref<13312xf32, #tpu.memory_space<vmem>>, vector<16xf32>,
    %get3A_680 = vector.shape_cast %get3A_679 : vector<16xf32> to vector<16xf32>
    %add3A_681 = arith.addf %add3A_677, %get3A_680 : vector<16xf32>
    %get3A_682 = arith.constant 5216 : index
    %get3A_683 = tpu.vector_load %arg6[%get3A_682] {strides = array<i32>} : memref<13312xf32, #tpu.memory_space<vmem>>, vector<16xf32>,
    %get3A_684 = vector.shape_cast %get3A_683 : vector<16xf32> to vector<16xf32>
    %add3A_685 = arith.addf %add3A_681, %get3A_684 : vector<16xf32>
    %get3A_686 = arith.constant 5728 : index
    %get3A_687 = tpu.vector_load %arg6[%get3A_686] {strides = array<i32>} : memref<13312xf32, #tpu.memory_space<vmem>>, vector<16xf32>,
    %get3A_688 = vector.shape_cast %get3A_687 : vector<16xf32> to vector<16xf32>
    %add3A_689 = arith.addf %add3A_685, %get3A_688 : vector<16xf32>
    %get3A_690 = arith.constant 6240 : index
    %get3A_691 = tpu.vector_load %arg6[%get3A_690] {strides = array<i32>} : memref<13312xf32, #tpu.memory_space<vmem>>, vector<16xf32>,
    %get3A_692 = vector.shape_cast %get3A_691 : vector<16xf32> to vector<16xf32>
    %add3A_693 = arith.addf %add3A_689, %get3A_692 : vector<16xf32>
    %get3A_694 = arith.constant 6752 : index
    %get3A_695 = tpu.vector_load %arg6[%get3A_694] {strides = array<i32>} : memref<13312xf32, #tpu.memory_space<vmem>>, vector<16xf32>,
    %get3A_696 = vector.shape_cast %get3A_695 : vector<16xf32> to vector<16xf32>
    %add3A_697 = arith.addf %add3A_693, %get3A_696 : vector<16xf32>
    %get3A_698 = arith.constant 7264 : index
    %get3A_699 = tpu.vector_load %arg6[%get3A_698] {strides = array<i32>} : memref<13312xf32, #tpu.memory_space<vmem>>, vector<16xf32>,
    %get3A_700 = vector.shape_cast %get3A_699 : vector<16xf32> to vector<16xf32>
    %add3A_701 = arith.addf %add3A_697, %get3A_700 : vector<16xf32>
    %get3A_702 = arith.constant 7776 : index
    %get3A_703 = tpu.vector_load %arg6[%get3A_702] {strides = array<i32>} : memref<13312xf32, #tpu.memory_space<vmem>>, vector<16xf32>,
    %get3A_704 = vector.shape_cast %get3A_703 : vector<16xf32> to vector<16xf32>
    %add3A_705 = arith.addf %add3A_701, %get3A_704 : vector<16xf32>
    %get3A_706 = arith.constant 8288 : index
    %get3A_707 = tpu.vector_load %arg6[%get3A_706] {strides = array<i32>} : memref<13312xf32, #tpu.memory_space<vmem>>, vector<16xf32>,
    %get3A_708 = vector.shape_cast %get3A_707 : vector<16xf32> to vector<16xf32>
    %add3A_709 = arith.addf %add3A_705, %get3A_708 : vector<16xf32>
    %get3A_710 = arith.constant 8800 : index
    %get3A_711 = tpu.vector_load %arg6[%get3A_710] {strides = array<i32>} : memref<13312xf32, #tpu.memory_space<vmem>>, vector<16xf32>,
    %get3A_712 = vector.shape_cast %get3A_711 : vector<16xf32> to vector<16xf32>
    %add3A_713 = arith.addf %add3A_709, %get3A_712 : vector<16xf32>
    %get3A_714 = arith.constant 9312 : index
    %get3A_715 = tpu.vector_load %arg6[%get3A_714] {strides = array<i32>} : memref<13312xf32, #tpu.memory_space<vmem>>, vector<16xf32>,
    %get3A_716 = vector.shape_cast %get3A_715 : vector<16xf32> to vector<16xf32>
    %add3A_717 = arith.addf %add3A_713, %get3A_716 : vector<16xf32>
    %get3A_718 = arith.constant 9824 : index
    %get3A_719 = tpu.vector_load %arg6[%get3A_718] {strides = array<i32>} : memref<13312xf32, #tpu.memory_space<vmem>>, vector<16xf32>,
    %get3A_720 = vector.shape_cast %get3A_719 : vector<16xf32> to vector<16xf32>
    %add3A_721 = arith.addf %add3A_717, %get3A_720 : vector<16xf32>
    %get3A_722 = arith.constant 10336 : index
    %get3A_723 = tpu.vector_load %arg6[%get3A_722] {strides = array<i32>} : memref<13312xf32, #tpu.memory_space<vmem>>, vector<16xf32>,
    %get3A_724 = vector.shape_cast %get3A_723 : vector<16xf32> to vector<16xf32>
    %add3A_725 = arith.addf %add3A_721, %get3A_724 : vector<16xf32>
    %get3A_726 = arith.constant 10848 : index
    %get3A_727 = tpu.vector_load %arg6[%get3A_726] {strides = array<i32>} : memref<13312xf32, #tpu.memory_space<vmem>>, vector<16xf32>,
    %get3A_728 = vector.shape_cast %get3A_727 : vector<16xf32> to vector<16xf32>
    %add3A_729 = arith.addf %add3A_725, %get3A_728 : vector<16xf32>
    %get3A_730 = arith.constant 11360 : index
    %get3A_731 = tpu.vector_load %arg6[%get3A_730] {strides = array<i32>} : memref<13312xf32, #tpu.memory_space<vmem>>, vector<16xf32>,
    %get3A_732 = vector.shape_cast %get3A_731 : vector<16xf32> to vector<16xf32>
    %add3A_733 = arith.addf %add3A_729, %get3A_732 : vector<16xf32>
    %get3A_734 = arith.constant 11872 : index
    %get3A_735 = tpu.vector_load %arg6[%get3A_734] {strides = array<i32>} : memref<13312xf32, #tpu.memory_space<vmem>>, vector<16xf32>,
    %get3A_736 = vector.shape_cast %get3A_735 : vector<16xf32> to vector<16xf32>
    %add3A_737 = arith.addf %add3A_733, %get3A_736 : vector<16xf32>
    %get3A_738 = arith.constant 12384 : index
    %get3A_739 = tpu.vector_load %arg6[%get3A_738] {strides = array<i32>} : memref<13312xf32, #tpu.memory_space<vmem>>, vector<16xf32>,
    %get3A_740 = vector.shape_cast %get3A_739 : vector<16xf32> to vector<16xf32>
    %add3A_741 = arith.addf %add3A_737, %get3A_740 : vector<16xf32>
    %get3A_742 = arith.constant 12896 : index
    %get3A_743 = tpu.vector_load %arg6[%get3A_742] {strides = array<i32>} : memref<13312xf32, #tpu.memory_space<vmem>>, vector<16xf32>,
    %get3A_744 = vector.shape_cast %get3A_743 : vector<16xf32> to vector<16xf32>
    %add3A_745 = arith.addf %add3A_741, %get3A_744 : vector<16xf32>
    %swap3A_746 = arith.constant 96 : index
    %swap3A_747 = tpu.vector_load %arg7[%swap3A_746] {strides = array<i32>} : memref<512xf32, #tpu.memory_space<vmem>>, vector<16xf32>,
    %swap3A_748 = vector.shape_cast %swap3A_747 : vector<16xf32> to vector<16xf32>
    %swap3A_749 = vector.shape_cast %add3A_745 : vector<16xf32> to vector<16xf32>
    tpu.vector_store %arg7[%swap3A_746], %swap3A_749 {strides = array<i32>} : memref<512xf32, #tpu.memory_space<vmem>>, vector<16xf32>,
    %get3A_750 = arith.constant 112 : index
    %get3A_751 = tpu.vector_load %arg6[%get3A_750] {strides = array<i32>} : memref<13312xf32, #tpu.memory_space<vmem>>, vector<16xf32>,
    %get3A_752 = vector.shape_cast %get3A_751 : vector<16xf32> to vector<16xf32>
    %get3A_753 = arith.constant 624 : index
    %get3A_754 = tpu.vector_load %arg6[%get3A_753] {strides = array<i32>} : memref<13312xf32, #tpu.memory_space<vmem>>, vector<16xf32>,
    %get3A_755 = vector.shape_cast %get3A_754 : vector<16xf32> to vector<16xf32>
    %add3A_756 = arith.addf %get3A_752, %get3A_755 : vector<16xf32>
    %get3A_757 = arith.constant 1136 : index
    %get3A_758 = tpu.vector_load %arg6[%get3A_757] {strides = array<i32>} : memref<13312xf32, #tpu.memory_space<vmem>>, vector<16xf32>,
    %get3A_759 = vector.shape_cast %get3A_758 : vector<16xf32> to vector<16xf32>
    %add3A_760 = arith.addf %add3A_756, %get3A_759 : vector<16xf32>
    %get3A_761 = arith.constant 1648 : index
    %get3A_762 = tpu.vector_load %arg6[%get3A_761] {strides = array<i32>} : memref<13312xf32, #tpu.memory_space<vmem>>, vector<16xf32>,
    %get3A_763 = vector.shape_cast %get3A_762 : vector<16xf32> to vector<16xf32>
    %add3A_764 = arith.addf %add3A_760, %get3A_763 : vector<16xf32>
    %get3A_765 = arith.constant 2160 : index
    %get3A_766 = tpu.vector_load %arg6[%get3A_765] {strides = array<i32>} : memref<13312xf32, #tpu.memory_space<vmem>>, vector<16xf32>,
    %get3A_767 = vector.shape_cast %get3A_766 : vector<16xf32> to vector<16xf32>
    %add3A_768 = arith.addf %add3A_764, %get3A_767 : vector<16xf32>
    %get3A_769 = arith.constant 2672 : index
    %get3A_770 = tpu.vector_load %arg6[%get3A_769] {strides = array<i32>} : memref<13312xf32, #tpu.memory_space<vmem>>, vector<16xf32>,
    %get3A_771 = vector.shape_cast %get3A_770 : vector<16xf32> to vector<16xf32>
    %add3A_772 = arith.addf %add3A_768, %get3A_771 : vector<16xf32>
    %get3A_773 = arith.constant 3184 : index
    %get3A_774 = tpu.vector_load %arg6[%get3A_773] {strides = array<i32>} : memref<13312xf32, #tpu.memory_space<vmem>>, vector<16xf32>,
    %get3A_775 = vector.shape_cast %get3A_774 : vector<16xf32> to vector<16xf32>
    %add3A_776 = arith.addf %add3A_772, %get3A_775 : vector<16xf32>
    %get3A_777 = arith.constant 3696 : index
    %get3A_778 = tpu.vector_load %arg6[%get3A_777] {strides = array<i32>} : memref<13312xf32, #tpu.memory_space<vmem>>, vector<16xf32>,
    %get3A_779 = vector.shape_cast %get3A_778 : vector<16xf32> to vector<16xf32>
    %add3A_780 = arith.addf %add3A_776, %get3A_779 : vector<16xf32>
    %get3A_781 = arith.constant 4208 : index
    %get3A_782 = tpu.vector_load %arg6[%get3A_781] {strides = array<i32>} : memref<13312xf32, #tpu.memory_space<vmem>>, vector<16xf32>,
    %get3A_783 = vector.shape_cast %get3A_782 : vector<16xf32> to vector<16xf32>
    %add3A_784 = arith.addf %add3A_780, %get3A_783 : vector<16xf32>
    %get3A_785 = arith.constant 4720 : index
    %get3A_786 = tpu.vector_load %arg6[%get3A_785] {strides = array<i32>} : memref<13312xf32, #tpu.memory_space<vmem>>, vector<16xf32>,
    %get3A_787 = vector.shape_cast %get3A_786 : vector<16xf32> to vector<16xf32>
    %add3A_788 = arith.addf %add3A_784, %get3A_787 : vector<16xf32>
    %get3A_789 = arith.constant 5232 : index
    %get3A_790 = tpu.vector_load %arg6[%get3A_789] {strides = array<i32>} : memref<13312xf32, #tpu.memory_space<vmem>>, vector<16xf32>,
    %get3A_791 = vector.shape_cast %get3A_790 : vector<16xf32> to vector<16xf32>
    %add3A_792 = arith.addf %add3A_788, %get3A_791 : vector<16xf32>
    %get3A_793 = arith.constant 5744 : index
    %get3A_794 = tpu.vector_load %arg6[%get3A_793] {strides = array<i32>} : memref<13312xf32, #tpu.memory_space<vmem>>, vector<16xf32>,
    %get3A_795 = vector.shape_cast %get3A_794 : vector<16xf32> to vector<16xf32>
    %add3A_796 = arith.addf %add3A_792, %get3A_795 : vector<16xf32>
    %get3A_797 = arith.constant 6256 : index
    %get3A_798 = tpu.vector_load %arg6[%get3A_797] {strides = array<i32>} : memref<13312xf32, #tpu.memory_space<vmem>>, vector<16xf32>,
    %get3A_799 = vector.shape_cast %get3A_798 : vector<16xf32> to vector<16xf32>
    %add3A_800 = arith.addf %add3A_796, %get3A_799 : vector<16xf32>
    %get3A_801 = arith.constant 6768 : index
    %get3A_802 = tpu.vector_load %arg6[%get3A_801] {strides = array<i32>} : memref<13312xf32, #tpu.memory_space<vmem>>, vector<16xf32>,
    %get3A_803 = vector.shape_cast %get3A_802 : vector<16xf32> to vector<16xf32>
    %add3A_804 = arith.addf %add3A_800, %get3A_803 : vector<16xf32>
    %get3A_805 = arith.constant 7280 : index
    %get3A_806 = tpu.vector_load %arg6[%get3A_805] {strides = array<i32>} : memref<13312xf32, #tpu.memory_space<vmem>>, vector<16xf32>,
    %get3A_807 = vector.shape_cast %get3A_806 : vector<16xf32> to vector<16xf32>
    %add3A_808 = arith.addf %add3A_804, %get3A_807 : vector<16xf32>
    %get3A_809 = arith.constant 7792 : index
    %get3A_810 = tpu.vector_load %arg6[%get3A_809] {strides = array<i32>} : memref<13312xf32, #tpu.memory_space<vmem>>, vector<16xf32>,
    %get3A_811 = vector.shape_cast %get3A_810 : vector<16xf32> to vector<16xf32>
    %add3A_812 = arith.addf %add3A_808, %get3A_811 : vector<16xf32>
    %get3A_813 = arith.constant 8304 : index
    %get3A_814 = tpu.vector_load %arg6[%get3A_813] {strides = array<i32>} : memref<13312xf32, #tpu.memory_space<vmem>>, vector<16xf32>,
    %get3A_815 = vector.shape_cast %get3A_814 : vector<16xf32> to vector<16xf32>
    %add3A_816 = arith.addf %add3A_812, %get3A_815 : vector<16xf32>
    %get3A_817 = arith.constant 8816 : index
    %get3A_818 = tpu.vector_load %arg6[%get3A_817] {strides = array<i32>} : memref<13312xf32, #tpu.memory_space<vmem>>, vector<16xf32>,
    %get3A_819 = vector.shape_cast %get3A_818 : vector<16xf32> to vector<16xf32>
    %add3A_820 = arith.addf %add3A_816, %get3A_819 : vector<16xf32>
    %get3A_821 = arith.constant 9328 : index
    %get3A_822 = tpu.vector_load %arg6[%get3A_821] {strides = array<i32>} : memref<13312xf32, #tpu.memory_space<vmem>>, vector<16xf32>,
    %get3A_823 = vector.shape_cast %get3A_822 : vector<16xf32> to vector<16xf32>
    %add3A_824 = arith.addf %add3A_820, %get3A_823 : vector<16xf32>
    %get3A_825 = arith.constant 9840 : index
    %get3A_826 = tpu.vector_load %arg6[%get3A_825] {strides = array<i32>} : memref<13312xf32, #tpu.memory_space<vmem>>, vector<16xf32>,
    %get3A_827 = vector.shape_cast %get3A_826 : vector<16xf32> to vector<16xf32>
    %add3A_828 = arith.addf %add3A_824, %get3A_827 : vector<16xf32>
    %get3A_829 = arith.constant 10352 : index
    %get3A_830 = tpu.vector_load %arg6[%get3A_829] {strides = array<i32>} : memref<13312xf32, #tpu.memory_space<vmem>>, vector<16xf32>,
    %get3A_831 = vector.shape_cast %get3A_830 : vector<16xf32> to vector<16xf32>
    %add3A_832 = arith.addf %add3A_828, %get3A_831 : vector<16xf32>
    %get3A_833 = arith.constant 10864 : index
    %get3A_834 = tpu.vector_load %arg6[%get3A_833] {strides = array<i32>} : memref<13312xf32, #tpu.memory_space<vmem>>, vector<16xf32>,
    %get3A_835 = vector.shape_cast %get3A_834 : vector<16xf32> to vector<16xf32>
    %add3A_836 = arith.addf %add3A_832, %get3A_835 : vector<16xf32>
    %get3A_837 = arith.constant 11376 : index
    %get3A_838 = tpu.vector_load %arg6[%get3A_837] {strides = array<i32>} : memref<13312xf32, #tpu.memory_space<vmem>>, vector<16xf32>,
    %get3A_839 = vector.shape_cast %get3A_838 : vector<16xf32> to vector<16xf32>
    %add3A_840 = arith.addf %add3A_836, %get3A_839 : vector<16xf32>
    %get3A_841 = arith.constant 11888 : index
    %get3A_842 = tpu.vector_load %arg6[%get3A_841] {strides = array<i32>} : memref<13312xf32, #tpu.memory_space<vmem>>, vector<16xf32>,
    %get3A_843 = vector.shape_cast %get3A_842 : vector<16xf32> to vector<16xf32>
    %add3A_844 = arith.addf %add3A_840, %get3A_843 : vector<16xf32>
    %get3A_845 = arith.constant 12400 : index
    %get3A_846 = tpu.vector_load %arg6[%get3A_845] {strides = array<i32>} : memref<13312xf32, #tpu.memory_space<vmem>>, vector<16xf32>,
    %get3A_847 = vector.shape_cast %get3A_846 : vector<16xf32> to vector<16xf32>
    %add3A_848 = arith.addf %add3A_844, %get3A_847 : vector<16xf32>
    %get3A_849 = arith.constant 12912 : index
    %get3A_850 = tpu.vector_load %arg6[%get3A_849] {strides = array<i32>} : memref<13312xf32, #tpu.memory_space<vmem>>, vector<16xf32>,
    %get3A_851 = vector.shape_cast %get3A_850 : vector<16xf32> to vector<16xf32>
    %add3A_852 = arith.addf %add3A_848, %get3A_851 : vector<16xf32>
    %swap3A_853 = arith.constant 112 : index
    %swap3A_854 = tpu.vector_load %arg7[%swap3A_853] {strides = array<i32>} : memref<512xf32, #tpu.memory_space<vmem>>, vector<16xf32>,
    %swap3A_855 = vector.shape_cast %swap3A_854 : vector<16xf32> to vector<16xf32>
    %swap3A_856 = vector.shape_cast %add3A_852 : vector<16xf32> to vector<16xf32>
    tpu.vector_store %arg7[%swap3A_853], %swap3A_856 {strides = array<i32>} : memref<512xf32, #tpu.memory_space<vmem>>, vector<16xf32>,
    %get3A_857 = arith.constant 128 : index
    %get3A_858 = tpu.vector_load %arg6[%get3A_857] {strides = array<i32>} : memref<13312xf32, #tpu.memory_space<vmem>>, vector<16xf32>,
    %get3A_859 = vector.shape_cast %get3A_858 : vector<16xf32> to vector<16xf32>
    %get3A_860 = arith.constant 640 : index
    %get3A_861 = tpu.vector_load %arg6[%get3A_860] {strides = array<i32>} : memref<13312xf32, #tpu.memory_space<vmem>>, vector<16xf32>,
    %get3A_862 = vector.shape_cast %get3A_861 : vector<16xf32> to vector<16xf32>
    %add3A_863 = arith.addf %get3A_859, %get3A_862 : vector<16xf32>
    %get3A_864 = arith.constant 1152 : index
    %get3A_865 = tpu.vector_load %arg6[%get3A_864] {strides = array<i32>} : memref<13312xf32, #tpu.memory_space<vmem>>, vector<16xf32>,
    %get3A_866 = vector.shape_cast %get3A_865 : vector<16xf32> to vector<16xf32>
    %add3A_867 = arith.addf %add3A_863, %get3A_866 : vector<16xf32>
    %get3A_868 = arith.constant 1664 : index
    %get3A_869 = tpu.vector_load %arg6[%get3A_868] {strides = array<i32>} : memref<13312xf32, #tpu.memory_space<vmem>>, vector<16xf32>,
    %get3A_870 = vector.shape_cast %get3A_869 : vector<16xf32> to vector<16xf32>
    %add3A_871 = arith.addf %add3A_867, %get3A_870 : vector<16xf32>
    %get3A_872 = arith.constant 2176 : index
    %get3A_873 = tpu.vector_load %arg6[%get3A_872] {strides = array<i32>} : memref<13312xf32, #tpu.memory_space<vmem>>, vector<16xf32>,
    %get3A_874 = vector.shape_cast %get3A_873 : vector<16xf32> to vector<16xf32>
    %add3A_875 = arith.addf %add3A_871, %get3A_874 : vector<16xf32>
    %get3A_876 = arith.constant 2688 : index
    %get3A_877 = tpu.vector_load %arg6[%get3A_876] {strides = array<i32>} : memref<13312xf32, #tpu.memory_space<vmem>>, vector<16xf32>,
    %get3A_878 = vector.shape_cast %get3A_877 : vector<16xf32> to vector<16xf32>
    %add3A_879 = arith.addf %add3A_875, %get3A_878 : vector<16xf32>
    %get3A_880 = arith.constant 3200 : index
    %get3A_881 = tpu.vector_load %arg6[%get3A_880] {strides = array<i32>} : memref<13312xf32, #tpu.memory_space<vmem>>, vector<16xf32>,
    %get3A_882 = vector.shape_cast %get3A_881 : vector<16xf32> to vector<16xf32>
    %add3A_883 = arith.addf %add3A_879, %get3A_882 : vector<16xf32>
    %get3A_884 = arith.constant 3712 : index
    %get3A_885 = tpu.vector_load %arg6[%get3A_884] {strides = array<i32>} : memref<13312xf32, #tpu.memory_space<vmem>>, vector<16xf32>,
    %get3A_886 = vector.shape_cast %get3A_885 : vector<16xf32> to vector<16xf32>
    %add3A_887 = arith.addf %add3A_883, %get3A_886 : vector<16xf32>
    %get3A_888 = arith.constant 4224 : index
    %get3A_889 = tpu.vector_load %arg6[%get3A_888] {strides = array<i32>} : memref<13312xf32, #tpu.memory_space<vmem>>, vector<16xf32>,
    %get3A_890 = vector.shape_cast %get3A_889 : vector<16xf32> to vector<16xf32>
    %add3A_891 = arith.addf %add3A_887, %get3A_890 : vector<16xf32>
    %get3A_892 = arith.constant 4736 : index
    %get3A_893 = tpu.vector_load %arg6[%get3A_892] {strides = array<i32>} : memref<13312xf32, #tpu.memory_space<vmem>>, vector<16xf32>,
    %get3A_894 = vector.shape_cast %get3A_893 : vector<16xf32> to vector<16xf32>
    %add3A_895 = arith.addf %add3A_891, %get3A_894 : vector<16xf32>
    %get3A_896 = arith.constant 5248 : index
    %get3A_897 = tpu.vector_load %arg6[%get3A_896] {strides = array<i32>} : memref<13312xf32, #tpu.memory_space<vmem>>, vector<16xf32>,
    %get3A_898 = vector.shape_cast %get3A_897 : vector<16xf32> to vector<16xf32>
    %add3A_899 = arith.addf %add3A_895, %get3A_898 : vector<16xf32>
    %get3A_900 = arith.constant 5760 : index
    %get3A_901 = tpu.vector_load %arg6[%get3A_900] {strides = array<i32>} : memref<13312xf32, #tpu.memory_space<vmem>>, vector<16xf32>,
    %get3A_902 = vector.shape_cast %get3A_901 : vector<16xf32> to vector<16xf32>
    %add3A_903 = arith.addf %add3A_899, %get3A_902 : vector<16xf32>
    %get3A_904 = arith.constant 6272 : index
    %get3A_905 = tpu.vector_load %arg6[%get3A_904] {strides = array<i32>} : memref<13312xf32, #tpu.memory_space<vmem>>, vector<16xf32>,
    %get3A_906 = vector.shape_cast %get3A_905 : vector<16xf32> to vector<16xf32>
    %add3A_907 = arith.addf %add3A_903, %get3A_906 : vector<16xf32>
    %get3A_908 = arith.constant 6784 : index
    %get3A_909 = tpu.vector_load %arg6[%get3A_908] {strides = array<i32>} : memref<13312xf32, #tpu.memory_space<vmem>>, vector<16xf32>,
    %get3A_910 = vector.shape_cast %get3A_909 : vector<16xf32> to vector<16xf32>
    %add3A_911 = arith.addf %add3A_907, %get3A_910 : vector<16xf32>
    %get3A_912 = arith.constant 7296 : index
    %get3A_913 = tpu.vector_load %arg6[%get3A_912] {strides = array<i32>} : memref<13312xf32, #tpu.memory_space<vmem>>, vector<16xf32>,
    %get3A_914 = vector.shape_cast %get3A_913 : vector<16xf32> to vector<16xf32>
    %add3A_915 = arith.addf %add3A_911, %get3A_914 : vector<16xf32>
    %get3A_916 = arith.constant 7808 : index
    %get3A_917 = tpu.vector_load %arg6[%get3A_916] {strides = array<i32>} : memref<13312xf32, #tpu.memory_space<vmem>>, vector<16xf32>,
    %get3A_918 = vector.shape_cast %get3A_917 : vector<16xf32> to vector<16xf32>
    %add3A_919 = arith.addf %add3A_915, %get3A_918 : vector<16xf32>
    %get3A_920 = arith.constant 8320 : index
    %get3A_921 = tpu.vector_load %arg6[%get3A_920] {strides = array<i32>} : memref<13312xf32, #tpu.memory_space<vmem>>, vector<16xf32>,
    %get3A_922 = vector.shape_cast %get3A_921 : vector<16xf32> to vector<16xf32>
    %add3A_923 = arith.addf %add3A_919, %get3A_922 : vector<16xf32>
    %get3A_924 = arith.constant 8832 : index
    %get3A_925 = tpu.vector_load %arg6[%get3A_924] {strides = array<i32>} : memref<13312xf32, #tpu.memory_space<vmem>>, vector<16xf32>,
    %get3A_926 = vector.shape_cast %get3A_925 : vector<16xf32> to vector<16xf32>
    %add3A_927 = arith.addf %add3A_923, %get3A_926 : vector<16xf32>
    %get3A_928 = arith.constant 9344 : index
    %get3A_929 = tpu.vector_load %arg6[%get3A_928] {strides = array<i32>} : memref<13312xf32, #tpu.memory_space<vmem>>, vector<16xf32>,
    %get3A_930 = vector.shape_cast %get3A_929 : vector<16xf32> to vector<16xf32>
    %add3A_931 = arith.addf %add3A_927, %get3A_930 : vector<16xf32>
    %get3A_932 = arith.constant 9856 : index
    %get3A_933 = tpu.vector_load %arg6[%get3A_932] {strides = array<i32>} : memref<13312xf32, #tpu.memory_space<vmem>>, vector<16xf32>,
    %get3A_934 = vector.shape_cast %get3A_933 : vector<16xf32> to vector<16xf32>
    %add3A_935 = arith.addf %add3A_931, %get3A_934 : vector<16xf32>
    %get3A_936 = arith.constant 10368 : index
    %get3A_937 = tpu.vector_load %arg6[%get3A_936] {strides = array<i32>} : memref<13312xf32, #tpu.memory_space<vmem>>, vector<16xf32>,
    %get3A_938 = vector.shape_cast %get3A_937 : vector<16xf32> to vector<16xf32>
    %add3A_939 = arith.addf %add3A_935, %get3A_938 : vector<16xf32>
    %get3A_940 = arith.constant 10880 : index
    %get3A_941 = tpu.vector_load %arg6[%get3A_940] {strides = array<i32>} : memref<13312xf32, #tpu.memory_space<vmem>>, vector<16xf32>,
    %get3A_942 = vector.shape_cast %get3A_941 : vector<16xf32> to vector<16xf32>
    %add3A_943 = arith.addf %add3A_939, %get3A_942 : vector<16xf32>
    %get3A_944 = arith.constant 11392 : index
    %get3A_945 = tpu.vector_load %arg6[%get3A_944] {strides = array<i32>} : memref<13312xf32, #tpu.memory_space<vmem>>, vector<16xf32>,
    %get3A_946 = vector.shape_cast %get3A_945 : vector<16xf32> to vector<16xf32>
    %add3A_947 = arith.addf %add3A_943, %get3A_946 : vector<16xf32>
    %get3A_948 = arith.constant 11904 : index
    %get3A_949 = tpu.vector_load %arg6[%get3A_948] {strides = array<i32>} : memref<13312xf32, #tpu.memory_space<vmem>>, vector<16xf32>,
    %get3A_950 = vector.shape_cast %get3A_949 : vector<16xf32> to vector<16xf32>
    %add3A_951 = arith.addf %add3A_947, %get3A_950 : vector<16xf32>
    %get3A_952 = arith.constant 12416 : index
    %get3A_953 = tpu.vector_load %arg6[%get3A_952] {strides = array<i32>} : memref<13312xf32, #tpu.memory_space<vmem>>, vector<16xf32>,
    %get3A_954 = vector.shape_cast %get3A_953 : vector<16xf32> to vector<16xf32>
    %add3A_955 = arith.addf %add3A_951, %get3A_954 : vector<16xf32>
    %get3A_956 = arith.constant 12928 : index
    %get3A_957 = tpu.vector_load %arg6[%get3A_956] {strides = array<i32>} : memref<13312xf32, #tpu.memory_space<vmem>>, vector<16xf32>,
    %get3A_958 = vector.shape_cast %get3A_957 : vector<16xf32> to vector<16xf32>
    %add3A_959 = arith.addf %add3A_955, %get3A_958 : vector<16xf32>
    %swap3A_960 = arith.constant 128 : index
    %swap3A_961 = tpu.vector_load %arg7[%swap3A_960] {strides = array<i32>} : memref<512xf32, #tpu.memory_space<vmem>>, vector<16xf32>,
    %swap3A_962 = vector.shape_cast %swap3A_961 : vector<16xf32> to vector<16xf32>
    %swap3A_963 = vector.shape_cast %add3A_959 : vector<16xf32> to vector<16xf32>
    tpu.vector_store %arg7[%swap3A_960], %swap3A_963 {strides = array<i32>} : memref<512xf32, #tpu.memory_space<vmem>>, vector<16xf32>,
    %get3A_964 = arith.constant 144 : index
    %get3A_965 = tpu.vector_load %arg6[%get3A_964] {strides = array<i32>} : memref<13312xf32, #tpu.memory_space<vmem>>, vector<16xf32>,
    %get3A_966 = vector.shape_cast %get3A_965 : vector<16xf32> to vector<16xf32>
    %get3A_967 = arith.constant 656 : index
    %get3A_968 = tpu.vector_load %arg6[%get3A_967] {strides = array<i32>} : memref<13312xf32, #tpu.memory_space<vmem>>, vector<16xf32>,
    %get3A_969 = vector.shape_cast %get3A_968 : vector<16xf32> to vector<16xf32>
    %add3A_970 = arith.addf %get3A_966, %get3A_969 : vector<16xf32>
    %get3A_971 = arith.constant 1168 : index
    %get3A_972 = tpu.vector_load %arg6[%get3A_971] {strides = array<i32>} : memref<13312xf32, #tpu.memory_space<vmem>>, vector<16xf32>,
    %get3A_973 = vector.shape_cast %get3A_972 : vector<16xf32> to vector<16xf32>
    %add3A_974 = arith.addf %add3A_970, %get3A_973 : vector<16xf32>
    %get3A_975 = arith.constant 1680 : index
    %get3A_976 = tpu.vector_load %arg6[%get3A_975] {strides = array<i32>} : memref<13312xf32, #tpu.memory_space<vmem>>, vector<16xf32>,
    %get3A_977 = vector.shape_cast %get3A_976 : vector<16xf32> to vector<16xf32>
    %add3A_978 = arith.addf %add3A_974, %get3A_977 : vector<16xf32>
    %get3A_979 = arith.constant 2192 : index
    %get3A_980 = tpu.vector_load %arg6[%get3A_979] {strides = array<i32>} : memref<13312xf32, #tpu.memory_space<vmem>>, vector<16xf32>,
    %get3A_981 = vector.shape_cast %get3A_980 : vector<16xf32> to vector<16xf32>
    %add3A_982 = arith.addf %add3A_978, %get3A_981 : vector<16xf32>
    %get3A_983 = arith.constant 2704 : index
    %get3A_984 = tpu.vector_load %arg6[%get3A_983] {strides = array<i32>} : memref<13312xf32, #tpu.memory_space<vmem>>, vector<16xf32>,
    %get3A_985 = vector.shape_cast %get3A_984 : vector<16xf32> to vector<16xf32>
    %add3A_986 = arith.addf %add3A_982, %get3A_985 : vector<16xf32>
    %get3A_987 = arith.constant 3216 : index
    %get3A_988 = tpu.vector_load %arg6[%get3A_987] {strides = array<i32>} : memref<13312xf32, #tpu.memory_space<vmem>>, vector<16xf32>,
    %get3A_989 = vector.shape_cast %get3A_988 : vector<16xf32> to vector<16xf32>
    %add3A_990 = arith.addf %add3A_986, %get3A_989 : vector<16xf32>
    %get3A_991 = arith.constant 3728 : index
    %get3A_992 = tpu.vector_load %arg6[%get3A_991] {strides = array<i32>} : memref<13312xf32, #tpu.memory_space<vmem>>, vector<16xf32>,
    %get3A_993 = vector.shape_cast %get3A_992 : vector<16xf32> to vector<16xf32>
    %add3A_994 = arith.addf %add3A_990, %get3A_993 : vector<16xf32>
    %get3A_995 = arith.constant 4240 : index
    %get3A_996 = tpu.vector_load %arg6[%get3A_995] {strides = array<i32>} : memref<13312xf32, #tpu.memory_space<vmem>>, vector<16xf32>,
    %get3A_997 = vector.shape_cast %get3A_996 : vector<16xf32> to vector<16xf32>
    %add3A_998 = arith.addf %add3A_994, %get3A_997 : vector<16xf32>
    %get3A_999 = arith.constant 4752 : index
    %get3A_1000 = tpu.vector_load %arg6[%get3A_999] {strides = array<i32>} : memref<13312xf32, #tpu.memory_space<vmem>>, vector<16xf32>,
    %get3A_1001 = vector.shape_cast %get3A_1000 : vector<16xf32> to vector<16xf32>
    %add3A_1002 = arith.addf %add3A_998, %get3A_1001 : vector<16xf32>
    %get3A_1003 = arith.constant 5264 : index
    %get3A_1004 = tpu.vector_load %arg6[%get3A_1003] {strides = array<i32>} : memref<13312xf32, #tpu.memory_space<vmem>>, vector<16xf32>,
    %get3A_1005 = vector.shape_cast %get3A_1004 : vector<16xf32> to vector<16xf32>
    %add3A_1006 = arith.addf %add3A_1002, %get3A_1005 : vector<16xf32>
    %get3A_1007 = arith.constant 5776 : index
    %get3A_1008 = tpu.vector_load %arg6[%get3A_1007] {strides = array<i32>} : memref<13312xf32, #tpu.memory_space<vmem>>, vector<16xf32>,
    %get3A_1009 = vector.shape_cast %get3A_1008 : vector<16xf32> to vector<16xf32>
    %add3A_1010 = arith.addf %add3A_1006, %get3A_1009 : vector<16xf32>
    %get3A_1011 = arith.constant 6288 : index
    %get3A_1012 = tpu.vector_load %arg6[%get3A_1011] {strides = array<i32>} : memref<13312xf32, #tpu.memory_space<vmem>>, vector<16xf32>,
    %get3A_1013 = vector.shape_cast %get3A_1012 : vector<16xf32> to vector<16xf32>
    %add3A_1014 = arith.addf %add3A_1010, %get3A_1013 : vector<16xf32>
    %get3A_1015 = arith.constant 6800 : index
    %get3A_1016 = tpu.vector_load %arg6[%get3A_1015] {strides = array<i32>} : memref<13312xf32, #tpu.memory_space<vmem>>, vector<16xf32>,
    %get3A_1017 = vector.shape_cast %get3A_1016 : vector<16xf32> to vector<16xf32>
    %add3A_1018 = arith.addf %add3A_1014, %get3A_1017 : vector<16xf32>
    %get3A_1019 = arith.constant 7312 : index
    %get3A_1020 = tpu.vector_load %arg6[%get3A_1019] {strides = array<i32>} : memref<13312xf32, #tpu.memory_space<vmem>>, vector<16xf32>,
    %get3A_1021 = vector.shape_cast %get3A_1020 : vector<16xf32> to vector<16xf32>
    %add3A_1022 = arith.addf %add3A_1018, %get3A_1021 : vector<16xf32>
    %get3A_1023 = arith.constant 7824 : index
    %get3A_1024 = tpu.vector_load %arg6[%get3A_1023] {strides = array<i32>} : memref<13312xf32, #tpu.memory_space<vmem>>, vector<16xf32>,
    %get3A_1025 = vector.shape_cast %get3A_1024 : vector<16xf32> to vector<16xf32>
    %add3A_1026 = arith.addf %add3A_1022, %get3A_1025 : vector<16xf32>
    %get3A_1027 = arith.constant 8336 : index
    %get3A_1028 = tpu.vector_load %arg6[%get3A_1027] {strides = array<i32>} : memref<13312xf32, #tpu.memory_space<vmem>>, vector<16xf32>,
    %get3A_1029 = vector.shape_cast %get3A_1028 : vector<16xf32> to vector<16xf32>
    %add3A_1030 = arith.addf %add3A_1026, %get3A_1029 : vector<16xf32>
    %get3A_1031 = arith.constant 8848 : index
    %get3A_1032 = tpu.vector_load %arg6[%get3A_1031] {strides = array<i32>} : memref<13312xf32, #tpu.memory_space<vmem>>, vector<16xf32>,
    %get3A_1033 = vector.shape_cast %get3A_1032 : vector<16xf32> to vector<16xf32>
    %add3A_1034 = arith.addf %add3A_1030, %get3A_1033 : vector<16xf32>
    %get3A_1035 = arith.constant 9360 : index
    %get3A_1036 = tpu.vector_load %arg6[%get3A_1035] {strides = array<i32>} : memref<13312xf32, #tpu.memory_space<vmem>>, vector<16xf32>,
    %get3A_1037 = vector.shape_cast %get3A_1036 : vector<16xf32> to vector<16xf32>
    %add3A_1038 = arith.addf %add3A_1034, %get3A_1037 : vector<16xf32>
    %get3A_1039 = arith.constant 9872 : index
    %get3A_1040 = tpu.vector_load %arg6[%get3A_1039] {strides = array<i32>} : memref<13312xf32, #tpu.memory_space<vmem>>, vector<16xf32>,
    %get3A_1041 = vector.shape_cast %get3A_1040 : vector<16xf32> to vector<16xf32>
    %add3A_1042 = arith.addf %add3A_1038, %get3A_1041 : vector<16xf32>
    %get3A_1043 = arith.constant 10384 : index
    %get3A_1044 = tpu.vector_load %arg6[%get3A_1043] {strides = array<i32>} : memref<13312xf32, #tpu.memory_space<vmem>>, vector<16xf32>,
    %get3A_1045 = vector.shape_cast %get3A_1044 : vector<16xf32> to vector<16xf32>
    %add3A_1046 = arith.addf %add3A_1042, %get3A_1045 : vector<16xf32>
    %get3A_1047 = arith.constant 10896 : index
    %get3A_1048 = tpu.vector_load %arg6[%get3A_1047] {strides = array<i32>} : memref<13312xf32, #tpu.memory_space<vmem>>, vector<16xf32>,
    %get3A_1049 = vector.shape_cast %get3A_1048 : vector<16xf32> to vector<16xf32>
    %add3A_1050 = arith.addf %add3A_1046, %get3A_1049 : vector<16xf32>
    %get3A_1051 = arith.constant 11408 : index
    %get3A_1052 = tpu.vector_load %arg6[%get3A_1051] {strides = array<i32>} : memref<13312xf32, #tpu.memory_space<vmem>>, vector<16xf32>,
    %get3A_1053 = vector.shape_cast %get3A_1052 : vector<16xf32> to vector<16xf32>
    %add3A_1054 = arith.addf %add3A_1050, %get3A_1053 : vector<16xf32>
    %get3A_1055 = arith.constant 11920 : index
    %get3A_1056 = tpu.vector_load %arg6[%get3A_1055] {strides = array<i32>} : memref<13312xf32, #tpu.memory_space<vmem>>, vector<16xf32>,
    %get3A_1057 = vector.shape_cast %get3A_1056 : vector<16xf32> to vector<16xf32>
    %add3A_1058 = arith.addf %add3A_1054, %get3A_1057 : vector<16xf32>
    %get3A_1059 = arith.constant 12432 : index
    %get3A_1060 = tpu.vector_load %arg6[%get3A_1059] {strides = array<i32>} : memref<13312xf32, #tpu.memory_space<vmem>>, vector<16xf32>,
    %get3A_1061 = vector.shape_cast %get3A_1060 : vector<16xf32> to vector<16xf32>
    %add3A_1062 = arith.addf %add3A_1058, %get3A_1061 : vector<16xf32>
    %get3A_1063 = arith.constant 12944 : index
    %get3A_1064 = tpu.vector_load %arg6[%get3A_1063] {strides = array<i32>} : memref<13312xf32, #tpu.memory_space<vmem>>, vector<16xf32>,
    %get3A_1065 = vector.shape_cast %get3A_1064 : vector<16xf32> to vector<16xf32>
    %add3A_1066 = arith.addf %add3A_1062, %get3A_1065 : vector<16xf32>
    %swap3A_1067 = arith.constant 144 : index
    %swap3A_1068 = tpu.vector_load %arg7[%swap3A_1067] {strides = array<i32>} : memref<512xf32, #tpu.memory_space<vmem>>, vector<16xf32>,
    %swap3A_1069 = vector.shape_cast %swap3A_1068 : vector<16xf32> to vector<16xf32>
    %swap3A_1070 = vector.shape_cast %add3A_1066 : vector<16xf32> to vector<16xf32>
    tpu.vector_store %arg7[%swap3A_1067], %swap3A_1070 {strides = array<i32>} : memref<512xf32, #tpu.memory_space<vmem>>, vector<16xf32>,
    %get3A_1071 = arith.constant 160 : index
    %get3A_1072 = tpu.vector_load %arg6[%get3A_1071] {strides = array<i32>} : memref<13312xf32, #tpu.memory_space<vmem>>, vector<16xf32>,
    %get3A_1073 = vector.shape_cast %get3A_1072 : vector<16xf32> to vector<16xf32>
    %get3A_1074 = arith.constant 672 : index
    %get3A_1075 = tpu.vector_load %arg6[%get3A_1074] {strides = array<i32>} : memref<13312xf32, #tpu.memory_space<vmem>>, vector<16xf32>,
    %get3A_1076 = vector.shape_cast %get3A_1075 : vector<16xf32> to vector<16xf32>
    %add3A_1077 = arith.addf %get3A_1073, %get3A_1076 : vector<16xf32>
    %get3A_1078 = arith.constant 1184 : index
    %get3A_1079 = tpu.vector_load %arg6[%get3A_1078] {strides = array<i32>} : memref<13312xf32, #tpu.memory_space<vmem>>, vector<16xf32>,
    %get3A_1080 = vector.shape_cast %get3A_1079 : vector<16xf32> to vector<16xf32>
    %add3A_1081 = arith.addf %add3A_1077, %get3A_1080 : vector<16xf32>
    %get3A_1082 = arith.constant 1696 : index
    %get3A_1083 = tpu.vector_load %arg6[%get3A_1082] {strides = array<i32>} : memref<13312xf32, #tpu.memory_space<vmem>>, vector<16xf32>,
    %get3A_1084 = vector.shape_cast %get3A_1083 : vector<16xf32> to vector<16xf32>
    %add3A_1085 = arith.addf %add3A_1081, %get3A_1084 : vector<16xf32>
    %get3A_1086 = arith.constant 2208 : index
    %get3A_1087 = tpu.vector_load %arg6[%get3A_1086] {strides = array<i32>} : memref<13312xf32, #tpu.memory_space<vmem>>, vector<16xf32>,
    %get3A_1088 = vector.shape_cast %get3A_1087 : vector<16xf32> to vector<16xf32>
    %add3A_1089 = arith.addf %add3A_1085, %get3A_1088 : vector<16xf32>
    %get3A_1090 = arith.constant 2720 : index
    %get3A_1091 = tpu.vector_load %arg6[%get3A_1090] {strides = array<i32>} : memref<13312xf32, #tpu.memory_space<vmem>>, vector<16xf32>,
    %get3A_1092 = vector.shape_cast %get3A_1091 : vector<16xf32> to vector<16xf32>
    %add3A_1093 = arith.addf %add3A_1089, %get3A_1092 : vector<16xf32>
    %get3A_1094 = arith.constant 3232 : index
    %get3A_1095 = tpu.vector_load %arg6[%get3A_1094] {strides = array<i32>} : memref<13312xf32, #tpu.memory_space<vmem>>, vector<16xf32>,
    %get3A_1096 = vector.shape_cast %get3A_1095 : vector<16xf32> to vector<16xf32>
    %add3A_1097 = arith.addf %add3A_1093, %get3A_1096 : vector<16xf32>
    %get3A_1098 = arith.constant 3744 : index
    %get3A_1099 = tpu.vector_load %arg6[%get3A_1098] {strides = array<i32>} : memref<13312xf32, #tpu.memory_space<vmem>>, vector<16xf32>,
    %get3A_1100 = vector.shape_cast %get3A_1099 : vector<16xf32> to vector<16xf32>
    %add3A_1101 = arith.addf %add3A_1097, %get3A_1100 : vector<16xf32>
    %get3A_1102 = arith.constant 4256 : index
    %get3A_1103 = tpu.vector_load %arg6[%get3A_1102] {strides = array<i32>} : memref<13312xf32, #tpu.memory_space<vmem>>, vector<16xf32>,
    %get3A_1104 = vector.shape_cast %get3A_1103 : vector<16xf32> to vector<16xf32>
    %add3A_1105 = arith.addf %add3A_1101, %get3A_1104 : vector<16xf32>
    %get3A_1106 = arith.constant 4768 : index
    %get3A_1107 = tpu.vector_load %arg6[%get3A_1106] {strides = array<i32>} : memref<13312xf32, #tpu.memory_space<vmem>>, vector<16xf32>,
    %get3A_1108 = vector.shape_cast %get3A_1107 : vector<16xf32> to vector<16xf32>
    %add3A_1109 = arith.addf %add3A_1105, %get3A_1108 : vector<16xf32>
    %get3A_1110 = arith.constant 5280 : index
    %get3A_1111 = tpu.vector_load %arg6[%get3A_1110] {strides = array<i32>} : memref<13312xf32, #tpu.memory_space<vmem>>, vector<16xf32>,
    %get3A_1112 = vector.shape_cast %get3A_1111 : vector<16xf32> to vector<16xf32>
    %add3A_1113 = arith.addf %add3A_1109, %get3A_1112 : vector<16xf32>
    %get3A_1114 = arith.constant 5792 : index
    %get3A_1115 = tpu.vector_load %arg6[%get3A_1114] {strides = array<i32>} : memref<13312xf32, #tpu.memory_space<vmem>>, vector<16xf32>,
    %get3A_1116 = vector.shape_cast %get3A_1115 : vector<16xf32> to vector<16xf32>
    %add3A_1117 = arith.addf %add3A_1113, %get3A_1116 : vector<16xf32>
    %get3A_1118 = arith.constant 6304 : index
    %get3A_1119 = tpu.vector_load %arg6[%get3A_1118] {strides = array<i32>} : memref<13312xf32, #tpu.memory_space<vmem>>, vector<16xf32>,
    %get3A_1120 = vector.shape_cast %get3A_1119 : vector<16xf32> to vector<16xf32>
    %add3A_1121 = arith.addf %add3A_1117, %get3A_1120 : vector<16xf32>
    %get3A_1122 = arith.constant 6816 : index
    %get3A_1123 = tpu.vector_load %arg6[%get3A_1122] {strides = array<i32>} : memref<13312xf32, #tpu.memory_space<vmem>>, vector<16xf32>,
    %get3A_1124 = vector.shape_cast %get3A_1123 : vector<16xf32> to vector<16xf32>
    %add3A_1125 = arith.addf %add3A_1121, %get3A_1124 : vector<16xf32>
    %get3A_1126 = arith.constant 7328 : index
    %get3A_1127 = tpu.vector_load %arg6[%get3A_1126] {strides = array<i32>} : memref<13312xf32, #tpu.memory_space<vmem>>, vector<16xf32>,
    %get3A_1128 = vector.shape_cast %get3A_1127 : vector<16xf32> to vector<16xf32>
    %add3A_1129 = arith.addf %add3A_1125, %get3A_1128 : vector<16xf32>
    %get3A_1130 = arith.constant 7840 : index
    %get3A_1131 = tpu.vector_load %arg6[%get3A_1130] {strides = array<i32>} : memref<13312xf32, #tpu.memory_space<vmem>>, vector<16xf32>,
    %get3A_1132 = vector.shape_cast %get3A_1131 : vector<16xf32> to vector<16xf32>
    %add3A_1133 = arith.addf %add3A_1129, %get3A_1132 : vector<16xf32>
    %get3A_1134 = arith.constant 8352 : index
    %get3A_1135 = tpu.vector_load %arg6[%get3A_1134] {strides = array<i32>} : memref<13312xf32, #tpu.memory_space<vmem>>, vector<16xf32>,
    %get3A_1136 = vector.shape_cast %get3A_1135 : vector<16xf32> to vector<16xf32>
    %add3A_1137 = arith.addf %add3A_1133, %get3A_1136 : vector<16xf32>
    %get3A_1138 = arith.constant 8864 : index
    %get3A_1139 = tpu.vector_load %arg6[%get3A_1138] {strides = array<i32>} : memref<13312xf32, #tpu.memory_space<vmem>>, vector<16xf32>,
    %get3A_1140 = vector.shape_cast %get3A_1139 : vector<16xf32> to vector<16xf32>
    %add3A_1141 = arith.addf %add3A_1137, %get3A_1140 : vector<16xf32>
    %get3A_1142 = arith.constant 9376 : index
    %get3A_1143 = tpu.vector_load %arg6[%get3A_1142] {strides = array<i32>} : memref<13312xf32, #tpu.memory_space<vmem>>, vector<16xf32>,
    %get3A_1144 = vector.shape_cast %get3A_1143 : vector<16xf32> to vector<16xf32>
    %add3A_1145 = arith.addf %add3A_1141, %get3A_1144 : vector<16xf32>
    %get3A_1146 = arith.constant 9888 : index
    %get3A_1147 = tpu.vector_load %arg6[%get3A_1146] {strides = array<i32>} : memref<13312xf32, #tpu.memory_space<vmem>>, vector<16xf32>,
    %get3A_1148 = vector.shape_cast %get3A_1147 : vector<16xf32> to vector<16xf32>
    %add3A_1149 = arith.addf %add3A_1145, %get3A_1148 : vector<16xf32>
    %get3A_1150 = arith.constant 10400 : index
    %get3A_1151 = tpu.vector_load %arg6[%get3A_1150] {strides = array<i32>} : memref<13312xf32, #tpu.memory_space<vmem>>, vector<16xf32>,
    %get3A_1152 = vector.shape_cast %get3A_1151 : vector<16xf32> to vector<16xf32>
    %add3A_1153 = arith.addf %add3A_1149, %get3A_1152 : vector<16xf32>
    %get3A_1154 = arith.constant 10912 : index
    %get3A_1155 = tpu.vector_load %arg6[%get3A_1154] {strides = array<i32>} : memref<13312xf32, #tpu.memory_space<vmem>>, vector<16xf32>,
    %get3A_1156 = vector.shape_cast %get3A_1155 : vector<16xf32> to vector<16xf32>
    %add3A_1157 = arith.addf %add3A_1153, %get3A_1156 : vector<16xf32>
    %get3A_1158 = arith.constant 11424 : index
    %get3A_1159 = tpu.vector_load %arg6[%get3A_1158] {strides = array<i32>} : memref<13312xf32, #tpu.memory_space<vmem>>, vector<16xf32>,
    %get3A_1160 = vector.shape_cast %get3A_1159 : vector<16xf32> to vector<16xf32>
    %add3A_1161 = arith.addf %add3A_1157, %get3A_1160 : vector<16xf32>
    %get3A_1162 = arith.constant 11936 : index
    %get3A_1163 = tpu.vector_load %arg6[%get3A_1162] {strides = array<i32>} : memref<13312xf32, #tpu.memory_space<vmem>>, vector<16xf32>,
    %get3A_1164 = vector.shape_cast %get3A_1163 : vector<16xf32> to vector<16xf32>
    %add3A_1165 = arith.addf %add3A_1161, %get3A_1164 : vector<16xf32>
    %get3A_1166 = arith.constant 12448 : index
    %get3A_1167 = tpu.vector_load %arg6[%get3A_1166] {strides = array<i32>} : memref<13312xf32, #tpu.memory_space<vmem>>, vector<16xf32>,
    %get3A_1168 = vector.shape_cast %get3A_1167 : vector<16xf32> to vector<16xf32>
    %add3A_1169 = arith.addf %add3A_1165, %get3A_1168 : vector<16xf32>
    %get3A_1170 = arith.constant 12960 : index
    %get3A_1171 = tpu.vector_load %arg6[%get3A_1170] {strides = array<i32>} : memref<13312xf32, #tpu.memory_space<vmem>>, vector<16xf32>,
    %get3A_1172 = vector.shape_cast %get3A_1171 : vector<16xf32> to vector<16xf32>
    %add3A_1173 = arith.addf %add3A_1169, %get3A_1172 : vector<16xf32>
    %swap3A_1174 = arith.constant 160 : index
    %swap3A_1175 = tpu.vector_load %arg7[%swap3A_1174] {strides = array<i32>} : memref<512xf32, #tpu.memory_space<vmem>>, vector<16xf32>,
    %swap3A_1176 = vector.shape_cast %swap3A_1175 : vector<16xf32> to vector<16xf32>
    %swap3A_1177 = vector.shape_cast %add3A_1173 : vector<16xf32> to vector<16xf32>
    tpu.vector_store %arg7[%swap3A_1174], %swap3A_1177 {strides = array<i32>} : memref<512xf32, #tpu.memory_space<vmem>>, vector<16xf32>,
    %get3A_1178 = arith.constant 176 : index
    %get3A_1179 = tpu.vector_load %arg6[%get3A_1178] {strides = array<i32>} : memref<13312xf32, #tpu.memory_space<vmem>>, vector<16xf32>,
    %get3A_1180 = vector.shape_cast %get3A_1179 : vector<16xf32> to vector<16xf32>
    %get3A_1181 = arith.constant 688 : index
    %get3A_1182 = tpu.vector_load %arg6[%get3A_1181] {strides = array<i32>} : memref<13312xf32, #tpu.memory_space<vmem>>, vector<16xf32>,
    %get3A_1183 = vector.shape_cast %get3A_1182 : vector<16xf32> to vector<16xf32>
    %add3A_1184 = arith.addf %get3A_1180, %get3A_1183 : vector<16xf32>
    %get3A_1185 = arith.constant 1200 : index
    %get3A_1186 = tpu.vector_load %arg6[%get3A_1185] {strides = array<i32>} : memref<13312xf32, #tpu.memory_space<vmem>>, vector<16xf32>,
    %get3A_1187 = vector.shape_cast %get3A_1186 : vector<16xf32> to vector<16xf32>
    %add3A_1188 = arith.addf %add3A_1184, %get3A_1187 : vector<16xf32>
    %get3A_1189 = arith.constant 1712 : index
    %get3A_1190 = tpu.vector_load %arg6[%get3A_1189] {strides = array<i32>} : memref<13312xf32, #tpu.memory_space<vmem>>, vector<16xf32>,
    %get3A_1191 = vector.shape_cast %get3A_1190 : vector<16xf32> to vector<16xf32>
    %add3A_1192 = arith.addf %add3A_1188, %get3A_1191 : vector<16xf32>
    %get3A_1193 = arith.constant 2224 : index
    %get3A_1194 = tpu.vector_load %arg6[%get3A_1193] {strides = array<i32>} : memref<13312xf32, #tpu.memory_space<vmem>>, vector<16xf32>,
    %get3A_1195 = vector.shape_cast %get3A_1194 : vector<16xf32> to vector<16xf32>
    %add3A_1196 = arith.addf %add3A_1192, %get3A_1195 : vector<16xf32>
    %get3A_1197 = arith.constant 2736 : index
    %get3A_1198 = tpu.vector_load %arg6[%get3A_1197] {strides = array<i32>} : memref<13312xf32, #tpu.memory_space<vmem>>, vector<16xf32>,
    %get3A_1199 = vector.shape_cast %get3A_1198 : vector<16xf32> to vector<16xf32>
    %add3A_1200 = arith.addf %add3A_1196, %get3A_1199 : vector<16xf32>
    %get3A_1201 = arith.constant 3248 : index
    %get3A_1202 = tpu.vector_load %arg6[%get3A_1201] {strides = array<i32>} : memref<13312xf32, #tpu.memory_space<vmem>>, vector<16xf32>,
    %get3A_1203 = vector.shape_cast %get3A_1202 : vector<16xf32> to vector<16xf32>
    %add3A_1204 = arith.addf %add3A_1200, %get3A_1203 : vector<16xf32>
    %get3A_1205 = arith.constant 3760 : index
    %get3A_1206 = tpu.vector_load %arg6[%get3A_1205] {strides = array<i32>} : memref<13312xf32, #tpu.memory_space<vmem>>, vector<16xf32>,
    %get3A_1207 = vector.shape_cast %get3A_1206 : vector<16xf32> to vector<16xf32>
    %add3A_1208 = arith.addf %add3A_1204, %get3A_1207 : vector<16xf32>
    %get3A_1209 = arith.constant 4272 : index
    %get3A_1210 = tpu.vector_load %arg6[%get3A_1209] {strides = array<i32>} : memref<13312xf32, #tpu.memory_space<vmem>>, vector<16xf32>,
    %get3A_1211 = vector.shape_cast %get3A_1210 : vector<16xf32> to vector<16xf32>
    %add3A_1212 = arith.addf %add3A_1208, %get3A_1211 : vector<16xf32>
    %get3A_1213 = arith.constant 4784 : index
    %get3A_1214 = tpu.vector_load %arg6[%get3A_1213] {strides = array<i32>} : memref<13312xf32, #tpu.memory_space<vmem>>, vector<16xf32>,
    %get3A_1215 = vector.shape_cast %get3A_1214 : vector<16xf32> to vector<16xf32>
    %add3A_1216 = arith.addf %add3A_1212, %get3A_1215 : vector<16xf32>
    %get3A_1217 = arith.constant 5296 : index
    %get3A_1218 = tpu.vector_load %arg6[%get3A_1217] {strides = array<i32>} : memref<13312xf32, #tpu.memory_space<vmem>>, vector<16xf32>,
    %get3A_1219 = vector.shape_cast %get3A_1218 : vector<16xf32> to vector<16xf32>
    %add3A_1220 = arith.addf %add3A_1216, %get3A_1219 : vector<16xf32>
    %get3A_1221 = arith.constant 5808 : index
    %get3A_1222 = tpu.vector_load %arg6[%get3A_1221] {strides = array<i32>} : memref<13312xf32, #tpu.memory_space<vmem>>, vector<16xf32>,
    %get3A_1223 = vector.shape_cast %get3A_1222 : vector<16xf32> to vector<16xf32>
    %add3A_1224 = arith.addf %add3A_1220, %get3A_1223 : vector<16xf32>
    %get3A_1225 = arith.constant 6320 : index
    %get3A_1226 = tpu.vector_load %arg6[%get3A_1225] {strides = array<i32>} : memref<13312xf32, #tpu.memory_space<vmem>>, vector<16xf32>,
    %get3A_1227 = vector.shape_cast %get3A_1226 : vector<16xf32> to vector<16xf32>
    %add3A_1228 = arith.addf %add3A_1224, %get3A_1227 : vector<16xf32>
    %get3A_1229 = arith.constant 6832 : index
    %get3A_1230 = tpu.vector_load %arg6[%get3A_1229] {strides = array<i32>} : memref<13312xf32, #tpu.memory_space<vmem>>, vector<16xf32>,
    %get3A_1231 = vector.shape_cast %get3A_1230 : vector<16xf32> to vector<16xf32>
    %add3A_1232 = arith.addf %add3A_1228, %get3A_1231 : vector<16xf32>
    %get3A_1233 = arith.constant 7344 : index
    %get3A_1234 = tpu.vector_load %arg6[%get3A_1233] {strides = array<i32>} : memref<13312xf32, #tpu.memory_space<vmem>>, vector<16xf32>,
    %get3A_1235 = vector.shape_cast %get3A_1234 : vector<16xf32> to vector<16xf32>
    %add3A_1236 = arith.addf %add3A_1232, %get3A_1235 : vector<16xf32>
    %get3A_1237 = arith.constant 7856 : index
    %get3A_1238 = tpu.vector_load %arg6[%get3A_1237] {strides = array<i32>} : memref<13312xf32, #tpu.memory_space<vmem>>, vector<16xf32>,
    %get3A_1239 = vector.shape_cast %get3A_1238 : vector<16xf32> to vector<16xf32>
    %add3A_1240 = arith.addf %add3A_1236, %get3A_1239 : vector<16xf32>
    %get3A_1241 = arith.constant 8368 : index
    %get3A_1242 = tpu.vector_load %arg6[%get3A_1241] {strides = array<i32>} : memref<13312xf32, #tpu.memory_space<vmem>>, vector<16xf32>,
    %get3A_1243 = vector.shape_cast %get3A_1242 : vector<16xf32> to vector<16xf32>
    %add3A_1244 = arith.addf %add3A_1240, %get3A_1243 : vector<16xf32>
    %get3A_1245 = arith.constant 8880 : index
    %get3A_1246 = tpu.vector_load %arg6[%get3A_1245] {strides = array<i32>} : memref<13312xf32, #tpu.memory_space<vmem>>, vector<16xf32>,
    %get3A_1247 = vector.shape_cast %get3A_1246 : vector<16xf32> to vector<16xf32>
    %add3A_1248 = arith.addf %add3A_1244, %get3A_1247 : vector<16xf32>
    %get3A_1249 = arith.constant 9392 : index
    %get3A_1250 = tpu.vector_load %arg6[%get3A_1249] {strides = array<i32>} : memref<13312xf32, #tpu.memory_space<vmem>>, vector<16xf32>,
    %get3A_1251 = vector.shape_cast %get3A_1250 : vector<16xf32> to vector<16xf32>
    %add3A_1252 = arith.addf %add3A_1248, %get3A_1251 : vector<16xf32>
    %get3A_1253 = arith.constant 9904 : index
    %get3A_1254 = tpu.vector_load %arg6[%get3A_1253] {strides = array<i32>} : memref<13312xf32, #tpu.memory_space<vmem>>, vector<16xf32>,
    %get3A_1255 = vector.shape_cast %get3A_1254 : vector<16xf32> to vector<16xf32>
    %add3A_1256 = arith.addf %add3A_1252, %get3A_1255 : vector<16xf32>
    %get3A_1257 = arith.constant 10416 : index
    %get3A_1258 = tpu.vector_load %arg6[%get3A_1257] {strides = array<i32>} : memref<13312xf32, #tpu.memory_space<vmem>>, vector<16xf32>,
    %get3A_1259 = vector.shape_cast %get3A_1258 : vector<16xf32> to vector<16xf32>
    %add3A_1260 = arith.addf %add3A_1256, %get3A_1259 : vector<16xf32>
    %get3A_1261 = arith.constant 10928 : index
    %get3A_1262 = tpu.vector_load %arg6[%get3A_1261] {strides = array<i32>} : memref<13312xf32, #tpu.memory_space<vmem>>, vector<16xf32>,
    %get3A_1263 = vector.shape_cast %get3A_1262 : vector<16xf32> to vector<16xf32>
    %add3A_1264 = arith.addf %add3A_1260, %get3A_1263 : vector<16xf32>
    %get3A_1265 = arith.constant 11440 : index
    %get3A_1266 = tpu.vector_load %arg6[%get3A_1265] {strides = array<i32>} : memref<13312xf32, #tpu.memory_space<vmem>>, vector<16xf32>,
    %get3A_1267 = vector.shape_cast %get3A_1266 : vector<16xf32> to vector<16xf32>
    %add3A_1268 = arith.addf %add3A_1264, %get3A_1267 : vector<16xf32>
    %get3A_1269 = arith.constant 11952 : index
    %get3A_1270 = tpu.vector_load %arg6[%get3A_1269] {strides = array<i32>} : memref<13312xf32, #tpu.memory_space<vmem>>, vector<16xf32>,
    %get3A_1271 = vector.shape_cast %get3A_1270 : vector<16xf32> to vector<16xf32>
    %add3A_1272 = arith.addf %add3A_1268, %get3A_1271 : vector<16xf32>
    %get3A_1273 = arith.constant 12464 : index
    %get3A_1274 = tpu.vector_load %arg6[%get3A_1273] {strides = array<i32>} : memref<13312xf32, #tpu.memory_space<vmem>>, vector<16xf32>,
    %get3A_1275 = vector.shape_cast %get3A_1274 : vector<16xf32> to vector<16xf32>
    %add3A_1276 = arith.addf %add3A_1272, %get3A_1275 : vector<16xf32>
    %get3A_1277 = arith.constant 12976 : index
    %get3A_1278 = tpu.vector_load %arg6[%get3A_1277] {strides = array<i32>} : memref<13312xf32, #tpu.memory_space<vmem>>, vector<16xf32>,
    %get3A_1279 = vector.shape_cast %get3A_1278 : vector<16xf32> to vector<16xf32>
    %add3A_1280 = arith.addf %add3A_1276, %get3A_1279 : vector<16xf32>
    %swap3A_1281 = arith.constant 176 : index
    %swap3A_1282 = tpu.vector_load %arg7[%swap3A_1281] {strides = array<i32>} : memref<512xf32, #tpu.memory_space<vmem>>, vector<16xf32>,
    %swap3A_1283 = vector.shape_cast %swap3A_1282 : vector<16xf32> to vector<16xf32>
    %swap3A_1284 = vector.shape_cast %add3A_1280 : vector<16xf32> to vector<16xf32>
    tpu.vector_store %arg7[%swap3A_1281], %swap3A_1284 {strides = array<i32>} : memref<512xf32, #tpu.memory_space<vmem>>, vector<16xf32>,
    %get3A_1285 = arith.constant 192 : index
    %get3A_1286 = tpu.vector_load %arg6[%get3A_1285] {strides = array<i32>} : memref<13312xf32, #tpu.memory_space<vmem>>, vector<16xf32>,
    %get3A_1287 = vector.shape_cast %get3A_1286 : vector<16xf32> to vector<16xf32>
    %get3A_1288 = arith.constant 704 : index
    %get3A_1289 = tpu.vector_load %arg6[%get3A_1288] {strides = array<i32>} : memref<13312xf32, #tpu.memory_space<vmem>>, vector<16xf32>,
    %get3A_1290 = vector.shape_cast %get3A_1289 : vector<16xf32> to vector<16xf32>
    %add3A_1291 = arith.addf %get3A_1287, %get3A_1290 : vector<16xf32>
    %get3A_1292 = arith.constant 1216 : index
    %get3A_1293 = tpu.vector_load %arg6[%get3A_1292] {strides = array<i32>} : memref<13312xf32, #tpu.memory_space<vmem>>, vector<16xf32>,
    %get3A_1294 = vector.shape_cast %get3A_1293 : vector<16xf32> to vector<16xf32>
    %add3A_1295 = arith.addf %add3A_1291, %get3A_1294 : vector<16xf32>
    %get3A_1296 = arith.constant 1728 : index
    %get3A_1297 = tpu.vector_load %arg6[%get3A_1296] {strides = array<i32>} : memref<13312xf32, #tpu.memory_space<vmem>>, vector<16xf32>,
    %get3A_1298 = vector.shape_cast %get3A_1297 : vector<16xf32> to vector<16xf32>
    %add3A_1299 = arith.addf %add3A_1295, %get3A_1298 : vector<16xf32>
    %get3A_1300 = arith.constant 2240 : index
    %get3A_1301 = tpu.vector_load %arg6[%get3A_1300] {strides = array<i32>} : memref<13312xf32, #tpu.memory_space<vmem>>, vector<16xf32>,
    %get3A_1302 = vector.shape_cast %get3A_1301 : vector<16xf32> to vector<16xf32>
    %add3A_1303 = arith.addf %add3A_1299, %get3A_1302 : vector<16xf32>
    %get3A_1304 = arith.constant 2752 : index
    %get3A_1305 = tpu.vector_load %arg6[%get3A_1304] {strides = array<i32>} : memref<13312xf32, #tpu.memory_space<vmem>>, vector<16xf32>,
    %get3A_1306 = vector.shape_cast %get3A_1305 : vector<16xf32> to vector<16xf32>
    %add3A_1307 = arith.addf %add3A_1303, %get3A_1306 : vector<16xf32>
    %get3A_1308 = arith.constant 3264 : index
    %get3A_1309 = tpu.vector_load %arg6[%get3A_1308] {strides = array<i32>} : memref<13312xf32, #tpu.memory_space<vmem>>, vector<16xf32>,
    %get3A_1310 = vector.shape_cast %get3A_1309 : vector<16xf32> to vector<16xf32>
    %add3A_1311 = arith.addf %add3A_1307, %get3A_1310 : vector<16xf32>
    %get3A_1312 = arith.constant 3776 : index
    %get3A_1313 = tpu.vector_load %arg6[%get3A_1312] {strides = array<i32>} : memref<13312xf32, #tpu.memory_space<vmem>>, vector<16xf32>,
    %get3A_1314 = vector.shape_cast %get3A_1313 : vector<16xf32> to vector<16xf32>
    %add3A_1315 = arith.addf %add3A_1311, %get3A_1314 : vector<16xf32>
    %get3A_1316 = arith.constant 4288 : index
    %get3A_1317 = tpu.vector_load %arg6[%get3A_1316] {strides = array<i32>} : memref<13312xf32, #tpu.memory_space<vmem>>, vector<16xf32>,
    %get3A_1318 = vector.shape_cast %get3A_1317 : vector<16xf32> to vector<16xf32>
    %add3A_1319 = arith.addf %add3A_1315, %get3A_1318 : vector<16xf32>
    %get3A_1320 = arith.constant 4800 : index
    %get3A_1321 = tpu.vector_load %arg6[%get3A_1320] {strides = array<i32>} : memref<13312xf32, #tpu.memory_space<vmem>>, vector<16xf32>,
    %get3A_1322 = vector.shape_cast %get3A_1321 : vector<16xf32> to vector<16xf32>
    %add3A_1323 = arith.addf %add3A_1319, %get3A_1322 : vector<16xf32>
    %get3A_1324 = arith.constant 5312 : index
    %get3A_1325 = tpu.vector_load %arg6[%get3A_1324] {strides = array<i32>} : memref<13312xf32, #tpu.memory_space<vmem>>, vector<16xf32>,
    %get3A_1326 = vector.shape_cast %get3A_1325 : vector<16xf32> to vector<16xf32>
    %add3A_1327 = arith.addf %add3A_1323, %get3A_1326 : vector<16xf32>
    %get3A_1328 = arith.constant 5824 : index
    %get3A_1329 = tpu.vector_load %arg6[%get3A_1328] {strides = array<i32>} : memref<13312xf32, #tpu.memory_space<vmem>>, vector<16xf32>,
    %get3A_1330 = vector.shape_cast %get3A_1329 : vector<16xf32> to vector<16xf32>
    %add3A_1331 = arith.addf %add3A_1327, %get3A_1330 : vector<16xf32>
    %get3A_1332 = arith.constant 6336 : index
    %get3A_1333 = tpu.vector_load %arg6[%get3A_1332] {strides = array<i32>} : memref<13312xf32, #tpu.memory_space<vmem>>, vector<16xf32>,
    %get3A_1334 = vector.shape_cast %get3A_1333 : vector<16xf32> to vector<16xf32>
    %add3A_1335 = arith.addf %add3A_1331, %get3A_1334 : vector<16xf32>
    %get3A_1336 = arith.constant 6848 : index
    %get3A_1337 = tpu.vector_load %arg6[%get3A_1336] {strides = array<i32>} : memref<13312xf32, #tpu.memory_space<vmem>>, vector<16xf32>,
    %get3A_1338 = vector.shape_cast %get3A_1337 : vector<16xf32> to vector<16xf32>
    %add3A_1339 = arith.addf %add3A_1335, %get3A_1338 : vector<16xf32>
    %get3A_1340 = arith.constant 7360 : index
    %get3A_1341 = tpu.vector_load %arg6[%get3A_1340] {strides = array<i32>} : memref<13312xf32, #tpu.memory_space<vmem>>, vector<16xf32>,
    %get3A_1342 = vector.shape_cast %get3A_1341 : vector<16xf32> to vector<16xf32>
    %add3A_1343 = arith.addf %add3A_1339, %get3A_1342 : vector<16xf32>
    %get3A_1344 = arith.constant 7872 : index
    %get3A_1345 = tpu.vector_load %arg6[%get3A_1344] {strides = array<i32>} : memref<13312xf32, #tpu.memory_space<vmem>>, vector<16xf32>,
    %get3A_1346 = vector.shape_cast %get3A_1345 : vector<16xf32> to vector<16xf32>
    %add3A_1347 = arith.addf %add3A_1343, %get3A_1346 : vector<16xf32>
    %get3A_1348 = arith.constant 8384 : index
    %get3A_1349 = tpu.vector_load %arg6[%get3A_1348] {strides = array<i32>} : memref<13312xf32, #tpu.memory_space<vmem>>, vector<16xf32>,
    %get3A_1350 = vector.shape_cast %get3A_1349 : vector<16xf32> to vector<16xf32>
    %add3A_1351 = arith.addf %add3A_1347, %get3A_1350 : vector<16xf32>
    %get3A_1352 = arith.constant 8896 : index
    %get3A_1353 = tpu.vector_load %arg6[%get3A_1352] {strides = array<i32>} : memref<13312xf32, #tpu.memory_space<vmem>>, vector<16xf32>,
    %get3A_1354 = vector.shape_cast %get3A_1353 : vector<16xf32> to vector<16xf32>
    %add3A_1355 = arith.addf %add3A_1351, %get3A_1354 : vector<16xf32>
    %get3A_1356 = arith.constant 9408 : index
    %get3A_1357 = tpu.vector_load %arg6[%get3A_1356] {strides = array<i32>} : memref<13312xf32, #tpu.memory_space<vmem>>, vector<16xf32>,
    %get3A_1358 = vector.shape_cast %get3A_1357 : vector<16xf32> to vector<16xf32>
    %add3A_1359 = arith.addf %add3A_1355, %get3A_1358 : vector<16xf32>
    %get3A_1360 = arith.constant 9920 : index
    %get3A_1361 = tpu.vector_load %arg6[%get3A_1360] {strides = array<i32>} : memref<13312xf32, #tpu.memory_space<vmem>>, vector<16xf32>,
    %get3A_1362 = vector.shape_cast %get3A_1361 : vector<16xf32> to vector<16xf32>
    %add3A_1363 = arith.addf %add3A_1359, %get3A_1362 : vector<16xf32>
    %get3A_1364 = arith.constant 10432 : index
    %get3A_1365 = tpu.vector_load %arg6[%get3A_1364] {strides = array<i32>} : memref<13312xf32, #tpu.memory_space<vmem>>, vector<16xf32>,
    %get3A_1366 = vector.shape_cast %get3A_1365 : vector<16xf32> to vector<16xf32>
    %add3A_1367 = arith.addf %add3A_1363, %get3A_1366 : vector<16xf32>
    %get3A_1368 = arith.constant 10944 : index
    %get3A_1369 = tpu.vector_load %arg6[%get3A_1368] {strides = array<i32>} : memref<13312xf32, #tpu.memory_space<vmem>>, vector<16xf32>,
    %get3A_1370 = vector.shape_cast %get3A_1369 : vector<16xf32> to vector<16xf32>
    %add3A_1371 = arith.addf %add3A_1367, %get3A_1370 : vector<16xf32>
    %get3A_1372 = arith.constant 11456 : index
    %get3A_1373 = tpu.vector_load %arg6[%get3A_1372] {strides = array<i32>} : memref<13312xf32, #tpu.memory_space<vmem>>, vector<16xf32>,
    %get3A_1374 = vector.shape_cast %get3A_1373 : vector<16xf32> to vector<16xf32>
    %add3A_1375 = arith.addf %add3A_1371, %get3A_1374 : vector<16xf32>
    %get3A_1376 = arith.constant 11968 : index
    %get3A_1377 = tpu.vector_load %arg6[%get3A_1376] {strides = array<i32>} : memref<13312xf32, #tpu.memory_space<vmem>>, vector<16xf32>,
    %get3A_1378 = vector.shape_cast %get3A_1377 : vector<16xf32> to vector<16xf32>
    %add3A_1379 = arith.addf %add3A_1375, %get3A_1378 : vector<16xf32>
    %get3A_1380 = arith.constant 12480 : index
    %get3A_1381 = tpu.vector_load %arg6[%get3A_1380] {strides = array<i32>} : memref<13312xf32, #tpu.memory_space<vmem>>, vector<16xf32>,
    %get3A_1382 = vector.shape_cast %get3A_1381 : vector<16xf32> to vector<16xf32>
    %add3A_1383 = arith.addf %add3A_1379, %get3A_1382 : vector<16xf32>
    %get3A_1384 = arith.constant 12992 : index
    %get3A_1385 = tpu.vector_load %arg6[%get3A_1384] {strides = array<i32>} : memref<13312xf32, #tpu.memory_space<vmem>>, vector<16xf32>,
    %get3A_1386 = vector.shape_cast %get3A_1385 : vector<16xf32> to vector<16xf32>
    %add3A_1387 = arith.addf %add3A_1383, %get3A_1386 : vector<16xf32>
    %swap3A_1388 = arith.constant 192 : index
    %swap3A_1389 = tpu.vector_load %arg7[%swap3A_1388] {strides = array<i32>} : memref<512xf32, #tpu.memory_space<vmem>>, vector<16xf32>,
    %swap3A_1390 = vector.shape_cast %swap3A_1389 : vector<16xf32> to vector<16xf32>
    %swap3A_1391 = vector.shape_cast %add3A_1387 : vector<16xf32> to vector<16xf32>
    tpu.vector_store %arg7[%swap3A_1388], %swap3A_1391 {strides = array<i32>} : memref<512xf32, #tpu.memory_space<vmem>>, vector<16xf32>,
    %get3A_1392 = arith.constant 208 : index
    %get3A_1393 = tpu.vector_load %arg6[%get3A_1392] {strides = array<i32>} : memref<13312xf32, #tpu.memory_space<vmem>>, vector<16xf32>,
    %get3A_1394 = vector.shape_cast %get3A_1393 : vector<16xf32> to vector<16xf32>
    %get3A_1395 = arith.constant 720 : index
    %get3A_1396 = tpu.vector_load %arg6[%get3A_1395] {strides = array<i32>} : memref<13312xf32, #tpu.memory_space<vmem>>, vector<16xf32>,
    %get3A_1397 = vector.shape_cast %get3A_1396 : vector<16xf32> to vector<16xf32>
    %add3A_1398 = arith.addf %get3A_1394, %get3A_1397 : vector<16xf32>
    %get3A_1399 = arith.constant 1232 : index
    %get3A_1400 = tpu.vector_load %arg6[%get3A_1399] {strides = array<i32>} : memref<13312xf32, #tpu.memory_space<vmem>>, vector<16xf32>,
    %get3A_1401 = vector.shape_cast %get3A_1400 : vector<16xf32> to vector<16xf32>
    %add3A_1402 = arith.addf %add3A_1398, %get3A_1401 : vector<16xf32>
    %get3A_1403 = arith.constant 1744 : index
    %get3A_1404 = tpu.vector_load %arg6[%get3A_1403] {strides = array<i32>} : memref<13312xf32, #tpu.memory_space<vmem>>, vector<16xf32>,
    %get3A_1405 = vector.shape_cast %get3A_1404 : vector<16xf32> to vector<16xf32>
    %add3A_1406 = arith.addf %add3A_1402, %get3A_1405 : vector<16xf32>
    %get3A_1407 = arith.constant 2256 : index
    %get3A_1408 = tpu.vector_load %arg6[%get3A_1407] {strides = array<i32>} : memref<13312xf32, #tpu.memory_space<vmem>>, vector<16xf32>,
    %get3A_1409 = vector.shape_cast %get3A_1408 : vector<16xf32> to vector<16xf32>
    %add3A_1410 = arith.addf %add3A_1406, %get3A_1409 : vector<16xf32>
    %get3A_1411 = arith.constant 2768 : index
    %get3A_1412 = tpu.vector_load %arg6[%get3A_1411] {strides = array<i32>} : memref<13312xf32, #tpu.memory_space<vmem>>, vector<16xf32>,
    %get3A_1413 = vector.shape_cast %get3A_1412 : vector<16xf32> to vector<16xf32>
    %add3A_1414 = arith.addf %add3A_1410, %get3A_1413 : vector<16xf32>
    %get3A_1415 = arith.constant 3280 : index
    %get3A_1416 = tpu.vector_load %arg6[%get3A_1415] {strides = array<i32>} : memref<13312xf32, #tpu.memory_space<vmem>>, vector<16xf32>,
    %get3A_1417 = vector.shape_cast %get3A_1416 : vector<16xf32> to vector<16xf32>
    %add3A_1418 = arith.addf %add3A_1414, %get3A_1417 : vector<16xf32>
    %get3A_1419 = arith.constant 3792 : index
    %get3A_1420 = tpu.vector_load %arg6[%get3A_1419] {strides = array<i32>} : memref<13312xf32, #tpu.memory_space<vmem>>, vector<16xf32>,
    %get3A_1421 = vector.shape_cast %get3A_1420 : vector<16xf32> to vector<16xf32>
    %add3A_1422 = arith.addf %add3A_1418, %get3A_1421 : vector<16xf32>
    %get3A_1423 = arith.constant 4304 : index
    %get3A_1424 = tpu.vector_load %arg6[%get3A_1423] {strides = array<i32>} : memref<13312xf32, #tpu.memory_space<vmem>>, vector<16xf32>,
    %get3A_1425 = vector.shape_cast %get3A_1424 : vector<16xf32> to vector<16xf32>
    %add3A_1426 = arith.addf %add3A_1422, %get3A_1425 : vector<16xf32>
    %get3A_1427 = arith.constant 4816 : index
    %get3A_1428 = tpu.vector_load %arg6[%get3A_1427] {strides = array<i32>} : memref<13312xf32, #tpu.memory_space<vmem>>, vector<16xf32>,
    %get3A_1429 = vector.shape_cast %get3A_1428 : vector<16xf32> to vector<16xf32>
    %add3A_1430 = arith.addf %add3A_1426, %get3A_1429 : vector<16xf32>
    %get3A_1431 = arith.constant 5328 : index
    %get3A_1432 = tpu.vector_load %arg6[%get3A_1431] {strides = array<i32>} : memref<13312xf32, #tpu.memory_space<vmem>>, vector<16xf32>,
    %get3A_1433 = vector.shape_cast %get3A_1432 : vector<16xf32> to vector<16xf32>
    %add3A_1434 = arith.addf %add3A_1430, %get3A_1433 : vector<16xf32>
    %get3A_1435 = arith.constant 5840 : index
    %get3A_1436 = tpu.vector_load %arg6[%get3A_1435] {strides = array<i32>} : memref<13312xf32, #tpu.memory_space<vmem>>, vector<16xf32>,
    %get3A_1437 = vector.shape_cast %get3A_1436 : vector<16xf32> to vector<16xf32>
    %add3A_1438 = arith.addf %add3A_1434, %get3A_1437 : vector<16xf32>
    %get3A_1439 = arith.constant 6352 : index
    %get3A_1440 = tpu.vector_load %arg6[%get3A_1439] {strides = array<i32>} : memref<13312xf32, #tpu.memory_space<vmem>>, vector<16xf32>,
    %get3A_1441 = vector.shape_cast %get3A_1440 : vector<16xf32> to vector<16xf32>
    %add3A_1442 = arith.addf %add3A_1438, %get3A_1441 : vector<16xf32>
    %get3A_1443 = arith.constant 6864 : index
    %get3A_1444 = tpu.vector_load %arg6[%get3A_1443] {strides = array<i32>} : memref<13312xf32, #tpu.memory_space<vmem>>, vector<16xf32>,
    %get3A_1445 = vector.shape_cast %get3A_1444 : vector<16xf32> to vector<16xf32>
    %add3A_1446 = arith.addf %add3A_1442, %get3A_1445 : vector<16xf32>
    %get3A_1447 = arith.constant 7376 : index
    %get3A_1448 = tpu.vector_load %arg6[%get3A_1447] {strides = array<i32>} : memref<13312xf32, #tpu.memory_space<vmem>>, vector<16xf32>,
    %get3A_1449 = vector.shape_cast %get3A_1448 : vector<16xf32> to vector<16xf32>
    %add3A_1450 = arith.addf %add3A_1446, %get3A_1449 : vector<16xf32>
    %get3A_1451 = arith.constant 7888 : index
    %get3A_1452 = tpu.vector_load %arg6[%get3A_1451] {strides = array<i32>} : memref<13312xf32, #tpu.memory_space<vmem>>, vector<16xf32>,
    %get3A_1453 = vector.shape_cast %get3A_1452 : vector<16xf32> to vector<16xf32>
    %add3A_1454 = arith.addf %add3A_1450, %get3A_1453 : vector<16xf32>
    %get3A_1455 = arith.constant 8400 : index
    %get3A_1456 = tpu.vector_load %arg6[%get3A_1455] {strides = array<i32>} : memref<13312xf32, #tpu.memory_space<vmem>>, vector<16xf32>,
    %get3A_1457 = vector.shape_cast %get3A_1456 : vector<16xf32> to vector<16xf32>
    %add3A_1458 = arith.addf %add3A_1454, %get3A_1457 : vector<16xf32>
    %get3A_1459 = arith.constant 8912 : index
    %get3A_1460 = tpu.vector_load %arg6[%get3A_1459] {strides = array<i32>} : memref<13312xf32, #tpu.memory_space<vmem>>, vector<16xf32>,
    %get3A_1461 = vector.shape_cast %get3A_1460 : vector<16xf32> to vector<16xf32>
    %add3A_1462 = arith.addf %add3A_1458, %get3A_1461 : vector<16xf32>
    %get3A_1463 = arith.constant 9424 : index
    %get3A_1464 = tpu.vector_load %arg6[%get3A_1463] {strides = array<i32>} : memref<13312xf32, #tpu.memory_space<vmem>>, vector<16xf32>,
    %get3A_1465 = vector.shape_cast %get3A_1464 : vector<16xf32> to vector<16xf32>
    %add3A_1466 = arith.addf %add3A_1462, %get3A_1465 : vector<16xf32>
    %get3A_1467 = arith.constant 9936 : index
    %get3A_1468 = tpu.vector_load %arg6[%get3A_1467] {strides = array<i32>} : memref<13312xf32, #tpu.memory_space<vmem>>, vector<16xf32>,
    %get3A_1469 = vector.shape_cast %get3A_1468 : vector<16xf32> to vector<16xf32>
    %add3A_1470 = arith.addf %add3A_1466, %get3A_1469 : vector<16xf32>
    %get3A_1471 = arith.constant 10448 : index
    %get3A_1472 = tpu.vector_load %arg6[%get3A_1471] {strides = array<i32>} : memref<13312xf32, #tpu.memory_space<vmem>>, vector<16xf32>,
    %get3A_1473 = vector.shape_cast %get3A_1472 : vector<16xf32> to vector<16xf32>
    %add3A_1474 = arith.addf %add3A_1470, %get3A_1473 : vector<16xf32>
    %get3A_1475 = arith.constant 10960 : index
    %get3A_1476 = tpu.vector_load %arg6[%get3A_1475] {strides = array<i32>} : memref<13312xf32, #tpu.memory_space<vmem>>, vector<16xf32>,
    %get3A_1477 = vector.shape_cast %get3A_1476 : vector<16xf32> to vector<16xf32>
    %add3A_1478 = arith.addf %add3A_1474, %get3A_1477 : vector<16xf32>
    %get3A_1479 = arith.constant 11472 : index
    %get3A_1480 = tpu.vector_load %arg6[%get3A_1479] {strides = array<i32>} : memref<13312xf32, #tpu.memory_space<vmem>>, vector<16xf32>,
    %get3A_1481 = vector.shape_cast %get3A_1480 : vector<16xf32> to vector<16xf32>
    %add3A_1482 = arith.addf %add3A_1478, %get3A_1481 : vector<16xf32>
    %get3A_1483 = arith.constant 11984 : index
    %get3A_1484 = tpu.vector_load %arg6[%get3A_1483] {strides = array<i32>} : memref<13312xf32, #tpu.memory_space<vmem>>, vector<16xf32>,
    %get3A_1485 = vector.shape_cast %get3A_1484 : vector<16xf32> to vector<16xf32>
    %add3A_1486 = arith.addf %add3A_1482, %get3A_1485 : vector<16xf32>
    %get3A_1487 = arith.constant 12496 : index
    %get3A_1488 = tpu.vector_load %arg6[%get3A_1487] {strides = array<i32>} : memref<13312xf32, #tpu.memory_space<vmem>>, vector<16xf32>,
    %get3A_1489 = vector.shape_cast %get3A_1488 : vector<16xf32> to vector<16xf32>
    %add3A_1490 = arith.addf %add3A_1486, %get3A_1489 : vector<16xf32>
    %get3A_1491 = arith.constant 13008 : index
    %get3A_1492 = tpu.vector_load %arg6[%get3A_1491] {strides = array<i32>} : memref<13312xf32, #tpu.memory_space<vmem>>, vector<16xf32>,
    %get3A_1493 = vector.shape_cast %get3A_1492 : vector<16xf32> to vector<16xf32>
    %add3A_1494 = arith.addf %add3A_1490, %get3A_1493 : vector<16xf32>
    %swap3A_1495 = arith.constant 208 : index
    %swap3A_1496 = tpu.vector_load %arg7[%swap3A_1495] {strides = array<i32>} : memref<512xf32, #tpu.memory_space<vmem>>, vector<16xf32>,
    %swap3A_1497 = vector.shape_cast %swap3A_1496 : vector<16xf32> to vector<16xf32>
    %swap3A_1498 = vector.shape_cast %add3A_1494 : vector<16xf32> to vector<16xf32>
    tpu.vector_store %arg7[%swap3A_1495], %swap3A_1498 {strides = array<i32>} : memref<512xf32, #tpu.memory_space<vmem>>, vector<16xf32>,
    %get3A_1499 = arith.constant 224 : index
    %get3A_1500 = tpu.vector_load %arg6[%get3A_1499] {strides = array<i32>} : memref<13312xf32, #tpu.memory_space<vmem>>, vector<16xf32>,
    %get3A_1501 = vector.shape_cast %get3A_1500 : vector<16xf32> to vector<16xf32>
    %get3A_1502 = arith.constant 736 : index
    %get3A_1503 = tpu.vector_load %arg6[%get3A_1502] {strides = array<i32>} : memref<13312xf32, #tpu.memory_space<vmem>>, vector<16xf32>,
    %get3A_1504 = vector.shape_cast %get3A_1503 : vector<16xf32> to vector<16xf32>
    %add3A_1505 = arith.addf %get3A_1501, %get3A_1504 : vector<16xf32>
    %get3A_1506 = arith.constant 1248 : index
    %get3A_1507 = tpu.vector_load %arg6[%get3A_1506] {strides = array<i32>} : memref<13312xf32, #tpu.memory_space<vmem>>, vector<16xf32>,
    %get3A_1508 = vector.shape_cast %get3A_1507 : vector<16xf32> to vector<16xf32>
    %add3A_1509 = arith.addf %add3A_1505, %get3A_1508 : vector<16xf32>
    %get3A_1510 = arith.constant 1760 : index
    %get3A_1511 = tpu.vector_load %arg6[%get3A_1510] {strides = array<i32>} : memref<13312xf32, #tpu.memory_space<vmem>>, vector<16xf32>,
    %get3A_1512 = vector.shape_cast %get3A_1511 : vector<16xf32> to vector<16xf32>
    %add3A_1513 = arith.addf %add3A_1509, %get3A_1512 : vector<16xf32>
    %get3A_1514 = arith.constant 2272 : index
    %get3A_1515 = tpu.vector_load %arg6[%get3A_1514] {strides = array<i32>} : memref<13312xf32, #tpu.memory_space<vmem>>, vector<16xf32>,
    %get3A_1516 = vector.shape_cast %get3A_1515 : vector<16xf32> to vector<16xf32>
    %add3A_1517 = arith.addf %add3A_1513, %get3A_1516 : vector<16xf32>
    %get3A_1518 = arith.constant 2784 : index
    %get3A_1519 = tpu.vector_load %arg6[%get3A_1518] {strides = array<i32>} : memref<13312xf32, #tpu.memory_space<vmem>>, vector<16xf32>,
    %get3A_1520 = vector.shape_cast %get3A_1519 : vector<16xf32> to vector<16xf32>
    %add3A_1521 = arith.addf %add3A_1517, %get3A_1520 : vector<16xf32>
    %get3A_1522 = arith.constant 3296 : index
    %get3A_1523 = tpu.vector_load %arg6[%get3A_1522] {strides = array<i32>} : memref<13312xf32, #tpu.memory_space<vmem>>, vector<16xf32>,
    %get3A_1524 = vector.shape_cast %get3A_1523 : vector<16xf32> to vector<16xf32>
    %add3A_1525 = arith.addf %add3A_1521, %get3A_1524 : vector<16xf32>
    %get3A_1526 = arith.constant 3808 : index
    %get3A_1527 = tpu.vector_load %arg6[%get3A_1526] {strides = array<i32>} : memref<13312xf32, #tpu.memory_space<vmem>>, vector<16xf32>,
    %get3A_1528 = vector.shape_cast %get3A_1527 : vector<16xf32> to vector<16xf32>
    %add3A_1529 = arith.addf %add3A_1525, %get3A_1528 : vector<16xf32>
    %get3A_1530 = arith.constant 4320 : index
    %get3A_1531 = tpu.vector_load %arg6[%get3A_1530] {strides = array<i32>} : memref<13312xf32, #tpu.memory_space<vmem>>, vector<16xf32>,
    %get3A_1532 = vector.shape_cast %get3A_1531 : vector<16xf32> to vector<16xf32>
    %add3A_1533 = arith.addf %add3A_1529, %get3A_1532 : vector<16xf32>
    %get3A_1534 = arith.constant 4832 : index
    %get3A_1535 = tpu.vector_load %arg6[%get3A_1534] {strides = array<i32>} : memref<13312xf32, #tpu.memory_space<vmem>>, vector<16xf32>,
    %get3A_1536 = vector.shape_cast %get3A_1535 : vector<16xf32> to vector<16xf32>
    %add3A_1537 = arith.addf %add3A_1533, %get3A_1536 : vector<16xf32>
    %get3A_1538 = arith.constant 5344 : index
    %get3A_1539 = tpu.vector_load %arg6[%get3A_1538] {strides = array<i32>} : memref<13312xf32, #tpu.memory_space<vmem>>, vector<16xf32>,
    %get3A_1540 = vector.shape_cast %get3A_1539 : vector<16xf32> to vector<16xf32>
    %add3A_1541 = arith.addf %add3A_1537, %get3A_1540 : vector<16xf32>
    %get3A_1542 = arith.constant 5856 : index
    %get3A_1543 = tpu.vector_load %arg6[%get3A_1542] {strides = array<i32>} : memref<13312xf32, #tpu.memory_space<vmem>>, vector<16xf32>,
    %get3A_1544 = vector.shape_cast %get3A_1543 : vector<16xf32> to vector<16xf32>
    %add3A_1545 = arith.addf %add3A_1541, %get3A_1544 : vector<16xf32>
    %get3A_1546 = arith.constant 6368 : index
    %get3A_1547 = tpu.vector_load %arg6[%get3A_1546] {strides = array<i32>} : memref<13312xf32, #tpu.memory_space<vmem>>, vector<16xf32>,
    %get3A_1548 = vector.shape_cast %get3A_1547 : vector<16xf32> to vector<16xf32>
    %add3A_1549 = arith.addf %add3A_1545, %get3A_1548 : vector<16xf32>
    %get3A_1550 = arith.constant 6880 : index
    %get3A_1551 = tpu.vector_load %arg6[%get3A_1550] {strides = array<i32>} : memref<13312xf32, #tpu.memory_space<vmem>>, vector<16xf32>,
    %get3A_1552 = vector.shape_cast %get3A_1551 : vector<16xf32> to vector<16xf32>
    %add3A_1553 = arith.addf %add3A_1549, %get3A_1552 : vector<16xf32>
    %get3A_1554 = arith.constant 7392 : index
    %get3A_1555 = tpu.vector_load %arg6[%get3A_1554] {strides = array<i32>} : memref<13312xf32, #tpu.memory_space<vmem>>, vector<16xf32>,
    %get3A_1556 = vector.shape_cast %get3A_1555 : vector<16xf32> to vector<16xf32>
    %add3A_1557 = arith.addf %add3A_1553, %get3A_1556 : vector<16xf32>
    %get3A_1558 = arith.constant 7904 : index
    %get3A_1559 = tpu.vector_load %arg6[%get3A_1558] {strides = array<i32>} : memref<13312xf32, #tpu.memory_space<vmem>>, vector<16xf32>,
    %get3A_1560 = vector.shape_cast %get3A_1559 : vector<16xf32> to vector<16xf32>
    %add3A_1561 = arith.addf %add3A_1557, %get3A_1560 : vector<16xf32>
    %get3A_1562 = arith.constant 8416 : index
    %get3A_1563 = tpu.vector_load %arg6[%get3A_1562] {strides = array<i32>} : memref<13312xf32, #tpu.memory_space<vmem>>, vector<16xf32>,
    %get3A_1564 = vector.shape_cast %get3A_1563 : vector<16xf32> to vector<16xf32>
    %add3A_1565 = arith.addf %add3A_1561, %get3A_1564 : vector<16xf32>
    %get3A_1566 = arith.constant 8928 : index
    %get3A_1567 = tpu.vector_load %arg6[%get3A_1566] {strides = array<i32>} : memref<13312xf32, #tpu.memory_space<vmem>>, vector<16xf32>,
    %get3A_1568 = vector.shape_cast %get3A_1567 : vector<16xf32> to vector<16xf32>
    %add3A_1569 = arith.addf %add3A_1565, %get3A_1568 : vector<16xf32>
    %get3A_1570 = arith.constant 9440 : index
    %get3A_1571 = tpu.vector_load %arg6[%get3A_1570] {strides = array<i32>} : memref<13312xf32, #tpu.memory_space<vmem>>, vector<16xf32>,
    %get3A_1572 = vector.shape_cast %get3A_1571 : vector<16xf32> to vector<16xf32>
    %add3A_1573 = arith.addf %add3A_1569, %get3A_1572 : vector<16xf32>
    %get3A_1574 = arith.constant 9952 : index
    %get3A_1575 = tpu.vector_load %arg6[%get3A_1574] {strides = array<i32>} : memref<13312xf32, #tpu.memory_space<vmem>>, vector<16xf32>,
    %get3A_1576 = vector.shape_cast %get3A_1575 : vector<16xf32> to vector<16xf32>
    %add3A_1577 = arith.addf %add3A_1573, %get3A_1576 : vector<16xf32>
    %get3A_1578 = arith.constant 10464 : index
    %get3A_1579 = tpu.vector_load %arg6[%get3A_1578] {strides = array<i32>} : memref<13312xf32, #tpu.memory_space<vmem>>, vector<16xf32>,
    %get3A_1580 = vector.shape_cast %get3A_1579 : vector<16xf32> to vector<16xf32>
    %add3A_1581 = arith.addf %add3A_1577, %get3A_1580 : vector<16xf32>
    %get3A_1582 = arith.constant 10976 : index
    %get3A_1583 = tpu.vector_load %arg6[%get3A_1582] {strides = array<i32>} : memref<13312xf32, #tpu.memory_space<vmem>>, vector<16xf32>,
    %get3A_1584 = vector.shape_cast %get3A_1583 : vector<16xf32> to vector<16xf32>
    %add3A_1585 = arith.addf %add3A_1581, %get3A_1584 : vector<16xf32>
    %get3A_1586 = arith.constant 11488 : index
    %get3A_1587 = tpu.vector_load %arg6[%get3A_1586] {strides = array<i32>} : memref<13312xf32, #tpu.memory_space<vmem>>, vector<16xf32>,
    %get3A_1588 = vector.shape_cast %get3A_1587 : vector<16xf32> to vector<16xf32>
    %add3A_1589 = arith.addf %add3A_1585, %get3A_1588 : vector<16xf32>
    %get3A_1590 = arith.constant 12000 : index
    %get3A_1591 = tpu.vector_load %arg6[%get3A_1590] {strides = array<i32>} : memref<13312xf32, #tpu.memory_space<vmem>>, vector<16xf32>,
    %get3A_1592 = vector.shape_cast %get3A_1591 : vector<16xf32> to vector<16xf32>
    %add3A_1593 = arith.addf %add3A_1589, %get3A_1592 : vector<16xf32>
    %get3A_1594 = arith.constant 12512 : index
    %get3A_1595 = tpu.vector_load %arg6[%get3A_1594] {strides = array<i32>} : memref<13312xf32, #tpu.memory_space<vmem>>, vector<16xf32>,
    %get3A_1596 = vector.shape_cast %get3A_1595 : vector<16xf32> to vector<16xf32>
    %add3A_1597 = arith.addf %add3A_1593, %get3A_1596 : vector<16xf32>
    %get3A_1598 = arith.constant 13024 : index
    %get3A_1599 = tpu.vector_load %arg6[%get3A_1598] {strides = array<i32>} : memref<13312xf32, #tpu.memory_space<vmem>>, vector<16xf32>,
    %get3A_1600 = vector.shape_cast %get3A_1599 : vector<16xf32> to vector<16xf32>
    %add3A_1601 = arith.addf %add3A_1597, %get3A_1600 : vector<16xf32>
    %swap3A_1602 = arith.constant 224 : index
    %swap3A_1603 = tpu.vector_load %arg7[%swap3A_1602] {strides = array<i32>} : memref<512xf32, #tpu.memory_space<vmem>>, vector<16xf32>,
    %swap3A_1604 = vector.shape_cast %swap3A_1603 : vector<16xf32> to vector<16xf32>
    %swap3A_1605 = vector.shape_cast %add3A_1601 : vector<16xf32> to vector<16xf32>
    tpu.vector_store %arg7[%swap3A_1602], %swap3A_1605 {strides = array<i32>} : memref<512xf32, #tpu.memory_space<vmem>>, vector<16xf32>,
    %get3A_1606 = arith.constant 240 : index
    %get3A_1607 = tpu.vector_load %arg6[%get3A_1606] {strides = array<i32>} : memref<13312xf32, #tpu.memory_space<vmem>>, vector<16xf32>,
    %get3A_1608 = vector.shape_cast %get3A_1607 : vector<16xf32> to vector<16xf32>
    %get3A_1609 = arith.constant 752 : index
    %get3A_1610 = tpu.vector_load %arg6[%get3A_1609] {strides = array<i32>} : memref<13312xf32, #tpu.memory_space<vmem>>, vector<16xf32>,
    %get3A_1611 = vector.shape_cast %get3A_1610 : vector<16xf32> to vector<16xf32>
    %add3A_1612 = arith.addf %get3A_1608, %get3A_1611 : vector<16xf32>
    %get3A_1613 = arith.constant 1264 : index
    %get3A_1614 = tpu.vector_load %arg6[%get3A_1613] {strides = array<i32>} : memref<13312xf32, #tpu.memory_space<vmem>>, vector<16xf32>,
    %get3A_1615 = vector.shape_cast %get3A_1614 : vector<16xf32> to vector<16xf32>
    %add3A_1616 = arith.addf %add3A_1612, %get3A_1615 : vector<16xf32>
    %get3A_1617 = arith.constant 1776 : index
    %get3A_1618 = tpu.vector_load %arg6[%get3A_1617] {strides = array<i32>} : memref<13312xf32, #tpu.memory_space<vmem>>, vector<16xf32>,
    %get3A_1619 = vector.shape_cast %get3A_1618 : vector<16xf32> to vector<16xf32>
    %add3A_1620 = arith.addf %add3A_1616, %get3A_1619 : vector<16xf32>
    %get3A_1621 = arith.constant 2288 : index
    %get3A_1622 = tpu.vector_load %arg6[%get3A_1621] {strides = array<i32>} : memref<13312xf32, #tpu.memory_space<vmem>>, vector<16xf32>,
    %get3A_1623 = vector.shape_cast %get3A_1622 : vector<16xf32> to vector<16xf32>
    %add3A_1624 = arith.addf %add3A_1620, %get3A_1623 : vector<16xf32>
    %get3A_1625 = arith.constant 2800 : index
    %get3A_1626 = tpu.vector_load %arg6[%get3A_1625] {strides = array<i32>} : memref<13312xf32, #tpu.memory_space<vmem>>, vector<16xf32>,
    %get3A_1627 = vector.shape_cast %get3A_1626 : vector<16xf32> to vector<16xf32>
    %add3A_1628 = arith.addf %add3A_1624, %get3A_1627 : vector<16xf32>
    %get3A_1629 = arith.constant 3312 : index
    %get3A_1630 = tpu.vector_load %arg6[%get3A_1629] {strides = array<i32>} : memref<13312xf32, #tpu.memory_space<vmem>>, vector<16xf32>,
    %get3A_1631 = vector.shape_cast %get3A_1630 : vector<16xf32> to vector<16xf32>
    %add3A_1632 = arith.addf %add3A_1628, %get3A_1631 : vector<16xf32>
    %get3A_1633 = arith.constant 3824 : index
    %get3A_1634 = tpu.vector_load %arg6[%get3A_1633] {strides = array<i32>} : memref<13312xf32, #tpu.memory_space<vmem>>, vector<16xf32>,
    %get3A_1635 = vector.shape_cast %get3A_1634 : vector<16xf32> to vector<16xf32>
    %add3A_1636 = arith.addf %add3A_1632, %get3A_1635 : vector<16xf32>
    %get3A_1637 = arith.constant 4336 : index
    %get3A_1638 = tpu.vector_load %arg6[%get3A_1637] {strides = array<i32>} : memref<13312xf32, #tpu.memory_space<vmem>>, vector<16xf32>,
    %get3A_1639 = vector.shape_cast %get3A_1638 : vector<16xf32> to vector<16xf32>
    %add3A_1640 = arith.addf %add3A_1636, %get3A_1639 : vector<16xf32>
    %get3A_1641 = arith.constant 4848 : index
    %get3A_1642 = tpu.vector_load %arg6[%get3A_1641] {strides = array<i32>} : memref<13312xf32, #tpu.memory_space<vmem>>, vector<16xf32>,
    %get3A_1643 = vector.shape_cast %get3A_1642 : vector<16xf32> to vector<16xf32>
    %add3A_1644 = arith.addf %add3A_1640, %get3A_1643 : vector<16xf32>
    %get3A_1645 = arith.constant 5360 : index
    %get3A_1646 = tpu.vector_load %arg6[%get3A_1645] {strides = array<i32>} : memref<13312xf32, #tpu.memory_space<vmem>>, vector<16xf32>,
    %get3A_1647 = vector.shape_cast %get3A_1646 : vector<16xf32> to vector<16xf32>
    %add3A_1648 = arith.addf %add3A_1644, %get3A_1647 : vector<16xf32>
    %get3A_1649 = arith.constant 5872 : index
    %get3A_1650 = tpu.vector_load %arg6[%get3A_1649] {strides = array<i32>} : memref<13312xf32, #tpu.memory_space<vmem>>, vector<16xf32>,
    %get3A_1651 = vector.shape_cast %get3A_1650 : vector<16xf32> to vector<16xf32>
    %add3A_1652 = arith.addf %add3A_1648, %get3A_1651 : vector<16xf32>
    %get3A_1653 = arith.constant 6384 : index
    %get3A_1654 = tpu.vector_load %arg6[%get3A_1653] {strides = array<i32>} : memref<13312xf32, #tpu.memory_space<vmem>>, vector<16xf32>,
    %get3A_1655 = vector.shape_cast %get3A_1654 : vector<16xf32> to vector<16xf32>
    %add3A_1656 = arith.addf %add3A_1652, %get3A_1655 : vector<16xf32>
    %get3A_1657 = arith.constant 6896 : index
    %get3A_1658 = tpu.vector_load %arg6[%get3A_1657] {strides = array<i32>} : memref<13312xf32, #tpu.memory_space<vmem>>, vector<16xf32>,
    %get3A_1659 = vector.shape_cast %get3A_1658 : vector<16xf32> to vector<16xf32>
    %add3A_1660 = arith.addf %add3A_1656, %get3A_1659 : vector<16xf32>
    %get3A_1661 = arith.constant 7408 : index
    %get3A_1662 = tpu.vector_load %arg6[%get3A_1661] {strides = array<i32>} : memref<13312xf32, #tpu.memory_space<vmem>>, vector<16xf32>,
    %get3A_1663 = vector.shape_cast %get3A_1662 : vector<16xf32> to vector<16xf32>
    %add3A_1664 = arith.addf %add3A_1660, %get3A_1663 : vector<16xf32>
    %get3A_1665 = arith.constant 7920 : index
    %get3A_1666 = tpu.vector_load %arg6[%get3A_1665] {strides = array<i32>} : memref<13312xf32, #tpu.memory_space<vmem>>, vector<16xf32>,
    %get3A_1667 = vector.shape_cast %get3A_1666 : vector<16xf32> to vector<16xf32>
    %add3A_1668 = arith.addf %add3A_1664, %get3A_1667 : vector<16xf32>
    %get3A_1669 = arith.constant 8432 : index
    %get3A_1670 = tpu.vector_load %arg6[%get3A_1669] {strides = array<i32>} : memref<13312xf32, #tpu.memory_space<vmem>>, vector<16xf32>,
    %get3A_1671 = vector.shape_cast %get3A_1670 : vector<16xf32> to vector<16xf32>
    %add3A_1672 = arith.addf %add3A_1668, %get3A_1671 : vector<16xf32>
    %get3A_1673 = arith.constant 8944 : index
    %get3A_1674 = tpu.vector_load %arg6[%get3A_1673] {strides = array<i32>} : memref<13312xf32, #tpu.memory_space<vmem>>, vector<16xf32>,
    %get3A_1675 = vector.shape_cast %get3A_1674 : vector<16xf32> to vector<16xf32>
    %add3A_1676 = arith.addf %add3A_1672, %get3A_1675 : vector<16xf32>
    %get3A_1677 = arith.constant 9456 : index
    %get3A_1678 = tpu.vector_load %arg6[%get3A_1677] {strides = array<i32>} : memref<13312xf32, #tpu.memory_space<vmem>>, vector<16xf32>,
    %get3A_1679 = vector.shape_cast %get3A_1678 : vector<16xf32> to vector<16xf32>
    %add3A_1680 = arith.addf %add3A_1676, %get3A_1679 : vector<16xf32>
    %get3A_1681 = arith.constant 9968 : index
    %get3A_1682 = tpu.vector_load %arg6[%get3A_1681] {strides = array<i32>} : memref<13312xf32, #tpu.memory_space<vmem>>, vector<16xf32>,
    %get3A_1683 = vector.shape_cast %get3A_1682 : vector<16xf32> to vector<16xf32>
    %add3A_1684 = arith.addf %add3A_1680, %get3A_1683 : vector<16xf32>
    %get3A_1685 = arith.constant 10480 : index
    %get3A_1686 = tpu.vector_load %arg6[%get3A_1685] {strides = array<i32>} : memref<13312xf32, #tpu.memory_space<vmem>>, vector<16xf32>,
    %get3A_1687 = vector.shape_cast %get3A_1686 : vector<16xf32> to vector<16xf32>
    %add3A_1688 = arith.addf %add3A_1684, %get3A_1687 : vector<16xf32>
    %get3A_1689 = arith.constant 10992 : index
    %get3A_1690 = tpu.vector_load %arg6[%get3A_1689] {strides = array<i32>} : memref<13312xf32, #tpu.memory_space<vmem>>, vector<16xf32>,
    %get3A_1691 = vector.shape_cast %get3A_1690 : vector<16xf32> to vector<16xf32>
    %add3A_1692 = arith.addf %add3A_1688, %get3A_1691 : vector<16xf32>
    %get3A_1693 = arith.constant 11504 : index
    %get3A_1694 = tpu.vector_load %arg6[%get3A_1693] {strides = array<i32>} : memref<13312xf32, #tpu.memory_space<vmem>>, vector<16xf32>,
    %get3A_1695 = vector.shape_cast %get3A_1694 : vector<16xf32> to vector<16xf32>
    %add3A_1696 = arith.addf %add3A_1692, %get3A_1695 : vector<16xf32>
    %get3A_1697 = arith.constant 12016 : index
    %get3A_1698 = tpu.vector_load %arg6[%get3A_1697] {strides = array<i32>} : memref<13312xf32, #tpu.memory_space<vmem>>, vector<16xf32>,
    %get3A_1699 = vector.shape_cast %get3A_1698 : vector<16xf32> to vector<16xf32>
    %add3A_1700 = arith.addf %add3A_1696, %get3A_1699 : vector<16xf32>
    %get3A_1701 = arith.constant 12528 : index
    %get3A_1702 = tpu.vector_load %arg6[%get3A_1701] {strides = array<i32>} : memref<13312xf32, #tpu.memory_space<vmem>>, vector<16xf32>,
    %get3A_1703 = vector.shape_cast %get3A_1702 : vector<16xf32> to vector<16xf32>
    %add3A_1704 = arith.addf %add3A_1700, %get3A_1703 : vector<16xf32>
    %get3A_1705 = arith.constant 13040 : index
    %get3A_1706 = tpu.vector_load %arg6[%get3A_1705] {strides = array<i32>} : memref<13312xf32, #tpu.memory_space<vmem>>, vector<16xf32>,
    %get3A_1707 = vector.shape_cast %get3A_1706 : vector<16xf32> to vector<16xf32>
    %add3A_1708 = arith.addf %add3A_1704, %get3A_1707 : vector<16xf32>
    %swap3A_1709 = arith.constant 240 : index
    %swap3A_1710 = tpu.vector_load %arg7[%swap3A_1709] {strides = array<i32>} : memref<512xf32, #tpu.memory_space<vmem>>, vector<16xf32>,
    %swap3A_1711 = vector.shape_cast %swap3A_1710 : vector<16xf32> to vector<16xf32>
    %swap3A_1712 = vector.shape_cast %add3A_1708 : vector<16xf32> to vector<16xf32>
    tpu.vector_store %arg7[%swap3A_1709], %swap3A_1712 {strides = array<i32>} : memref<512xf32, #tpu.memory_space<vmem>>, vector<16xf32>,
    %get3A_1713 = arith.constant 256 : index
    %get3A_1714 = tpu.vector_load %arg6[%get3A_1713] {strides = array<i32>} : memref<13312xf32, #tpu.memory_space<vmem>>, vector<16xf32>,
    %get3A_1715 = vector.shape_cast %get3A_1714 : vector<16xf32> to vector<16xf32>
    %get3A_1716 = arith.constant 768 : index
    %get3A_1717 = tpu.vector_load %arg6[%get3A_1716] {strides = array<i32>} : memref<13312xf32, #tpu.memory_space<vmem>>, vector<16xf32>,
    %get3A_1718 = vector.shape_cast %get3A_1717 : vector<16xf32> to vector<16xf32>
    %add3A_1719 = arith.addf %get3A_1715, %get3A_1718 : vector<16xf32>
    %get3A_1720 = arith.constant 1280 : index
    %get3A_1721 = tpu.vector_load %arg6[%get3A_1720] {strides = array<i32>} : memref<13312xf32, #tpu.memory_space<vmem>>, vector<16xf32>,
    %get3A_1722 = vector.shape_cast %get3A_1721 : vector<16xf32> to vector<16xf32>
    %add3A_1723 = arith.addf %add3A_1719, %get3A_1722 : vector<16xf32>
    %get3A_1724 = arith.constant 1792 : index
    %get3A_1725 = tpu.vector_load %arg6[%get3A_1724] {strides = array<i32>} : memref<13312xf32, #tpu.memory_space<vmem>>, vector<16xf32>,
    %get3A_1726 = vector.shape_cast %get3A_1725 : vector<16xf32> to vector<16xf32>
    %add3A_1727 = arith.addf %add3A_1723, %get3A_1726 : vector<16xf32>
    %get3A_1728 = arith.constant 2304 : index
    %get3A_1729 = tpu.vector_load %arg6[%get3A_1728] {strides = array<i32>} : memref<13312xf32, #tpu.memory_space<vmem>>, vector<16xf32>,
    %get3A_1730 = vector.shape_cast %get3A_1729 : vector<16xf32> to vector<16xf32>
    %add3A_1731 = arith.addf %add3A_1727, %get3A_1730 : vector<16xf32>
    %get3A_1732 = arith.constant 2816 : index
    %get3A_1733 = tpu.vector_load %arg6[%get3A_1732] {strides = array<i32>} : memref<13312xf32, #tpu.memory_space<vmem>>, vector<16xf32>,
    %get3A_1734 = vector.shape_cast %get3A_1733 : vector<16xf32> to vector<16xf32>
    %add3A_1735 = arith.addf %add3A_1731, %get3A_1734 : vector<16xf32>
    %get3A_1736 = arith.constant 3328 : index
    %get3A_1737 = tpu.vector_load %arg6[%get3A_1736] {strides = array<i32>} : memref<13312xf32, #tpu.memory_space<vmem>>, vector<16xf32>,
    %get3A_1738 = vector.shape_cast %get3A_1737 : vector<16xf32> to vector<16xf32>
    %add3A_1739 = arith.addf %add3A_1735, %get3A_1738 : vector<16xf32>
    %get3A_1740 = arith.constant 3840 : index
    %get3A_1741 = tpu.vector_load %arg6[%get3A_1740] {strides = array<i32>} : memref<13312xf32, #tpu.memory_space<vmem>>, vector<16xf32>,
    %get3A_1742 = vector.shape_cast %get3A_1741 : vector<16xf32> to vector<16xf32>
    %add3A_1743 = arith.addf %add3A_1739, %get3A_1742 : vector<16xf32>
    %get3A_1744 = arith.constant 4352 : index
    %get3A_1745 = tpu.vector_load %arg6[%get3A_1744] {strides = array<i32>} : memref<13312xf32, #tpu.memory_space<vmem>>, vector<16xf32>,
    %get3A_1746 = vector.shape_cast %get3A_1745 : vector<16xf32> to vector<16xf32>
    %add3A_1747 = arith.addf %add3A_1743, %get3A_1746 : vector<16xf32>
    %get3A_1748 = arith.constant 4864 : index
    %get3A_1749 = tpu.vector_load %arg6[%get3A_1748] {strides = array<i32>} : memref<13312xf32, #tpu.memory_space<vmem>>, vector<16xf32>,
    %get3A_1750 = vector.shape_cast %get3A_1749 : vector<16xf32> to vector<16xf32>
    %add3A_1751 = arith.addf %add3A_1747, %get3A_1750 : vector<16xf32>
    %get3A_1752 = arith.constant 5376 : index
    %get3A_1753 = tpu.vector_load %arg6[%get3A_1752] {strides = array<i32>} : memref<13312xf32, #tpu.memory_space<vmem>>, vector<16xf32>,
    %get3A_1754 = vector.shape_cast %get3A_1753 : vector<16xf32> to vector<16xf32>
    %add3A_1755 = arith.addf %add3A_1751, %get3A_1754 : vector<16xf32>
    %get3A_1756 = arith.constant 5888 : index
    %get3A_1757 = tpu.vector_load %arg6[%get3A_1756] {strides = array<i32>} : memref<13312xf32, #tpu.memory_space<vmem>>, vector<16xf32>,
    %get3A_1758 = vector.shape_cast %get3A_1757 : vector<16xf32> to vector<16xf32>
    %add3A_1759 = arith.addf %add3A_1755, %get3A_1758 : vector<16xf32>
    %get3A_1760 = arith.constant 6400 : index
    %get3A_1761 = tpu.vector_load %arg6[%get3A_1760] {strides = array<i32>} : memref<13312xf32, #tpu.memory_space<vmem>>, vector<16xf32>,
    %get3A_1762 = vector.shape_cast %get3A_1761 : vector<16xf32> to vector<16xf32>
    %add3A_1763 = arith.addf %add3A_1759, %get3A_1762 : vector<16xf32>
    %get3A_1764 = arith.constant 6912 : index
    %get3A_1765 = tpu.vector_load %arg6[%get3A_1764] {strides = array<i32>} : memref<13312xf32, #tpu.memory_space<vmem>>, vector<16xf32>,
    %get3A_1766 = vector.shape_cast %get3A_1765 : vector<16xf32> to vector<16xf32>
    %add3A_1767 = arith.addf %add3A_1763, %get3A_1766 : vector<16xf32>
    %get3A_1768 = arith.constant 7424 : index
    %get3A_1769 = tpu.vector_load %arg6[%get3A_1768] {strides = array<i32>} : memref<13312xf32, #tpu.memory_space<vmem>>, vector<16xf32>,
    %get3A_1770 = vector.shape_cast %get3A_1769 : vector<16xf32> to vector<16xf32>
    %add3A_1771 = arith.addf %add3A_1767, %get3A_1770 : vector<16xf32>
    %get3A_1772 = arith.constant 7936 : index
    %get3A_1773 = tpu.vector_load %arg6[%get3A_1772] {strides = array<i32>} : memref<13312xf32, #tpu.memory_space<vmem>>, vector<16xf32>,
    %get3A_1774 = vector.shape_cast %get3A_1773 : vector<16xf32> to vector<16xf32>
    %add3A_1775 = arith.addf %add3A_1771, %get3A_1774 : vector<16xf32>
    %get3A_1776 = arith.constant 8448 : index
    %get3A_1777 = tpu.vector_load %arg6[%get3A_1776] {strides = array<i32>} : memref<13312xf32, #tpu.memory_space<vmem>>, vector<16xf32>,
    %get3A_1778 = vector.shape_cast %get3A_1777 : vector<16xf32> to vector<16xf32>
    %add3A_1779 = arith.addf %add3A_1775, %get3A_1778 : vector<16xf32>
    %get3A_1780 = arith.constant 8960 : index
    %get3A_1781 = tpu.vector_load %arg6[%get3A_1780] {strides = array<i32>} : memref<13312xf32, #tpu.memory_space<vmem>>, vector<16xf32>,
    %get3A_1782 = vector.shape_cast %get3A_1781 : vector<16xf32> to vector<16xf32>
    %add3A_1783 = arith.addf %add3A_1779, %get3A_1782 : vector<16xf32>
    %get3A_1784 = arith.constant 9472 : index
    %get3A_1785 = tpu.vector_load %arg6[%get3A_1784] {strides = array<i32>} : memref<13312xf32, #tpu.memory_space<vmem>>, vector<16xf32>,
    %get3A_1786 = vector.shape_cast %get3A_1785 : vector<16xf32> to vector<16xf32>
    %add3A_1787 = arith.addf %add3A_1783, %get3A_1786 : vector<16xf32>
    %get3A_1788 = arith.constant 9984 : index
    %get3A_1789 = tpu.vector_load %arg6[%get3A_1788] {strides = array<i32>} : memref<13312xf32, #tpu.memory_space<vmem>>, vector<16xf32>,
    %get3A_1790 = vector.shape_cast %get3A_1789 : vector<16xf32> to vector<16xf32>
    %add3A_1791 = arith.addf %add3A_1787, %get3A_1790 : vector<16xf32>
    %get3A_1792 = arith.constant 10496 : index
    %get3A_1793 = tpu.vector_load %arg6[%get3A_1792] {strides = array<i32>} : memref<13312xf32, #tpu.memory_space<vmem>>, vector<16xf32>,
    %get3A_1794 = vector.shape_cast %get3A_1793 : vector<16xf32> to vector<16xf32>
    %add3A_1795 = arith.addf %add3A_1791, %get3A_1794 : vector<16xf32>
    %get3A_1796 = arith.constant 11008 : index
    %get3A_1797 = tpu.vector_load %arg6[%get3A_1796] {strides = array<i32>} : memref<13312xf32, #tpu.memory_space<vmem>>, vector<16xf32>,
    %get3A_1798 = vector.shape_cast %get3A_1797 : vector<16xf32> to vector<16xf32>
    %add3A_1799 = arith.addf %add3A_1795, %get3A_1798 : vector<16xf32>
    %get3A_1800 = arith.constant 11520 : index
    %get3A_1801 = tpu.vector_load %arg6[%get3A_1800] {strides = array<i32>} : memref<13312xf32, #tpu.memory_space<vmem>>, vector<16xf32>,
    %get3A_1802 = vector.shape_cast %get3A_1801 : vector<16xf32> to vector<16xf32>
    %add3A_1803 = arith.addf %add3A_1799, %get3A_1802 : vector<16xf32>
    %get3A_1804 = arith.constant 12032 : index
    %get3A_1805 = tpu.vector_load %arg6[%get3A_1804] {strides = array<i32>} : memref<13312xf32, #tpu.memory_space<vmem>>, vector<16xf32>,
    %get3A_1806 = vector.shape_cast %get3A_1805 : vector<16xf32> to vector<16xf32>
    %add3A_1807 = arith.addf %add3A_1803, %get3A_1806 : vector<16xf32>
    %get3A_1808 = arith.constant 12544 : index
    %get3A_1809 = tpu.vector_load %arg6[%get3A_1808] {strides = array<i32>} : memref<13312xf32, #tpu.memory_space<vmem>>, vector<16xf32>,
    %get3A_1810 = vector.shape_cast %get3A_1809 : vector<16xf32> to vector<16xf32>
    %add3A_1811 = arith.addf %add3A_1807, %get3A_1810 : vector<16xf32>
    %get3A_1812 = arith.constant 13056 : index
    %get3A_1813 = tpu.vector_load %arg6[%get3A_1812] {strides = array<i32>} : memref<13312xf32, #tpu.memory_space<vmem>>, vector<16xf32>,
    %get3A_1814 = vector.shape_cast %get3A_1813 : vector<16xf32> to vector<16xf32>
    %add3A_1815 = arith.addf %add3A_1811, %get3A_1814 : vector<16xf32>
    %swap3A_1816 = arith.constant 256 : index
    %swap3A_1817 = tpu.vector_load %arg7[%swap3A_1816] {strides = array<i32>} : memref<512xf32, #tpu.memory_space<vmem>>, vector<16xf32>,
    %swap3A_1818 = vector.shape_cast %swap3A_1817 : vector<16xf32> to vector<16xf32>
    %swap3A_1819 = vector.shape_cast %add3A_1815 : vector<16xf32> to vector<16xf32>
    tpu.vector_store %arg7[%swap3A_1816], %swap3A_1819 {strides = array<i32>} : memref<512xf32, #tpu.memory_space<vmem>>, vector<16xf32>,
    %get3A_1820 = arith.constant 272 : index
    %get3A_1821 = tpu.vector_load %arg6[%get3A_1820] {strides = array<i32>} : memref<13312xf32, #tpu.memory_space<vmem>>, vector<16xf32>,
    %get3A_1822 = vector.shape_cast %get3A_1821 : vector<16xf32> to vector<16xf32>
    %get3A_1823 = arith.constant 784 : index
    %get3A_1824 = tpu.vector_load %arg6[%get3A_1823] {strides = array<i32>} : memref<13312xf32, #tpu.memory_space<vmem>>, vector<16xf32>,
    %get3A_1825 = vector.shape_cast %get3A_1824 : vector<16xf32> to vector<16xf32>
    %add3A_1826 = arith.addf %get3A_1822, %get3A_1825 : vector<16xf32>
    %get3A_1827 = arith.constant 1296 : index
    %get3A_1828 = tpu.vector_load %arg6[%get3A_1827] {strides = array<i32>} : memref<13312xf32, #tpu.memory_space<vmem>>, vector<16xf32>,
    %get3A_1829 = vector.shape_cast %get3A_1828 : vector<16xf32> to vector<16xf32>
    %add3A_1830 = arith.addf %add3A_1826, %get3A_1829 : vector<16xf32>
    %get3A_1831 = arith.constant 1808 : index
    %get3A_1832 = tpu.vector_load %arg6[%get3A_1831] {strides = array<i32>} : memref<13312xf32, #tpu.memory_space<vmem>>, vector<16xf32>,
    %get3A_1833 = vector.shape_cast %get3A_1832 : vector<16xf32> to vector<16xf32>
    %add3A_1834 = arith.addf %add3A_1830, %get3A_1833 : vector<16xf32>
    %get3A_1835 = arith.constant 2320 : index
    %get3A_1836 = tpu.vector_load %arg6[%get3A_1835] {strides = array<i32>} : memref<13312xf32, #tpu.memory_space<vmem>>, vector<16xf32>,
    %get3A_1837 = vector.shape_cast %get3A_1836 : vector<16xf32> to vector<16xf32>
    %add3A_1838 = arith.addf %add3A_1834, %get3A_1837 : vector<16xf32>
    %get3A_1839 = arith.constant 2832 : index
    %get3A_1840 = tpu.vector_load %arg6[%get3A_1839] {strides = array<i32>} : memref<13312xf32, #tpu.memory_space<vmem>>, vector<16xf32>,
    %get3A_1841 = vector.shape_cast %get3A_1840 : vector<16xf32> to vector<16xf32>
    %add3A_1842 = arith.addf %add3A_1838, %get3A_1841 : vector<16xf32>
    %get3A_1843 = arith.constant 3344 : index
    %get3A_1844 = tpu.vector_load %arg6[%get3A_1843] {strides = array<i32>} : memref<13312xf32, #tpu.memory_space<vmem>>, vector<16xf32>,
    %get3A_1845 = vector.shape_cast %get3A_1844 : vector<16xf32> to vector<16xf32>
    %add3A_1846 = arith.addf %add3A_1842, %get3A_1845 : vector<16xf32>
    %get3A_1847 = arith.constant 3856 : index
    %get3A_1848 = tpu.vector_load %arg6[%get3A_1847] {strides = array<i32>} : memref<13312xf32, #tpu.memory_space<vmem>>, vector<16xf32>,
    %get3A_1849 = vector.shape_cast %get3A_1848 : vector<16xf32> to vector<16xf32>
    %add3A_1850 = arith.addf %add3A_1846, %get3A_1849 : vector<16xf32>
    %get3A_1851 = arith.constant 4368 : index
    %get3A_1852 = tpu.vector_load %arg6[%get3A_1851] {strides = array<i32>} : memref<13312xf32, #tpu.memory_space<vmem>>, vector<16xf32>,
    %get3A_1853 = vector.shape_cast %get3A_1852 : vector<16xf32> to vector<16xf32>
    %add3A_1854 = arith.addf %add3A_1850, %get3A_1853 : vector<16xf32>
    %get3A_1855 = arith.constant 4880 : index
    %get3A_1856 = tpu.vector_load %arg6[%get3A_1855] {strides = array<i32>} : memref<13312xf32, #tpu.memory_space<vmem>>, vector<16xf32>,
    %get3A_1857 = vector.shape_cast %get3A_1856 : vector<16xf32> to vector<16xf32>
    %add3A_1858 = arith.addf %add3A_1854, %get3A_1857 : vector<16xf32>
    %get3A_1859 = arith.constant 5392 : index
    %get3A_1860 = tpu.vector_load %arg6[%get3A_1859] {strides = array<i32>} : memref<13312xf32, #tpu.memory_space<vmem>>, vector<16xf32>,
    %get3A_1861 = vector.shape_cast %get3A_1860 : vector<16xf32> to vector<16xf32>
    %add3A_1862 = arith.addf %add3A_1858, %get3A_1861 : vector<16xf32>
    %get3A_1863 = arith.constant 5904 : index
    %get3A_1864 = tpu.vector_load %arg6[%get3A_1863] {strides = array<i32>} : memref<13312xf32, #tpu.memory_space<vmem>>, vector<16xf32>,
    %get3A_1865 = vector.shape_cast %get3A_1864 : vector<16xf32> to vector<16xf32>
    %add3A_1866 = arith.addf %add3A_1862, %get3A_1865 : vector<16xf32>
    %get3A_1867 = arith.constant 6416 : index
    %get3A_1868 = tpu.vector_load %arg6[%get3A_1867] {strides = array<i32>} : memref<13312xf32, #tpu.memory_space<vmem>>, vector<16xf32>,
    %get3A_1869 = vector.shape_cast %get3A_1868 : vector<16xf32> to vector<16xf32>
    %add3A_1870 = arith.addf %add3A_1866, %get3A_1869 : vector<16xf32>
    %get3A_1871 = arith.constant 6928 : index
    %get3A_1872 = tpu.vector_load %arg6[%get3A_1871] {strides = array<i32>} : memref<13312xf32, #tpu.memory_space<vmem>>, vector<16xf32>,
    %get3A_1873 = vector.shape_cast %get3A_1872 : vector<16xf32> to vector<16xf32>
    %add3A_1874 = arith.addf %add3A_1870, %get3A_1873 : vector<16xf32>
    %get3A_1875 = arith.constant 7440 : index
    %get3A_1876 = tpu.vector_load %arg6[%get3A_1875] {strides = array<i32>} : memref<13312xf32, #tpu.memory_space<vmem>>, vector<16xf32>,
    %get3A_1877 = vector.shape_cast %get3A_1876 : vector<16xf32> to vector<16xf32>
    %add3A_1878 = arith.addf %add3A_1874, %get3A_1877 : vector<16xf32>
    %get3A_1879 = arith.constant 7952 : index
    %get3A_1880 = tpu.vector_load %arg6[%get3A_1879] {strides = array<i32>} : memref<13312xf32, #tpu.memory_space<vmem>>, vector<16xf32>,
    %get3A_1881 = vector.shape_cast %get3A_1880 : vector<16xf32> to vector<16xf32>
    %add3A_1882 = arith.addf %add3A_1878, %get3A_1881 : vector<16xf32>
    %get3A_1883 = arith.constant 8464 : index
    %get3A_1884 = tpu.vector_load %arg6[%get3A_1883] {strides = array<i32>} : memref<13312xf32, #tpu.memory_space<vmem>>, vector<16xf32>,
    %get3A_1885 = vector.shape_cast %get3A_1884 : vector<16xf32> to vector<16xf32>
    %add3A_1886 = arith.addf %add3A_1882, %get3A_1885 : vector<16xf32>
    %get3A_1887 = arith.constant 8976 : index
    %get3A_1888 = tpu.vector_load %arg6[%get3A_1887] {strides = array<i32>} : memref<13312xf32, #tpu.memory_space<vmem>>, vector<16xf32>,
    %get3A_1889 = vector.shape_cast %get3A_1888 : vector<16xf32> to vector<16xf32>
    %add3A_1890 = arith.addf %add3A_1886, %get3A_1889 : vector<16xf32>
    %get3A_1891 = arith.constant 9488 : index
    %get3A_1892 = tpu.vector_load %arg6[%get3A_1891] {strides = array<i32>} : memref<13312xf32, #tpu.memory_space<vmem>>, vector<16xf32>,
    %get3A_1893 = vector.shape_cast %get3A_1892 : vector<16xf32> to vector<16xf32>
    %add3A_1894 = arith.addf %add3A_1890, %get3A_1893 : vector<16xf32>
    %get3A_1895 = arith.constant 10000 : index
    %get3A_1896 = tpu.vector_load %arg6[%get3A_1895] {strides = array<i32>} : memref<13312xf32, #tpu.memory_space<vmem>>, vector<16xf32>,
    %get3A_1897 = vector.shape_cast %get3A_1896 : vector<16xf32> to vector<16xf32>
    %add3A_1898 = arith.addf %add3A_1894, %get3A_1897 : vector<16xf32>
    %get3A_1899 = arith.constant 10512 : index
    %get3A_1900 = tpu.vector_load %arg6[%get3A_1899] {strides = array<i32>} : memref<13312xf32, #tpu.memory_space<vmem>>, vector<16xf32>,
    %get3A_1901 = vector.shape_cast %get3A_1900 : vector<16xf32> to vector<16xf32>
    %add3A_1902 = arith.addf %add3A_1898, %get3A_1901 : vector<16xf32>
    %get3A_1903 = arith.constant 11024 : index
    %get3A_1904 = tpu.vector_load %arg6[%get3A_1903] {strides = array<i32>} : memref<13312xf32, #tpu.memory_space<vmem>>, vector<16xf32>,
    %get3A_1905 = vector.shape_cast %get3A_1904 : vector<16xf32> to vector<16xf32>
    %add3A_1906 = arith.addf %add3A_1902, %get3A_1905 : vector<16xf32>
    %get3A_1907 = arith.constant 11536 : index
    %get3A_1908 = tpu.vector_load %arg6[%get3A_1907] {strides = array<i32>} : memref<13312xf32, #tpu.memory_space<vmem>>, vector<16xf32>,
    %get3A_1909 = vector.shape_cast %get3A_1908 : vector<16xf32> to vector<16xf32>
    %add3A_1910 = arith.addf %add3A_1906, %get3A_1909 : vector<16xf32>
    %get3A_1911 = arith.constant 12048 : index
    %get3A_1912 = tpu.vector_load %arg6[%get3A_1911] {strides = array<i32>} : memref<13312xf32, #tpu.memory_space<vmem>>, vector<16xf32>,
    %get3A_1913 = vector.shape_cast %get3A_1912 : vector<16xf32> to vector<16xf32>
    %add3A_1914 = arith.addf %add3A_1910, %get3A_1913 : vector<16xf32>
    %get3A_1915 = arith.constant 12560 : index
    %get3A_1916 = tpu.vector_load %arg6[%get3A_1915] {strides = array<i32>} : memref<13312xf32, #tpu.memory_space<vmem>>, vector<16xf32>,
    %get3A_1917 = vector.shape_cast %get3A_1916 : vector<16xf32> to vector<16xf32>
    %add3A_1918 = arith.addf %add3A_1914, %get3A_1917 : vector<16xf32>
    %get3A_1919 = arith.constant 13072 : index
    %get3A_1920 = tpu.vector_load %arg6[%get3A_1919] {strides = array<i32>} : memref<13312xf32, #tpu.memory_space<vmem>>, vector<16xf32>,
    %get3A_1921 = vector.shape_cast %get3A_1920 : vector<16xf32> to vector<16xf32>
    %add3A_1922 = arith.addf %add3A_1918, %get3A_1921 : vector<16xf32>
    %swap3A_1923 = arith.constant 272 : index
    %swap3A_1924 = tpu.vector_load %arg7[%swap3A_1923] {strides = array<i32>} : memref<512xf32, #tpu.memory_space<vmem>>, vector<16xf32>,
    %swap3A_1925 = vector.shape_cast %swap3A_1924 : vector<16xf32> to vector<16xf32>
    %swap3A_1926 = vector.shape_cast %add3A_1922 : vector<16xf32> to vector<16xf32>
    tpu.vector_store %arg7[%swap3A_1923], %swap3A_1926 {strides = array<i32>} : memref<512xf32, #tpu.memory_space<vmem>>, vector<16xf32>,
    %get3A_1927 = arith.constant 288 : index
    %get3A_1928 = tpu.vector_load %arg6[%get3A_1927] {strides = array<i32>} : memref<13312xf32, #tpu.memory_space<vmem>>, vector<16xf32>,
    %get3A_1929 = vector.shape_cast %get3A_1928 : vector<16xf32> to vector<16xf32>
    %get3A_1930 = arith.constant 800 : index
    %get3A_1931 = tpu.vector_load %arg6[%get3A_1930] {strides = array<i32>} : memref<13312xf32, #tpu.memory_space<vmem>>, vector<16xf32>,
    %get3A_1932 = vector.shape_cast %get3A_1931 : vector<16xf32> to vector<16xf32>
    %add3A_1933 = arith.addf %get3A_1929, %get3A_1932 : vector<16xf32>
    %get3A_1934 = arith.constant 1312 : index
    %get3A_1935 = tpu.vector_load %arg6[%get3A_1934] {strides = array<i32>} : memref<13312xf32, #tpu.memory_space<vmem>>, vector<16xf32>,
    %get3A_1936 = vector.shape_cast %get3A_1935 : vector<16xf32> to vector<16xf32>
    %add3A_1937 = arith.addf %add3A_1933, %get3A_1936 : vector<16xf32>
    %get3A_1938 = arith.constant 1824 : index
    %get3A_1939 = tpu.vector_load %arg6[%get3A_1938] {strides = array<i32>} : memref<13312xf32, #tpu.memory_space<vmem>>, vector<16xf32>,
    %get3A_1940 = vector.shape_cast %get3A_1939 : vector<16xf32> to vector<16xf32>
    %add3A_1941 = arith.addf %add3A_1937, %get3A_1940 : vector<16xf32>
    %get3A_1942 = arith.constant 2336 : index
    %get3A_1943 = tpu.vector_load %arg6[%get3A_1942] {strides = array<i32>} : memref<13312xf32, #tpu.memory_space<vmem>>, vector<16xf32>,
    %get3A_1944 = vector.shape_cast %get3A_1943 : vector<16xf32> to vector<16xf32>
    %add3A_1945 = arith.addf %add3A_1941, %get3A_1944 : vector<16xf32>
    %get3A_1946 = arith.constant 2848 : index
    %get3A_1947 = tpu.vector_load %arg6[%get3A_1946] {strides = array<i32>} : memref<13312xf32, #tpu.memory_space<vmem>>, vector<16xf32>,
    %get3A_1948 = vector.shape_cast %get3A_1947 : vector<16xf32> to vector<16xf32>
    %add3A_1949 = arith.addf %add3A_1945, %get3A_1948 : vector<16xf32>
    %get3A_1950 = arith.constant 3360 : index
    %get3A_1951 = tpu.vector_load %arg6[%get3A_1950] {strides = array<i32>} : memref<13312xf32, #tpu.memory_space<vmem>>, vector<16xf32>,
    %get3A_1952 = vector.shape_cast %get3A_1951 : vector<16xf32> to vector<16xf32>
    %add3A_1953 = arith.addf %add3A_1949, %get3A_1952 : vector<16xf32>
    %get3A_1954 = arith.constant 3872 : index
    %get3A_1955 = tpu.vector_load %arg6[%get3A_1954] {strides = array<i32>} : memref<13312xf32, #tpu.memory_space<vmem>>, vector<16xf32>,
    %get3A_1956 = vector.shape_cast %get3A_1955 : vector<16xf32> to vector<16xf32>
    %add3A_1957 = arith.addf %add3A_1953, %get3A_1956 : vector<16xf32>
    %get3A_1958 = arith.constant 4384 : index
    %get3A_1959 = tpu.vector_load %arg6[%get3A_1958] {strides = array<i32>} : memref<13312xf32, #tpu.memory_space<vmem>>, vector<16xf32>,
    %get3A_1960 = vector.shape_cast %get3A_1959 : vector<16xf32> to vector<16xf32>
    %add3A_1961 = arith.addf %add3A_1957, %get3A_1960 : vector<16xf32>
    %get3A_1962 = arith.constant 4896 : index
    %get3A_1963 = tpu.vector_load %arg6[%get3A_1962] {strides = array<i32>} : memref<13312xf32, #tpu.memory_space<vmem>>, vector<16xf32>,
    %get3A_1964 = vector.shape_cast %get3A_1963 : vector<16xf32> to vector<16xf32>
    %add3A_1965 = arith.addf %add3A_1961, %get3A_1964 : vector<16xf32>
    %get3A_1966 = arith.constant 5408 : index
    %get3A_1967 = tpu.vector_load %arg6[%get3A_1966] {strides = array<i32>} : memref<13312xf32, #tpu.memory_space<vmem>>, vector<16xf32>,
    %get3A_1968 = vector.shape_cast %get3A_1967 : vector<16xf32> to vector<16xf32>
    %add3A_1969 = arith.addf %add3A_1965, %get3A_1968 : vector<16xf32>
    %get3A_1970 = arith.constant 5920 : index
    %get3A_1971 = tpu.vector_load %arg6[%get3A_1970] {strides = array<i32>} : memref<13312xf32, #tpu.memory_space<vmem>>, vector<16xf32>,
    %get3A_1972 = vector.shape_cast %get3A_1971 : vector<16xf32> to vector<16xf32>
    %add3A_1973 = arith.addf %add3A_1969, %get3A_1972 : vector<16xf32>
    %get3A_1974 = arith.constant 6432 : index
    %get3A_1975 = tpu.vector_load %arg6[%get3A_1974] {strides = array<i32>} : memref<13312xf32, #tpu.memory_space<vmem>>, vector<16xf32>,
    %get3A_1976 = vector.shape_cast %get3A_1975 : vector<16xf32> to vector<16xf32>
    %add3A_1977 = arith.addf %add3A_1973, %get3A_1976 : vector<16xf32>
    %get3A_1978 = arith.constant 6944 : index
    %get3A_1979 = tpu.vector_load %arg6[%get3A_1978] {strides = array<i32>} : memref<13312xf32, #tpu.memory_space<vmem>>, vector<16xf32>,
    %get3A_1980 = vector.shape_cast %get3A_1979 : vector<16xf32> to vector<16xf32>
    %add3A_1981 = arith.addf %add3A_1977, %get3A_1980 : vector<16xf32>
    %get3A_1982 = arith.constant 7456 : index
    %get3A_1983 = tpu.vector_load %arg6[%get3A_1982] {strides = array<i32>} : memref<13312xf32, #tpu.memory_space<vmem>>, vector<16xf32>,
    %get3A_1984 = vector.shape_cast %get3A_1983 : vector<16xf32> to vector<16xf32>
    %add3A_1985 = arith.addf %add3A_1981, %get3A_1984 : vector<16xf32>
    %get3A_1986 = arith.constant 7968 : index
    %get3A_1987 = tpu.vector_load %arg6[%get3A_1986] {strides = array<i32>} : memref<13312xf32, #tpu.memory_space<vmem>>, vector<16xf32>,
    %get3A_1988 = vector.shape_cast %get3A_1987 : vector<16xf32> to vector<16xf32>
    %add3A_1989 = arith.addf %add3A_1985, %get3A_1988 : vector<16xf32>
    %get3A_1990 = arith.constant 8480 : index
    %get3A_1991 = tpu.vector_load %arg6[%get3A_1990] {strides = array<i32>} : memref<13312xf32, #tpu.memory_space<vmem>>, vector<16xf32>,
    %get3A_1992 = vector.shape_cast %get3A_1991 : vector<16xf32> to vector<16xf32>
    %add3A_1993 = arith.addf %add3A_1989, %get3A_1992 : vector<16xf32>
    %get3A_1994 = arith.constant 8992 : index
    %get3A_1995 = tpu.vector_load %arg6[%get3A_1994] {strides = array<i32>} : memref<13312xf32, #tpu.memory_space<vmem>>, vector<16xf32>,
    %get3A_1996 = vector.shape_cast %get3A_1995 : vector<16xf32> to vector<16xf32>
    %add3A_1997 = arith.addf %add3A_1993, %get3A_1996 : vector<16xf32>
    %get3A_1998 = arith.constant 9504 : index
    %get3A_1999 = tpu.vector_load %arg6[%get3A_1998] {strides = array<i32>} : memref<13312xf32, #tpu.memory_space<vmem>>, vector<16xf32>,
    %get3A_2000 = vector.shape_cast %get3A_1999 : vector<16xf32> to vector<16xf32>
    %add3A_2001 = arith.addf %add3A_1997, %get3A_2000 : vector<16xf32>
    %get3A_2002 = arith.constant 10016 : index
    %get3A_2003 = tpu.vector_load %arg6[%get3A_2002] {strides = array<i32>} : memref<13312xf32, #tpu.memory_space<vmem>>, vector<16xf32>,
    %get3A_2004 = vector.shape_cast %get3A_2003 : vector<16xf32> to vector<16xf32>
    %add3A_2005 = arith.addf %add3A_2001, %get3A_2004 : vector<16xf32>
    %get3A_2006 = arith.constant 10528 : index
    %get3A_2007 = tpu.vector_load %arg6[%get3A_2006] {strides = array<i32>} : memref<13312xf32, #tpu.memory_space<vmem>>, vector<16xf32>,
    %get3A_2008 = vector.shape_cast %get3A_2007 : vector<16xf32> to vector<16xf32>
    %add3A_2009 = arith.addf %add3A_2005, %get3A_2008 : vector<16xf32>
    %get3A_2010 = arith.constant 11040 : index
    %get3A_2011 = tpu.vector_load %arg6[%get3A_2010] {strides = array<i32>} : memref<13312xf32, #tpu.memory_space<vmem>>, vector<16xf32>,
    %get3A_2012 = vector.shape_cast %get3A_2011 : vector<16xf32> to vector<16xf32>
    %add3A_2013 = arith.addf %add3A_2009, %get3A_2012 : vector<16xf32>
    %get3A_2014 = arith.constant 11552 : index
    %get3A_2015 = tpu.vector_load %arg6[%get3A_2014] {strides = array<i32>} : memref<13312xf32, #tpu.memory_space<vmem>>, vector<16xf32>,
    %get3A_2016 = vector.shape_cast %get3A_2015 : vector<16xf32> to vector<16xf32>
    %add3A_2017 = arith.addf %add3A_2013, %get3A_2016 : vector<16xf32>
    %get3A_2018 = arith.constant 12064 : index
    %get3A_2019 = tpu.vector_load %arg6[%get3A_2018] {strides = array<i32>} : memref<13312xf32, #tpu.memory_space<vmem>>, vector<16xf32>,
    %get3A_2020 = vector.shape_cast %get3A_2019 : vector<16xf32> to vector<16xf32>
    %add3A_2021 = arith.addf %add3A_2017, %get3A_2020 : vector<16xf32>
    %get3A_2022 = arith.constant 12576 : index
    %get3A_2023 = tpu.vector_load %arg6[%get3A_2022] {strides = array<i32>} : memref<13312xf32, #tpu.memory_space<vmem>>, vector<16xf32>,
    %get3A_2024 = vector.shape_cast %get3A_2023 : vector<16xf32> to vector<16xf32>
    %add3A_2025 = arith.addf %add3A_2021, %get3A_2024 : vector<16xf32>
    %get3A_2026 = arith.constant 13088 : index
    %get3A_2027 = tpu.vector_load %arg6[%get3A_2026] {strides = array<i32>} : memref<13312xf32, #tpu.memory_space<vmem>>, vector<16xf32>,
    %get3A_2028 = vector.shape_cast %get3A_2027 : vector<16xf32> to vector<16xf32>
    %add3A_2029 = arith.addf %add3A_2025, %get3A_2028 : vector<16xf32>
    %swap3A_2030 = arith.constant 288 : index
    %swap3A_2031 = tpu.vector_load %arg7[%swap3A_2030] {strides = array<i32>} : memref<512xf32, #tpu.memory_space<vmem>>, vector<16xf32>,
    %swap3A_2032 = vector.shape_cast %swap3A_2031 : vector<16xf32> to vector<16xf32>
    %swap3A_2033 = vector.shape_cast %add3A_2029 : vector<16xf32> to vector<16xf32>
    tpu.vector_store %arg7[%swap3A_2030], %swap3A_2033 {strides = array<i32>} : memref<512xf32, #tpu.memory_space<vmem>>, vector<16xf32>,
    %get3A_2034 = arith.constant 304 : index
    %get3A_2035 = tpu.vector_load %arg6[%get3A_2034] {strides = array<i32>} : memref<13312xf32, #tpu.memory_space<vmem>>, vector<16xf32>,
    %get3A_2036 = vector.shape_cast %get3A_2035 : vector<16xf32> to vector<16xf32>
    %get3A_2037 = arith.constant 816 : index
    %get3A_2038 = tpu.vector_load %arg6[%get3A_2037] {strides = array<i32>} : memref<13312xf32, #tpu.memory_space<vmem>>, vector<16xf32>,
    %get3A_2039 = vector.shape_cast %get3A_2038 : vector<16xf32> to vector<16xf32>
    %add3A_2040 = arith.addf %get3A_2036, %get3A_2039 : vector<16xf32>
    %get3A_2041 = arith.constant 1328 : index
    %get3A_2042 = tpu.vector_load %arg6[%get3A_2041] {strides = array<i32>} : memref<13312xf32, #tpu.memory_space<vmem>>, vector<16xf32>,
    %get3A_2043 = vector.shape_cast %get3A_2042 : vector<16xf32> to vector<16xf32>
    %add3A_2044 = arith.addf %add3A_2040, %get3A_2043 : vector<16xf32>
    %get3A_2045 = arith.constant 1840 : index
    %get3A_2046 = tpu.vector_load %arg6[%get3A_2045] {strides = array<i32>} : memref<13312xf32, #tpu.memory_space<vmem>>, vector<16xf32>,
    %get3A_2047 = vector.shape_cast %get3A_2046 : vector<16xf32> to vector<16xf32>
    %add3A_2048 = arith.addf %add3A_2044, %get3A_2047 : vector<16xf32>
    %get3A_2049 = arith.constant 2352 : index
    %get3A_2050 = tpu.vector_load %arg6[%get3A_2049] {strides = array<i32>} : memref<13312xf32, #tpu.memory_space<vmem>>, vector<16xf32>,
    %get3A_2051 = vector.shape_cast %get3A_2050 : vector<16xf32> to vector<16xf32>
    %add3A_2052 = arith.addf %add3A_2048, %get3A_2051 : vector<16xf32>
    %get3A_2053 = arith.constant 2864 : index
    %get3A_2054 = tpu.vector_load %arg6[%get3A_2053] {strides = array<i32>} : memref<13312xf32, #tpu.memory_space<vmem>>, vector<16xf32>,
    %get3A_2055 = vector.shape_cast %get3A_2054 : vector<16xf32> to vector<16xf32>
    %add3A_2056 = arith.addf %add3A_2052, %get3A_2055 : vector<16xf32>
    %get3A_2057 = arith.constant 3376 : index
    %get3A_2058 = tpu.vector_load %arg6[%get3A_2057] {strides = array<i32>} : memref<13312xf32, #tpu.memory_space<vmem>>, vector<16xf32>,
    %get3A_2059 = vector.shape_cast %get3A_2058 : vector<16xf32> to vector<16xf32>
    %add3A_2060 = arith.addf %add3A_2056, %get3A_2059 : vector<16xf32>
    %get3A_2061 = arith.constant 3888 : index
    %get3A_2062 = tpu.vector_load %arg6[%get3A_2061] {strides = array<i32>} : memref<13312xf32, #tpu.memory_space<vmem>>, vector<16xf32>,
    %get3A_2063 = vector.shape_cast %get3A_2062 : vector<16xf32> to vector<16xf32>
    %add3A_2064 = arith.addf %add3A_2060, %get3A_2063 : vector<16xf32>
    %get3A_2065 = arith.constant 4400 : index
    %get3A_2066 = tpu.vector_load %arg6[%get3A_2065] {strides = array<i32>} : memref<13312xf32, #tpu.memory_space<vmem>>, vector<16xf32>,
    %get3A_2067 = vector.shape_cast %get3A_2066 : vector<16xf32> to vector<16xf32>
    %add3A_2068 = arith.addf %add3A_2064, %get3A_2067 : vector<16xf32>
    %get3A_2069 = arith.constant 4912 : index
    %get3A_2070 = tpu.vector_load %arg6[%get3A_2069] {strides = array<i32>} : memref<13312xf32, #tpu.memory_space<vmem>>, vector<16xf32>,
    %get3A_2071 = vector.shape_cast %get3A_2070 : vector<16xf32> to vector<16xf32>
    %add3A_2072 = arith.addf %add3A_2068, %get3A_2071 : vector<16xf32>
    %get3A_2073 = arith.constant 5424 : index
    %get3A_2074 = tpu.vector_load %arg6[%get3A_2073] {strides = array<i32>} : memref<13312xf32, #tpu.memory_space<vmem>>, vector<16xf32>,
    %get3A_2075 = vector.shape_cast %get3A_2074 : vector<16xf32> to vector<16xf32>
    %add3A_2076 = arith.addf %add3A_2072, %get3A_2075 : vector<16xf32>
    %get3A_2077 = arith.constant 5936 : index
    %get3A_2078 = tpu.vector_load %arg6[%get3A_2077] {strides = array<i32>} : memref<13312xf32, #tpu.memory_space<vmem>>, vector<16xf32>,
    %get3A_2079 = vector.shape_cast %get3A_2078 : vector<16xf32> to vector<16xf32>
    %add3A_2080 = arith.addf %add3A_2076, %get3A_2079 : vector<16xf32>
    %get3A_2081 = arith.constant 6448 : index
    %get3A_2082 = tpu.vector_load %arg6[%get3A_2081] {strides = array<i32>} : memref<13312xf32, #tpu.memory_space<vmem>>, vector<16xf32>,
    %get3A_2083 = vector.shape_cast %get3A_2082 : vector<16xf32> to vector<16xf32>
    %add3A_2084 = arith.addf %add3A_2080, %get3A_2083 : vector<16xf32>
    %get3A_2085 = arith.constant 6960 : index
    %get3A_2086 = tpu.vector_load %arg6[%get3A_2085] {strides = array<i32>} : memref<13312xf32, #tpu.memory_space<vmem>>, vector<16xf32>,
    %get3A_2087 = vector.shape_cast %get3A_2086 : vector<16xf32> to vector<16xf32>
    %add3A_2088 = arith.addf %add3A_2084, %get3A_2087 : vector<16xf32>
    %get3A_2089 = arith.constant 7472 : index
    %get3A_2090 = tpu.vector_load %arg6[%get3A_2089] {strides = array<i32>} : memref<13312xf32, #tpu.memory_space<vmem>>, vector<16xf32>,
    %get3A_2091 = vector.shape_cast %get3A_2090 : vector<16xf32> to vector<16xf32>
    %add3A_2092 = arith.addf %add3A_2088, %get3A_2091 : vector<16xf32>
    %get3A_2093 = arith.constant 7984 : index
    %get3A_2094 = tpu.vector_load %arg6[%get3A_2093] {strides = array<i32>} : memref<13312xf32, #tpu.memory_space<vmem>>, vector<16xf32>,
    %get3A_2095 = vector.shape_cast %get3A_2094 : vector<16xf32> to vector<16xf32>
    %add3A_2096 = arith.addf %add3A_2092, %get3A_2095 : vector<16xf32>
    %get3A_2097 = arith.constant 8496 : index
    %get3A_2098 = tpu.vector_load %arg6[%get3A_2097] {strides = array<i32>} : memref<13312xf32, #tpu.memory_space<vmem>>, vector<16xf32>,
    %get3A_2099 = vector.shape_cast %get3A_2098 : vector<16xf32> to vector<16xf32>
    %add3A_2100 = arith.addf %add3A_2096, %get3A_2099 : vector<16xf32>
    %get3A_2101 = arith.constant 9008 : index
    %get3A_2102 = tpu.vector_load %arg6[%get3A_2101] {strides = array<i32>} : memref<13312xf32, #tpu.memory_space<vmem>>, vector<16xf32>,
    %get3A_2103 = vector.shape_cast %get3A_2102 : vector<16xf32> to vector<16xf32>
    %add3A_2104 = arith.addf %add3A_2100, %get3A_2103 : vector<16xf32>
    %get3A_2105 = arith.constant 9520 : index
    %get3A_2106 = tpu.vector_load %arg6[%get3A_2105] {strides = array<i32>} : memref<13312xf32, #tpu.memory_space<vmem>>, vector<16xf32>,
    %get3A_2107 = vector.shape_cast %get3A_2106 : vector<16xf32> to vector<16xf32>
    %add3A_2108 = arith.addf %add3A_2104, %get3A_2107 : vector<16xf32>
    %get3A_2109 = arith.constant 10032 : index
    %get3A_2110 = tpu.vector_load %arg6[%get3A_2109] {strides = array<i32>} : memref<13312xf32, #tpu.memory_space<vmem>>, vector<16xf32>,
    %get3A_2111 = vector.shape_cast %get3A_2110 : vector<16xf32> to vector<16xf32>
    %add3A_2112 = arith.addf %add3A_2108, %get3A_2111 : vector<16xf32>
    %get3A_2113 = arith.constant 10544 : index
    %get3A_2114 = tpu.vector_load %arg6[%get3A_2113] {strides = array<i32>} : memref<13312xf32, #tpu.memory_space<vmem>>, vector<16xf32>,
    %get3A_2115 = vector.shape_cast %get3A_2114 : vector<16xf32> to vector<16xf32>
    %add3A_2116 = arith.addf %add3A_2112, %get3A_2115 : vector<16xf32>
    %get3A_2117 = arith.constant 11056 : index
    %get3A_2118 = tpu.vector_load %arg6[%get3A_2117] {strides = array<i32>} : memref<13312xf32, #tpu.memory_space<vmem>>, vector<16xf32>,
    %get3A_2119 = vector.shape_cast %get3A_2118 : vector<16xf32> to vector<16xf32>
    %add3A_2120 = arith.addf %add3A_2116, %get3A_2119 : vector<16xf32>
    %get3A_2121 = arith.constant 11568 : index
    %get3A_2122 = tpu.vector_load %arg6[%get3A_2121] {strides = array<i32>} : memref<13312xf32, #tpu.memory_space<vmem>>, vector<16xf32>,
    %get3A_2123 = vector.shape_cast %get3A_2122 : vector<16xf32> to vector<16xf32>
    %add3A_2124 = arith.addf %add3A_2120, %get3A_2123 : vector<16xf32>
    %get3A_2125 = arith.constant 12080 : index
    %get3A_2126 = tpu.vector_load %arg6[%get3A_2125] {strides = array<i32>} : memref<13312xf32, #tpu.memory_space<vmem>>, vector<16xf32>,
    %get3A_2127 = vector.shape_cast %get3A_2126 : vector<16xf32> to vector<16xf32>
    %add3A_2128 = arith.addf %add3A_2124, %get3A_2127 : vector<16xf32>
    %get3A_2129 = arith.constant 12592 : index
    %get3A_2130 = tpu.vector_load %arg6[%get3A_2129] {strides = array<i32>} : memref<13312xf32, #tpu.memory_space<vmem>>, vector<16xf32>,
    %get3A_2131 = vector.shape_cast %get3A_2130 : vector<16xf32> to vector<16xf32>
    %add3A_2132 = arith.addf %add3A_2128, %get3A_2131 : vector<16xf32>
    %get3A_2133 = arith.constant 13104 : index
    %get3A_2134 = tpu.vector_load %arg6[%get3A_2133] {strides = array<i32>} : memref<13312xf32, #tpu.memory_space<vmem>>, vector<16xf32>,
    %get3A_2135 = vector.shape_cast %get3A_2134 : vector<16xf32> to vector<16xf32>
    %add3A_2136 = arith.addf %add3A_2132, %get3A_2135 : vector<16xf32>
    %swap3A_2137 = arith.constant 304 : index
    %swap3A_2138 = tpu.vector_load %arg7[%swap3A_2137] {strides = array<i32>} : memref<512xf32, #tpu.memory_space<vmem>>, vector<16xf32>,
    %swap3A_2139 = vector.shape_cast %swap3A_2138 : vector<16xf32> to vector<16xf32>
    %swap3A_2140 = vector.shape_cast %add3A_2136 : vector<16xf32> to vector<16xf32>
    tpu.vector_store %arg7[%swap3A_2137], %swap3A_2140 {strides = array<i32>} : memref<512xf32, #tpu.memory_space<vmem>>, vector<16xf32>,
    %get3A_2141 = arith.constant 320 : index
    %get3A_2142 = tpu.vector_load %arg6[%get3A_2141] {strides = array<i32>} : memref<13312xf32, #tpu.memory_space<vmem>>, vector<16xf32>,
    %get3A_2143 = vector.shape_cast %get3A_2142 : vector<16xf32> to vector<16xf32>
    %get3A_2144 = arith.constant 832 : index
    %get3A_2145 = tpu.vector_load %arg6[%get3A_2144] {strides = array<i32>} : memref<13312xf32, #tpu.memory_space<vmem>>, vector<16xf32>,
    %get3A_2146 = vector.shape_cast %get3A_2145 : vector<16xf32> to vector<16xf32>
    %add3A_2147 = arith.addf %get3A_2143, %get3A_2146 : vector<16xf32>
    %get3A_2148 = arith.constant 1344 : index
    %get3A_2149 = tpu.vector_load %arg6[%get3A_2148] {strides = array<i32>} : memref<13312xf32, #tpu.memory_space<vmem>>, vector<16xf32>,
    %get3A_2150 = vector.shape_cast %get3A_2149 : vector<16xf32> to vector<16xf32>
    %add3A_2151 = arith.addf %add3A_2147, %get3A_2150 : vector<16xf32>
    %get3A_2152 = arith.constant 1856 : index
    %get3A_2153 = tpu.vector_load %arg6[%get3A_2152] {strides = array<i32>} : memref<13312xf32, #tpu.memory_space<vmem>>, vector<16xf32>,
    %get3A_2154 = vector.shape_cast %get3A_2153 : vector<16xf32> to vector<16xf32>
    %add3A_2155 = arith.addf %add3A_2151, %get3A_2154 : vector<16xf32>
    %get3A_2156 = arith.constant 2368 : index
    %get3A_2157 = tpu.vector_load %arg6[%get3A_2156] {strides = array<i32>} : memref<13312xf32, #tpu.memory_space<vmem>>, vector<16xf32>,
    %get3A_2158 = vector.shape_cast %get3A_2157 : vector<16xf32> to vector<16xf32>
    %add3A_2159 = arith.addf %add3A_2155, %get3A_2158 : vector<16xf32>
    %get3A_2160 = arith.constant 2880 : index
    %get3A_2161 = tpu.vector_load %arg6[%get3A_2160] {strides = array<i32>} : memref<13312xf32, #tpu.memory_space<vmem>>, vector<16xf32>,
    %get3A_2162 = vector.shape_cast %get3A_2161 : vector<16xf32> to vector<16xf32>
    %add3A_2163 = arith.addf %add3A_2159, %get3A_2162 : vector<16xf32>
    %get3A_2164 = arith.constant 3392 : index
    %get3A_2165 = tpu.vector_load %arg6[%get3A_2164] {strides = array<i32>} : memref<13312xf32, #tpu.memory_space<vmem>>, vector<16xf32>,
    %get3A_2166 = vector.shape_cast %get3A_2165 : vector<16xf32> to vector<16xf32>
    %add3A_2167 = arith.addf %add3A_2163, %get3A_2166 : vector<16xf32>
    %get3A_2168 = arith.constant 3904 : index
    %get3A_2169 = tpu.vector_load %arg6[%get3A_2168] {strides = array<i32>} : memref<13312xf32, #tpu.memory_space<vmem>>, vector<16xf32>,
    %get3A_2170 = vector.shape_cast %get3A_2169 : vector<16xf32> to vector<16xf32>
    %add3A_2171 = arith.addf %add3A_2167, %get3A_2170 : vector<16xf32>
    %get3A_2172 = arith.constant 4416 : index
    %get3A_2173 = tpu.vector_load %arg6[%get3A_2172] {strides = array<i32>} : memref<13312xf32, #tpu.memory_space<vmem>>, vector<16xf32>,
    %get3A_2174 = vector.shape_cast %get3A_2173 : vector<16xf32> to vector<16xf32>
    %add3A_2175 = arith.addf %add3A_2171, %get3A_2174 : vector<16xf32>
    %get3A_2176 = arith.constant 4928 : index
    %get3A_2177 = tpu.vector_load %arg6[%get3A_2176] {strides = array<i32>} : memref<13312xf32, #tpu.memory_space<vmem>>, vector<16xf32>,
    %get3A_2178 = vector.shape_cast %get3A_2177 : vector<16xf32> to vector<16xf32>
    %add3A_2179 = arith.addf %add3A_2175, %get3A_2178 : vector<16xf32>
    %get3A_2180 = arith.constant 5440 : index
    %get3A_2181 = tpu.vector_load %arg6[%get3A_2180] {strides = array<i32>} : memref<13312xf32, #tpu.memory_space<vmem>>, vector<16xf32>,
    %get3A_2182 = vector.shape_cast %get3A_2181 : vector<16xf32> to vector<16xf32>
    %add3A_2183 = arith.addf %add3A_2179, %get3A_2182 : vector<16xf32>
    %get3A_2184 = arith.constant 5952 : index
    %get3A_2185 = tpu.vector_load %arg6[%get3A_2184] {strides = array<i32>} : memref<13312xf32, #tpu.memory_space<vmem>>, vector<16xf32>,
    %get3A_2186 = vector.shape_cast %get3A_2185 : vector<16xf32> to vector<16xf32>
    %add3A_2187 = arith.addf %add3A_2183, %get3A_2186 : vector<16xf32>
    %get3A_2188 = arith.constant 6464 : index
    %get3A_2189 = tpu.vector_load %arg6[%get3A_2188] {strides = array<i32>} : memref<13312xf32, #tpu.memory_space<vmem>>, vector<16xf32>,
    %get3A_2190 = vector.shape_cast %get3A_2189 : vector<16xf32> to vector<16xf32>
    %add3A_2191 = arith.addf %add3A_2187, %get3A_2190 : vector<16xf32>
    %get3A_2192 = arith.constant 6976 : index
    %get3A_2193 = tpu.vector_load %arg6[%get3A_2192] {strides = array<i32>} : memref<13312xf32, #tpu.memory_space<vmem>>, vector<16xf32>,
    %get3A_2194 = vector.shape_cast %get3A_2193 : vector<16xf32> to vector<16xf32>
    %add3A_2195 = arith.addf %add3A_2191, %get3A_2194 : vector<16xf32>
    %get3A_2196 = arith.constant 7488 : index
    %get3A_2197 = tpu.vector_load %arg6[%get3A_2196] {strides = array<i32>} : memref<13312xf32, #tpu.memory_space<vmem>>, vector<16xf32>,
    %get3A_2198 = vector.shape_cast %get3A_2197 : vector<16xf32> to vector<16xf32>
    %add3A_2199 = arith.addf %add3A_2195, %get3A_2198 : vector<16xf32>
    %get3A_2200 = arith.constant 8000 : index
    %get3A_2201 = tpu.vector_load %arg6[%get3A_2200] {strides = array<i32>} : memref<13312xf32, #tpu.memory_space<vmem>>, vector<16xf32>,
    %get3A_2202 = vector.shape_cast %get3A_2201 : vector<16xf32> to vector<16xf32>
    %add3A_2203 = arith.addf %add3A_2199, %get3A_2202 : vector<16xf32>
    %get3A_2204 = arith.constant 8512 : index
    %get3A_2205 = tpu.vector_load %arg6[%get3A_2204] {strides = array<i32>} : memref<13312xf32, #tpu.memory_space<vmem>>, vector<16xf32>,
    %get3A_2206 = vector.shape_cast %get3A_2205 : vector<16xf32> to vector<16xf32>
    %add3A_2207 = arith.addf %add3A_2203, %get3A_2206 : vector<16xf32>
    %get3A_2208 = arith.constant 9024 : index
    %get3A_2209 = tpu.vector_load %arg6[%get3A_2208] {strides = array<i32>} : memref<13312xf32, #tpu.memory_space<vmem>>, vector<16xf32>,
    %get3A_2210 = vector.shape_cast %get3A_2209 : vector<16xf32> to vector<16xf32>
    %add3A_2211 = arith.addf %add3A_2207, %get3A_2210 : vector<16xf32>
    %get3A_2212 = arith.constant 9536 : index
    %get3A_2213 = tpu.vector_load %arg6[%get3A_2212] {strides = array<i32>} : memref<13312xf32, #tpu.memory_space<vmem>>, vector<16xf32>,
    %get3A_2214 = vector.shape_cast %get3A_2213 : vector<16xf32> to vector<16xf32>
    %add3A_2215 = arith.addf %add3A_2211, %get3A_2214 : vector<16xf32>
    %get3A_2216 = arith.constant 10048 : index
    %get3A_2217 = tpu.vector_load %arg6[%get3A_2216] {strides = array<i32>} : memref<13312xf32, #tpu.memory_space<vmem>>, vector<16xf32>,
    %get3A_2218 = vector.shape_cast %get3A_2217 : vector<16xf32> to vector<16xf32>
    %add3A_2219 = arith.addf %add3A_2215, %get3A_2218 : vector<16xf32>
    %get3A_2220 = arith.constant 10560 : index
    %get3A_2221 = tpu.vector_load %arg6[%get3A_2220] {strides = array<i32>} : memref<13312xf32, #tpu.memory_space<vmem>>, vector<16xf32>,
    %get3A_2222 = vector.shape_cast %get3A_2221 : vector<16xf32> to vector<16xf32>
    %add3A_2223 = arith.addf %add3A_2219, %get3A_2222 : vector<16xf32>
    %get3A_2224 = arith.constant 11072 : index
    %get3A_2225 = tpu.vector_load %arg6[%get3A_2224] {strides = array<i32>} : memref<13312xf32, #tpu.memory_space<vmem>>, vector<16xf32>,
    %get3A_2226 = vector.shape_cast %get3A_2225 : vector<16xf32> to vector<16xf32>
    %add3A_2227 = arith.addf %add3A_2223, %get3A_2226 : vector<16xf32>
    %get3A_2228 = arith.constant 11584 : index
    %get3A_2229 = tpu.vector_load %arg6[%get3A_2228] {strides = array<i32>} : memref<13312xf32, #tpu.memory_space<vmem>>, vector<16xf32>,
    %get3A_2230 = vector.shape_cast %get3A_2229 : vector<16xf32> to vector<16xf32>
    %add3A_2231 = arith.addf %add3A_2227, %get3A_2230 : vector<16xf32>
    %get3A_2232 = arith.constant 12096 : index
    %get3A_2233 = tpu.vector_load %arg6[%get3A_2232] {strides = array<i32>} : memref<13312xf32, #tpu.memory_space<vmem>>, vector<16xf32>,
    %get3A_2234 = vector.shape_cast %get3A_2233 : vector<16xf32> to vector<16xf32>
    %add3A_2235 = arith.addf %add3A_2231, %get3A_2234 : vector<16xf32>
    %get3A_2236 = arith.constant 12608 : index
    %get3A_2237 = tpu.vector_load %arg6[%get3A_2236] {strides = array<i32>} : memref<13312xf32, #tpu.memory_space<vmem>>, vector<16xf32>,
    %get3A_2238 = vector.shape_cast %get3A_2237 : vector<16xf32> to vector<16xf32>
    %add3A_2239 = arith.addf %add3A_2235, %get3A_2238 : vector<16xf32>
    %get3A_2240 = arith.constant 13120 : index
    %get3A_2241 = tpu.vector_load %arg6[%get3A_2240] {strides = array<i32>} : memref<13312xf32, #tpu.memory_space<vmem>>, vector<16xf32>,
    %get3A_2242 = vector.shape_cast %get3A_2241 : vector<16xf32> to vector<16xf32>
    %add3A_2243 = arith.addf %add3A_2239, %get3A_2242 : vector<16xf32>
    %swap3A_2244 = arith.constant 320 : index
    %swap3A_2245 = tpu.vector_load %arg7[%swap3A_2244] {strides = array<i32>} : memref<512xf32, #tpu.memory_space<vmem>>, vector<16xf32>,
    %swap3A_2246 = vector.shape_cast %swap3A_2245 : vector<16xf32> to vector<16xf32>
    %swap3A_2247 = vector.shape_cast %add3A_2243 : vector<16xf32> to vector<16xf32>
    tpu.vector_store %arg7[%swap3A_2244], %swap3A_2247 {strides = array<i32>} : memref<512xf32, #tpu.memory_space<vmem>>, vector<16xf32>,
    %get3A_2248 = arith.constant 336 : index
    %get3A_2249 = tpu.vector_load %arg6[%get3A_2248] {strides = array<i32>} : memref<13312xf32, #tpu.memory_space<vmem>>, vector<16xf32>,
    %get3A_2250 = vector.shape_cast %get3A_2249 : vector<16xf32> to vector<16xf32>
    %get3A_2251 = arith.constant 848 : index
    %get3A_2252 = tpu.vector_load %arg6[%get3A_2251] {strides = array<i32>} : memref<13312xf32, #tpu.memory_space<vmem>>, vector<16xf32>,
    %get3A_2253 = vector.shape_cast %get3A_2252 : vector<16xf32> to vector<16xf32>
    %add3A_2254 = arith.addf %get3A_2250, %get3A_2253 : vector<16xf32>
    %get3A_2255 = arith.constant 1360 : index
    %get3A_2256 = tpu.vector_load %arg6[%get3A_2255] {strides = array<i32>} : memref<13312xf32, #tpu.memory_space<vmem>>, vector<16xf32>,
    %get3A_2257 = vector.shape_cast %get3A_2256 : vector<16xf32> to vector<16xf32>
    %add3A_2258 = arith.addf %add3A_2254, %get3A_2257 : vector<16xf32>
    %get3A_2259 = arith.constant 1872 : index
    %get3A_2260 = tpu.vector_load %arg6[%get3A_2259] {strides = array<i32>} : memref<13312xf32, #tpu.memory_space<vmem>>, vector<16xf32>,
    %get3A_2261 = vector.shape_cast %get3A_2260 : vector<16xf32> to vector<16xf32>
    %add3A_2262 = arith.addf %add3A_2258, %get3A_2261 : vector<16xf32>
    %get3A_2263 = arith.constant 2384 : index
    %get3A_2264 = tpu.vector_load %arg6[%get3A_2263] {strides = array<i32>} : memref<13312xf32, #tpu.memory_space<vmem>>, vector<16xf32>,
    %get3A_2265 = vector.shape_cast %get3A_2264 : vector<16xf32> to vector<16xf32>
    %add3A_2266 = arith.addf %add3A_2262, %get3A_2265 : vector<16xf32>
    %get3A_2267 = arith.constant 2896 : index
    %get3A_2268 = tpu.vector_load %arg6[%get3A_2267] {strides = array<i32>} : memref<13312xf32, #tpu.memory_space<vmem>>, vector<16xf32>,
    %get3A_2269 = vector.shape_cast %get3A_2268 : vector<16xf32> to vector<16xf32>
    %add3A_2270 = arith.addf %add3A_2266, %get3A_2269 : vector<16xf32>
    %get3A_2271 = arith.constant 3408 : index
    %get3A_2272 = tpu.vector_load %arg6[%get3A_2271] {strides = array<i32>} : memref<13312xf32, #tpu.memory_space<vmem>>, vector<16xf32>,
    %get3A_2273 = vector.shape_cast %get3A_2272 : vector<16xf32> to vector<16xf32>
    %add3A_2274 = arith.addf %add3A_2270, %get3A_2273 : vector<16xf32>
    %get3A_2275 = arith.constant 3920 : index
    %get3A_2276 = tpu.vector_load %arg6[%get3A_2275] {strides = array<i32>} : memref<13312xf32, #tpu.memory_space<vmem>>, vector<16xf32>,
    %get3A_2277 = vector.shape_cast %get3A_2276 : vector<16xf32> to vector<16xf32>
    %add3A_2278 = arith.addf %add3A_2274, %get3A_2277 : vector<16xf32>
    %get3A_2279 = arith.constant 4432 : index
    %get3A_2280 = tpu.vector_load %arg6[%get3A_2279] {strides = array<i32>} : memref<13312xf32, #tpu.memory_space<vmem>>, vector<16xf32>,
    %get3A_2281 = vector.shape_cast %get3A_2280 : vector<16xf32> to vector<16xf32>
    %add3A_2282 = arith.addf %add3A_2278, %get3A_2281 : vector<16xf32>
    %get3A_2283 = arith.constant 4944 : index
    %get3A_2284 = tpu.vector_load %arg6[%get3A_2283] {strides = array<i32>} : memref<13312xf32, #tpu.memory_space<vmem>>, vector<16xf32>,
    %get3A_2285 = vector.shape_cast %get3A_2284 : vector<16xf32> to vector<16xf32>
    %add3A_2286 = arith.addf %add3A_2282, %get3A_2285 : vector<16xf32>
    %get3A_2287 = arith.constant 5456 : index
    %get3A_2288 = tpu.vector_load %arg6[%get3A_2287] {strides = array<i32>} : memref<13312xf32, #tpu.memory_space<vmem>>, vector<16xf32>,
    %get3A_2289 = vector.shape_cast %get3A_2288 : vector<16xf32> to vector<16xf32>
    %add3A_2290 = arith.addf %add3A_2286, %get3A_2289 : vector<16xf32>
    %get3A_2291 = arith.constant 5968 : index
    %get3A_2292 = tpu.vector_load %arg6[%get3A_2291] {strides = array<i32>} : memref<13312xf32, #tpu.memory_space<vmem>>, vector<16xf32>,
    %get3A_2293 = vector.shape_cast %get3A_2292 : vector<16xf32> to vector<16xf32>
    %add3A_2294 = arith.addf %add3A_2290, %get3A_2293 : vector<16xf32>
    %get3A_2295 = arith.constant 6480 : index
    %get3A_2296 = tpu.vector_load %arg6[%get3A_2295] {strides = array<i32>} : memref<13312xf32, #tpu.memory_space<vmem>>, vector<16xf32>,
    %get3A_2297 = vector.shape_cast %get3A_2296 : vector<16xf32> to vector<16xf32>
    %add3A_2298 = arith.addf %add3A_2294, %get3A_2297 : vector<16xf32>
    %get3A_2299 = arith.constant 6992 : index
    %get3A_2300 = tpu.vector_load %arg6[%get3A_2299] {strides = array<i32>} : memref<13312xf32, #tpu.memory_space<vmem>>, vector<16xf32>,
    %get3A_2301 = vector.shape_cast %get3A_2300 : vector<16xf32> to vector<16xf32>
    %add3A_2302 = arith.addf %add3A_2298, %get3A_2301 : vector<16xf32>
    %get3A_2303 = arith.constant 7504 : index
    %get3A_2304 = tpu.vector_load %arg6[%get3A_2303] {strides = array<i32>} : memref<13312xf32, #tpu.memory_space<vmem>>, vector<16xf32>,
    %get3A_2305 = vector.shape_cast %get3A_2304 : vector<16xf32> to vector<16xf32>
    %add3A_2306 = arith.addf %add3A_2302, %get3A_2305 : vector<16xf32>
    %get3A_2307 = arith.constant 8016 : index
    %get3A_2308 = tpu.vector_load %arg6[%get3A_2307] {strides = array<i32>} : memref<13312xf32, #tpu.memory_space<vmem>>, vector<16xf32>,
    %get3A_2309 = vector.shape_cast %get3A_2308 : vector<16xf32> to vector<16xf32>
    %add3A_2310 = arith.addf %add3A_2306, %get3A_2309 : vector<16xf32>
    %get3A_2311 = arith.constant 8528 : index
    %get3A_2312 = tpu.vector_load %arg6[%get3A_2311] {strides = array<i32>} : memref<13312xf32, #tpu.memory_space<vmem>>, vector<16xf32>,
    %get3A_2313 = vector.shape_cast %get3A_2312 : vector<16xf32> to vector<16xf32>
    %add3A_2314 = arith.addf %add3A_2310, %get3A_2313 : vector<16xf32>
    %get3A_2315 = arith.constant 9040 : index
    %get3A_2316 = tpu.vector_load %arg6[%get3A_2315] {strides = array<i32>} : memref<13312xf32, #tpu.memory_space<vmem>>, vector<16xf32>,
    %get3A_2317 = vector.shape_cast %get3A_2316 : vector<16xf32> to vector<16xf32>
    %add3A_2318 = arith.addf %add3A_2314, %get3A_2317 : vector<16xf32>
    %get3A_2319 = arith.constant 9552 : index
    %get3A_2320 = tpu.vector_load %arg6[%get3A_2319] {strides = array<i32>} : memref<13312xf32, #tpu.memory_space<vmem>>, vector<16xf32>,
    %get3A_2321 = vector.shape_cast %get3A_2320 : vector<16xf32> to vector<16xf32>
    %add3A_2322 = arith.addf %add3A_2318, %get3A_2321 : vector<16xf32>
    %get3A_2323 = arith.constant 10064 : index
    %get3A_2324 = tpu.vector_load %arg6[%get3A_2323] {strides = array<i32>} : memref<13312xf32, #tpu.memory_space<vmem>>, vector<16xf32>,
    %get3A_2325 = vector.shape_cast %get3A_2324 : vector<16xf32> to vector<16xf32>
    %add3A_2326 = arith.addf %add3A_2322, %get3A_2325 : vector<16xf32>
    %get3A_2327 = arith.constant 10576 : index
    %get3A_2328 = tpu.vector_load %arg6[%get3A_2327] {strides = array<i32>} : memref<13312xf32, #tpu.memory_space<vmem>>, vector<16xf32>,
    %get3A_2329 = vector.shape_cast %get3A_2328 : vector<16xf32> to vector<16xf32>
    %add3A_2330 = arith.addf %add3A_2326, %get3A_2329 : vector<16xf32>
    %get3A_2331 = arith.constant 11088 : index
    %get3A_2332 = tpu.vector_load %arg6[%get3A_2331] {strides = array<i32>} : memref<13312xf32, #tpu.memory_space<vmem>>, vector<16xf32>,
    %get3A_2333 = vector.shape_cast %get3A_2332 : vector<16xf32> to vector<16xf32>
    %add3A_2334 = arith.addf %add3A_2330, %get3A_2333 : vector<16xf32>
    %get3A_2335 = arith.constant 11600 : index
    %get3A_2336 = tpu.vector_load %arg6[%get3A_2335] {strides = array<i32>} : memref<13312xf32, #tpu.memory_space<vmem>>, vector<16xf32>,
    %get3A_2337 = vector.shape_cast %get3A_2336 : vector<16xf32> to vector<16xf32>
    %add3A_2338 = arith.addf %add3A_2334, %get3A_2337 : vector<16xf32>
    %get3A_2339 = arith.constant 12112 : index
    %get3A_2340 = tpu.vector_load %arg6[%get3A_2339] {strides = array<i32>} : memref<13312xf32, #tpu.memory_space<vmem>>, vector<16xf32>,
    %get3A_2341 = vector.shape_cast %get3A_2340 : vector<16xf32> to vector<16xf32>
    %add3A_2342 = arith.addf %add3A_2338, %get3A_2341 : vector<16xf32>
    %get3A_2343 = arith.constant 12624 : index
    %get3A_2344 = tpu.vector_load %arg6[%get3A_2343] {strides = array<i32>} : memref<13312xf32, #tpu.memory_space<vmem>>, vector<16xf32>,
    %get3A_2345 = vector.shape_cast %get3A_2344 : vector<16xf32> to vector<16xf32>
    %add3A_2346 = arith.addf %add3A_2342, %get3A_2345 : vector<16xf32>
    %get3A_2347 = arith.constant 13136 : index
    %get3A_2348 = tpu.vector_load %arg6[%get3A_2347] {strides = array<i32>} : memref<13312xf32, #tpu.memory_space<vmem>>, vector<16xf32>,
    %get3A_2349 = vector.shape_cast %get3A_2348 : vector<16xf32> to vector<16xf32>
    %add3A_2350 = arith.addf %add3A_2346, %get3A_2349 : vector<16xf32>
    %swap3A_2351 = arith.constant 336 : index
    %swap3A_2352 = tpu.vector_load %arg7[%swap3A_2351] {strides = array<i32>} : memref<512xf32, #tpu.memory_space<vmem>>, vector<16xf32>,
    %swap3A_2353 = vector.shape_cast %swap3A_2352 : vector<16xf32> to vector<16xf32>
    %swap3A_2354 = vector.shape_cast %add3A_2350 : vector<16xf32> to vector<16xf32>
    tpu.vector_store %arg7[%swap3A_2351], %swap3A_2354 {strides = array<i32>} : memref<512xf32, #tpu.memory_space<vmem>>, vector<16xf32>,
    %get3A_2355 = arith.constant 352 : index
    %get3A_2356 = tpu.vector_load %arg6[%get3A_2355] {strides = array<i32>} : memref<13312xf32, #tpu.memory_space<vmem>>, vector<16xf32>,
    %get3A_2357 = vector.shape_cast %get3A_2356 : vector<16xf32> to vector<16xf32>
    %get3A_2358 = arith.constant 864 : index
    %get3A_2359 = tpu.vector_load %arg6[%get3A_2358] {strides = array<i32>} : memref<13312xf32, #tpu.memory_space<vmem>>, vector<16xf32>,
    %get3A_2360 = vector.shape_cast %get3A_2359 : vector<16xf32> to vector<16xf32>
    %add3A_2361 = arith.addf %get3A_2357, %get3A_2360 : vector<16xf32>
    %get3A_2362 = arith.constant 1376 : index
    %get3A_2363 = tpu.vector_load %arg6[%get3A_2362] {strides = array<i32>} : memref<13312xf32, #tpu.memory_space<vmem>>, vector<16xf32>,
    %get3A_2364 = vector.shape_cast %get3A_2363 : vector<16xf32> to vector<16xf32>
    %add3A_2365 = arith.addf %add3A_2361, %get3A_2364 : vector<16xf32>
    %get3A_2366 = arith.constant 1888 : index
    %get3A_2367 = tpu.vector_load %arg6[%get3A_2366] {strides = array<i32>} : memref<13312xf32, #tpu.memory_space<vmem>>, vector<16xf32>,
    %get3A_2368 = vector.shape_cast %get3A_2367 : vector<16xf32> to vector<16xf32>
    %add3A_2369 = arith.addf %add3A_2365, %get3A_2368 : vector<16xf32>
    %get3A_2370 = arith.constant 2400 : index
    %get3A_2371 = tpu.vector_load %arg6[%get3A_2370] {strides = array<i32>} : memref<13312xf32, #tpu.memory_space<vmem>>, vector<16xf32>,
    %get3A_2372 = vector.shape_cast %get3A_2371 : vector<16xf32> to vector<16xf32>
    %add3A_2373 = arith.addf %add3A_2369, %get3A_2372 : vector<16xf32>
    %get3A_2374 = arith.constant 2912 : index
    %get3A_2375 = tpu.vector_load %arg6[%get3A_2374] {strides = array<i32>} : memref<13312xf32, #tpu.memory_space<vmem>>, vector<16xf32>,
    %get3A_2376 = vector.shape_cast %get3A_2375 : vector<16xf32> to vector<16xf32>
    %add3A_2377 = arith.addf %add3A_2373, %get3A_2376 : vector<16xf32>
    %get3A_2378 = arith.constant 3424 : index
    %get3A_2379 = tpu.vector_load %arg6[%get3A_2378] {strides = array<i32>} : memref<13312xf32, #tpu.memory_space<vmem>>, vector<16xf32>,
    %get3A_2380 = vector.shape_cast %get3A_2379 : vector<16xf32> to vector<16xf32>
    %add3A_2381 = arith.addf %add3A_2377, %get3A_2380 : vector<16xf32>
    %get3A_2382 = arith.constant 3936 : index
    %get3A_2383 = tpu.vector_load %arg6[%get3A_2382] {strides = array<i32>} : memref<13312xf32, #tpu.memory_space<vmem>>, vector<16xf32>,
    %get3A_2384 = vector.shape_cast %get3A_2383 : vector<16xf32> to vector<16xf32>
    %add3A_2385 = arith.addf %add3A_2381, %get3A_2384 : vector<16xf32>
    %get3A_2386 = arith.constant 4448 : index
    %get3A_2387 = tpu.vector_load %arg6[%get3A_2386] {strides = array<i32>} : memref<13312xf32, #tpu.memory_space<vmem>>, vector<16xf32>,
    %get3A_2388 = vector.shape_cast %get3A_2387 : vector<16xf32> to vector<16xf32>
    %add3A_2389 = arith.addf %add3A_2385, %get3A_2388 : vector<16xf32>
    %get3A_2390 = arith.constant 4960 : index
    %get3A_2391 = tpu.vector_load %arg6[%get3A_2390] {strides = array<i32>} : memref<13312xf32, #tpu.memory_space<vmem>>, vector<16xf32>,
    %get3A_2392 = vector.shape_cast %get3A_2391 : vector<16xf32> to vector<16xf32>
    %add3A_2393 = arith.addf %add3A_2389, %get3A_2392 : vector<16xf32>
    %get3A_2394 = arith.constant 5472 : index
    %get3A_2395 = tpu.vector_load %arg6[%get3A_2394] {strides = array<i32>} : memref<13312xf32, #tpu.memory_space<vmem>>, vector<16xf32>,
    %get3A_2396 = vector.shape_cast %get3A_2395 : vector<16xf32> to vector<16xf32>
    %add3A_2397 = arith.addf %add3A_2393, %get3A_2396 : vector<16xf32>
    %get3A_2398 = arith.constant 5984 : index
    %get3A_2399 = tpu.vector_load %arg6[%get3A_2398] {strides = array<i32>} : memref<13312xf32, #tpu.memory_space<vmem>>, vector<16xf32>,
    %get3A_2400 = vector.shape_cast %get3A_2399 : vector<16xf32> to vector<16xf32>
    %add3A_2401 = arith.addf %add3A_2397, %get3A_2400 : vector<16xf32>
    %get3A_2402 = arith.constant 6496 : index
    %get3A_2403 = tpu.vector_load %arg6[%get3A_2402] {strides = array<i32>} : memref<13312xf32, #tpu.memory_space<vmem>>, vector<16xf32>,
    %get3A_2404 = vector.shape_cast %get3A_2403 : vector<16xf32> to vector<16xf32>
    %add3A_2405 = arith.addf %add3A_2401, %get3A_2404 : vector<16xf32>
    %get3A_2406 = arith.constant 7008 : index
    %get3A_2407 = tpu.vector_load %arg6[%get3A_2406] {strides = array<i32>} : memref<13312xf32, #tpu.memory_space<vmem>>, vector<16xf32>,
    %get3A_2408 = vector.shape_cast %get3A_2407 : vector<16xf32> to vector<16xf32>
    %add3A_2409 = arith.addf %add3A_2405, %get3A_2408 : vector<16xf32>
    %get3A_2410 = arith.constant 7520 : index
    %get3A_2411 = tpu.vector_load %arg6[%get3A_2410] {strides = array<i32>} : memref<13312xf32, #tpu.memory_space<vmem>>, vector<16xf32>,
    %get3A_2412 = vector.shape_cast %get3A_2411 : vector<16xf32> to vector<16xf32>
    %add3A_2413 = arith.addf %add3A_2409, %get3A_2412 : vector<16xf32>
    %get3A_2414 = arith.constant 8032 : index
    %get3A_2415 = tpu.vector_load %arg6[%get3A_2414] {strides = array<i32>} : memref<13312xf32, #tpu.memory_space<vmem>>, vector<16xf32>,
    %get3A_2416 = vector.shape_cast %get3A_2415 : vector<16xf32> to vector<16xf32>
    %add3A_2417 = arith.addf %add3A_2413, %get3A_2416 : vector<16xf32>
    %get3A_2418 = arith.constant 8544 : index
    %get3A_2419 = tpu.vector_load %arg6[%get3A_2418] {strides = array<i32>} : memref<13312xf32, #tpu.memory_space<vmem>>, vector<16xf32>,
    %get3A_2420 = vector.shape_cast %get3A_2419 : vector<16xf32> to vector<16xf32>
    %add3A_2421 = arith.addf %add3A_2417, %get3A_2420 : vector<16xf32>
    %get3A_2422 = arith.constant 9056 : index
    %get3A_2423 = tpu.vector_load %arg6[%get3A_2422] {strides = array<i32>} : memref<13312xf32, #tpu.memory_space<vmem>>, vector<16xf32>,
    %get3A_2424 = vector.shape_cast %get3A_2423 : vector<16xf32> to vector<16xf32>
    %add3A_2425 = arith.addf %add3A_2421, %get3A_2424 : vector<16xf32>
    %get3A_2426 = arith.constant 9568 : index
    %get3A_2427 = tpu.vector_load %arg6[%get3A_2426] {strides = array<i32>} : memref<13312xf32, #tpu.memory_space<vmem>>, vector<16xf32>,
    %get3A_2428 = vector.shape_cast %get3A_2427 : vector<16xf32> to vector<16xf32>
    %add3A_2429 = arith.addf %add3A_2425, %get3A_2428 : vector<16xf32>
    %get3A_2430 = arith.constant 10080 : index
    %get3A_2431 = tpu.vector_load %arg6[%get3A_2430] {strides = array<i32>} : memref<13312xf32, #tpu.memory_space<vmem>>, vector<16xf32>,
    %get3A_2432 = vector.shape_cast %get3A_2431 : vector<16xf32> to vector<16xf32>
    %add3A_2433 = arith.addf %add3A_2429, %get3A_2432 : vector<16xf32>
    %get3A_2434 = arith.constant 10592 : index
    %get3A_2435 = tpu.vector_load %arg6[%get3A_2434] {strides = array<i32>} : memref<13312xf32, #tpu.memory_space<vmem>>, vector<16xf32>,
    %get3A_2436 = vector.shape_cast %get3A_2435 : vector<16xf32> to vector<16xf32>
    %add3A_2437 = arith.addf %add3A_2433, %get3A_2436 : vector<16xf32>
    %get3A_2438 = arith.constant 11104 : index
    %get3A_2439 = tpu.vector_load %arg6[%get3A_2438] {strides = array<i32>} : memref<13312xf32, #tpu.memory_space<vmem>>, vector<16xf32>,
    %get3A_2440 = vector.shape_cast %get3A_2439 : vector<16xf32> to vector<16xf32>
    %add3A_2441 = arith.addf %add3A_2437, %get3A_2440 : vector<16xf32>
    %get3A_2442 = arith.constant 11616 : index
    %get3A_2443 = tpu.vector_load %arg6[%get3A_2442] {strides = array<i32>} : memref<13312xf32, #tpu.memory_space<vmem>>, vector<16xf32>,
    %get3A_2444 = vector.shape_cast %get3A_2443 : vector<16xf32> to vector<16xf32>
    %add3A_2445 = arith.addf %add3A_2441, %get3A_2444 : vector<16xf32>
    %get3A_2446 = arith.constant 12128 : index
    %get3A_2447 = tpu.vector_load %arg6[%get3A_2446] {strides = array<i32>} : memref<13312xf32, #tpu.memory_space<vmem>>, vector<16xf32>,
    %get3A_2448 = vector.shape_cast %get3A_2447 : vector<16xf32> to vector<16xf32>
    %add3A_2449 = arith.addf %add3A_2445, %get3A_2448 : vector<16xf32>
    %get3A_2450 = arith.constant 12640 : index
    %get3A_2451 = tpu.vector_load %arg6[%get3A_2450] {strides = array<i32>} : memref<13312xf32, #tpu.memory_space<vmem>>, vector<16xf32>,
    %get3A_2452 = vector.shape_cast %get3A_2451 : vector<16xf32> to vector<16xf32>
    %add3A_2453 = arith.addf %add3A_2449, %get3A_2452 : vector<16xf32>
    %get3A_2454 = arith.constant 13152 : index
    %get3A_2455 = tpu.vector_load %arg6[%get3A_2454] {strides = array<i32>} : memref<13312xf32, #tpu.memory_space<vmem>>, vector<16xf32>,
    %get3A_2456 = vector.shape_cast %get3A_2455 : vector<16xf32> to vector<16xf32>
    %add3A_2457 = arith.addf %add3A_2453, %get3A_2456 : vector<16xf32>
    %swap3A_2458 = arith.constant 352 : index
    %swap3A_2459 = tpu.vector_load %arg7[%swap3A_2458] {strides = array<i32>} : memref<512xf32, #tpu.memory_space<vmem>>, vector<16xf32>,
    %swap3A_2460 = vector.shape_cast %swap3A_2459 : vector<16xf32> to vector<16xf32>
    %swap3A_2461 = vector.shape_cast %add3A_2457 : vector<16xf32> to vector<16xf32>
    tpu.vector_store %arg7[%swap3A_2458], %swap3A_2461 {strides = array<i32>} : memref<512xf32, #tpu.memory_space<vmem>>, vector<16xf32>,
    %get3A_2462 = arith.constant 368 : index
    %get3A_2463 = tpu.vector_load %arg6[%get3A_2462] {strides = array<i32>} : memref<13312xf32, #tpu.memory_space<vmem>>, vector<16xf32>,
    %get3A_2464 = vector.shape_cast %get3A_2463 : vector<16xf32> to vector<16xf32>
    %get3A_2465 = arith.constant 880 : index
    %get3A_2466 = tpu.vector_load %arg6[%get3A_2465] {strides = array<i32>} : memref<13312xf32, #tpu.memory_space<vmem>>, vector<16xf32>,
    %get3A_2467 = vector.shape_cast %get3A_2466 : vector<16xf32> to vector<16xf32>
    %add3A_2468 = arith.addf %get3A_2464, %get3A_2467 : vector<16xf32>
    %get3A_2469 = arith.constant 1392 : index
    %get3A_2470 = tpu.vector_load %arg6[%get3A_2469] {strides = array<i32>} : memref<13312xf32, #tpu.memory_space<vmem>>, vector<16xf32>,
    %get3A_2471 = vector.shape_cast %get3A_2470 : vector<16xf32> to vector<16xf32>
    %add3A_2472 = arith.addf %add3A_2468, %get3A_2471 : vector<16xf32>
    %get3A_2473 = arith.constant 1904 : index
    %get3A_2474 = tpu.vector_load %arg6[%get3A_2473] {strides = array<i32>} : memref<13312xf32, #tpu.memory_space<vmem>>, vector<16xf32>,
    %get3A_2475 = vector.shape_cast %get3A_2474 : vector<16xf32> to vector<16xf32>
    %add3A_2476 = arith.addf %add3A_2472, %get3A_2475 : vector<16xf32>
    %get3A_2477 = arith.constant 2416 : index
    %get3A_2478 = tpu.vector_load %arg6[%get3A_2477] {strides = array<i32>} : memref<13312xf32, #tpu.memory_space<vmem>>, vector<16xf32>,
    %get3A_2479 = vector.shape_cast %get3A_2478 : vector<16xf32> to vector<16xf32>
    %add3A_2480 = arith.addf %add3A_2476, %get3A_2479 : vector<16xf32>
    %get3A_2481 = arith.constant 2928 : index
    %get3A_2482 = tpu.vector_load %arg6[%get3A_2481] {strides = array<i32>} : memref<13312xf32, #tpu.memory_space<vmem>>, vector<16xf32>,
    %get3A_2483 = vector.shape_cast %get3A_2482 : vector<16xf32> to vector<16xf32>
    %add3A_2484 = arith.addf %add3A_2480, %get3A_2483 : vector<16xf32>
    %get3A_2485 = arith.constant 3440 : index
    %get3A_2486 = tpu.vector_load %arg6[%get3A_2485] {strides = array<i32>} : memref<13312xf32, #tpu.memory_space<vmem>>, vector<16xf32>,
    %get3A_2487 = vector.shape_cast %get3A_2486 : vector<16xf32> to vector<16xf32>
    %add3A_2488 = arith.addf %add3A_2484, %get3A_2487 : vector<16xf32>
    %get3A_2489 = arith.constant 3952 : index
    %get3A_2490 = tpu.vector_load %arg6[%get3A_2489] {strides = array<i32>} : memref<13312xf32, #tpu.memory_space<vmem>>, vector<16xf32>,
    %get3A_2491 = vector.shape_cast %get3A_2490 : vector<16xf32> to vector<16xf32>
    %add3A_2492 = arith.addf %add3A_2488, %get3A_2491 : vector<16xf32>
    %get3A_2493 = arith.constant 4464 : index
    %get3A_2494 = tpu.vector_load %arg6[%get3A_2493] {strides = array<i32>} : memref<13312xf32, #tpu.memory_space<vmem>>, vector<16xf32>,
    %get3A_2495 = vector.shape_cast %get3A_2494 : vector<16xf32> to vector<16xf32>
    %add3A_2496 = arith.addf %add3A_2492, %get3A_2495 : vector<16xf32>
    %get3A_2497 = arith.constant 4976 : index
    %get3A_2498 = tpu.vector_load %arg6[%get3A_2497] {strides = array<i32>} : memref<13312xf32, #tpu.memory_space<vmem>>, vector<16xf32>,
    %get3A_2499 = vector.shape_cast %get3A_2498 : vector<16xf32> to vector<16xf32>
    %add3A_2500 = arith.addf %add3A_2496, %get3A_2499 : vector<16xf32>
    %get3A_2501 = arith.constant 5488 : index
    %get3A_2502 = tpu.vector_load %arg6[%get3A_2501] {strides = array<i32>} : memref<13312xf32, #tpu.memory_space<vmem>>, vector<16xf32>,
    %get3A_2503 = vector.shape_cast %get3A_2502 : vector<16xf32> to vector<16xf32>
    %add3A_2504 = arith.addf %add3A_2500, %get3A_2503 : vector<16xf32>
    %get3A_2505 = arith.constant 6000 : index
    %get3A_2506 = tpu.vector_load %arg6[%get3A_2505] {strides = array<i32>} : memref<13312xf32, #tpu.memory_space<vmem>>, vector<16xf32>,
    %get3A_2507 = vector.shape_cast %get3A_2506 : vector<16xf32> to vector<16xf32>
    %add3A_2508 = arith.addf %add3A_2504, %get3A_2507 : vector<16xf32>
    %get3A_2509 = arith.constant 6512 : index
    %get3A_2510 = tpu.vector_load %arg6[%get3A_2509] {strides = array<i32>} : memref<13312xf32, #tpu.memory_space<vmem>>, vector<16xf32>,
    %get3A_2511 = vector.shape_cast %get3A_2510 : vector<16xf32> to vector<16xf32>
    %add3A_2512 = arith.addf %add3A_2508, %get3A_2511 : vector<16xf32>
    %get3A_2513 = arith.constant 7024 : index
    %get3A_2514 = tpu.vector_load %arg6[%get3A_2513] {strides = array<i32>} : memref<13312xf32, #tpu.memory_space<vmem>>, vector<16xf32>,
    %get3A_2515 = vector.shape_cast %get3A_2514 : vector<16xf32> to vector<16xf32>
    %add3A_2516 = arith.addf %add3A_2512, %get3A_2515 : vector<16xf32>
    %get3A_2517 = arith.constant 7536 : index
    %get3A_2518 = tpu.vector_load %arg6[%get3A_2517] {strides = array<i32>} : memref<13312xf32, #tpu.memory_space<vmem>>, vector<16xf32>,
    %get3A_2519 = vector.shape_cast %get3A_2518 : vector<16xf32> to vector<16xf32>
    %add3A_2520 = arith.addf %add3A_2516, %get3A_2519 : vector<16xf32>
    %get3A_2521 = arith.constant 8048 : index
    %get3A_2522 = tpu.vector_load %arg6[%get3A_2521] {strides = array<i32>} : memref<13312xf32, #tpu.memory_space<vmem>>, vector<16xf32>,
    %get3A_2523 = vector.shape_cast %get3A_2522 : vector<16xf32> to vector<16xf32>
    %add3A_2524 = arith.addf %add3A_2520, %get3A_2523 : vector<16xf32>
    %get3A_2525 = arith.constant 8560 : index
    %get3A_2526 = tpu.vector_load %arg6[%get3A_2525] {strides = array<i32>} : memref<13312xf32, #tpu.memory_space<vmem>>, vector<16xf32>,
    %get3A_2527 = vector.shape_cast %get3A_2526 : vector<16xf32> to vector<16xf32>
    %add3A_2528 = arith.addf %add3A_2524, %get3A_2527 : vector<16xf32>
    %get3A_2529 = arith.constant 9072 : index
    %get3A_2530 = tpu.vector_load %arg6[%get3A_2529] {strides = array<i32>} : memref<13312xf32, #tpu.memory_space<vmem>>, vector<16xf32>,
    %get3A_2531 = vector.shape_cast %get3A_2530 : vector<16xf32> to vector<16xf32>
    %add3A_2532 = arith.addf %add3A_2528, %get3A_2531 : vector<16xf32>
    %get3A_2533 = arith.constant 9584 : index
    %get3A_2534 = tpu.vector_load %arg6[%get3A_2533] {strides = array<i32>} : memref<13312xf32, #tpu.memory_space<vmem>>, vector<16xf32>,
    %get3A_2535 = vector.shape_cast %get3A_2534 : vector<16xf32> to vector<16xf32>
    %add3A_2536 = arith.addf %add3A_2532, %get3A_2535 : vector<16xf32>
    %get3A_2537 = arith.constant 10096 : index
    %get3A_2538 = tpu.vector_load %arg6[%get3A_2537] {strides = array<i32>} : memref<13312xf32, #tpu.memory_space<vmem>>, vector<16xf32>,
    %get3A_2539 = vector.shape_cast %get3A_2538 : vector<16xf32> to vector<16xf32>
    %add3A_2540 = arith.addf %add3A_2536, %get3A_2539 : vector<16xf32>
    %get3A_2541 = arith.constant 10608 : index
    %get3A_2542 = tpu.vector_load %arg6[%get3A_2541] {strides = array<i32>} : memref<13312xf32, #tpu.memory_space<vmem>>, vector<16xf32>,
    %get3A_2543 = vector.shape_cast %get3A_2542 : vector<16xf32> to vector<16xf32>
    %add3A_2544 = arith.addf %add3A_2540, %get3A_2543 : vector<16xf32>
    %get3A_2545 = arith.constant 11120 : index
    %get3A_2546 = tpu.vector_load %arg6[%get3A_2545] {strides = array<i32>} : memref<13312xf32, #tpu.memory_space<vmem>>, vector<16xf32>,
    %get3A_2547 = vector.shape_cast %get3A_2546 : vector<16xf32> to vector<16xf32>
    %add3A_2548 = arith.addf %add3A_2544, %get3A_2547 : vector<16xf32>
    %get3A_2549 = arith.constant 11632 : index
    %get3A_2550 = tpu.vector_load %arg6[%get3A_2549] {strides = array<i32>} : memref<13312xf32, #tpu.memory_space<vmem>>, vector<16xf32>,
    %get3A_2551 = vector.shape_cast %get3A_2550 : vector<16xf32> to vector<16xf32>
    %add3A_2552 = arith.addf %add3A_2548, %get3A_2551 : vector<16xf32>
    %get3A_2553 = arith.constant 12144 : index
    %get3A_2554 = tpu.vector_load %arg6[%get3A_2553] {strides = array<i32>} : memref<13312xf32, #tpu.memory_space<vmem>>, vector<16xf32>,
    %get3A_2555 = vector.shape_cast %get3A_2554 : vector<16xf32> to vector<16xf32>
    %add3A_2556 = arith.addf %add3A_2552, %get3A_2555 : vector<16xf32>
    %get3A_2557 = arith.constant 12656 : index
    %get3A_2558 = tpu.vector_load %arg6[%get3A_2557] {strides = array<i32>} : memref<13312xf32, #tpu.memory_space<vmem>>, vector<16xf32>,
    %get3A_2559 = vector.shape_cast %get3A_2558 : vector<16xf32> to vector<16xf32>
    %add3A_2560 = arith.addf %add3A_2556, %get3A_2559 : vector<16xf32>
    %get3A_2561 = arith.constant 13168 : index
    %get3A_2562 = tpu.vector_load %arg6[%get3A_2561] {strides = array<i32>} : memref<13312xf32, #tpu.memory_space<vmem>>, vector<16xf32>,
    %get3A_2563 = vector.shape_cast %get3A_2562 : vector<16xf32> to vector<16xf32>
    %add3A_2564 = arith.addf %add3A_2560, %get3A_2563 : vector<16xf32>
    %swap3A_2565 = arith.constant 368 : index
    %swap3A_2566 = tpu.vector_load %arg7[%swap3A_2565] {strides = array<i32>} : memref<512xf32, #tpu.memory_space<vmem>>, vector<16xf32>,
    %swap3A_2567 = vector.shape_cast %swap3A_2566 : vector<16xf32> to vector<16xf32>
    %swap3A_2568 = vector.shape_cast %add3A_2564 : vector<16xf32> to vector<16xf32>
    tpu.vector_store %arg7[%swap3A_2565], %swap3A_2568 {strides = array<i32>} : memref<512xf32, #tpu.memory_space<vmem>>, vector<16xf32>,
    %get3A_2569 = arith.constant 384 : index
    %get3A_2570 = tpu.vector_load %arg6[%get3A_2569] {strides = array<i32>} : memref<13312xf32, #tpu.memory_space<vmem>>, vector<16xf32>,
    %get3A_2571 = vector.shape_cast %get3A_2570 : vector<16xf32> to vector<16xf32>
    %get3A_2572 = arith.constant 896 : index
    %get3A_2573 = tpu.vector_load %arg6[%get3A_2572] {strides = array<i32>} : memref<13312xf32, #tpu.memory_space<vmem>>, vector<16xf32>,
    %get3A_2574 = vector.shape_cast %get3A_2573 : vector<16xf32> to vector<16xf32>
    %add3A_2575 = arith.addf %get3A_2571, %get3A_2574 : vector<16xf32>
    %get3A_2576 = arith.constant 1408 : index
    %get3A_2577 = tpu.vector_load %arg6[%get3A_2576] {strides = array<i32>} : memref<13312xf32, #tpu.memory_space<vmem>>, vector<16xf32>,
    %get3A_2578 = vector.shape_cast %get3A_2577 : vector<16xf32> to vector<16xf32>
    %add3A_2579 = arith.addf %add3A_2575, %get3A_2578 : vector<16xf32>
    %get3A_2580 = arith.constant 1920 : index
    %get3A_2581 = tpu.vector_load %arg6[%get3A_2580] {strides = array<i32>} : memref<13312xf32, #tpu.memory_space<vmem>>, vector<16xf32>,
    %get3A_2582 = vector.shape_cast %get3A_2581 : vector<16xf32> to vector<16xf32>
    %add3A_2583 = arith.addf %add3A_2579, %get3A_2582 : vector<16xf32>
    %get3A_2584 = arith.constant 2432 : index
    %get3A_2585 = tpu.vector_load %arg6[%get3A_2584] {strides = array<i32>} : memref<13312xf32, #tpu.memory_space<vmem>>, vector<16xf32>,
    %get3A_2586 = vector.shape_cast %get3A_2585 : vector<16xf32> to vector<16xf32>
    %add3A_2587 = arith.addf %add3A_2583, %get3A_2586 : vector<16xf32>
    %get3A_2588 = arith.constant 2944 : index
    %get3A_2589 = tpu.vector_load %arg6[%get3A_2588] {strides = array<i32>} : memref<13312xf32, #tpu.memory_space<vmem>>, vector<16xf32>,
    %get3A_2590 = vector.shape_cast %get3A_2589 : vector<16xf32> to vector<16xf32>
    %add3A_2591 = arith.addf %add3A_2587, %get3A_2590 : vector<16xf32>
    %get3A_2592 = arith.constant 3456 : index
    %get3A_2593 = tpu.vector_load %arg6[%get3A_2592] {strides = array<i32>} : memref<13312xf32, #tpu.memory_space<vmem>>, vector<16xf32>,
    %get3A_2594 = vector.shape_cast %get3A_2593 : vector<16xf32> to vector<16xf32>
    %add3A_2595 = arith.addf %add3A_2591, %get3A_2594 : vector<16xf32>
    %get3A_2596 = arith.constant 3968 : index
    %get3A_2597 = tpu.vector_load %arg6[%get3A_2596] {strides = array<i32>} : memref<13312xf32, #tpu.memory_space<vmem>>, vector<16xf32>,
    %get3A_2598 = vector.shape_cast %get3A_2597 : vector<16xf32> to vector<16xf32>
    %add3A_2599 = arith.addf %add3A_2595, %get3A_2598 : vector<16xf32>
    %get3A_2600 = arith.constant 4480 : index
    %get3A_2601 = tpu.vector_load %arg6[%get3A_2600] {strides = array<i32>} : memref<13312xf32, #tpu.memory_space<vmem>>, vector<16xf32>,
    %get3A_2602 = vector.shape_cast %get3A_2601 : vector<16xf32> to vector<16xf32>
    %add3A_2603 = arith.addf %add3A_2599, %get3A_2602 : vector<16xf32>
    %get3A_2604 = arith.constant 4992 : index
    %get3A_2605 = tpu.vector_load %arg6[%get3A_2604] {strides = array<i32>} : memref<13312xf32, #tpu.memory_space<vmem>>, vector<16xf32>,
    %get3A_2606 = vector.shape_cast %get3A_2605 : vector<16xf32> to vector<16xf32>
    %add3A_2607 = arith.addf %add3A_2603, %get3A_2606 : vector<16xf32>
    %get3A_2608 = arith.constant 5504 : index
    %get3A_2609 = tpu.vector_load %arg6[%get3A_2608] {strides = array<i32>} : memref<13312xf32, #tpu.memory_space<vmem>>, vector<16xf32>,
    %get3A_2610 = vector.shape_cast %get3A_2609 : vector<16xf32> to vector<16xf32>
    %add3A_2611 = arith.addf %add3A_2607, %get3A_2610 : vector<16xf32>
    %get3A_2612 = arith.constant 6016 : index
    %get3A_2613 = tpu.vector_load %arg6[%get3A_2612] {strides = array<i32>} : memref<13312xf32, #tpu.memory_space<vmem>>, vector<16xf32>,
    %get3A_2614 = vector.shape_cast %get3A_2613 : vector<16xf32> to vector<16xf32>
    %add3A_2615 = arith.addf %add3A_2611, %get3A_2614 : vector<16xf32>
    %get3A_2616 = arith.constant 6528 : index
    %get3A_2617 = tpu.vector_load %arg6[%get3A_2616] {strides = array<i32>} : memref<13312xf32, #tpu.memory_space<vmem>>, vector<16xf32>,
    %get3A_2618 = vector.shape_cast %get3A_2617 : vector<16xf32> to vector<16xf32>
    %add3A_2619 = arith.addf %add3A_2615, %get3A_2618 : vector<16xf32>
    %get3A_2620 = arith.constant 7040 : index
    %get3A_2621 = tpu.vector_load %arg6[%get3A_2620] {strides = array<i32>} : memref<13312xf32, #tpu.memory_space<vmem>>, vector<16xf32>,
    %get3A_2622 = vector.shape_cast %get3A_2621 : vector<16xf32> to vector<16xf32>
    %add3A_2623 = arith.addf %add3A_2619, %get3A_2622 : vector<16xf32>
    %get3A_2624 = arith.constant 7552 : index
    %get3A_2625 = tpu.vector_load %arg6[%get3A_2624] {strides = array<i32>} : memref<13312xf32, #tpu.memory_space<vmem>>, vector<16xf32>,
    %get3A_2626 = vector.shape_cast %get3A_2625 : vector<16xf32> to vector<16xf32>
    %add3A_2627 = arith.addf %add3A_2623, %get3A_2626 : vector<16xf32>
    %get3A_2628 = arith.constant 8064 : index
    %get3A_2629 = tpu.vector_load %arg6[%get3A_2628] {strides = array<i32>} : memref<13312xf32, #tpu.memory_space<vmem>>, vector<16xf32>,
    %get3A_2630 = vector.shape_cast %get3A_2629 : vector<16xf32> to vector<16xf32>
    %add3A_2631 = arith.addf %add3A_2627, %get3A_2630 : vector<16xf32>
    %get3A_2632 = arith.constant 8576 : index
    %get3A_2633 = tpu.vector_load %arg6[%get3A_2632] {strides = array<i32>} : memref<13312xf32, #tpu.memory_space<vmem>>, vector<16xf32>,
    %get3A_2634 = vector.shape_cast %get3A_2633 : vector<16xf32> to vector<16xf32>
    %add3A_2635 = arith.addf %add3A_2631, %get3A_2634 : vector<16xf32>
    %get3A_2636 = arith.constant 9088 : index
    %get3A_2637 = tpu.vector_load %arg6[%get3A_2636] {strides = array<i32>} : memref<13312xf32, #tpu.memory_space<vmem>>, vector<16xf32>,
    %get3A_2638 = vector.shape_cast %get3A_2637 : vector<16xf32> to vector<16xf32>
    %add3A_2639 = arith.addf %add3A_2635, %get3A_2638 : vector<16xf32>
    %get3A_2640 = arith.constant 9600 : index
    %get3A_2641 = tpu.vector_load %arg6[%get3A_2640] {strides = array<i32>} : memref<13312xf32, #tpu.memory_space<vmem>>, vector<16xf32>,
    %get3A_2642 = vector.shape_cast %get3A_2641 : vector<16xf32> to vector<16xf32>
    %add3A_2643 = arith.addf %add3A_2639, %get3A_2642 : vector<16xf32>
    %get3A_2644 = arith.constant 10112 : index
    %get3A_2645 = tpu.vector_load %arg6[%get3A_2644] {strides = array<i32>} : memref<13312xf32, #tpu.memory_space<vmem>>, vector<16xf32>,
    %get3A_2646 = vector.shape_cast %get3A_2645 : vector<16xf32> to vector<16xf32>
    %add3A_2647 = arith.addf %add3A_2643, %get3A_2646 : vector<16xf32>
    %get3A_2648 = arith.constant 10624 : index
    %get3A_2649 = tpu.vector_load %arg6[%get3A_2648] {strides = array<i32>} : memref<13312xf32, #tpu.memory_space<vmem>>, vector<16xf32>,
    %get3A_2650 = vector.shape_cast %get3A_2649 : vector<16xf32> to vector<16xf32>
    %add3A_2651 = arith.addf %add3A_2647, %get3A_2650 : vector<16xf32>
    %get3A_2652 = arith.constant 11136 : index
    %get3A_2653 = tpu.vector_load %arg6[%get3A_2652] {strides = array<i32>} : memref<13312xf32, #tpu.memory_space<vmem>>, vector<16xf32>,
    %get3A_2654 = vector.shape_cast %get3A_2653 : vector<16xf32> to vector<16xf32>
    %add3A_2655 = arith.addf %add3A_2651, %get3A_2654 : vector<16xf32>
    %get3A_2656 = arith.constant 11648 : index
    %get3A_2657 = tpu.vector_load %arg6[%get3A_2656] {strides = array<i32>} : memref<13312xf32, #tpu.memory_space<vmem>>, vector<16xf32>,
    %get3A_2658 = vector.shape_cast %get3A_2657 : vector<16xf32> to vector<16xf32>
    %add3A_2659 = arith.addf %add3A_2655, %get3A_2658 : vector<16xf32>
    %get3A_2660 = arith.constant 12160 : index
    %get3A_2661 = tpu.vector_load %arg6[%get3A_2660] {strides = array<i32>} : memref<13312xf32, #tpu.memory_space<vmem>>, vector<16xf32>,
    %get3A_2662 = vector.shape_cast %get3A_2661 : vector<16xf32> to vector<16xf32>
    %add3A_2663 = arith.addf %add3A_2659, %get3A_2662 : vector<16xf32>
    %get3A_2664 = arith.constant 12672 : index
    %get3A_2665 = tpu.vector_load %arg6[%get3A_2664] {strides = array<i32>} : memref<13312xf32, #tpu.memory_space<vmem>>, vector<16xf32>,
    %get3A_2666 = vector.shape_cast %get3A_2665 : vector<16xf32> to vector<16xf32>
    %add3A_2667 = arith.addf %add3A_2663, %get3A_2666 : vector<16xf32>
    %get3A_2668 = arith.constant 13184 : index
    %get3A_2669 = tpu.vector_load %arg6[%get3A_2668] {strides = array<i32>} : memref<13312xf32, #tpu.memory_space<vmem>>, vector<16xf32>,
    %get3A_2670 = vector.shape_cast %get3A_2669 : vector<16xf32> to vector<16xf32>
    %add3A_2671 = arith.addf %add3A_2667, %get3A_2670 : vector<16xf32>
    %swap3A_2672 = arith.constant 384 : index
    %swap3A_2673 = tpu.vector_load %arg7[%swap3A_2672] {strides = array<i32>} : memref<512xf32, #tpu.memory_space<vmem>>, vector<16xf32>,
    %swap3A_2674 = vector.shape_cast %swap3A_2673 : vector<16xf32> to vector<16xf32>
    %swap3A_2675 = vector.shape_cast %add3A_2671 : vector<16xf32> to vector<16xf32>
    tpu.vector_store %arg7[%swap3A_2672], %swap3A_2675 {strides = array<i32>} : memref<512xf32, #tpu.memory_space<vmem>>, vector<16xf32>,
    %get3A_2676 = arith.constant 400 : index
    %get3A_2677 = tpu.vector_load %arg6[%get3A_2676] {strides = array<i32>} : memref<13312xf32, #tpu.memory_space<vmem>>, vector<16xf32>,
    %get3A_2678 = vector.shape_cast %get3A_2677 : vector<16xf32> to vector<16xf32>
    %get3A_2679 = arith.constant 912 : index
    %get3A_2680 = tpu.vector_load %arg6[%get3A_2679] {strides = array<i32>} : memref<13312xf32, #tpu.memory_space<vmem>>, vector<16xf32>,
    %get3A_2681 = vector.shape_cast %get3A_2680 : vector<16xf32> to vector<16xf32>
    %add3A_2682 = arith.addf %get3A_2678, %get3A_2681 : vector<16xf32>
    %get3A_2683 = arith.constant 1424 : index
    %get3A_2684 = tpu.vector_load %arg6[%get3A_2683] {strides = array<i32>} : memref<13312xf32, #tpu.memory_space<vmem>>, vector<16xf32>,
    %get3A_2685 = vector.shape_cast %get3A_2684 : vector<16xf32> to vector<16xf32>
    %add3A_2686 = arith.addf %add3A_2682, %get3A_2685 : vector<16xf32>
    %get3A_2687 = arith.constant 1936 : index
    %get3A_2688 = tpu.vector_load %arg6[%get3A_2687] {strides = array<i32>} : memref<13312xf32, #tpu.memory_space<vmem>>, vector<16xf32>,
    %get3A_2689 = vector.shape_cast %get3A_2688 : vector<16xf32> to vector<16xf32>
    %add3A_2690 = arith.addf %add3A_2686, %get3A_2689 : vector<16xf32>
    %get3A_2691 = arith.constant 2448 : index
    %get3A_2692 = tpu.vector_load %arg6[%get3A_2691] {strides = array<i32>} : memref<13312xf32, #tpu.memory_space<vmem>>, vector<16xf32>,
    %get3A_2693 = vector.shape_cast %get3A_2692 : vector<16xf32> to vector<16xf32>
    %add3A_2694 = arith.addf %add3A_2690, %get3A_2693 : vector<16xf32>
    %get3A_2695 = arith.constant 2960 : index
    %get3A_2696 = tpu.vector_load %arg6[%get3A_2695] {strides = array<i32>} : memref<13312xf32, #tpu.memory_space<vmem>>, vector<16xf32>,
    %get3A_2697 = vector.shape_cast %get3A_2696 : vector<16xf32> to vector<16xf32>
    %add3A_2698 = arith.addf %add3A_2694, %get3A_2697 : vector<16xf32>
    %get3A_2699 = arith.constant 3472 : index
    %get3A_2700 = tpu.vector_load %arg6[%get3A_2699] {strides = array<i32>} : memref<13312xf32, #tpu.memory_space<vmem>>, vector<16xf32>,
    %get3A_2701 = vector.shape_cast %get3A_2700 : vector<16xf32> to vector<16xf32>
    %add3A_2702 = arith.addf %add3A_2698, %get3A_2701 : vector<16xf32>
    %get3A_2703 = arith.constant 3984 : index
    %get3A_2704 = tpu.vector_load %arg6[%get3A_2703] {strides = array<i32>} : memref<13312xf32, #tpu.memory_space<vmem>>, vector<16xf32>,
    %get3A_2705 = vector.shape_cast %get3A_2704 : vector<16xf32> to vector<16xf32>
    %add3A_2706 = arith.addf %add3A_2702, %get3A_2705 : vector<16xf32>
    %get3A_2707 = arith.constant 4496 : index
    %get3A_2708 = tpu.vector_load %arg6[%get3A_2707] {strides = array<i32>} : memref<13312xf32, #tpu.memory_space<vmem>>, vector<16xf32>,
    %get3A_2709 = vector.shape_cast %get3A_2708 : vector<16xf32> to vector<16xf32>
    %add3A_2710 = arith.addf %add3A_2706, %get3A_2709 : vector<16xf32>
    %get3A_2711 = arith.constant 5008 : index
    %get3A_2712 = tpu.vector_load %arg6[%get3A_2711] {strides = array<i32>} : memref<13312xf32, #tpu.memory_space<vmem>>, vector<16xf32>,
    %get3A_2713 = vector.shape_cast %get3A_2712 : vector<16xf32> to vector<16xf32>
    %add3A_2714 = arith.addf %add3A_2710, %get3A_2713 : vector<16xf32>
    %get3A_2715 = arith.constant 5520 : index
    %get3A_2716 = tpu.vector_load %arg6[%get3A_2715] {strides = array<i32>} : memref<13312xf32, #tpu.memory_space<vmem>>, vector<16xf32>,
    %get3A_2717 = vector.shape_cast %get3A_2716 : vector<16xf32> to vector<16xf32>
    %add3A_2718 = arith.addf %add3A_2714, %get3A_2717 : vector<16xf32>
    %get3A_2719 = arith.constant 6032 : index
    %get3A_2720 = tpu.vector_load %arg6[%get3A_2719] {strides = array<i32>} : memref<13312xf32, #tpu.memory_space<vmem>>, vector<16xf32>,
    %get3A_2721 = vector.shape_cast %get3A_2720 : vector<16xf32> to vector<16xf32>
    %add3A_2722 = arith.addf %add3A_2718, %get3A_2721 : vector<16xf32>
    %get3A_2723 = arith.constant 6544 : index
    %get3A_2724 = tpu.vector_load %arg6[%get3A_2723] {strides = array<i32>} : memref<13312xf32, #tpu.memory_space<vmem>>, vector<16xf32>,
    %get3A_2725 = vector.shape_cast %get3A_2724 : vector<16xf32> to vector<16xf32>
    %add3A_2726 = arith.addf %add3A_2722, %get3A_2725 : vector<16xf32>
    %get3A_2727 = arith.constant 7056 : index
    %get3A_2728 = tpu.vector_load %arg6[%get3A_2727] {strides = array<i32>} : memref<13312xf32, #tpu.memory_space<vmem>>, vector<16xf32>,
    %get3A_2729 = vector.shape_cast %get3A_2728 : vector<16xf32> to vector<16xf32>
    %add3A_2730 = arith.addf %add3A_2726, %get3A_2729 : vector<16xf32>
    %get3A_2731 = arith.constant 7568 : index
    %get3A_2732 = tpu.vector_load %arg6[%get3A_2731] {strides = array<i32>} : memref<13312xf32, #tpu.memory_space<vmem>>, vector<16xf32>,
    %get3A_2733 = vector.shape_cast %get3A_2732 : vector<16xf32> to vector<16xf32>
    %add3A_2734 = arith.addf %add3A_2730, %get3A_2733 : vector<16xf32>
    %get3A_2735 = arith.constant 8080 : index
    %get3A_2736 = tpu.vector_load %arg6[%get3A_2735] {strides = array<i32>} : memref<13312xf32, #tpu.memory_space<vmem>>, vector<16xf32>,
    %get3A_2737 = vector.shape_cast %get3A_2736 : vector<16xf32> to vector<16xf32>
    %add3A_2738 = arith.addf %add3A_2734, %get3A_2737 : vector<16xf32>
    %get3A_2739 = arith.constant 8592 : index
    %get3A_2740 = tpu.vector_load %arg6[%get3A_2739] {strides = array<i32>} : memref<13312xf32, #tpu.memory_space<vmem>>, vector<16xf32>,
    %get3A_2741 = vector.shape_cast %get3A_2740 : vector<16xf32> to vector<16xf32>
    %add3A_2742 = arith.addf %add3A_2738, %get3A_2741 : vector<16xf32>
    %get3A_2743 = arith.constant 9104 : index
    %get3A_2744 = tpu.vector_load %arg6[%get3A_2743] {strides = array<i32>} : memref<13312xf32, #tpu.memory_space<vmem>>, vector<16xf32>,
    %get3A_2745 = vector.shape_cast %get3A_2744 : vector<16xf32> to vector<16xf32>
    %add3A_2746 = arith.addf %add3A_2742, %get3A_2745 : vector<16xf32>
    %get3A_2747 = arith.constant 9616 : index
    %get3A_2748 = tpu.vector_load %arg6[%get3A_2747] {strides = array<i32>} : memref<13312xf32, #tpu.memory_space<vmem>>, vector<16xf32>,
    %get3A_2749 = vector.shape_cast %get3A_2748 : vector<16xf32> to vector<16xf32>
    %add3A_2750 = arith.addf %add3A_2746, %get3A_2749 : vector<16xf32>
    %get3A_2751 = arith.constant 10128 : index
    %get3A_2752 = tpu.vector_load %arg6[%get3A_2751] {strides = array<i32>} : memref<13312xf32, #tpu.memory_space<vmem>>, vector<16xf32>,
    %get3A_2753 = vector.shape_cast %get3A_2752 : vector<16xf32> to vector<16xf32>
    %add3A_2754 = arith.addf %add3A_2750, %get3A_2753 : vector<16xf32>
    %get3A_2755 = arith.constant 10640 : index
    %get3A_2756 = tpu.vector_load %arg6[%get3A_2755] {strides = array<i32>} : memref<13312xf32, #tpu.memory_space<vmem>>, vector<16xf32>,
    %get3A_2757 = vector.shape_cast %get3A_2756 : vector<16xf32> to vector<16xf32>
    %add3A_2758 = arith.addf %add3A_2754, %get3A_2757 : vector<16xf32>
    %get3A_2759 = arith.constant 11152 : index
    %get3A_2760 = tpu.vector_load %arg6[%get3A_2759] {strides = array<i32>} : memref<13312xf32, #tpu.memory_space<vmem>>, vector<16xf32>,
    %get3A_2761 = vector.shape_cast %get3A_2760 : vector<16xf32> to vector<16xf32>
    %add3A_2762 = arith.addf %add3A_2758, %get3A_2761 : vector<16xf32>
    %get3A_2763 = arith.constant 11664 : index
    %get3A_2764 = tpu.vector_load %arg6[%get3A_2763] {strides = array<i32>} : memref<13312xf32, #tpu.memory_space<vmem>>, vector<16xf32>,
    %get3A_2765 = vector.shape_cast %get3A_2764 : vector<16xf32> to vector<16xf32>
    %add3A_2766 = arith.addf %add3A_2762, %get3A_2765 : vector<16xf32>
    %get3A_2767 = arith.constant 12176 : index
    %get3A_2768 = tpu.vector_load %arg6[%get3A_2767] {strides = array<i32>} : memref<13312xf32, #tpu.memory_space<vmem>>, vector<16xf32>,
    %get3A_2769 = vector.shape_cast %get3A_2768 : vector<16xf32> to vector<16xf32>
    %add3A_2770 = arith.addf %add3A_2766, %get3A_2769 : vector<16xf32>
    %get3A_2771 = arith.constant 12688 : index
    %get3A_2772 = tpu.vector_load %arg6[%get3A_2771] {strides = array<i32>} : memref<13312xf32, #tpu.memory_space<vmem>>, vector<16xf32>,
    %get3A_2773 = vector.shape_cast %get3A_2772 : vector<16xf32> to vector<16xf32>
    %add3A_2774 = arith.addf %add3A_2770, %get3A_2773 : vector<16xf32>
    %get3A_2775 = arith.constant 13200 : index
    %get3A_2776 = tpu.vector_load %arg6[%get3A_2775] {strides = array<i32>} : memref<13312xf32, #tpu.memory_space<vmem>>, vector<16xf32>,
    %get3A_2777 = vector.shape_cast %get3A_2776 : vector<16xf32> to vector<16xf32>
    %add3A_2778 = arith.addf %add3A_2774, %get3A_2777 : vector<16xf32>
    %swap3A_2779 = arith.constant 400 : index
    %swap3A_2780 = tpu.vector_load %arg7[%swap3A_2779] {strides = array<i32>} : memref<512xf32, #tpu.memory_space<vmem>>, vector<16xf32>,
    %swap3A_2781 = vector.shape_cast %swap3A_2780 : vector<16xf32> to vector<16xf32>
    %swap3A_2782 = vector.shape_cast %add3A_2778 : vector<16xf32> to vector<16xf32>
    tpu.vector_store %arg7[%swap3A_2779], %swap3A_2782 {strides = array<i32>} : memref<512xf32, #tpu.memory_space<vmem>>, vector<16xf32>,
    %get3A_2783 = arith.constant 416 : index
    %get3A_2784 = tpu.vector_load %arg6[%get3A_2783] {strides = array<i32>} : memref<13312xf32, #tpu.memory_space<vmem>>, vector<16xf32>,
    %get3A_2785 = vector.shape_cast %get3A_2784 : vector<16xf32> to vector<16xf32>
    %get3A_2786 = arith.constant 928 : index
    %get3A_2787 = tpu.vector_load %arg6[%get3A_2786] {strides = array<i32>} : memref<13312xf32, #tpu.memory_space<vmem>>, vector<16xf32>,
    %get3A_2788 = vector.shape_cast %get3A_2787 : vector<16xf32> to vector<16xf32>
    %add3A_2789 = arith.addf %get3A_2785, %get3A_2788 : vector<16xf32>
    %get3A_2790 = arith.constant 1440 : index
    %get3A_2791 = tpu.vector_load %arg6[%get3A_2790] {strides = array<i32>} : memref<13312xf32, #tpu.memory_space<vmem>>, vector<16xf32>,
    %get3A_2792 = vector.shape_cast %get3A_2791 : vector<16xf32> to vector<16xf32>
    %add3A_2793 = arith.addf %add3A_2789, %get3A_2792 : vector<16xf32>
    %get3A_2794 = arith.constant 1952 : index
    %get3A_2795 = tpu.vector_load %arg6[%get3A_2794] {strides = array<i32>} : memref<13312xf32, #tpu.memory_space<vmem>>, vector<16xf32>,
    %get3A_2796 = vector.shape_cast %get3A_2795 : vector<16xf32> to vector<16xf32>
    %add3A_2797 = arith.addf %add3A_2793, %get3A_2796 : vector<16xf32>
    %get3A_2798 = arith.constant 2464 : index
    %get3A_2799 = tpu.vector_load %arg6[%get3A_2798] {strides = array<i32>} : memref<13312xf32, #tpu.memory_space<vmem>>, vector<16xf32>,
    %get3A_2800 = vector.shape_cast %get3A_2799 : vector<16xf32> to vector<16xf32>
    %add3A_2801 = arith.addf %add3A_2797, %get3A_2800 : vector<16xf32>
    %get3A_2802 = arith.constant 2976 : index
    %get3A_2803 = tpu.vector_load %arg6[%get3A_2802] {strides = array<i32>} : memref<13312xf32, #tpu.memory_space<vmem>>, vector<16xf32>,
    %get3A_2804 = vector.shape_cast %get3A_2803 : vector<16xf32> to vector<16xf32>
    %add3A_2805 = arith.addf %add3A_2801, %get3A_2804 : vector<16xf32>
    %get3A_2806 = arith.constant 3488 : index
    %get3A_2807 = tpu.vector_load %arg6[%get3A_2806] {strides = array<i32>} : memref<13312xf32, #tpu.memory_space<vmem>>, vector<16xf32>,
    %get3A_2808 = vector.shape_cast %get3A_2807 : vector<16xf32> to vector<16xf32>
    %add3A_2809 = arith.addf %add3A_2805, %get3A_2808 : vector<16xf32>
    %get3A_2810 = arith.constant 4000 : index
    %get3A_2811 = tpu.vector_load %arg6[%get3A_2810] {strides = array<i32>} : memref<13312xf32, #tpu.memory_space<vmem>>, vector<16xf32>,
    %get3A_2812 = vector.shape_cast %get3A_2811 : vector<16xf32> to vector<16xf32>
    %add3A_2813 = arith.addf %add3A_2809, %get3A_2812 : vector<16xf32>
    %get3A_2814 = arith.constant 4512 : index
    %get3A_2815 = tpu.vector_load %arg6[%get3A_2814] {strides = array<i32>} : memref<13312xf32, #tpu.memory_space<vmem>>, vector<16xf32>,
    %get3A_2816 = vector.shape_cast %get3A_2815 : vector<16xf32> to vector<16xf32>
    %add3A_2817 = arith.addf %add3A_2813, %get3A_2816 : vector<16xf32>
    %get3A_2818 = arith.constant 5024 : index
    %get3A_2819 = tpu.vector_load %arg6[%get3A_2818] {strides = array<i32>} : memref<13312xf32, #tpu.memory_space<vmem>>, vector<16xf32>,
    %get3A_2820 = vector.shape_cast %get3A_2819 : vector<16xf32> to vector<16xf32>
    %add3A_2821 = arith.addf %add3A_2817, %get3A_2820 : vector<16xf32>
    %get3A_2822 = arith.constant 5536 : index
    %get3A_2823 = tpu.vector_load %arg6[%get3A_2822] {strides = array<i32>} : memref<13312xf32, #tpu.memory_space<vmem>>, vector<16xf32>,
    %get3A_2824 = vector.shape_cast %get3A_2823 : vector<16xf32> to vector<16xf32>
    %add3A_2825 = arith.addf %add3A_2821, %get3A_2824 : vector<16xf32>
    %get3A_2826 = arith.constant 6048 : index
    %get3A_2827 = tpu.vector_load %arg6[%get3A_2826] {strides = array<i32>} : memref<13312xf32, #tpu.memory_space<vmem>>, vector<16xf32>,
    %get3A_2828 = vector.shape_cast %get3A_2827 : vector<16xf32> to vector<16xf32>
    %add3A_2829 = arith.addf %add3A_2825, %get3A_2828 : vector<16xf32>
    %get3A_2830 = arith.constant 6560 : index
    %get3A_2831 = tpu.vector_load %arg6[%get3A_2830] {strides = array<i32>} : memref<13312xf32, #tpu.memory_space<vmem>>, vector<16xf32>,
    %get3A_2832 = vector.shape_cast %get3A_2831 : vector<16xf32> to vector<16xf32>
    %add3A_2833 = arith.addf %add3A_2829, %get3A_2832 : vector<16xf32>
    %get3A_2834 = arith.constant 7072 : index
    %get3A_2835 = tpu.vector_load %arg6[%get3A_2834] {strides = array<i32>} : memref<13312xf32, #tpu.memory_space<vmem>>, vector<16xf32>,
    %get3A_2836 = vector.shape_cast %get3A_2835 : vector<16xf32> to vector<16xf32>
    %add3A_2837 = arith.addf %add3A_2833, %get3A_2836 : vector<16xf32>
    %get3A_2838 = arith.constant 7584 : index
    %get3A_2839 = tpu.vector_load %arg6[%get3A_2838] {strides = array<i32>} : memref<13312xf32, #tpu.memory_space<vmem>>, vector<16xf32>,
    %get3A_2840 = vector.shape_cast %get3A_2839 : vector<16xf32> to vector<16xf32>
    %add3A_2841 = arith.addf %add3A_2837, %get3A_2840 : vector<16xf32>
    %get3A_2842 = arith.constant 8096 : index
    %get3A_2843 = tpu.vector_load %arg6[%get3A_2842] {strides = array<i32>} : memref<13312xf32, #tpu.memory_space<vmem>>, vector<16xf32>,
    %get3A_2844 = vector.shape_cast %get3A_2843 : vector<16xf32> to vector<16xf32>
    %add3A_2845 = arith.addf %add3A_2841, %get3A_2844 : vector<16xf32>
    %get3A_2846 = arith.constant 8608 : index
    %get3A_2847 = tpu.vector_load %arg6[%get3A_2846] {strides = array<i32>} : memref<13312xf32, #tpu.memory_space<vmem>>, vector<16xf32>,
    %get3A_2848 = vector.shape_cast %get3A_2847 : vector<16xf32> to vector<16xf32>
    %add3A_2849 = arith.addf %add3A_2845, %get3A_2848 : vector<16xf32>
    %get3A_2850 = arith.constant 9120 : index
    %get3A_2851 = tpu.vector_load %arg6[%get3A_2850] {strides = array<i32>} : memref<13312xf32, #tpu.memory_space<vmem>>, vector<16xf32>,
    %get3A_2852 = vector.shape_cast %get3A_2851 : vector<16xf32> to vector<16xf32>
    %add3A_2853 = arith.addf %add3A_2849, %get3A_2852 : vector<16xf32>
    %get3A_2854 = arith.constant 9632 : index
    %get3A_2855 = tpu.vector_load %arg6[%get3A_2854] {strides = array<i32>} : memref<13312xf32, #tpu.memory_space<vmem>>, vector<16xf32>,
    %get3A_2856 = vector.shape_cast %get3A_2855 : vector<16xf32> to vector<16xf32>
    %add3A_2857 = arith.addf %add3A_2853, %get3A_2856 : vector<16xf32>
    %get3A_2858 = arith.constant 10144 : index
    %get3A_2859 = tpu.vector_load %arg6[%get3A_2858] {strides = array<i32>} : memref<13312xf32, #tpu.memory_space<vmem>>, vector<16xf32>,
    %get3A_2860 = vector.shape_cast %get3A_2859 : vector<16xf32> to vector<16xf32>
    %add3A_2861 = arith.addf %add3A_2857, %get3A_2860 : vector<16xf32>
    %get3A_2862 = arith.constant 10656 : index
    %get3A_2863 = tpu.vector_load %arg6[%get3A_2862] {strides = array<i32>} : memref<13312xf32, #tpu.memory_space<vmem>>, vector<16xf32>,
    %get3A_2864 = vector.shape_cast %get3A_2863 : vector<16xf32> to vector<16xf32>
    %add3A_2865 = arith.addf %add3A_2861, %get3A_2864 : vector<16xf32>
    %get3A_2866 = arith.constant 11168 : index
    %get3A_2867 = tpu.vector_load %arg6[%get3A_2866] {strides = array<i32>} : memref<13312xf32, #tpu.memory_space<vmem>>, vector<16xf32>,
    %get3A_2868 = vector.shape_cast %get3A_2867 : vector<16xf32> to vector<16xf32>
    %add3A_2869 = arith.addf %add3A_2865, %get3A_2868 : vector<16xf32>
    %get3A_2870 = arith.constant 11680 : index
    %get3A_2871 = tpu.vector_load %arg6[%get3A_2870] {strides = array<i32>} : memref<13312xf32, #tpu.memory_space<vmem>>, vector<16xf32>,
    %get3A_2872 = vector.shape_cast %get3A_2871 : vector<16xf32> to vector<16xf32>
    %add3A_2873 = arith.addf %add3A_2869, %get3A_2872 : vector<16xf32>
    %get3A_2874 = arith.constant 12192 : index
    %get3A_2875 = tpu.vector_load %arg6[%get3A_2874] {strides = array<i32>} : memref<13312xf32, #tpu.memory_space<vmem>>, vector<16xf32>,
    %get3A_2876 = vector.shape_cast %get3A_2875 : vector<16xf32> to vector<16xf32>
    %add3A_2877 = arith.addf %add3A_2873, %get3A_2876 : vector<16xf32>
    %get3A_2878 = arith.constant 12704 : index
    %get3A_2879 = tpu.vector_load %arg6[%get3A_2878] {strides = array<i32>} : memref<13312xf32, #tpu.memory_space<vmem>>, vector<16xf32>,
    %get3A_2880 = vector.shape_cast %get3A_2879 : vector<16xf32> to vector<16xf32>
    %add3A_2881 = arith.addf %add3A_2877, %get3A_2880 : vector<16xf32>
    %get3A_2882 = arith.constant 13216 : index
    %get3A_2883 = tpu.vector_load %arg6[%get3A_2882] {strides = array<i32>} : memref<13312xf32, #tpu.memory_space<vmem>>, vector<16xf32>,
    %get3A_2884 = vector.shape_cast %get3A_2883 : vector<16xf32> to vector<16xf32>
    %add3A_2885 = arith.addf %add3A_2881, %get3A_2884 : vector<16xf32>
    %swap3A_2886 = arith.constant 416 : index
    %swap3A_2887 = tpu.vector_load %arg7[%swap3A_2886] {strides = array<i32>} : memref<512xf32, #tpu.memory_space<vmem>>, vector<16xf32>,
    %swap3A_2888 = vector.shape_cast %swap3A_2887 : vector<16xf32> to vector<16xf32>
    %swap3A_2889 = vector.shape_cast %add3A_2885 : vector<16xf32> to vector<16xf32>
    tpu.vector_store %arg7[%swap3A_2886], %swap3A_2889 {strides = array<i32>} : memref<512xf32, #tpu.memory_space<vmem>>, vector<16xf32>,
    %get3A_2890 = arith.constant 432 : index
    %get3A_2891 = tpu.vector_load %arg6[%get3A_2890] {strides = array<i32>} : memref<13312xf32, #tpu.memory_space<vmem>>, vector<16xf32>,
    %get3A_2892 = vector.shape_cast %get3A_2891 : vector<16xf32> to vector<16xf32>
    %get3A_2893 = arith.constant 944 : index
    %get3A_2894 = tpu.vector_load %arg6[%get3A_2893] {strides = array<i32>} : memref<13312xf32, #tpu.memory_space<vmem>>, vector<16xf32>,
    %get3A_2895 = vector.shape_cast %get3A_2894 : vector<16xf32> to vector<16xf32>
    %add3A_2896 = arith.addf %get3A_2892, %get3A_2895 : vector<16xf32>
    %get3A_2897 = arith.constant 1456 : index
    %get3A_2898 = tpu.vector_load %arg6[%get3A_2897] {strides = array<i32>} : memref<13312xf32, #tpu.memory_space<vmem>>, vector<16xf32>,
    %get3A_2899 = vector.shape_cast %get3A_2898 : vector<16xf32> to vector<16xf32>
    %add3A_2900 = arith.addf %add3A_2896, %get3A_2899 : vector<16xf32>
    %get3A_2901 = arith.constant 1968 : index
    %get3A_2902 = tpu.vector_load %arg6[%get3A_2901] {strides = array<i32>} : memref<13312xf32, #tpu.memory_space<vmem>>, vector<16xf32>,
    %get3A_2903 = vector.shape_cast %get3A_2902 : vector<16xf32> to vector<16xf32>
    %add3A_2904 = arith.addf %add3A_2900, %get3A_2903 : vector<16xf32>
    %get3A_2905 = arith.constant 2480 : index
    %get3A_2906 = tpu.vector_load %arg6[%get3A_2905] {strides = array<i32>} : memref<13312xf32, #tpu.memory_space<vmem>>, vector<16xf32>,
    %get3A_2907 = vector.shape_cast %get3A_2906 : vector<16xf32> to vector<16xf32>
    %add3A_2908 = arith.addf %add3A_2904, %get3A_2907 : vector<16xf32>
    %get3A_2909 = arith.constant 2992 : index
    %get3A_2910 = tpu.vector_load %arg6[%get3A_2909] {strides = array<i32>} : memref<13312xf32, #tpu.memory_space<vmem>>, vector<16xf32>,
    %get3A_2911 = vector.shape_cast %get3A_2910 : vector<16xf32> to vector<16xf32>
    %add3A_2912 = arith.addf %add3A_2908, %get3A_2911 : vector<16xf32>
    %get3A_2913 = arith.constant 3504 : index
    %get3A_2914 = tpu.vector_load %arg6[%get3A_2913] {strides = array<i32>} : memref<13312xf32, #tpu.memory_space<vmem>>, vector<16xf32>,
    %get3A_2915 = vector.shape_cast %get3A_2914 : vector<16xf32> to vector<16xf32>
    %add3A_2916 = arith.addf %add3A_2912, %get3A_2915 : vector<16xf32>
    %get3A_2917 = arith.constant 4016 : index
    %get3A_2918 = tpu.vector_load %arg6[%get3A_2917] {strides = array<i32>} : memref<13312xf32, #tpu.memory_space<vmem>>, vector<16xf32>,
    %get3A_2919 = vector.shape_cast %get3A_2918 : vector<16xf32> to vector<16xf32>
    %add3A_2920 = arith.addf %add3A_2916, %get3A_2919 : vector<16xf32>
    %get3A_2921 = arith.constant 4528 : index
    %get3A_2922 = tpu.vector_load %arg6[%get3A_2921] {strides = array<i32>} : memref<13312xf32, #tpu.memory_space<vmem>>, vector<16xf32>,
    %get3A_2923 = vector.shape_cast %get3A_2922 : vector<16xf32> to vector<16xf32>
    %add3A_2924 = arith.addf %add3A_2920, %get3A_2923 : vector<16xf32>
    %get3A_2925 = arith.constant 5040 : index
    %get3A_2926 = tpu.vector_load %arg6[%get3A_2925] {strides = array<i32>} : memref<13312xf32, #tpu.memory_space<vmem>>, vector<16xf32>,
    %get3A_2927 = vector.shape_cast %get3A_2926 : vector<16xf32> to vector<16xf32>
    %add3A_2928 = arith.addf %add3A_2924, %get3A_2927 : vector<16xf32>
    %get3A_2929 = arith.constant 5552 : index
    %get3A_2930 = tpu.vector_load %arg6[%get3A_2929] {strides = array<i32>} : memref<13312xf32, #tpu.memory_space<vmem>>, vector<16xf32>,
    %get3A_2931 = vector.shape_cast %get3A_2930 : vector<16xf32> to vector<16xf32>
    %add3A_2932 = arith.addf %add3A_2928, %get3A_2931 : vector<16xf32>
    %get3A_2933 = arith.constant 6064 : index
    %get3A_2934 = tpu.vector_load %arg6[%get3A_2933] {strides = array<i32>} : memref<13312xf32, #tpu.memory_space<vmem>>, vector<16xf32>,
    %get3A_2935 = vector.shape_cast %get3A_2934 : vector<16xf32> to vector<16xf32>
    %add3A_2936 = arith.addf %add3A_2932, %get3A_2935 : vector<16xf32>
    %get3A_2937 = arith.constant 6576 : index
    %get3A_2938 = tpu.vector_load %arg6[%get3A_2937] {strides = array<i32>} : memref<13312xf32, #tpu.memory_space<vmem>>, vector<16xf32>,
    %get3A_2939 = vector.shape_cast %get3A_2938 : vector<16xf32> to vector<16xf32>
    %add3A_2940 = arith.addf %add3A_2936, %get3A_2939 : vector<16xf32>
    %get3A_2941 = arith.constant 7088 : index
    %get3A_2942 = tpu.vector_load %arg6[%get3A_2941] {strides = array<i32>} : memref<13312xf32, #tpu.memory_space<vmem>>, vector<16xf32>,
    %get3A_2943 = vector.shape_cast %get3A_2942 : vector<16xf32> to vector<16xf32>
    %add3A_2944 = arith.addf %add3A_2940, %get3A_2943 : vector<16xf32>
    %get3A_2945 = arith.constant 7600 : index
    %get3A_2946 = tpu.vector_load %arg6[%get3A_2945] {strides = array<i32>} : memref<13312xf32, #tpu.memory_space<vmem>>, vector<16xf32>,
    %get3A_2947 = vector.shape_cast %get3A_2946 : vector<16xf32> to vector<16xf32>
    %add3A_2948 = arith.addf %add3A_2944, %get3A_2947 : vector<16xf32>
    %get3A_2949 = arith.constant 8112 : index
    %get3A_2950 = tpu.vector_load %arg6[%get3A_2949] {strides = array<i32>} : memref<13312xf32, #tpu.memory_space<vmem>>, vector<16xf32>,
    %get3A_2951 = vector.shape_cast %get3A_2950 : vector<16xf32> to vector<16xf32>
    %add3A_2952 = arith.addf %add3A_2948, %get3A_2951 : vector<16xf32>
    %get3A_2953 = arith.constant 8624 : index
    %get3A_2954 = tpu.vector_load %arg6[%get3A_2953] {strides = array<i32>} : memref<13312xf32, #tpu.memory_space<vmem>>, vector<16xf32>,
    %get3A_2955 = vector.shape_cast %get3A_2954 : vector<16xf32> to vector<16xf32>
    %add3A_2956 = arith.addf %add3A_2952, %get3A_2955 : vector<16xf32>
    %get3A_2957 = arith.constant 9136 : index
    %get3A_2958 = tpu.vector_load %arg6[%get3A_2957] {strides = array<i32>} : memref<13312xf32, #tpu.memory_space<vmem>>, vector<16xf32>,
    %get3A_2959 = vector.shape_cast %get3A_2958 : vector<16xf32> to vector<16xf32>
    %add3A_2960 = arith.addf %add3A_2956, %get3A_2959 : vector<16xf32>
    %get3A_2961 = arith.constant 9648 : index
    %get3A_2962 = tpu.vector_load %arg6[%get3A_2961] {strides = array<i32>} : memref<13312xf32, #tpu.memory_space<vmem>>, vector<16xf32>,
    %get3A_2963 = vector.shape_cast %get3A_2962 : vector<16xf32> to vector<16xf32>
    %add3A_2964 = arith.addf %add3A_2960, %get3A_2963 : vector<16xf32>
    %get3A_2965 = arith.constant 10160 : index
    %get3A_2966 = tpu.vector_load %arg6[%get3A_2965] {strides = array<i32>} : memref<13312xf32, #tpu.memory_space<vmem>>, vector<16xf32>,
    %get3A_2967 = vector.shape_cast %get3A_2966 : vector<16xf32> to vector<16xf32>
    %add3A_2968 = arith.addf %add3A_2964, %get3A_2967 : vector<16xf32>
    %get3A_2969 = arith.constant 10672 : index
    %get3A_2970 = tpu.vector_load %arg6[%get3A_2969] {strides = array<i32>} : memref<13312xf32, #tpu.memory_space<vmem>>, vector<16xf32>,
    %get3A_2971 = vector.shape_cast %get3A_2970 : vector<16xf32> to vector<16xf32>
    %add3A_2972 = arith.addf %add3A_2968, %get3A_2971 : vector<16xf32>
    %get3A_2973 = arith.constant 11184 : index
    %get3A_2974 = tpu.vector_load %arg6[%get3A_2973] {strides = array<i32>} : memref<13312xf32, #tpu.memory_space<vmem>>, vector<16xf32>,
    %get3A_2975 = vector.shape_cast %get3A_2974 : vector<16xf32> to vector<16xf32>
    %add3A_2976 = arith.addf %add3A_2972, %get3A_2975 : vector<16xf32>
    %get3A_2977 = arith.constant 11696 : index
    %get3A_2978 = tpu.vector_load %arg6[%get3A_2977] {strides = array<i32>} : memref<13312xf32, #tpu.memory_space<vmem>>, vector<16xf32>,
    %get3A_2979 = vector.shape_cast %get3A_2978 : vector<16xf32> to vector<16xf32>
    %add3A_2980 = arith.addf %add3A_2976, %get3A_2979 : vector<16xf32>
    %get3A_2981 = arith.constant 12208 : index
    %get3A_2982 = tpu.vector_load %arg6[%get3A_2981] {strides = array<i32>} : memref<13312xf32, #tpu.memory_space<vmem>>, vector<16xf32>,
    %get3A_2983 = vector.shape_cast %get3A_2982 : vector<16xf32> to vector<16xf32>
    %add3A_2984 = arith.addf %add3A_2980, %get3A_2983 : vector<16xf32>
    %get3A_2985 = arith.constant 12720 : index
    %get3A_2986 = tpu.vector_load %arg6[%get3A_2985] {strides = array<i32>} : memref<13312xf32, #tpu.memory_space<vmem>>, vector<16xf32>,
    %get3A_2987 = vector.shape_cast %get3A_2986 : vector<16xf32> to vector<16xf32>
    %add3A_2988 = arith.addf %add3A_2984, %get3A_2987 : vector<16xf32>
    %get3A_2989 = arith.constant 13232 : index
    %get3A_2990 = tpu.vector_load %arg6[%get3A_2989] {strides = array<i32>} : memref<13312xf32, #tpu.memory_space<vmem>>, vector<16xf32>,
    %get3A_2991 = vector.shape_cast %get3A_2990 : vector<16xf32> to vector<16xf32>
    %add3A_2992 = arith.addf %add3A_2988, %get3A_2991 : vector<16xf32>
    %swap3A_2993 = arith.constant 432 : index
    %swap3A_2994 = tpu.vector_load %arg7[%swap3A_2993] {strides = array<i32>} : memref<512xf32, #tpu.memory_space<vmem>>, vector<16xf32>,
    %swap3A_2995 = vector.shape_cast %swap3A_2994 : vector<16xf32> to vector<16xf32>
    %swap3A_2996 = vector.shape_cast %add3A_2992 : vector<16xf32> to vector<16xf32>
    tpu.vector_store %arg7[%swap3A_2993], %swap3A_2996 {strides = array<i32>} : memref<512xf32, #tpu.memory_space<vmem>>, vector<16xf32>,
    %get3A_2997 = arith.constant 448 : index
    %get3A_2998 = tpu.vector_load %arg6[%get3A_2997] {strides = array<i32>} : memref<13312xf32, #tpu.memory_space<vmem>>, vector<16xf32>,
    %get3A_2999 = vector.shape_cast %get3A_2998 : vector<16xf32> to vector<16xf32>
    %get3A_3000 = arith.constant 960 : index
    %get3A_3001 = tpu.vector_load %arg6[%get3A_3000] {strides = array<i32>} : memref<13312xf32, #tpu.memory_space<vmem>>, vector<16xf32>,
    %get3A_3002 = vector.shape_cast %get3A_3001 : vector<16xf32> to vector<16xf32>
    %add3A_3003 = arith.addf %get3A_2999, %get3A_3002 : vector<16xf32>
    %get3A_3004 = arith.constant 1472 : index
    %get3A_3005 = tpu.vector_load %arg6[%get3A_3004] {strides = array<i32>} : memref<13312xf32, #tpu.memory_space<vmem>>, vector<16xf32>,
    %get3A_3006 = vector.shape_cast %get3A_3005 : vector<16xf32> to vector<16xf32>
    %add3A_3007 = arith.addf %add3A_3003, %get3A_3006 : vector<16xf32>
    %get3A_3008 = arith.constant 1984 : index
    %get3A_3009 = tpu.vector_load %arg6[%get3A_3008] {strides = array<i32>} : memref<13312xf32, #tpu.memory_space<vmem>>, vector<16xf32>,
    %get3A_3010 = vector.shape_cast %get3A_3009 : vector<16xf32> to vector<16xf32>
    %add3A_3011 = arith.addf %add3A_3007, %get3A_3010 : vector<16xf32>
    %get3A_3012 = arith.constant 2496 : index
    %get3A_3013 = tpu.vector_load %arg6[%get3A_3012] {strides = array<i32>} : memref<13312xf32, #tpu.memory_space<vmem>>, vector<16xf32>,
    %get3A_3014 = vector.shape_cast %get3A_3013 : vector<16xf32> to vector<16xf32>
    %add3A_3015 = arith.addf %add3A_3011, %get3A_3014 : vector<16xf32>
    %get3A_3016 = arith.constant 3008 : index
    %get3A_3017 = tpu.vector_load %arg6[%get3A_3016] {strides = array<i32>} : memref<13312xf32, #tpu.memory_space<vmem>>, vector<16xf32>,
    %get3A_3018 = vector.shape_cast %get3A_3017 : vector<16xf32> to vector<16xf32>
    %add3A_3019 = arith.addf %add3A_3015, %get3A_3018 : vector<16xf32>
    %get3A_3020 = arith.constant 3520 : index
    %get3A_3021 = tpu.vector_load %arg6[%get3A_3020] {strides = array<i32>} : memref<13312xf32, #tpu.memory_space<vmem>>, vector<16xf32>,
    %get3A_3022 = vector.shape_cast %get3A_3021 : vector<16xf32> to vector<16xf32>
    %add3A_3023 = arith.addf %add3A_3019, %get3A_3022 : vector<16xf32>
    %get3A_3024 = arith.constant 4032 : index
    %get3A_3025 = tpu.vector_load %arg6[%get3A_3024] {strides = array<i32>} : memref<13312xf32, #tpu.memory_space<vmem>>, vector<16xf32>,
    %get3A_3026 = vector.shape_cast %get3A_3025 : vector<16xf32> to vector<16xf32>
    %add3A_3027 = arith.addf %add3A_3023, %get3A_3026 : vector<16xf32>
    %get3A_3028 = arith.constant 4544 : index
    %get3A_3029 = tpu.vector_load %arg6[%get3A_3028] {strides = array<i32>} : memref<13312xf32, #tpu.memory_space<vmem>>, vector<16xf32>,
    %get3A_3030 = vector.shape_cast %get3A_3029 : vector<16xf32> to vector<16xf32>
    %add3A_3031 = arith.addf %add3A_3027, %get3A_3030 : vector<16xf32>
    %get3A_3032 = arith.constant 5056 : index
    %get3A_3033 = tpu.vector_load %arg6[%get3A_3032] {strides = array<i32>} : memref<13312xf32, #tpu.memory_space<vmem>>, vector<16xf32>,
    %get3A_3034 = vector.shape_cast %get3A_3033 : vector<16xf32> to vector<16xf32>
    %add3A_3035 = arith.addf %add3A_3031, %get3A_3034 : vector<16xf32>
    %get3A_3036 = arith.constant 5568 : index
    %get3A_3037 = tpu.vector_load %arg6[%get3A_3036] {strides = array<i32>} : memref<13312xf32, #tpu.memory_space<vmem>>, vector<16xf32>,
    %get3A_3038 = vector.shape_cast %get3A_3037 : vector<16xf32> to vector<16xf32>
    %add3A_3039 = arith.addf %add3A_3035, %get3A_3038 : vector<16xf32>
    %get3A_3040 = arith.constant 6080 : index
    %get3A_3041 = tpu.vector_load %arg6[%get3A_3040] {strides = array<i32>} : memref<13312xf32, #tpu.memory_space<vmem>>, vector<16xf32>,
    %get3A_3042 = vector.shape_cast %get3A_3041 : vector<16xf32> to vector<16xf32>
    %add3A_3043 = arith.addf %add3A_3039, %get3A_3042 : vector<16xf32>
    %get3A_3044 = arith.constant 6592 : index
    %get3A_3045 = tpu.vector_load %arg6[%get3A_3044] {strides = array<i32>} : memref<13312xf32, #tpu.memory_space<vmem>>, vector<16xf32>,
    %get3A_3046 = vector.shape_cast %get3A_3045 : vector<16xf32> to vector<16xf32>
    %add3A_3047 = arith.addf %add3A_3043, %get3A_3046 : vector<16xf32>
    %get3A_3048 = arith.constant 7104 : index
    %get3A_3049 = tpu.vector_load %arg6[%get3A_3048] {strides = array<i32>} : memref<13312xf32, #tpu.memory_space<vmem>>, vector<16xf32>,
    %get3A_3050 = vector.shape_cast %get3A_3049 : vector<16xf32> to vector<16xf32>
    %add3A_3051 = arith.addf %add3A_3047, %get3A_3050 : vector<16xf32>
    %get3A_3052 = arith.constant 7616 : index
    %get3A_3053 = tpu.vector_load %arg6[%get3A_3052] {strides = array<i32>} : memref<13312xf32, #tpu.memory_space<vmem>>, vector<16xf32>,
    %get3A_3054 = vector.shape_cast %get3A_3053 : vector<16xf32> to vector<16xf32>
    %add3A_3055 = arith.addf %add3A_3051, %get3A_3054 : vector<16xf32>
    %get3A_3056 = arith.constant 8128 : index
    %get3A_3057 = tpu.vector_load %arg6[%get3A_3056] {strides = array<i32>} : memref<13312xf32, #tpu.memory_space<vmem>>, vector<16xf32>,
    %get3A_3058 = vector.shape_cast %get3A_3057 : vector<16xf32> to vector<16xf32>
    %add3A_3059 = arith.addf %add3A_3055, %get3A_3058 : vector<16xf32>
    %get3A_3060 = arith.constant 8640 : index
    %get3A_3061 = tpu.vector_load %arg6[%get3A_3060] {strides = array<i32>} : memref<13312xf32, #tpu.memory_space<vmem>>, vector<16xf32>,
    %get3A_3062 = vector.shape_cast %get3A_3061 : vector<16xf32> to vector<16xf32>
    %add3A_3063 = arith.addf %add3A_3059, %get3A_3062 : vector<16xf32>
    %get3A_3064 = arith.constant 9152 : index
    %get3A_3065 = tpu.vector_load %arg6[%get3A_3064] {strides = array<i32>} : memref<13312xf32, #tpu.memory_space<vmem>>, vector<16xf32>,
    %get3A_3066 = vector.shape_cast %get3A_3065 : vector<16xf32> to vector<16xf32>
    %add3A_3067 = arith.addf %add3A_3063, %get3A_3066 : vector<16xf32>
    %get3A_3068 = arith.constant 9664 : index
    %get3A_3069 = tpu.vector_load %arg6[%get3A_3068] {strides = array<i32>} : memref<13312xf32, #tpu.memory_space<vmem>>, vector<16xf32>,
    %get3A_3070 = vector.shape_cast %get3A_3069 : vector<16xf32> to vector<16xf32>
    %add3A_3071 = arith.addf %add3A_3067, %get3A_3070 : vector<16xf32>
    %get3A_3072 = arith.constant 10176 : index
    %get3A_3073 = tpu.vector_load %arg6[%get3A_3072] {strides = array<i32>} : memref<13312xf32, #tpu.memory_space<vmem>>, vector<16xf32>,
    %get3A_3074 = vector.shape_cast %get3A_3073 : vector<16xf32> to vector<16xf32>
    %add3A_3075 = arith.addf %add3A_3071, %get3A_3074 : vector<16xf32>
    %get3A_3076 = arith.constant 10688 : index
    %get3A_3077 = tpu.vector_load %arg6[%get3A_3076] {strides = array<i32>} : memref<13312xf32, #tpu.memory_space<vmem>>, vector<16xf32>,
    %get3A_3078 = vector.shape_cast %get3A_3077 : vector<16xf32> to vector<16xf32>
    %add3A_3079 = arith.addf %add3A_3075, %get3A_3078 : vector<16xf32>
    %get3A_3080 = arith.constant 11200 : index
    %get3A_3081 = tpu.vector_load %arg6[%get3A_3080] {strides = array<i32>} : memref<13312xf32, #tpu.memory_space<vmem>>, vector<16xf32>,
    %get3A_3082 = vector.shape_cast %get3A_3081 : vector<16xf32> to vector<16xf32>
    %add3A_3083 = arith.addf %add3A_3079, %get3A_3082 : vector<16xf32>
    %get3A_3084 = arith.constant 11712 : index
    %get3A_3085 = tpu.vector_load %arg6[%get3A_3084] {strides = array<i32>} : memref<13312xf32, #tpu.memory_space<vmem>>, vector<16xf32>,
    %get3A_3086 = vector.shape_cast %get3A_3085 : vector<16xf32> to vector<16xf32>
    %add3A_3087 = arith.addf %add3A_3083, %get3A_3086 : vector<16xf32>
    %get3A_3088 = arith.constant 12224 : index
    %get3A_3089 = tpu.vector_load %arg6[%get3A_3088] {strides = array<i32>} : memref<13312xf32, #tpu.memory_space<vmem>>, vector<16xf32>,
    %get3A_3090 = vector.shape_cast %get3A_3089 : vector<16xf32> to vector<16xf32>
    %add3A_3091 = arith.addf %add3A_3087, %get3A_3090 : vector<16xf32>
    %get3A_3092 = arith.constant 12736 : index
    %get3A_3093 = tpu.vector_load %arg6[%get3A_3092] {strides = array<i32>} : memref<13312xf32, #tpu.memory_space<vmem>>, vector<16xf32>,
    %get3A_3094 = vector.shape_cast %get3A_3093 : vector<16xf32> to vector<16xf32>
    %add3A_3095 = arith.addf %add3A_3091, %get3A_3094 : vector<16xf32>
    %get3A_3096 = arith.constant 13248 : index
    %get3A_3097 = tpu.vector_load %arg6[%get3A_3096] {strides = array<i32>} : memref<13312xf32, #tpu.memory_space<vmem>>, vector<16xf32>,
    %get3A_3098 = vector.shape_cast %get3A_3097 : vector<16xf32> to vector<16xf32>
    %add3A_3099 = arith.addf %add3A_3095, %get3A_3098 : vector<16xf32>
    %swap3A_3100 = arith.constant 448 : index
    %swap3A_3101 = tpu.vector_load %arg7[%swap3A_3100] {strides = array<i32>} : memref<512xf32, #tpu.memory_space<vmem>>, vector<16xf32>,
    %swap3A_3102 = vector.shape_cast %swap3A_3101 : vector<16xf32> to vector<16xf32>
    %swap3A_3103 = vector.shape_cast %add3A_3099 : vector<16xf32> to vector<16xf32>
    tpu.vector_store %arg7[%swap3A_3100], %swap3A_3103 {strides = array<i32>} : memref<512xf32, #tpu.memory_space<vmem>>, vector<16xf32>,
    %get3A_3104 = arith.constant 464 : index
    %get3A_3105 = tpu.vector_load %arg6[%get3A_3104] {strides = array<i32>} : memref<13312xf32, #tpu.memory_space<vmem>>, vector<16xf32>,
    %get3A_3106 = vector.shape_cast %get3A_3105 : vector<16xf32> to vector<16xf32>
    %get3A_3107 = arith.constant 976 : index
    %get3A_3108 = tpu.vector_load %arg6[%get3A_3107] {strides = array<i32>} : memref<13312xf32, #tpu.memory_space<vmem>>, vector<16xf32>,
    %get3A_3109 = vector.shape_cast %get3A_3108 : vector<16xf32> to vector<16xf32>
    %add3A_3110 = arith.addf %get3A_3106, %get3A_3109 : vector<16xf32>
    %get3A_3111 = arith.constant 1488 : index
    %get3A_3112 = tpu.vector_load %arg6[%get3A_3111] {strides = array<i32>} : memref<13312xf32, #tpu.memory_space<vmem>>, vector<16xf32>,
    %get3A_3113 = vector.shape_cast %get3A_3112 : vector<16xf32> to vector<16xf32>
    %add3A_3114 = arith.addf %add3A_3110, %get3A_3113 : vector<16xf32>
    %get3A_3115 = arith.constant 2000 : index
    %get3A_3116 = tpu.vector_load %arg6[%get3A_3115] {strides = array<i32>} : memref<13312xf32, #tpu.memory_space<vmem>>, vector<16xf32>,
    %get3A_3117 = vector.shape_cast %get3A_3116 : vector<16xf32> to vector<16xf32>
    %add3A_3118 = arith.addf %add3A_3114, %get3A_3117 : vector<16xf32>
    %get3A_3119 = arith.constant 2512 : index
    %get3A_3120 = tpu.vector_load %arg6[%get3A_3119] {strides = array<i32>} : memref<13312xf32, #tpu.memory_space<vmem>>, vector<16xf32>,
    %get3A_3121 = vector.shape_cast %get3A_3120 : vector<16xf32> to vector<16xf32>
    %add3A_3122 = arith.addf %add3A_3118, %get3A_3121 : vector<16xf32>
    %get3A_3123 = arith.constant 3024 : index
    %get3A_3124 = tpu.vector_load %arg6[%get3A_3123] {strides = array<i32>} : memref<13312xf32, #tpu.memory_space<vmem>>, vector<16xf32>,
    %get3A_3125 = vector.shape_cast %get3A_3124 : vector<16xf32> to vector<16xf32>
    %add3A_3126 = arith.addf %add3A_3122, %get3A_3125 : vector<16xf32>
    %get3A_3127 = arith.constant 3536 : index
    %get3A_3128 = tpu.vector_load %arg6[%get3A_3127] {strides = array<i32>} : memref<13312xf32, #tpu.memory_space<vmem>>, vector<16xf32>,
    %get3A_3129 = vector.shape_cast %get3A_3128 : vector<16xf32> to vector<16xf32>
    %add3A_3130 = arith.addf %add3A_3126, %get3A_3129 : vector<16xf32>
    %get3A_3131 = arith.constant 4048 : index
    %get3A_3132 = tpu.vector_load %arg6[%get3A_3131] {strides = array<i32>} : memref<13312xf32, #tpu.memory_space<vmem>>, vector<16xf32>,
    %get3A_3133 = vector.shape_cast %get3A_3132 : vector<16xf32> to vector<16xf32>
    %add3A_3134 = arith.addf %add3A_3130, %get3A_3133 : vector<16xf32>
    %get3A_3135 = arith.constant 4560 : index
    %get3A_3136 = tpu.vector_load %arg6[%get3A_3135] {strides = array<i32>} : memref<13312xf32, #tpu.memory_space<vmem>>, vector<16xf32>,
    %get3A_3137 = vector.shape_cast %get3A_3136 : vector<16xf32> to vector<16xf32>
    %add3A_3138 = arith.addf %add3A_3134, %get3A_3137 : vector<16xf32>
    %get3A_3139 = arith.constant 5072 : index
    %get3A_3140 = tpu.vector_load %arg6[%get3A_3139] {strides = array<i32>} : memref<13312xf32, #tpu.memory_space<vmem>>, vector<16xf32>,
    %get3A_3141 = vector.shape_cast %get3A_3140 : vector<16xf32> to vector<16xf32>
    %add3A_3142 = arith.addf %add3A_3138, %get3A_3141 : vector<16xf32>
    %get3A_3143 = arith.constant 5584 : index
    %get3A_3144 = tpu.vector_load %arg6[%get3A_3143] {strides = array<i32>} : memref<13312xf32, #tpu.memory_space<vmem>>, vector<16xf32>,
    %get3A_3145 = vector.shape_cast %get3A_3144 : vector<16xf32> to vector<16xf32>
    %add3A_3146 = arith.addf %add3A_3142, %get3A_3145 : vector<16xf32>
    %get3A_3147 = arith.constant 6096 : index
    %get3A_3148 = tpu.vector_load %arg6[%get3A_3147] {strides = array<i32>} : memref<13312xf32, #tpu.memory_space<vmem>>, vector<16xf32>,
    %get3A_3149 = vector.shape_cast %get3A_3148 : vector<16xf32> to vector<16xf32>
    %add3A_3150 = arith.addf %add3A_3146, %get3A_3149 : vector<16xf32>
    %get3A_3151 = arith.constant 6608 : index
    %get3A_3152 = tpu.vector_load %arg6[%get3A_3151] {strides = array<i32>} : memref<13312xf32, #tpu.memory_space<vmem>>, vector<16xf32>,
    %get3A_3153 = vector.shape_cast %get3A_3152 : vector<16xf32> to vector<16xf32>
    %add3A_3154 = arith.addf %add3A_3150, %get3A_3153 : vector<16xf32>
    %get3A_3155 = arith.constant 7120 : index
    %get3A_3156 = tpu.vector_load %arg6[%get3A_3155] {strides = array<i32>} : memref<13312xf32, #tpu.memory_space<vmem>>, vector<16xf32>,
    %get3A_3157 = vector.shape_cast %get3A_3156 : vector<16xf32> to vector<16xf32>
    %add3A_3158 = arith.addf %add3A_3154, %get3A_3157 : vector<16xf32>
    %get3A_3159 = arith.constant 7632 : index
    %get3A_3160 = tpu.vector_load %arg6[%get3A_3159] {strides = array<i32>} : memref<13312xf32, #tpu.memory_space<vmem>>, vector<16xf32>,
    %get3A_3161 = vector.shape_cast %get3A_3160 : vector<16xf32> to vector<16xf32>
    %add3A_3162 = arith.addf %add3A_3158, %get3A_3161 : vector<16xf32>
    %get3A_3163 = arith.constant 8144 : index
    %get3A_3164 = tpu.vector_load %arg6[%get3A_3163] {strides = array<i32>} : memref<13312xf32, #tpu.memory_space<vmem>>, vector<16xf32>,
    %get3A_3165 = vector.shape_cast %get3A_3164 : vector<16xf32> to vector<16xf32>
    %add3A_3166 = arith.addf %add3A_3162, %get3A_3165 : vector<16xf32>
    %get3A_3167 = arith.constant 8656 : index
    %get3A_3168 = tpu.vector_load %arg6[%get3A_3167] {strides = array<i32>} : memref<13312xf32, #tpu.memory_space<vmem>>, vector<16xf32>,
    %get3A_3169 = vector.shape_cast %get3A_3168 : vector<16xf32> to vector<16xf32>
    %add3A_3170 = arith.addf %add3A_3166, %get3A_3169 : vector<16xf32>
    %get3A_3171 = arith.constant 9168 : index
    %get3A_3172 = tpu.vector_load %arg6[%get3A_3171] {strides = array<i32>} : memref<13312xf32, #tpu.memory_space<vmem>>, vector<16xf32>,
    %get3A_3173 = vector.shape_cast %get3A_3172 : vector<16xf32> to vector<16xf32>
    %add3A_3174 = arith.addf %add3A_3170, %get3A_3173 : vector<16xf32>
    %get3A_3175 = arith.constant 9680 : index
    %get3A_3176 = tpu.vector_load %arg6[%get3A_3175] {strides = array<i32>} : memref<13312xf32, #tpu.memory_space<vmem>>, vector<16xf32>,
    %get3A_3177 = vector.shape_cast %get3A_3176 : vector<16xf32> to vector<16xf32>
    %add3A_3178 = arith.addf %add3A_3174, %get3A_3177 : vector<16xf32>
    %get3A_3179 = arith.constant 10192 : index
    %get3A_3180 = tpu.vector_load %arg6[%get3A_3179] {strides = array<i32>} : memref<13312xf32, #tpu.memory_space<vmem>>, vector<16xf32>,
    %get3A_3181 = vector.shape_cast %get3A_3180 : vector<16xf32> to vector<16xf32>
    %add3A_3182 = arith.addf %add3A_3178, %get3A_3181 : vector<16xf32>
    %get3A_3183 = arith.constant 10704 : index
    %get3A_3184 = tpu.vector_load %arg6[%get3A_3183] {strides = array<i32>} : memref<13312xf32, #tpu.memory_space<vmem>>, vector<16xf32>,
    %get3A_3185 = vector.shape_cast %get3A_3184 : vector<16xf32> to vector<16xf32>
    %add3A_3186 = arith.addf %add3A_3182, %get3A_3185 : vector<16xf32>
    %get3A_3187 = arith.constant 11216 : index
    %get3A_3188 = tpu.vector_load %arg6[%get3A_3187] {strides = array<i32>} : memref<13312xf32, #tpu.memory_space<vmem>>, vector<16xf32>,
    %get3A_3189 = vector.shape_cast %get3A_3188 : vector<16xf32> to vector<16xf32>
    %add3A_3190 = arith.addf %add3A_3186, %get3A_3189 : vector<16xf32>
    %get3A_3191 = arith.constant 11728 : index
    %get3A_3192 = tpu.vector_load %arg6[%get3A_3191] {strides = array<i32>} : memref<13312xf32, #tpu.memory_space<vmem>>, vector<16xf32>,
    %get3A_3193 = vector.shape_cast %get3A_3192 : vector<16xf32> to vector<16xf32>
    %add3A_3194 = arith.addf %add3A_3190, %get3A_3193 : vector<16xf32>
    %get3A_3195 = arith.constant 12240 : index
    %get3A_3196 = tpu.vector_load %arg6[%get3A_3195] {strides = array<i32>} : memref<13312xf32, #tpu.memory_space<vmem>>, vector<16xf32>,
    %get3A_3197 = vector.shape_cast %get3A_3196 : vector<16xf32> to vector<16xf32>
    %add3A_3198 = arith.addf %add3A_3194, %get3A_3197 : vector<16xf32>
    %get3A_3199 = arith.constant 12752 : index
    %get3A_3200 = tpu.vector_load %arg6[%get3A_3199] {strides = array<i32>} : memref<13312xf32, #tpu.memory_space<vmem>>, vector<16xf32>,
    %get3A_3201 = vector.shape_cast %get3A_3200 : vector<16xf32> to vector<16xf32>
    %add3A_3202 = arith.addf %add3A_3198, %get3A_3201 : vector<16xf32>
    %get3A_3203 = arith.constant 13264 : index
    %get3A_3204 = tpu.vector_load %arg6[%get3A_3203] {strides = array<i32>} : memref<13312xf32, #tpu.memory_space<vmem>>, vector<16xf32>,
    %get3A_3205 = vector.shape_cast %get3A_3204 : vector<16xf32> to vector<16xf32>
    %add3A_3206 = arith.addf %add3A_3202, %get3A_3205 : vector<16xf32>
    %swap3A_3207 = arith.constant 464 : index
    %swap3A_3208 = tpu.vector_load %arg7[%swap3A_3207] {strides = array<i32>} : memref<512xf32, #tpu.memory_space<vmem>>, vector<16xf32>,
    %swap3A_3209 = vector.shape_cast %swap3A_3208 : vector<16xf32> to vector<16xf32>
    %swap3A_3210 = vector.shape_cast %add3A_3206 : vector<16xf32> to vector<16xf32>
    tpu.vector_store %arg7[%swap3A_3207], %swap3A_3210 {strides = array<i32>} : memref<512xf32, #tpu.memory_space<vmem>>, vector<16xf32>,
    %get3A_3211 = arith.constant 480 : index
    %get3A_3212 = tpu.vector_load %arg6[%get3A_3211] {strides = array<i32>} : memref<13312xf32, #tpu.memory_space<vmem>>, vector<16xf32>,
    %get3A_3213 = vector.shape_cast %get3A_3212 : vector<16xf32> to vector<16xf32>
    %get3A_3214 = arith.constant 992 : index
    %get3A_3215 = tpu.vector_load %arg6[%get3A_3214] {strides = array<i32>} : memref<13312xf32, #tpu.memory_space<vmem>>, vector<16xf32>,
    %get3A_3216 = vector.shape_cast %get3A_3215 : vector<16xf32> to vector<16xf32>
    %add3A_3217 = arith.addf %get3A_3213, %get3A_3216 : vector<16xf32>
    %get3A_3218 = arith.constant 1504 : index
    %get3A_3219 = tpu.vector_load %arg6[%get3A_3218] {strides = array<i32>} : memref<13312xf32, #tpu.memory_space<vmem>>, vector<16xf32>,
    %get3A_3220 = vector.shape_cast %get3A_3219 : vector<16xf32> to vector<16xf32>
    %add3A_3221 = arith.addf %add3A_3217, %get3A_3220 : vector<16xf32>
    %get3A_3222 = arith.constant 2016 : index
    %get3A_3223 = tpu.vector_load %arg6[%get3A_3222] {strides = array<i32>} : memref<13312xf32, #tpu.memory_space<vmem>>, vector<16xf32>,
    %get3A_3224 = vector.shape_cast %get3A_3223 : vector<16xf32> to vector<16xf32>
    %add3A_3225 = arith.addf %add3A_3221, %get3A_3224 : vector<16xf32>
    %get3A_3226 = arith.constant 2528 : index
    %get3A_3227 = tpu.vector_load %arg6[%get3A_3226] {strides = array<i32>} : memref<13312xf32, #tpu.memory_space<vmem>>, vector<16xf32>,
    %get3A_3228 = vector.shape_cast %get3A_3227 : vector<16xf32> to vector<16xf32>
    %add3A_3229 = arith.addf %add3A_3225, %get3A_3228 : vector<16xf32>
    %get3A_3230 = arith.constant 3040 : index
    %get3A_3231 = tpu.vector_load %arg6[%get3A_3230] {strides = array<i32>} : memref<13312xf32, #tpu.memory_space<vmem>>, vector<16xf32>,
    %get3A_3232 = vector.shape_cast %get3A_3231 : vector<16xf32> to vector<16xf32>
    %add3A_3233 = arith.addf %add3A_3229, %get3A_3232 : vector<16xf32>
    %get3A_3234 = arith.constant 3552 : index
    %get3A_3235 = tpu.vector_load %arg6[%get3A_3234] {strides = array<i32>} : memref<13312xf32, #tpu.memory_space<vmem>>, vector<16xf32>,
    %get3A_3236 = vector.shape_cast %get3A_3235 : vector<16xf32> to vector<16xf32>
    %add3A_3237 = arith.addf %add3A_3233, %get3A_3236 : vector<16xf32>
    %get3A_3238 = arith.constant 4064 : index
    %get3A_3239 = tpu.vector_load %arg6[%get3A_3238] {strides = array<i32>} : memref<13312xf32, #tpu.memory_space<vmem>>, vector<16xf32>,
    %get3A_3240 = vector.shape_cast %get3A_3239 : vector<16xf32> to vector<16xf32>
    %add3A_3241 = arith.addf %add3A_3237, %get3A_3240 : vector<16xf32>
    %get3A_3242 = arith.constant 4576 : index
    %get3A_3243 = tpu.vector_load %arg6[%get3A_3242] {strides = array<i32>} : memref<13312xf32, #tpu.memory_space<vmem>>, vector<16xf32>,
    %get3A_3244 = vector.shape_cast %get3A_3243 : vector<16xf32> to vector<16xf32>
    %add3A_3245 = arith.addf %add3A_3241, %get3A_3244 : vector<16xf32>
    %get3A_3246 = arith.constant 5088 : index
    %get3A_3247 = tpu.vector_load %arg6[%get3A_3246] {strides = array<i32>} : memref<13312xf32, #tpu.memory_space<vmem>>, vector<16xf32>,
    %get3A_3248 = vector.shape_cast %get3A_3247 : vector<16xf32> to vector<16xf32>
    %add3A_3249 = arith.addf %add3A_3245, %get3A_3248 : vector<16xf32>
    %get3A_3250 = arith.constant 5600 : index
    %get3A_3251 = tpu.vector_load %arg6[%get3A_3250] {strides = array<i32>} : memref<13312xf32, #tpu.memory_space<vmem>>, vector<16xf32>,
    %get3A_3252 = vector.shape_cast %get3A_3251 : vector<16xf32> to vector<16xf32>
    %add3A_3253 = arith.addf %add3A_3249, %get3A_3252 : vector<16xf32>
    %get3A_3254 = arith.constant 6112 : index
    %get3A_3255 = tpu.vector_load %arg6[%get3A_3254] {strides = array<i32>} : memref<13312xf32, #tpu.memory_space<vmem>>, vector<16xf32>,
    %get3A_3256 = vector.shape_cast %get3A_3255 : vector<16xf32> to vector<16xf32>
    %add3A_3257 = arith.addf %add3A_3253, %get3A_3256 : vector<16xf32>
    %get3A_3258 = arith.constant 6624 : index
    %get3A_3259 = tpu.vector_load %arg6[%get3A_3258] {strides = array<i32>} : memref<13312xf32, #tpu.memory_space<vmem>>, vector<16xf32>,
    %get3A_3260 = vector.shape_cast %get3A_3259 : vector<16xf32> to vector<16xf32>
    %add3A_3261 = arith.addf %add3A_3257, %get3A_3260 : vector<16xf32>
    %get3A_3262 = arith.constant 7136 : index
    %get3A_3263 = tpu.vector_load %arg6[%get3A_3262] {strides = array<i32>} : memref<13312xf32, #tpu.memory_space<vmem>>, vector<16xf32>,
    %get3A_3264 = vector.shape_cast %get3A_3263 : vector<16xf32> to vector<16xf32>
    %add3A_3265 = arith.addf %add3A_3261, %get3A_3264 : vector<16xf32>
    %get3A_3266 = arith.constant 7648 : index
    %get3A_3267 = tpu.vector_load %arg6[%get3A_3266] {strides = array<i32>} : memref<13312xf32, #tpu.memory_space<vmem>>, vector<16xf32>,
    %get3A_3268 = vector.shape_cast %get3A_3267 : vector<16xf32> to vector<16xf32>
    %add3A_3269 = arith.addf %add3A_3265, %get3A_3268 : vector<16xf32>
    %get3A_3270 = arith.constant 8160 : index
    %get3A_3271 = tpu.vector_load %arg6[%get3A_3270] {strides = array<i32>} : memref<13312xf32, #tpu.memory_space<vmem>>, vector<16xf32>,
    %get3A_3272 = vector.shape_cast %get3A_3271 : vector<16xf32> to vector<16xf32>
    %add3A_3273 = arith.addf %add3A_3269, %get3A_3272 : vector<16xf32>
    %get3A_3274 = arith.constant 8672 : index
    %get3A_3275 = tpu.vector_load %arg6[%get3A_3274] {strides = array<i32>} : memref<13312xf32, #tpu.memory_space<vmem>>, vector<16xf32>,
    %get3A_3276 = vector.shape_cast %get3A_3275 : vector<16xf32> to vector<16xf32>
    %add3A_3277 = arith.addf %add3A_3273, %get3A_3276 : vector<16xf32>
    %get3A_3278 = arith.constant 9184 : index
    %get3A_3279 = tpu.vector_load %arg6[%get3A_3278] {strides = array<i32>} : memref<13312xf32, #tpu.memory_space<vmem>>, vector<16xf32>,
    %get3A_3280 = vector.shape_cast %get3A_3279 : vector<16xf32> to vector<16xf32>
    %add3A_3281 = arith.addf %add3A_3277, %get3A_3280 : vector<16xf32>
    %get3A_3282 = arith.constant 9696 : index
    %get3A_3283 = tpu.vector_load %arg6[%get3A_3282] {strides = array<i32>} : memref<13312xf32, #tpu.memory_space<vmem>>, vector<16xf32>,
    %get3A_3284 = vector.shape_cast %get3A_3283 : vector<16xf32> to vector<16xf32>
    %add3A_3285 = arith.addf %add3A_3281, %get3A_3284 : vector<16xf32>
    %get3A_3286 = arith.constant 10208 : index
    %get3A_3287 = tpu.vector_load %arg6[%get3A_3286] {strides = array<i32>} : memref<13312xf32, #tpu.memory_space<vmem>>, vector<16xf32>,
    %get3A_3288 = vector.shape_cast %get3A_3287 : vector<16xf32> to vector<16xf32>
    %add3A_3289 = arith.addf %add3A_3285, %get3A_3288 : vector<16xf32>
    %get3A_3290 = arith.constant 10720 : index
    %get3A_3291 = tpu.vector_load %arg6[%get3A_3290] {strides = array<i32>} : memref<13312xf32, #tpu.memory_space<vmem>>, vector<16xf32>,
    %get3A_3292 = vector.shape_cast %get3A_3291 : vector<16xf32> to vector<16xf32>
    %add3A_3293 = arith.addf %add3A_3289, %get3A_3292 : vector<16xf32>
    %get3A_3294 = arith.constant 11232 : index
    %get3A_3295 = tpu.vector_load %arg6[%get3A_3294] {strides = array<i32>} : memref<13312xf32, #tpu.memory_space<vmem>>, vector<16xf32>,
    %get3A_3296 = vector.shape_cast %get3A_3295 : vector<16xf32> to vector<16xf32>
    %add3A_3297 = arith.addf %add3A_3293, %get3A_3296 : vector<16xf32>
    %get3A_3298 = arith.constant 11744 : index
    %get3A_3299 = tpu.vector_load %arg6[%get3A_3298] {strides = array<i32>} : memref<13312xf32, #tpu.memory_space<vmem>>, vector<16xf32>,
    %get3A_3300 = vector.shape_cast %get3A_3299 : vector<16xf32> to vector<16xf32>
    %add3A_3301 = arith.addf %add3A_3297, %get3A_3300 : vector<16xf32>
    %get3A_3302 = arith.constant 12256 : index
    %get3A_3303 = tpu.vector_load %arg6[%get3A_3302] {strides = array<i32>} : memref<13312xf32, #tpu.memory_space<vmem>>, vector<16xf32>,
    %get3A_3304 = vector.shape_cast %get3A_3303 : vector<16xf32> to vector<16xf32>
    %add3A_3305 = arith.addf %add3A_3301, %get3A_3304 : vector<16xf32>
    %get3A_3306 = arith.constant 12768 : index
    %get3A_3307 = tpu.vector_load %arg6[%get3A_3306] {strides = array<i32>} : memref<13312xf32, #tpu.memory_space<vmem>>, vector<16xf32>,
    %get3A_3308 = vector.shape_cast %get3A_3307 : vector<16xf32> to vector<16xf32>
    %add3A_3309 = arith.addf %add3A_3305, %get3A_3308 : vector<16xf32>
    %get3A_3310 = arith.constant 13280 : index
    %get3A_3311 = tpu.vector_load %arg6[%get3A_3310] {strides = array<i32>} : memref<13312xf32, #tpu.memory_space<vmem>>, vector<16xf32>,
    %get3A_3312 = vector.shape_cast %get3A_3311 : vector<16xf32> to vector<16xf32>
    %add3A_3313 = arith.addf %add3A_3309, %get3A_3312 : vector<16xf32>
    %swap3A_3314 = arith.constant 480 : index
    %swap3A_3315 = tpu.vector_load %arg7[%swap3A_3314] {strides = array<i32>} : memref<512xf32, #tpu.memory_space<vmem>>, vector<16xf32>,
    %swap3A_3316 = vector.shape_cast %swap3A_3315 : vector<16xf32> to vector<16xf32>
    %swap3A_3317 = vector.shape_cast %add3A_3313 : vector<16xf32> to vector<16xf32>
    tpu.vector_store %arg7[%swap3A_3314], %swap3A_3317 {strides = array<i32>} : memref<512xf32, #tpu.memory_space<vmem>>, vector<16xf32>,
    %get3A_3318 = arith.constant 496 : index
    %get3A_3319 = tpu.vector_load %arg6[%get3A_3318] {strides = array<i32>} : memref<13312xf32, #tpu.memory_space<vmem>>, vector<16xf32>,
    %get3A_3320 = vector.shape_cast %get3A_3319 : vector<16xf32> to vector<16xf32>
    %get3A_3321 = arith.constant 1008 : index
    %get3A_3322 = tpu.vector_load %arg6[%get3A_3321] {strides = array<i32>} : memref<13312xf32, #tpu.memory_space<vmem>>, vector<16xf32>,
    %get3A_3323 = vector.shape_cast %get3A_3322 : vector<16xf32> to vector<16xf32>
    %add3A_3324 = arith.addf %get3A_3320, %get3A_3323 : vector<16xf32>
    %get3A_3325 = arith.constant 1520 : index
    %get3A_3326 = tpu.vector_load %arg6[%get3A_3325] {strides = array<i32>} : memref<13312xf32, #tpu.memory_space<vmem>>, vector<16xf32>,
    %get3A_3327 = vector.shape_cast %get3A_3326 : vector<16xf32> to vector<16xf32>
    %add3A_3328 = arith.addf %add3A_3324, %get3A_3327 : vector<16xf32>
    %get3A_3329 = arith.constant 2032 : index
    %get3A_3330 = tpu.vector_load %arg6[%get3A_3329] {strides = array<i32>} : memref<13312xf32, #tpu.memory_space<vmem>>, vector<16xf32>,
    %get3A_3331 = vector.shape_cast %get3A_3330 : vector<16xf32> to vector<16xf32>
    %add3A_3332 = arith.addf %add3A_3328, %get3A_3331 : vector<16xf32>
    %get3A_3333 = arith.constant 2544 : index
    %get3A_3334 = tpu.vector_load %arg6[%get3A_3333] {strides = array<i32>} : memref<13312xf32, #tpu.memory_space<vmem>>, vector<16xf32>,
    %get3A_3335 = vector.shape_cast %get3A_3334 : vector<16xf32> to vector<16xf32>
    %add3A_3336 = arith.addf %add3A_3332, %get3A_3335 : vector<16xf32>
    %get3A_3337 = arith.constant 3056 : index
    %get3A_3338 = tpu.vector_load %arg6[%get3A_3337] {strides = array<i32>} : memref<13312xf32, #tpu.memory_space<vmem>>, vector<16xf32>,
    %get3A_3339 = vector.shape_cast %get3A_3338 : vector<16xf32> to vector<16xf32>
    %add3A_3340 = arith.addf %add3A_3336, %get3A_3339 : vector<16xf32>
    %get3A_3341 = arith.constant 3568 : index
    %get3A_3342 = tpu.vector_load %arg6[%get3A_3341] {strides = array<i32>} : memref<13312xf32, #tpu.memory_space<vmem>>, vector<16xf32>,
    %get3A_3343 = vector.shape_cast %get3A_3342 : vector<16xf32> to vector<16xf32>
    %add3A_3344 = arith.addf %add3A_3340, %get3A_3343 : vector<16xf32>
    %get3A_3345 = arith.constant 4080 : index
    %get3A_3346 = tpu.vector_load %arg6[%get3A_3345] {strides = array<i32>} : memref<13312xf32, #tpu.memory_space<vmem>>, vector<16xf32>,
    %get3A_3347 = vector.shape_cast %get3A_3346 : vector<16xf32> to vector<16xf32>
    %add3A_3348 = arith.addf %add3A_3344, %get3A_3347 : vector<16xf32>
    %get3A_3349 = arith.constant 4592 : index
    %get3A_3350 = tpu.vector_load %arg6[%get3A_3349] {strides = array<i32>} : memref<13312xf32, #tpu.memory_space<vmem>>, vector<16xf32>,
    %get3A_3351 = vector.shape_cast %get3A_3350 : vector<16xf32> to vector<16xf32>
    %add3A_3352 = arith.addf %add3A_3348, %get3A_3351 : vector<16xf32>
    %get3A_3353 = arith.constant 5104 : index
    %get3A_3354 = tpu.vector_load %arg6[%get3A_3353] {strides = array<i32>} : memref<13312xf32, #tpu.memory_space<vmem>>, vector<16xf32>,
    %get3A_3355 = vector.shape_cast %get3A_3354 : vector<16xf32> to vector<16xf32>
    %add3A_3356 = arith.addf %add3A_3352, %get3A_3355 : vector<16xf32>
    %get3A_3357 = arith.constant 5616 : index
    %get3A_3358 = tpu.vector_load %arg6[%get3A_3357] {strides = array<i32>} : memref<13312xf32, #tpu.memory_space<vmem>>, vector<16xf32>,
    %get3A_3359 = vector.shape_cast %get3A_3358 : vector<16xf32> to vector<16xf32>
    %add3A_3360 = arith.addf %add3A_3356, %get3A_3359 : vector<16xf32>
    %get3A_3361 = arith.constant 6128 : index
    %get3A_3362 = tpu.vector_load %arg6[%get3A_3361] {strides = array<i32>} : memref<13312xf32, #tpu.memory_space<vmem>>, vector<16xf32>,
    %get3A_3363 = vector.shape_cast %get3A_3362 : vector<16xf32> to vector<16xf32>
    %add3A_3364 = arith.addf %add3A_3360, %get3A_3363 : vector<16xf32>
    %get3A_3365 = arith.constant 6640 : index
    %get3A_3366 = tpu.vector_load %arg6[%get3A_3365] {strides = array<i32>} : memref<13312xf32, #tpu.memory_space<vmem>>, vector<16xf32>,
    %get3A_3367 = vector.shape_cast %get3A_3366 : vector<16xf32> to vector<16xf32>
    %add3A_3368 = arith.addf %add3A_3364, %get3A_3367 : vector<16xf32>
    %get3A_3369 = arith.constant 7152 : index
    %get3A_3370 = tpu.vector_load %arg6[%get3A_3369] {strides = array<i32>} : memref<13312xf32, #tpu.memory_space<vmem>>, vector<16xf32>,
    %get3A_3371 = vector.shape_cast %get3A_3370 : vector<16xf32> to vector<16xf32>
    %add3A_3372 = arith.addf %add3A_3368, %get3A_3371 : vector<16xf32>
    %get3A_3373 = arith.constant 7664 : index
    %get3A_3374 = tpu.vector_load %arg6[%get3A_3373] {strides = array<i32>} : memref<13312xf32, #tpu.memory_space<vmem>>, vector<16xf32>,
    %get3A_3375 = vector.shape_cast %get3A_3374 : vector<16xf32> to vector<16xf32>
    %add3A_3376 = arith.addf %add3A_3372, %get3A_3375 : vector<16xf32>
    %get3A_3377 = arith.constant 8176 : index
    %get3A_3378 = tpu.vector_load %arg6[%get3A_3377] {strides = array<i32>} : memref<13312xf32, #tpu.memory_space<vmem>>, vector<16xf32>,
    %get3A_3379 = vector.shape_cast %get3A_3378 : vector<16xf32> to vector<16xf32>
    %add3A_3380 = arith.addf %add3A_3376, %get3A_3379 : vector<16xf32>
    %get3A_3381 = arith.constant 8688 : index
    %get3A_3382 = tpu.vector_load %arg6[%get3A_3381] {strides = array<i32>} : memref<13312xf32, #tpu.memory_space<vmem>>, vector<16xf32>,
    %get3A_3383 = vector.shape_cast %get3A_3382 : vector<16xf32> to vector<16xf32>
    %add3A_3384 = arith.addf %add3A_3380, %get3A_3383 : vector<16xf32>
    %get3A_3385 = arith.constant 9200 : index
    %get3A_3386 = tpu.vector_load %arg6[%get3A_3385] {strides = array<i32>} : memref<13312xf32, #tpu.memory_space<vmem>>, vector<16xf32>,
    %get3A_3387 = vector.shape_cast %get3A_3386 : vector<16xf32> to vector<16xf32>
    %add3A_3388 = arith.addf %add3A_3384, %get3A_3387 : vector<16xf32>
    %get3A_3389 = arith.constant 9712 : index
    %get3A_3390 = tpu.vector_load %arg6[%get3A_3389] {strides = array<i32>} : memref<13312xf32, #tpu.memory_space<vmem>>, vector<16xf32>,
    %get3A_3391 = vector.shape_cast %get3A_3390 : vector<16xf32> to vector<16xf32>
    %add3A_3392 = arith.addf %add3A_3388, %get3A_3391 : vector<16xf32>
    %get3A_3393 = arith.constant 10224 : index
    %get3A_3394 = tpu.vector_load %arg6[%get3A_3393] {strides = array<i32>} : memref<13312xf32, #tpu.memory_space<vmem>>, vector<16xf32>,
    %get3A_3395 = vector.shape_cast %get3A_3394 : vector<16xf32> to vector<16xf32>
    %add3A_3396 = arith.addf %add3A_3392, %get3A_3395 : vector<16xf32>
    %get3A_3397 = arith.constant 10736 : index
    %get3A_3398 = tpu.vector_load %arg6[%get3A_3397] {strides = array<i32>} : memref<13312xf32, #tpu.memory_space<vmem>>, vector<16xf32>,
    %get3A_3399 = vector.shape_cast %get3A_3398 : vector<16xf32> to vector<16xf32>
    %add3A_3400 = arith.addf %add3A_3396, %get3A_3399 : vector<16xf32>
    %get3A_3401 = arith.constant 11248 : index
    %get3A_3402 = tpu.vector_load %arg6[%get3A_3401] {strides = array<i32>} : memref<13312xf32, #tpu.memory_space<vmem>>, vector<16xf32>,
    %get3A_3403 = vector.shape_cast %get3A_3402 : vector<16xf32> to vector<16xf32>
    %add3A_3404 = arith.addf %add3A_3400, %get3A_3403 : vector<16xf32>
    %get3A_3405 = arith.constant 11760 : index
    %get3A_3406 = tpu.vector_load %arg6[%get3A_3405] {strides = array<i32>} : memref<13312xf32, #tpu.memory_space<vmem>>, vector<16xf32>,
    %get3A_3407 = vector.shape_cast %get3A_3406 : vector<16xf32> to vector<16xf32>
    %add3A_3408 = arith.addf %add3A_3404, %get3A_3407 : vector<16xf32>
    %get3A_3409 = arith.constant 12272 : index
    %get3A_3410 = tpu.vector_load %arg6[%get3A_3409] {strides = array<i32>} : memref<13312xf32, #tpu.memory_space<vmem>>, vector<16xf32>,
    %get3A_3411 = vector.shape_cast %get3A_3410 : vector<16xf32> to vector<16xf32>
    %add3A_3412 = arith.addf %add3A_3408, %get3A_3411 : vector<16xf32>
    %get3A_3413 = arith.constant 12784 : index
    %get3A_3414 = tpu.vector_load %arg6[%get3A_3413] {strides = array<i32>} : memref<13312xf32, #tpu.memory_space<vmem>>, vector<16xf32>,
    %get3A_3415 = vector.shape_cast %get3A_3414 : vector<16xf32> to vector<16xf32>
    %add3A_3416 = arith.addf %add3A_3412, %get3A_3415 : vector<16xf32>
    %get3A_3417 = arith.constant 13296 : index
    %get3A_3418 = tpu.vector_load %arg6[%get3A_3417] {strides = array<i32>} : memref<13312xf32, #tpu.memory_space<vmem>>, vector<16xf32>,
    %get3A_3419 = vector.shape_cast %get3A_3418 : vector<16xf32> to vector<16xf32>
    %add3A_3420 = arith.addf %add3A_3416, %get3A_3419 : vector<16xf32>
    %swap3A_3421 = arith.constant 496 : index
    %swap3A_3422 = tpu.vector_load %arg7[%swap3A_3421] {strides = array<i32>} : memref<512xf32, #tpu.memory_space<vmem>>, vector<16xf32>,
    %swap3A_3423 = vector.shape_cast %swap3A_3422 : vector<16xf32> to vector<16xf32>
    %swap3A_3424 = vector.shape_cast %add3A_3420 : vector<16xf32> to vector<16xf32>
    tpu.vector_store %arg7[%swap3A_3421], %swap3A_3424 {strides = array<i32>} : memref<512xf32, #tpu.memory_space<vmem>>, vector<16xf32>,
    %mul3A_3425 = arith.constant 512 : i32
    %mul3A_3426 = arith.muli %add3A, %mul3A_3425 : i32
    "tpu.region"() ({
      %run_scoped3A = tpu.sem_alloc : memref<!tpu.dma_semaphore, #tpu.memory_space<semaphore_mem>>
      %dma_start3A_3427 = tpu.memref_slice %arg4[%mul3A_3426] : memref<16384xf32, #tpu.memory_space<hbm>> -> memref<512xf32, #tpu.memory_space<hbm>>
      %dma_start3A_3428 = tpu.memref_slice %arg4[%mul3A_3426] : memref<16384xf32, #tpu.memory_space<hbm>> -> memref<512xf32, #tpu.memory_space<hbm>>
      tpu.enqueue_dma source(%arg7 : memref<512xf32, #tpu.memory_space<vmem>>) target(%dma_start3A_3428 : memref<512xf32, #tpu.memory_space<hbm>>) target_semaphore(%run_scoped3A : memref<!tpu.dma_semaphore, #tpu.memory_space<semaphore_mem>>)
      %dma_wait3A_3429 = tpu.memref_slice %arg4[%mul3A_3426] : memref<16384xf32, #tpu.memory_space<hbm>> -> memref<512xf32, #tpu.memory_space<hbm>>
      %dma_wait3A_3430 = tpu.memref_slice %arg4[%mul3A_3426] : memref<16384xf32, #tpu.memory_space<hbm>> -> memref<512xf32, #tpu.memory_space<hbm>>
      tpu.wait_dma2 semaphore(%run_scoped3A : memref<!tpu.dma_semaphore, #tpu.memory_space<semaphore_mem>>) src(%arg7 : memref<512xf32, #tpu.memory_space<vmem>>) dst(%dma_wait3A_3430 : memref<512xf32, #tpu.memory_space<hbm>>)
      tpu.yield
    }) : () -> ()
    return
  }
}

module attributes {stable_mosaic.version = 14 : i64} {
  func.func @_so_body(%arg0: i32, %arg1: memref<416x2048xf32, #tpu.memory_space<vmem>>, %arg2: memref<16x416xf32, #tpu.memory_space<vmem>>, %arg3: memref<2048xf32, #tpu.memory_space<vmem>>) attributes {dimension_semantics = [#tpu.dimension_semantics<arbitrary>], iteration_bounds = array<i64: 8>, scalar_prefetch = 0 : i64, scratch_operands = 0 : i64, tpu.core_type = #tpu.core_type<tc>, window_params = [{transform_indices = @transform_0, window_bounds = array<i64: 416, 2048>}, {pipeline_mode = #tpu.pipeline_mode<synchronous>, transform_indices = @transform_1, window_bounds = array<i64: 16, 416>}, {transform_indices = @transform_2, window_bounds = array<i64: 2048>}]} {
    %broadcast_in_dim3A = arith.constant 0.000000e+00 : f32
    %broadcast_in_dim3A_0 = vector.broadcast %broadcast_in_dim3A : f32 to vector<512xf32>
    %broadcast_in_dim3A_1 = arith.constant 0.000000e+00 : f32
    %broadcast_in_dim3A_2 = vector.broadcast %broadcast_in_dim3A_1 : f32 to vector<16x512xf32>
    %get3A = arith.constant 0 : index
    %get3A_3 = arith.constant 0 : index
    %get3A_4 = vector.load %arg1[%get3A, %get3A_3] : memref<416x2048xf32, #tpu.memory_space<vmem>>, vector<104x512xf32>
    %mul3A = arith.mulf %get3A_4, %get3A_4 : vector<104x512xf32>
    %reduce_sum3A = arith.constant dense<0.000000e+00> : vector<512xf32>
    %reduce_sum3A_5 = vector.multi_reduction <add>, %mul3A, %reduce_sum3A [0] : vector<104x512xf32> to vector<512xf32>
    %add3A = arith.addf %broadcast_in_dim3A_0, %reduce_sum3A_5 : vector<512xf32>
    %get3A_6 = arith.constant 0 : index
    %get3A_7 = arith.constant 0 : index
    %get3A_8 = vector.load %arg2[%get3A_6, %get3A_7] : memref<16x416xf32, #tpu.memory_space<vmem>>, vector<16x104xf32>
    %dot_general3A = arith.constant dense<0.000000e+00> : vector<16x512xf32>
    %dot_general3A_9 = tpu.matmul %get3A_8, %get3A_4, %dot_general3A {dimension_numbers = #tpu.dot_dimension_numbers<[1], [0], [0], [1], [0, 0, 1, 1], [], []>, transpose_lhs_hint = false} : vector<16x104xf32>, vector<104x512xf32>, vector<16x512xf32> -> vector<16x512xf32>
    %add3A_10 = arith.addf %broadcast_in_dim3A_2, %dot_general3A_9 : vector<16x512xf32>
    %get3A_11 = arith.constant 104 : index
    %get3A_12 = arith.constant 0 : index
    %get3A_13 = vector.load %arg1[%get3A_11, %get3A_12] : memref<416x2048xf32, #tpu.memory_space<vmem>>, vector<104x512xf32>
    %mul3A_14 = arith.mulf %get3A_13, %get3A_13 : vector<104x512xf32>
    %reduce_sum3A_15 = arith.constant dense<0.000000e+00> : vector<512xf32>
    %reduce_sum3A_16 = vector.multi_reduction <add>, %mul3A_14, %reduce_sum3A_15 [0] : vector<104x512xf32> to vector<512xf32>
    %add3A_17 = arith.addf %add3A, %reduce_sum3A_16 : vector<512xf32>
    %get3A_18 = arith.constant 0 : index
    %get3A_19 = arith.constant 104 : index
    %get3A_20 = vector.load %arg2[%get3A_18, %get3A_19] : memref<16x416xf32, #tpu.memory_space<vmem>>, vector<16x104xf32>
    %dot_general3A_21 = arith.constant dense<0.000000e+00> : vector<16x512xf32>
    %dot_general3A_22 = tpu.matmul %get3A_20, %get3A_13, %dot_general3A_21 {dimension_numbers = #tpu.dot_dimension_numbers<[1], [0], [0], [1], [0, 0, 1, 1], [], []>, transpose_lhs_hint = false} : vector<16x104xf32>, vector<104x512xf32>, vector<16x512xf32> -> vector<16x512xf32>
    %add3A_23 = arith.addf %add3A_10, %dot_general3A_22 : vector<16x512xf32>
    %get3A_24 = arith.constant 208 : index
    %get3A_25 = arith.constant 0 : index
    %get3A_26 = vector.load %arg1[%get3A_24, %get3A_25] : memref<416x2048xf32, #tpu.memory_space<vmem>>, vector<104x512xf32>
    %mul3A_27 = arith.mulf %get3A_26, %get3A_26 : vector<104x512xf32>
    %reduce_sum3A_28 = arith.constant dense<0.000000e+00> : vector<512xf32>
    %reduce_sum3A_29 = vector.multi_reduction <add>, %mul3A_27, %reduce_sum3A_28 [0] : vector<104x512xf32> to vector<512xf32>
    %add3A_30 = arith.addf %add3A_17, %reduce_sum3A_29 : vector<512xf32>
    %get3A_31 = arith.constant 0 : index
    %get3A_32 = arith.constant 208 : index
    %get3A_33 = vector.load %arg2[%get3A_31, %get3A_32] : memref<16x416xf32, #tpu.memory_space<vmem>>, vector<16x104xf32>
    %dot_general3A_34 = arith.constant dense<0.000000e+00> : vector<16x512xf32>
    %dot_general3A_35 = tpu.matmul %get3A_33, %get3A_26, %dot_general3A_34 {dimension_numbers = #tpu.dot_dimension_numbers<[1], [0], [0], [1], [0, 0, 1, 1], [], []>, transpose_lhs_hint = false} : vector<16x104xf32>, vector<104x512xf32>, vector<16x512xf32> -> vector<16x512xf32>
    %add3A_36 = arith.addf %add3A_23, %dot_general3A_35 : vector<16x512xf32>
    %get3A_37 = arith.constant 312 : index
    %get3A_38 = arith.constant 0 : index
    %get3A_39 = vector.load %arg1[%get3A_37, %get3A_38] : memref<416x2048xf32, #tpu.memory_space<vmem>>, vector<104x512xf32>
    %mul3A_40 = arith.mulf %get3A_39, %get3A_39 : vector<104x512xf32>
    %reduce_sum3A_41 = arith.constant dense<0.000000e+00> : vector<512xf32>
    %reduce_sum3A_42 = vector.multi_reduction <add>, %mul3A_40, %reduce_sum3A_41 [0] : vector<104x512xf32> to vector<512xf32>
    %add3A_43 = arith.addf %add3A_30, %reduce_sum3A_42 : vector<512xf32>
    %get3A_44 = arith.constant 0 : index
    %get3A_45 = arith.constant 312 : index
    %get3A_46 = vector.load %arg2[%get3A_44, %get3A_45] : memref<16x416xf32, #tpu.memory_space<vmem>>, vector<16x104xf32>
    %dot_general3A_47 = arith.constant dense<0.000000e+00> : vector<16x512xf32>
    %dot_general3A_48 = tpu.matmul %get3A_46, %get3A_39, %dot_general3A_47 {dimension_numbers = #tpu.dot_dimension_numbers<[1], [0], [0], [1], [0, 0, 1, 1], [], []>, transpose_lhs_hint = false} : vector<16x104xf32>, vector<104x512xf32>, vector<16x512xf32> -> vector<16x512xf32>
    %add3A_49 = arith.addf %add3A_36, %dot_general3A_48 : vector<16x512xf32>
    %mul3A_50 = arith.mulf %add3A_49, %add3A_49 : vector<16x512xf32>
    %reduce_sum3A_51 = arith.constant dense<0.000000e+00> : vector<512xf32>
    %reduce_sum3A_52 = vector.multi_reduction <add>, %mul3A_50, %reduce_sum3A_51 [0] : vector<16x512xf32> to vector<512xf32>
    %sub3A = arith.subf %reduce_sum3A_52, %add3A_43 : vector<512xf32>
    %mul3A_53 = arith.constant 5.000000e-01 : f32
    %mul3A_54 = vector.broadcast %mul3A_53 : f32 to vector<512xf32>
    %mul3A_55 = arith.mulf %mul3A_54, %sub3A : vector<512xf32>
    %swap3A = arith.constant 0 : index
    %swap3A_56 = vector.load %arg3[%swap3A] : memref<2048xf32, #tpu.memory_space<vmem>>, vector<512xf32>
    tpu.vector_store %arg3[%swap3A], %mul3A_55 {strides = array<i32>} : memref<2048xf32, #tpu.memory_space<vmem>>, vector<512xf32>,
    %broadcast_in_dim3A_57 = arith.constant 0.000000e+00 : f32
    %broadcast_in_dim3A_58 = vector.broadcast %broadcast_in_dim3A_57 : f32 to vector<512xf32>
    %broadcast_in_dim3A_59 = arith.constant 0.000000e+00 : f32
    %broadcast_in_dim3A_60 = vector.broadcast %broadcast_in_dim3A_59 : f32 to vector<16x512xf32>
    %get3A_61 = arith.constant 0 : index
    %get3A_62 = arith.constant 512 : index
    %get3A_63 = vector.load %arg1[%get3A_61, %get3A_62] : memref<416x2048xf32, #tpu.memory_space<vmem>>, vector<104x512xf32>
    %mul3A_64 = arith.mulf %get3A_63, %get3A_63 : vector<104x512xf32>
    %reduce_sum3A_65 = arith.constant dense<0.000000e+00> : vector<512xf32>
    %reduce_sum3A_66 = vector.multi_reduction <add>, %mul3A_64, %reduce_sum3A_65 [0] : vector<104x512xf32> to vector<512xf32>
    %add3A_67 = arith.addf %broadcast_in_dim3A_58, %reduce_sum3A_66 : vector<512xf32>
    %get3A_68 = arith.constant 0 : index
    %get3A_69 = arith.constant 0 : index
    %get3A_70 = vector.load %arg2[%get3A_68, %get3A_69] : memref<16x416xf32, #tpu.memory_space<vmem>>, vector<16x104xf32>
    %dot_general3A_71 = arith.constant dense<0.000000e+00> : vector<16x512xf32>
    %dot_general3A_72 = tpu.matmul %get3A_70, %get3A_63, %dot_general3A_71 {dimension_numbers = #tpu.dot_dimension_numbers<[1], [0], [0], [1], [0, 0, 1, 1], [], []>, transpose_lhs_hint = false} : vector<16x104xf32>, vector<104x512xf32>, vector<16x512xf32> -> vector<16x512xf32>
    %add3A_73 = arith.addf %broadcast_in_dim3A_60, %dot_general3A_72 : vector<16x512xf32>
    %get3A_74 = arith.constant 104 : index
    %get3A_75 = arith.constant 512 : index
    %get3A_76 = vector.load %arg1[%get3A_74, %get3A_75] : memref<416x2048xf32, #tpu.memory_space<vmem>>, vector<104x512xf32>
    %mul3A_77 = arith.mulf %get3A_76, %get3A_76 : vector<104x512xf32>
    %reduce_sum3A_78 = arith.constant dense<0.000000e+00> : vector<512xf32>
    %reduce_sum3A_79 = vector.multi_reduction <add>, %mul3A_77, %reduce_sum3A_78 [0] : vector<104x512xf32> to vector<512xf32>
    %add3A_80 = arith.addf %add3A_67, %reduce_sum3A_79 : vector<512xf32>
    %get3A_81 = arith.constant 0 : index
    %get3A_82 = arith.constant 104 : index
    %get3A_83 = vector.load %arg2[%get3A_81, %get3A_82] : memref<16x416xf32, #tpu.memory_space<vmem>>, vector<16x104xf32>
    %dot_general3A_84 = arith.constant dense<0.000000e+00> : vector<16x512xf32>
    %dot_general3A_85 = tpu.matmul %get3A_83, %get3A_76, %dot_general3A_84 {dimension_numbers = #tpu.dot_dimension_numbers<[1], [0], [0], [1], [0, 0, 1, 1], [], []>, transpose_lhs_hint = false} : vector<16x104xf32>, vector<104x512xf32>, vector<16x512xf32> -> vector<16x512xf32>
    %add3A_86 = arith.addf %add3A_73, %dot_general3A_85 : vector<16x512xf32>
    %get3A_87 = arith.constant 208 : index
    %get3A_88 = arith.constant 512 : index
    %get3A_89 = vector.load %arg1[%get3A_87, %get3A_88] : memref<416x2048xf32, #tpu.memory_space<vmem>>, vector<104x512xf32>
    %mul3A_90 = arith.mulf %get3A_89, %get3A_89 : vector<104x512xf32>
    %reduce_sum3A_91 = arith.constant dense<0.000000e+00> : vector<512xf32>
    %reduce_sum3A_92 = vector.multi_reduction <add>, %mul3A_90, %reduce_sum3A_91 [0] : vector<104x512xf32> to vector<512xf32>
    %add3A_93 = arith.addf %add3A_80, %reduce_sum3A_92 : vector<512xf32>
    %get3A_94 = arith.constant 0 : index
    %get3A_95 = arith.constant 208 : index
    %get3A_96 = vector.load %arg2[%get3A_94, %get3A_95] : memref<16x416xf32, #tpu.memory_space<vmem>>, vector<16x104xf32>
    %dot_general3A_97 = arith.constant dense<0.000000e+00> : vector<16x512xf32>
    %dot_general3A_98 = tpu.matmul %get3A_96, %get3A_89, %dot_general3A_97 {dimension_numbers = #tpu.dot_dimension_numbers<[1], [0], [0], [1], [0, 0, 1, 1], [], []>, transpose_lhs_hint = false} : vector<16x104xf32>, vector<104x512xf32>, vector<16x512xf32> -> vector<16x512xf32>
    %add3A_99 = arith.addf %add3A_86, %dot_general3A_98 : vector<16x512xf32>
    %get3A_100 = arith.constant 312 : index
    %get3A_101 = arith.constant 512 : index
    %get3A_102 = vector.load %arg1[%get3A_100, %get3A_101] : memref<416x2048xf32, #tpu.memory_space<vmem>>, vector<104x512xf32>
    %mul3A_103 = arith.mulf %get3A_102, %get3A_102 : vector<104x512xf32>
    %reduce_sum3A_104 = arith.constant dense<0.000000e+00> : vector<512xf32>
    %reduce_sum3A_105 = vector.multi_reduction <add>, %mul3A_103, %reduce_sum3A_104 [0] : vector<104x512xf32> to vector<512xf32>
    %add3A_106 = arith.addf %add3A_93, %reduce_sum3A_105 : vector<512xf32>
    %get3A_107 = arith.constant 0 : index
    %get3A_108 = arith.constant 312 : index
    %get3A_109 = vector.load %arg2[%get3A_107, %get3A_108] : memref<16x416xf32, #tpu.memory_space<vmem>>, vector<16x104xf32>
    %dot_general3A_110 = arith.constant dense<0.000000e+00> : vector<16x512xf32>
    %dot_general3A_111 = tpu.matmul %get3A_109, %get3A_102, %dot_general3A_110 {dimension_numbers = #tpu.dot_dimension_numbers<[1], [0], [0], [1], [0, 0, 1, 1], [], []>, transpose_lhs_hint = false} : vector<16x104xf32>, vector<104x512xf32>, vector<16x512xf32> -> vector<16x512xf32>
    %add3A_112 = arith.addf %add3A_99, %dot_general3A_111 : vector<16x512xf32>
    %mul3A_113 = arith.mulf %add3A_112, %add3A_112 : vector<16x512xf32>
    %reduce_sum3A_114 = arith.constant dense<0.000000e+00> : vector<512xf32>
    %reduce_sum3A_115 = vector.multi_reduction <add>, %mul3A_113, %reduce_sum3A_114 [0] : vector<16x512xf32> to vector<512xf32>
    %sub3A_116 = arith.subf %reduce_sum3A_115, %add3A_106 : vector<512xf32>
    %mul3A_117 = arith.constant 5.000000e-01 : f32
    %mul3A_118 = vector.broadcast %mul3A_117 : f32 to vector<512xf32>
    %mul3A_119 = arith.mulf %mul3A_118, %sub3A_116 : vector<512xf32>
    %swap3A_120 = arith.constant 512 : index
    %swap3A_121 = vector.load %arg3[%swap3A_120] : memref<2048xf32, #tpu.memory_space<vmem>>, vector<512xf32>
    tpu.vector_store %arg3[%swap3A_120], %mul3A_119 {strides = array<i32>} : memref<2048xf32, #tpu.memory_space<vmem>>, vector<512xf32>,
    %broadcast_in_dim3A_122 = arith.constant 0.000000e+00 : f32
    %broadcast_in_dim3A_123 = vector.broadcast %broadcast_in_dim3A_122 : f32 to vector<512xf32>
    %broadcast_in_dim3A_124 = arith.constant 0.000000e+00 : f32
    %broadcast_in_dim3A_125 = vector.broadcast %broadcast_in_dim3A_124 : f32 to vector<16x512xf32>
    %get3A_126 = arith.constant 0 : index
    %get3A_127 = arith.constant 1024 : index
    %get3A_128 = vector.load %arg1[%get3A_126, %get3A_127] : memref<416x2048xf32, #tpu.memory_space<vmem>>, vector<104x512xf32>
    %mul3A_129 = arith.mulf %get3A_128, %get3A_128 : vector<104x512xf32>
    %reduce_sum3A_130 = arith.constant dense<0.000000e+00> : vector<512xf32>
    %reduce_sum3A_131 = vector.multi_reduction <add>, %mul3A_129, %reduce_sum3A_130 [0] : vector<104x512xf32> to vector<512xf32>
    %add3A_132 = arith.addf %broadcast_in_dim3A_123, %reduce_sum3A_131 : vector<512xf32>
    %get3A_133 = arith.constant 0 : index
    %get3A_134 = arith.constant 0 : index
    %get3A_135 = vector.load %arg2[%get3A_133, %get3A_134] : memref<16x416xf32, #tpu.memory_space<vmem>>, vector<16x104xf32>
    %dot_general3A_136 = arith.constant dense<0.000000e+00> : vector<16x512xf32>
    %dot_general3A_137 = tpu.matmul %get3A_135, %get3A_128, %dot_general3A_136 {dimension_numbers = #tpu.dot_dimension_numbers<[1], [0], [0], [1], [0, 0, 1, 1], [], []>, transpose_lhs_hint = false} : vector<16x104xf32>, vector<104x512xf32>, vector<16x512xf32> -> vector<16x512xf32>
    %add3A_138 = arith.addf %broadcast_in_dim3A_125, %dot_general3A_137 : vector<16x512xf32>
    %get3A_139 = arith.constant 104 : index
    %get3A_140 = arith.constant 1024 : index
    %get3A_141 = vector.load %arg1[%get3A_139, %get3A_140] : memref<416x2048xf32, #tpu.memory_space<vmem>>, vector<104x512xf32>
    %mul3A_142 = arith.mulf %get3A_141, %get3A_141 : vector<104x512xf32>
    %reduce_sum3A_143 = arith.constant dense<0.000000e+00> : vector<512xf32>
    %reduce_sum3A_144 = vector.multi_reduction <add>, %mul3A_142, %reduce_sum3A_143 [0] : vector<104x512xf32> to vector<512xf32>
    %add3A_145 = arith.addf %add3A_132, %reduce_sum3A_144 : vector<512xf32>
    %get3A_146 = arith.constant 0 : index
    %get3A_147 = arith.constant 104 : index
    %get3A_148 = vector.load %arg2[%get3A_146, %get3A_147] : memref<16x416xf32, #tpu.memory_space<vmem>>, vector<16x104xf32>
    %dot_general3A_149 = arith.constant dense<0.000000e+00> : vector<16x512xf32>
    %dot_general3A_150 = tpu.matmul %get3A_148, %get3A_141, %dot_general3A_149 {dimension_numbers = #tpu.dot_dimension_numbers<[1], [0], [0], [1], [0, 0, 1, 1], [], []>, transpose_lhs_hint = false} : vector<16x104xf32>, vector<104x512xf32>, vector<16x512xf32> -> vector<16x512xf32>
    %add3A_151 = arith.addf %add3A_138, %dot_general3A_150 : vector<16x512xf32>
    %get3A_152 = arith.constant 208 : index
    %get3A_153 = arith.constant 1024 : index
    %get3A_154 = vector.load %arg1[%get3A_152, %get3A_153] : memref<416x2048xf32, #tpu.memory_space<vmem>>, vector<104x512xf32>
    %mul3A_155 = arith.mulf %get3A_154, %get3A_154 : vector<104x512xf32>
    %reduce_sum3A_156 = arith.constant dense<0.000000e+00> : vector<512xf32>
    %reduce_sum3A_157 = vector.multi_reduction <add>, %mul3A_155, %reduce_sum3A_156 [0] : vector<104x512xf32> to vector<512xf32>
    %add3A_158 = arith.addf %add3A_145, %reduce_sum3A_157 : vector<512xf32>
    %get3A_159 = arith.constant 0 : index
    %get3A_160 = arith.constant 208 : index
    %get3A_161 = vector.load %arg2[%get3A_159, %get3A_160] : memref<16x416xf32, #tpu.memory_space<vmem>>, vector<16x104xf32>
    %dot_general3A_162 = arith.constant dense<0.000000e+00> : vector<16x512xf32>
    %dot_general3A_163 = tpu.matmul %get3A_161, %get3A_154, %dot_general3A_162 {dimension_numbers = #tpu.dot_dimension_numbers<[1], [0], [0], [1], [0, 0, 1, 1], [], []>, transpose_lhs_hint = false} : vector<16x104xf32>, vector<104x512xf32>, vector<16x512xf32> -> vector<16x512xf32>
    %add3A_164 = arith.addf %add3A_151, %dot_general3A_163 : vector<16x512xf32>
    %get3A_165 = arith.constant 312 : index
    %get3A_166 = arith.constant 1024 : index
    %get3A_167 = vector.load %arg1[%get3A_165, %get3A_166] : memref<416x2048xf32, #tpu.memory_space<vmem>>, vector<104x512xf32>
    %mul3A_168 = arith.mulf %get3A_167, %get3A_167 : vector<104x512xf32>
    %reduce_sum3A_169 = arith.constant dense<0.000000e+00> : vector<512xf32>
    %reduce_sum3A_170 = vector.multi_reduction <add>, %mul3A_168, %reduce_sum3A_169 [0] : vector<104x512xf32> to vector<512xf32>
    %add3A_171 = arith.addf %add3A_158, %reduce_sum3A_170 : vector<512xf32>
    %get3A_172 = arith.constant 0 : index
    %get3A_173 = arith.constant 312 : index
    %get3A_174 = vector.load %arg2[%get3A_172, %get3A_173] : memref<16x416xf32, #tpu.memory_space<vmem>>, vector<16x104xf32>
    %dot_general3A_175 = arith.constant dense<0.000000e+00> : vector<16x512xf32>
    %dot_general3A_176 = tpu.matmul %get3A_174, %get3A_167, %dot_general3A_175 {dimension_numbers = #tpu.dot_dimension_numbers<[1], [0], [0], [1], [0, 0, 1, 1], [], []>, transpose_lhs_hint = false} : vector<16x104xf32>, vector<104x512xf32>, vector<16x512xf32> -> vector<16x512xf32>
    %add3A_177 = arith.addf %add3A_164, %dot_general3A_176 : vector<16x512xf32>
    %mul3A_178 = arith.mulf %add3A_177, %add3A_177 : vector<16x512xf32>
    %reduce_sum3A_179 = arith.constant dense<0.000000e+00> : vector<512xf32>
    %reduce_sum3A_180 = vector.multi_reduction <add>, %mul3A_178, %reduce_sum3A_179 [0] : vector<16x512xf32> to vector<512xf32>
    %sub3A_181 = arith.subf %reduce_sum3A_180, %add3A_171 : vector<512xf32>
    %mul3A_182 = arith.constant 5.000000e-01 : f32
    %mul3A_183 = vector.broadcast %mul3A_182 : f32 to vector<512xf32>
    %mul3A_184 = arith.mulf %mul3A_183, %sub3A_181 : vector<512xf32>
    %swap3A_185 = arith.constant 1024 : index
    %swap3A_186 = vector.load %arg3[%swap3A_185] : memref<2048xf32, #tpu.memory_space<vmem>>, vector<512xf32>
    tpu.vector_store %arg3[%swap3A_185], %mul3A_184 {strides = array<i32>} : memref<2048xf32, #tpu.memory_space<vmem>>, vector<512xf32>,
    %broadcast_in_dim3A_187 = arith.constant 0.000000e+00 : f32
    %broadcast_in_dim3A_188 = vector.broadcast %broadcast_in_dim3A_187 : f32 to vector<512xf32>
    %broadcast_in_dim3A_189 = arith.constant 0.000000e+00 : f32
    %broadcast_in_dim3A_190 = vector.broadcast %broadcast_in_dim3A_189 : f32 to vector<16x512xf32>
    %get3A_191 = arith.constant 0 : index
    %get3A_192 = arith.constant 1536 : index
    %get3A_193 = vector.load %arg1[%get3A_191, %get3A_192] : memref<416x2048xf32, #tpu.memory_space<vmem>>, vector<104x512xf32>
    %mul3A_194 = arith.mulf %get3A_193, %get3A_193 : vector<104x512xf32>
    %reduce_sum3A_195 = arith.constant dense<0.000000e+00> : vector<512xf32>
    %reduce_sum3A_196 = vector.multi_reduction <add>, %mul3A_194, %reduce_sum3A_195 [0] : vector<104x512xf32> to vector<512xf32>
    %add3A_197 = arith.addf %broadcast_in_dim3A_188, %reduce_sum3A_196 : vector<512xf32>
    %get3A_198 = arith.constant 0 : index
    %get3A_199 = arith.constant 0 : index
    %get3A_200 = vector.load %arg2[%get3A_198, %get3A_199] : memref<16x416xf32, #tpu.memory_space<vmem>>, vector<16x104xf32>
    %dot_general3A_201 = arith.constant dense<0.000000e+00> : vector<16x512xf32>
    %dot_general3A_202 = tpu.matmul %get3A_200, %get3A_193, %dot_general3A_201 {dimension_numbers = #tpu.dot_dimension_numbers<[1], [0], [0], [1], [0, 0, 1, 1], [], []>, transpose_lhs_hint = false} : vector<16x104xf32>, vector<104x512xf32>, vector<16x512xf32> -> vector<16x512xf32>
    %add3A_203 = arith.addf %broadcast_in_dim3A_190, %dot_general3A_202 : vector<16x512xf32>
    %get3A_204 = arith.constant 104 : index
    %get3A_205 = arith.constant 1536 : index
    %get3A_206 = vector.load %arg1[%get3A_204, %get3A_205] : memref<416x2048xf32, #tpu.memory_space<vmem>>, vector<104x512xf32>
    %mul3A_207 = arith.mulf %get3A_206, %get3A_206 : vector<104x512xf32>
    %reduce_sum3A_208 = arith.constant dense<0.000000e+00> : vector<512xf32>
    %reduce_sum3A_209 = vector.multi_reduction <add>, %mul3A_207, %reduce_sum3A_208 [0] : vector<104x512xf32> to vector<512xf32>
    %add3A_210 = arith.addf %add3A_197, %reduce_sum3A_209 : vector<512xf32>
    %get3A_211 = arith.constant 0 : index
    %get3A_212 = arith.constant 104 : index
    %get3A_213 = vector.load %arg2[%get3A_211, %get3A_212] : memref<16x416xf32, #tpu.memory_space<vmem>>, vector<16x104xf32>
    %dot_general3A_214 = arith.constant dense<0.000000e+00> : vector<16x512xf32>
    %dot_general3A_215 = tpu.matmul %get3A_213, %get3A_206, %dot_general3A_214 {dimension_numbers = #tpu.dot_dimension_numbers<[1], [0], [0], [1], [0, 0, 1, 1], [], []>, transpose_lhs_hint = false} : vector<16x104xf32>, vector<104x512xf32>, vector<16x512xf32> -> vector<16x512xf32>
    %add3A_216 = arith.addf %add3A_203, %dot_general3A_215 : vector<16x512xf32>
    %get3A_217 = arith.constant 208 : index
    %get3A_218 = arith.constant 1536 : index
    %get3A_219 = vector.load %arg1[%get3A_217, %get3A_218] : memref<416x2048xf32, #tpu.memory_space<vmem>>, vector<104x512xf32>
    %mul3A_220 = arith.mulf %get3A_219, %get3A_219 : vector<104x512xf32>
    %reduce_sum3A_221 = arith.constant dense<0.000000e+00> : vector<512xf32>
    %reduce_sum3A_222 = vector.multi_reduction <add>, %mul3A_220, %reduce_sum3A_221 [0] : vector<104x512xf32> to vector<512xf32>
    %add3A_223 = arith.addf %add3A_210, %reduce_sum3A_222 : vector<512xf32>
    %get3A_224 = arith.constant 0 : index
    %get3A_225 = arith.constant 208 : index
    %get3A_226 = vector.load %arg2[%get3A_224, %get3A_225] : memref<16x416xf32, #tpu.memory_space<vmem>>, vector<16x104xf32>
    %dot_general3A_227 = arith.constant dense<0.000000e+00> : vector<16x512xf32>
    %dot_general3A_228 = tpu.matmul %get3A_226, %get3A_219, %dot_general3A_227 {dimension_numbers = #tpu.dot_dimension_numbers<[1], [0], [0], [1], [0, 0, 1, 1], [], []>, transpose_lhs_hint = false} : vector<16x104xf32>, vector<104x512xf32>, vector<16x512xf32> -> vector<16x512xf32>
    %add3A_229 = arith.addf %add3A_216, %dot_general3A_228 : vector<16x512xf32>
    %get3A_230 = arith.constant 312 : index
    %get3A_231 = arith.constant 1536 : index
    %get3A_232 = vector.load %arg1[%get3A_230, %get3A_231] : memref<416x2048xf32, #tpu.memory_space<vmem>>, vector<104x512xf32>
    %mul3A_233 = arith.mulf %get3A_232, %get3A_232 : vector<104x512xf32>
    %reduce_sum3A_234 = arith.constant dense<0.000000e+00> : vector<512xf32>
    %reduce_sum3A_235 = vector.multi_reduction <add>, %mul3A_233, %reduce_sum3A_234 [0] : vector<104x512xf32> to vector<512xf32>
    %add3A_236 = arith.addf %add3A_223, %reduce_sum3A_235 : vector<512xf32>
    %get3A_237 = arith.constant 0 : index
    %get3A_238 = arith.constant 312 : index
    %get3A_239 = vector.load %arg2[%get3A_237, %get3A_238] : memref<16x416xf32, #tpu.memory_space<vmem>>, vector<16x104xf32>
    %dot_general3A_240 = arith.constant dense<0.000000e+00> : vector<16x512xf32>
    %dot_general3A_241 = tpu.matmul %get3A_239, %get3A_232, %dot_general3A_240 {dimension_numbers = #tpu.dot_dimension_numbers<[1], [0], [0], [1], [0, 0, 1, 1], [], []>, transpose_lhs_hint = false} : vector<16x104xf32>, vector<104x512xf32>, vector<16x512xf32> -> vector<16x512xf32>
    %add3A_242 = arith.addf %add3A_229, %dot_general3A_241 : vector<16x512xf32>
    %mul3A_243 = arith.mulf %add3A_242, %add3A_242 : vector<16x512xf32>
    %reduce_sum3A_244 = arith.constant dense<0.000000e+00> : vector<512xf32>
    %reduce_sum3A_245 = vector.multi_reduction <add>, %mul3A_243, %reduce_sum3A_244 [0] : vector<16x512xf32> to vector<512xf32>
    %sub3A_246 = arith.subf %reduce_sum3A_245, %add3A_236 : vector<512xf32>
    %mul3A_247 = arith.constant 5.000000e-01 : f32
    %mul3A_248 = vector.broadcast %mul3A_247 : f32 to vector<512xf32>
    %mul3A_249 = arith.mulf %mul3A_248, %sub3A_246 : vector<512xf32>
    %swap3A_250 = arith.constant 1536 : index
    %swap3A_251 = vector.load %arg3[%swap3A_250] : memref<2048xf32, #tpu.memory_space<vmem>>, vector<512xf32>
    tpu.vector_store %arg3[%swap3A_250], %mul3A_249 {strides = array<i32>} : memref<2048xf32, #tpu.memory_space<vmem>>, vector<512xf32>,
    return
  }
  func.func @transform_0(%arg0: i32) -> (i32, i32) {
    %c0_i32 = arith.constant 0 : i32
    %c0_i32_0 = arith.constant 0 : i32
    return %c0_i32, %arg0 : i32, i32
  }
  func.func @transform_1(%arg0: i32) -> (i32, i32) {
    %c0_i32 = arith.constant 0 : i32
    %c0_i32_0 = arith.constant 0 : i32
    %c0_i32_1 = arith.constant 0 : i32
    return %c0_i32, %c0_i32_0 : i32, i32
  }
  func.func @transform_2(%arg0: i32) -> i32 {
    %c0_i32 = arith.constant 0 : i32
    return %arg0 : i32
  }
}

module attributes {stable_mosaic.version = 14 : i64} {
  func.func @_comb_body(%arg0: memref<16384xf32, #tpu.memory_space<vmem>>, %arg1: memref<16384xf32, #tpu.memory_space<vmem>>, %arg2: memref<16384xf32, #tpu.memory_space<vmem>>) attributes {dimension_semantics = [], scalar_prefetch = 0 : i64, scratch_operands = 0 : i64, tpu.core_type = #tpu.core_type<tc>} {
    %get3A = arith.constant 0 : index
    %get3A_0 = vector.load %arg0[%get3A] : memref<16384xf32, #tpu.memory_space<vmem>>, vector<16384xf32>
    %get3A_1 = arith.constant 0 : index
    %get3A_2 = vector.load %arg1[%get3A_1] : memref<16384xf32, #tpu.memory_space<vmem>>, vector<16384xf32>
    %add3A = arith.addf %get3A_0, %get3A_2 : vector<16384xf32>
    %swap3A = arith.constant 0 : index
    %swap3A_3 = vector.load %arg2[%swap3A] : memref<16384xf32, #tpu.memory_space<vmem>>, vector<16384xf32>
    tpu.vector_store %arg2[%swap3A], %add3A {strides = array<i32>} : memref<16384xf32, #tpu.memory_space<vmem>>, vector<16384xf32>,
    return
  }
}

</mosaic_0001>

<sc_bundles>
// kernel: kernel.5.cloned.1.call-start
scs
__scs_entry_jumppad:
0x0: {  	(pc) =	sbr.rel $0x88, $3  }
0x1: {  	(tag) =	ssettag $0x0;
	lr =	simm.s32 $0x1  }
0x2: {  	[smem:$0x3F9E] =	sst lr;
	_ =	strace $0xD0000000  }
0x3: {  	_ = 	snop  }
0x4: {  	_ = 	snop  }
0x5: {  	_ = 	snop  }
0x6: {  	_ = 	snop  }
0x7: {  	_ = 	snop  }
__scs_overlays_trampoline_lowered:
0x8: {  	[smem:$0x3FAD] =	sst s0  }
0x9: {  	[smem:$0x3FAE] =	sst s1  }
0xa: {  	[smem:$0x3FAF] =	sst s2  }
0xb: {  	[smem:$0x3FB0] =	sst s3  }
0xc: {  	[smem:$0x3FB1] =	sst s4  }
0xd: {  	[smem:$0x3FB2] =	sst s5  }
0xe: {  	[smem:$0x3FB3] =	sst s6  }
0xf: {  	[smem:$0x3FB4] =	sst s7  }
0x10: {  	[smem:$0x3FB5] =	sst s8  }
0x11: {  	[smem:$0x3FB6] =	sst s9;
	s0 =	simm.s32 @!p0 $0x0  }
0x12: {  	s1 =	sld [smem:$0x3F9C];
	s0 =	simm.s32 @p0 $0x1  }
0x13: {  	[smem:$0x3FB7] =	sst s0;
	s0 =	simm.s32 @!p1 $0x0  }
0x14: {  	s2 =	sld [smem:$0x3F9B];
	s0 =	simm.s32 @p1 $0x1  }
0x15: {  	[smem:$0x3FB8] =	sst s0;
	s0 =	simm.s32 @!p2 $0x0  }
0x16: {  	s3 =	sld [smem:$0x3FDB];
	s0 =	simm.s32 @p2 $0x1  }
0x17: {  	s4 =	simm.s32 $0x1BF5;
	[smem:$0x3FBA] =	sst s0  }
0x18: {  	s0 =	sld [smem:$0x3F9D];
	_ =	swait.ge [sflag:s4], $0x0  }
0x19: {  	s7 =	sld [smem:$0x3F9E]  }
0x1a: {  	s8 =	sadd.s32 $0xFFFFE003, lr  }
0x1b: {  	s9 =	sadd.s32 $0xFFFFFEF7, lr;
	s5 =	simm.s32 $0xFFFFFFFF;
	p2 =	slt.u32 s8, $0xFFFFF086  }
0x1c: {  	p1 =	slt.u32 s9, $0xF7A;
	s5 =	simm.s32 @!p2 $0x0  }
0x1d: {  	s5 =	simm.s32 @p1 $0x1;
	p0 =	seq.s32 s7, s2  }
0x1e: {  	s7 =	smul.u32 @!p0 $0xF7A, s2;
	p2 =	seq.s32 @!p0 s5, $0x0  }
0x1f: {  	s9 =	smul.u32 $0xF7A, s1;
	s8 =	simm.s32 @!p0 $0x1BF5;
	p2 =	por !p2, p0  }
0x20: {  	[sflag:s8] =	ssyncset.s32 @!p0 $0xFFFFF086;
	s6 =	sadd.s32 @!p0 s3, s7;
	s7 =	simm.s32 @!p0 $0x108  }
0x21: {  	s3 =	sadd.s32 s3, s9;
	s6 =	sadd.s32 @!p0 $0x88, s6;
	s7 =	simm.s32 @p2 $0x1082  }
0x22: {  	[simem:s7], [sflag:s8] =	dma.local @!p0 [hbm:s6], $0xF7A  }
0x23: {  	s9 =	sor.u32 $0xD0000000, s2;
	s6 =	simm.s32 $0x108;
	_ =	swait.ge @!p0 [sflag:s8], $0x0  }
0x24: {  	s3 =	sadd.s32 $0x88, s3;
	s6 =	simm.s32 @!p1 $0x1082;
	[sflag:s4] =	ssyncset.s32 $0xFFFFF086  }
0x25: {  	[simem:s6], [sflag:s4] =	dma.local [hbm:s3], $0xF7A  }
0x26: {  	[smem:$0x3F9E] =	sst s1;
	(tag) =	ssettag s2;
	_ =	strace s9  }
0x27: {  	s1 =	sld [smem:$0x3FAE]  }
0x28: {  	s2 =	sld [smem:$0x3FAF]  }
0x29: {  	s4 =	sld [smem:$0x3FB1]  }
0x2a: {  	p0 =	seq.s32 s5, $0x0;
	s5 =	sld [smem:$0x3FB2]  }
0x2b: {  	s6 =	sld [smem:$0x3FB3]  }
0x2c: {  	s7 =	sld [smem:$0x3FB4]  }
0x2d: {  	s3 =	simm.s32 $0x108;
	s8 =	sld [smem:$0x3FB5]  }
0x2e: {  	s3 =	simm.s32 @!p0 $0x1082;
	s9 =	sld [smem:$0x3FB6]  }
0x2f: {  	lr =	sadd.s32 s0, s3;
	s0 =	sld [smem:$0x3FAD]  }
0x30: {  	s3 =	sld [smem:$0x3FB0]  }
0x31: {  	[smem:$0x3FB9] =	sst s10  }
0x32: {  	s10 =	sld [smem:$0x3FB7];
	_ =	sdelay $0x3  }
0x33: {  	p0 =	seq.s32 s10, $0x1;
	s10 =	sld [smem:$0x3FB9];
	_ =	sdelay $0x3  }
0x34: {  	[smem:$0x3FB9] =	sst s10  }
0x35: {  	s10 =	sld [smem:$0x3FB8];
	_ =	sdelay $0x3  }
0x36: {  	p1 =	seq.s32 s10, $0x1;
	s10 =	sld [smem:$0x3FB9];
	_ =	sdelay $0x3  }
0x37: {  	[smem:$0x3FB9] =	sst s10  }
0x38: {  	s10 =	sld [smem:$0x3FBA]  }
0x39: {  	_ = 	snop;
	(pc) =	sbr.ind lr, $3  }
0x3a: {  	_ = 	snop  }
0x3b: {  	_ = 	snop  }
0x3c: {  	p2 =	seq.s32 s10, $0x1;
	s10 =	sld [smem:$0x3FB9]  }
0x3d: {  	_ =	shalt  }
0x3e: {  	_ =	shalt  }
0x3f: {  	_ =	shalt  }
0x40: {  	_ =	shalt  }
0x41: {  	_ =	shalt  }
0x42: {  	_ =	shalt  }
0x43: {  	_ =	shalt  }
0x44: {  	_ =	shalt  }
0x45: {  	_ =	shalt  }
0x46: {  	_ =	shalt  }
0x47: {  	_ =	shalt  }
0x48: {  	_ =	shalt  }
0x49: {  	_ =	shalt  }
0x4a: {  	_ =	shalt  }
0x4b: {  	_ =	shalt  }
0x4c: {  	_ =	shalt  }
0x4d: {  	_ =	shalt  }
0x4e: {  	_ =	shalt  }
0x4f: {  	_ =	shalt  }
0x50: {  	_ =	shalt  }
0x51: {  	_ =	shalt  }
0x52: {  	_ =	shalt  }
0x53: {  	_ =	shalt  }
0x54: {  	_ =	shalt  }
0x55: {  	_ =	shalt  }
0x56: {  	_ =	shalt  }
0x57: {  	_ =	shalt  }
0x58: {  	_ =	shalt  }
0x59: {  	_ =	shalt  }
0x5a: {  	_ =	shalt  }
0x5b: {  	_ =	shalt  }
0x5c: {  	_ =	shalt  }
0x5d: {  	_ =	shalt  }
0x5e: {  	_ =	shalt  }
0x5f: {  	_ =	shalt  }
0x60: {  	_ =	shalt  }
0x61: {  	_ =	shalt  }
0x62: {  	_ =	shalt  }
0x63: {  	_ =	shalt  }
0x64: {  	_ =	shalt  }
0x65: {  	_ =	shalt  }
0x66: {  	_ =	shalt  }
0x67: {  	_ =	shalt  }
0x68: {  	_ =	shalt  }
0x69: {  	_ =	shalt  }
0x6a: {  	_ =	shalt  }
0x6b: {  	_ =	shalt  }
0x6c: {  	_ =	shalt  }
0x6d: {  	_ =	shalt  }
0x6e: {  	_ =	shalt  }
0x6f: {  	_ =	shalt  }
0x70: {  	_ =	shalt  }
0x71: {  	_ =	shalt  }
0x72: {  	_ =	shalt  }
0x73: {  	_ =	shalt  }
0x74: {  	_ =	shalt  }
0x75: {  	_ =	shalt  }
0x76: {  	_ =	shalt  }
0x77: {  	_ =	shalt  }
0x78: {  	_ =	shalt  }
0x79: {  	_ =	shalt  }
0x7a: {  	_ =	shalt  }
0x7b: {  	_ =	shalt  }
0x7c: {  	_ =	shalt  }
0x7d: {  	_ =	shalt  }
0x7e: {  	_ =	shalt  }
0x7f: {  	_ =	shalt  }
0x80: {  	_ =	shalt  }
0x81: {  	_ =	shalt  }
0x82: {  	_ =	shalt  }
0x83: {  	_ =	shalt  }
0x84: {  	_ =	shalt  }
0x85: {  	_ =	shalt  }
0x86: {  	_ =	shalt  }
0x87: {  	_ =	shalt  }
.Lfunc_end0:
.L_simem_size_0:
called_computation_lowered:
.L_overlay_start_0:
0x88: {  	s2 =	sld [smem:$0x3FD9]  }
0x89: {  	s3 =	sld [smem:$0x3FFE];
	_ =	sdelay $0x1  }
0x8a: {  	s1 =	srdreg.scid  }
0x8b: {  	s0 =	sand.u32 $0x1, s1  }
0x8c: {  	s17 =	sshll.u32 s0, $0xA;
	s2 =	sadd.s32 s3, s2  }
0x8d: {  	s2 =	sadd.s32 s2, s17  }
0x8e: {  	[smem:$0x3FC5] =	sst s2  }
0x8f: {  	_ = 	snop  }
0x90: {  	s2 =	sld [smem:$0x3FD0];
	(tm) =	ssettm $0x1  }
0x91: {  	s18 =	sld [smem:$0x3FFB];
	_ =	sdelay $0x3  }
0x92: {  	_ =	strace s18  }
0x93: {  	s3 =	sld [smem:$0x3FFC];
	_ =	sdelay $0x3  }
0x94: {  	_ =	strace s3  }
0x95: {  	s3 =	sld [smem:$0x3FFD];
	_ =	sdelay $0x3  }
0x96: {  	_ =	strace s3  }
0x97: {  	_ =	strace $0x8FFFFFFF  }
0x98: {  	s19 =	sld [smem:$0x3FDB];
	_ =	sdelay $0x1  }
0x99: {  	s4 =	simm.s32 $_scs_section_size  }
0x9a: {  	s5 =	simm.s32 $_size__tile_overlayer_lowered;
	s6 =	simm.s32 $_tile_overlayer_lowered  }
0x9b: {  	s22 =	simm.s32 $0x1BFF;
	s21 =	sshll.u32 s6, $0x1;
	s3 =	sadd.s32 s4, s19  }
0x9c: {  	s7 =	simm.s32 $0x0;
	s20 =	sshll.u32 s5, $0x1;
	s5 =	sadd.s32 s21, s3  }
0x9d: {  	[timem:s7], [sflag:s22] =	dma.local [hbm:s5], s20  }
0x9e: {  	_ =	swait.ge [sflag:s22], s20  }
0x9f: {  	s4 =	ssub.s32 $0x0, s20;
	[sflag:s22] =	ssyncset.done $0x0  }
0xa0: {  	[sflag:s22] =	ssyncadd.s32 s4;
	_ =	sdelay $0x1  }
0xa1: {  	s23 =	simm.s32 $0x1B8B  }
0xa2: {  	_ =	swait.ge [sflag:s23], $0x1  }
0xa3: {  	[sflag:s23] =	ssyncset.done $0x0  }
0xa4: {  	s25 =	simm.s32 $0x1B8E;
	s24 =	sld [smem:$0x3FFE];
	[sflag:s23] =	ssyncadd.s32 $0xFFFFFFFF  }
0xa5: {  	s26 =	simm.s32 $execute0_lowered;
	[smem:$0x3FD2] =	sst s25  }
0xa6: {  	s5 =	sshll.u32 s26, $0x1;
	_ =	strace $0x80000046;
	[dreg:$0x1] =	wrdreg $0xFFFFFFFF  }
0xa7: {  	s28 =	simm.s32 $_size_execute0_lowered;
	s3 =	sadd.s32 s3, s5;
	[dreg:$0x0] =	wrdreg $0x0  }
0xa8: {  	s5 =	sshll.u32 s28, $0x1;
	[dreg:$0x2] =	wrdreg s3  }
0xa9: {  	[dreg:$0x3] =	wrdreg s5  }
0xaa: {  	[dreg:$0x4] =	wrdreg $0xC0  }
0xab: {  	_ =	task [dreg:s7], $0x5FFFF  }
0xac: {  	[dreg:$0x1] =	wrdreg $0xFFFFFFFF  }
0xad: {  	[dreg:$0x0] =	wrdreg $0x60  }
0xae: {  	[dreg:$0x2] =	wrdreg s24  }
0xaf: {  	[dreg:$0x3] =	wrdreg s2  }
0xb0: {  	[dreg:$0x4] =	wrdreg $0x9  }
0xb1: {  	_ =	task.clear_ibuf [dreg:s7], $0x5FFFF;
	_ =	strace $0x90000046  }
0xb2: {  	s29 =	simm.s32 $0x9;
	_ =	strace $0x80000048  }
0xb3: {  	_ =	swait.ge [sflag:s29], $0x1  }
0xb4: {  	[sflag:s29] =	ssyncadd.s32 $0xFFFFFFFF  }
0xb5: {  	_ =	strace $0x90000048  }
0xb6: {  	_ =	sfence  }
0xb7: {  	s30 =	sld [smem:$0x0];
	_ =	sdelay $0x2  }
0xb8: {  	s31 =	sshll.u32 s1, $0xD;
	s1 =	sshrl.u32 s1, $0x2  }
0xb9: {  	s3 =	sand.u32 $0x4000, s31;
	s1 =	sadd.s32 s1, s30  }
0xba: {  	s0 =	sor.u32 s3, s0;
	s1 =	sshll.u32 s1, $0x11  }
0xbb: {  	s0 =	sor.u32 s1, s0  }
0xbc: {  	s0 =	sadd.s32 $0x8F2B, s0  }
0xbd: {  	[sflag:s0] =	ssyncadd.remote.s32 $0x1  }
0xbe: {  	_ =	sfence.sel $0xFFFF  }
0xbf: {  	[dreg:$0x0] =	wrdreg $0xFFFFFFFF;
	(pc) =	sbr.abs _section_cstart, $3  }
0xc0: {  	[dreg:$0x1] =	wrdreg $0xFFFFFFFF  }
0xc1: {  	_ =	task.clear_ibuf [dreg:s7], $0x2FFFF;
	_ =	strace $0x9FFFFFFF  }
0xc2: {  	(tm) =	ssettm $0x7FFFFFFF  }
0xc3: {  	_ =	shalt  }
tec
execute0_lowered:
.L_overlay_start_1:
0x0: {  	(tag) =	ssettag $0x1  }
0x1: {  	s1 =	srdreg.scid;
	s5 =	rddreg [dreg:$0x0]  }
0x2: {  	s0 =	stileid.u32;
	s7 =	rddreg [dreg:$0x1];
	s2 =	simm.s32 $0x0  }
0x3: {  	s10 =	simm.s32 $0x3400;
	s11 =	simm.s32 $0x1;
	s12 =	simm.s32 $0x6800  }
0x4: {  	s3 =	sand.u32 $0x1, s1;
	s26 =	sshll.u32 s0, $0x1;
	s1 =	rddreg [dreg:$0x2]  }
0x5: {  	s28 =	sshrl.u32 s0, $0x2;
	[smem:$0x7FF] =	sst s2;
	s4 =	sor.u32 s3, s26  }
0x6: {  	s6 =	smul.u32 $0x1A000, s28;
	s30 =	ssub.s32 $0x2, s3;
	s29 =	sshll.u32 s4, $0x7  }
0x7: {  	_ =	strace $0x80000047;
	s3 =	sadd.s32 $0xDA00, s5;
	s8 =	sand.u32 $0x380, s29  }
0x8: {  	s9 =	sshrl.u32 s30, $0x1;
	s31 =	sshll.u32 s4, $0x6;
	s6 =	sor.u32 s6, s8  }
0x9: {  	s8 =	ssub.s32 s30, s9;
	s9 =	simm.s32 $0x2;
	s6 =	sshrl.u32 s6, $0x3  }
0xa: {  	s6 =	sadd.s32 s6, s5;
	s5 =	sadd.s32 s7, s31;
	s7 =	simm.s32 $0x80  }
0xb: {  	s4 =	sadd.s32 $0xA00, s6;
	s6 =	smax.u32 s8, $0x1;
	s8 =	simm.s32 $0x400  }
.LBB2_1:
0xc: {  	[tilespmem:s2], [sflag:$0x2] =	stream.strided.gather [hbm4b:s4+s7], $0x3400, s8, s7, $0x38;
	[tilespmem:$0x6A00] =	vst v63  }
0xd: {  	_ =	swait.ge [sflag:s9], $0x3400  }
0xe: {  	[sflag:s9] =	ssyncset.done $0x0  }
0xf: {  	[sflag:s9] =	ssyncadd.s32 $0xFFFFCC00  }
0x10: {  	[tilespmem:s10], [sflag:$0x1] =	stream.indirect.gather [hbm4b:s3+s10], $0x1, s2, s10, $0xb8;
	[tilespmem:$0x6A00] =	vst v63  }
0x11: {  	_ =	swait.ge [sflag:s11], $0x3400  }
0x12: {  	[sflag:s11] =	ssyncset.done $0x0  }
0x13: {  	[sflag:s11] =	ssyncadd.s32 $0xFFFFCC00  }
0x14: {  	v9 =	vld [tilespmem:$0x3400]  }
0x15: {  	v8 =	vld [tilespmem:$0x3600]  }
0x16: {  	v11 =	vld [tilespmem:$0x3800]  }
0x17: {  	v62 =	vld [tilespmem:$0x3A00]  }
0x18: {  	v14 =	vld [tilespmem:$0x3C00]  }
0x19: {  	v15 =	vld [tilespmem:$0x3E00]  }
0x1a: {  	v17 =	vld [tilespmem:$0x4000]  }
0x1b: {  	v19 =	vld [tilespmem:$0x4200]  }
0x1c: {  	v20 =	vld [tilespmem:$0x4400]  }
0x1d: {  	v23 =	vld [tilespmem:$0x4600]  }
0x1e: {  	v58 =	vld [tilespmem:$0x4800]  }
0x1f: {  	v47 =	vld [tilespmem:$0x4A00]  }
0x20: {  	v32 =	vld [tilespmem:$0x4C00]  }
0x21: {  	v28 =	vld [tilespmem:$0x4E00]  }
0x22: {  	v33 =	vld [tilespmem:$0x5000]  }
0x23: {  	v60 =	vld [tilespmem:$0x5200]  }
0x24: {  	v34 =	vld [tilespmem:$0x5400]  }
0x25: {  	v38 =	vld [tilespmem:$0x5600]  }
0x26: {  	v40 =	vld [tilespmem:$0x5800]  }
0x27: {  	v42 =	vld [tilespmem:$0x5A00]  }
0x28: {  	v44 =	vld [tilespmem:$0x5C00]  }
0x29: {  	v46 =	vld [tilespmem:$0x5E00]  }
0x2a: {  	v50 =	vld [tilespmem:$0x6000]  }
0x2b: {  	v61 =	vld [tilespmem:$0x6200]  }
0x2c: {  	v55 =	vld [tilespmem:$0x6400]  }
0x2d: {  	v63 =	vld [tilespmem:$0x6600]  }
0x2e: {  	v53 =	vld [tilespmem:$0x3410]  }
0x2f: {  	v52 =	vld [tilespmem:$0x3610]  }
0x30: {  	v59 =	vld [tilespmem:$0x3810]  }
0x31: {  	v0 =	vld [tilespmem:$0x3A10]  }
0x32: {  	v22 =	vld [tilespmem:$0x3C10]  }
0x33: {  	v24 =	vld [tilespmem:$0x3E10]  }
0x34: {  	v25 =	vld [tilespmem:$0x4010]  }
0x35: {  	v26 =	vld [tilespmem:$0x4210]  }
0x36: {  	v27 =	vld [tilespmem:$0x4410]  }
0x37: {  	v29 =	vld [tilespmem:$0x4610]  }
0x38: {  	v30 =	vld [tilespmem:$0x4810]  }
0x39: {  	v31 =	vld [tilespmem:$0x4A10]  }
0x3a: {  	v35 =	vld [tilespmem:$0x4C10]  }
0x3b: {  	v36 =	vld [tilespmem:$0x4E10]  }
0x3c: {  	v37 =	vld [tilespmem:$0x5010]  }
0x3d: {  	v39 =	vld [tilespmem:$0x5210]  }
0x3e: {  	v41 =	vld [tilespmem:$0x5410]  }
0x3f: {  	v43 =	vld [tilespmem:$0x5610]  }
0x40: {  	v45 =	vld [tilespmem:$0x5810]  }
0x41: {  	v48 =	vld [tilespmem:$0x5A10]  }
0x42: {  	v49 =	vld [tilespmem:$0x5C10]  }
0x43: {  	v51 =	vld [tilespmem:$0x5E10]  }
0x44: {  	v54 =	vld [tilespmem:$0x6010]  }
0x45: {  	v56 =	vld [tilespmem:$0x6210]  }
0x46: {  	v57 =	vld [tilespmem:$0x6410]  }
0x47: {  	v4 =	vld [tilespmem:$0x6610]  }
0x48: {  	v5 =	vld [tilespmem:$0x4220]  }
0x49: {  	v6 =	vld [tilespmem:$0x4420]  }
0x4a: {  	v7 =	vld [tilespmem:$0x4620]  }
0x4b: {  	v10 =	vld [tilespmem:$0x4820]  }
0x4c: {  	v12 =	vld [tilespmem:$0x4A20]  }
0x4d: {  	v13 =	vld [tilespmem:$0x4C20]  }
0x4e: {  	v16 =	vld [tilespmem:$0x4E20]  }
0x4f: {  	v18 =	vld [tilespmem:$0x5020]  }
0x50: {  	v21 =	vld [tilespmem:$0x5220]  }
0x51: {  	v1 =	vld [tilespmem:$0x3440]  }
0x52: {  	v2 =	vld [tilespmem:$0x3840]  }
0x53: {  	v3 =	vld [tilespmem:$0x3A40];
	[tilespmem:$0x1E620] =	vst v0  }
0x54: {  	[tilespmem:$0x1E680] =	vst v27;
	v27 =	vld [tilespmem:$0x3420]  }
0x55: {  	[tilespmem:$0x1E660] =	vst v26;
	v26 =	vld [tilespmem:$0x3620]  }
0x56: {  	[tilespmem:$0x1E6E0] =	vst v31;
	v31 =	vld [tilespmem:$0x3820]  }
0x57: {  	[tilespmem:$0x1E760] =	vst v37;
	v37 =	vld [tilespmem:$0x3A20]  }
0x58: {  	[tilespmem:$0x1E7F0] =	vst v43;
	v43 =	vld [tilespmem:$0x3C20]  }
0x59: {  	[tilespmem:$0x1E8B0] =	vst v49;
	v49 =	vld [tilespmem:$0x3E20]  }
0x5a: {  	[tilespmem:$0x1E930] =	vst v54;
	v54 =	vld [tilespmem:$0x4020]  }
0x5b: {  	[tilespmem:$0x1E630] =	vst v22;
	v22 =	vld [tilespmem:$0x5420]  }
0x5c: {  	[tilespmem:$0x1E640] =	vst v24;
	v24 =	vld [tilespmem:$0x5620]  }
0x5d: {  	[tilespmem:$0x1E650] =	vst v25;
	v25 =	vld [tilespmem:$0x5820]  }
0x5e: {  	[tilespmem:$0x1E6A0] =	vst v29;
	v29 =	vld [tilespmem:$0x5A20]  }
0x5f: {  	[tilespmem:$0x1E6C0] =	vst v30;
	v30 =	vld [tilespmem:$0x5C20]  }
0x60: {  	[tilespmem:$0x1E700] =	vst v35;
	v35 =	vld [tilespmem:$0x5E20]  }
0x61: {  	[tilespmem:$0x1E730] =	vst v36;
	v36 =	vld [tilespmem:$0x6020]  }
0x62: {  	[tilespmem:$0x1E9B0] =	vst v57;
	v57 =	vld [tilespmem:$0x4E30]  }
0x63: {  	[tilespmem:$0x1E790] =	vst v39;
	v39 =	vld [tilespmem:$0x6220]  }
0x64: {  	[tilespmem:$0x1E7C0] =	vst v41;
	v41 =	vld [tilespmem:$0x6420]  }
0x65: {  	[tilespmem:$0x1E830] =	vst v45;
	v45 =	vld [tilespmem:$0x6620]  }
0x66: {  	[tilespmem:$0x1E6B0] =	vst v7;
	v7 =	vld [tilespmem:$0x3430]  }
0x67: {  	[tilespmem:$0x1E770] =	vst v57;
	v57 =	vld [tilespmem:$0x5440]  }
0x68: {  	[tilespmem:$0x1E690] =	vst v6;
	v6 =	vld [tilespmem:$0x3630]  }
0x69: {  	[tilespmem:$0x1E6F0] =	vst v12;
	v12 =	vld [tilespmem:$0x3830]  }
0x6a: {  	[tilespmem:$0x1E750] =	vst v16;
	v16 =	vld [tilespmem:$0x3A30]  }
0x6b: {  	[tilespmem:$0x1E7B0] =	vst v21;
	v21 =	vld [tilespmem:$0x3C30]  }
0x6c: {  	[tilespmem:$0x1E820] =	vst v57;
	v57 =	vld [tilespmem:$0x5640]  }
0x6d: {  	[tilespmem:$0x1E8F0] =	vst v51;
	v51 =	vld [tilespmem:$0x4830]  }
0x6e: {  	[tilespmem:$0x1E870] =	vst v48;
	v48 =	vld [tilespmem:$0x4A30]  }
0x6f: {  	[tilespmem:$0x1E970] =	vst v56;
	v56 =	vld [tilespmem:$0x4C30]  }
0x70: {  	[tilespmem:$0x1E9F0] =	vst v4;
	v4 =	vld [tilespmem:$0x5030]  }
0x71: {  	[tilespmem:$0x1E860] =	vst v57;
	v57 =	vld [tilespmem:$0x5840]  }
0x72: {  	[tilespmem:$0x1E670] =	vst v5;
	v5 =	vld [tilespmem:$0x5230]  }
0x73: {  	[tilespmem:$0x1E6D0] =	vst v10;
	v10 =	vld [tilespmem:$0x5430]  }
0x74: {  	[tilespmem:$0x1E720] =	vst v13;
	v13 =	vld [tilespmem:$0x5630]  }
0x75: {  	[tilespmem:$0x1E780] =	vst v18;
	v18 =	vld [tilespmem:$0x5830]  }
0x76: {  	[tilespmem:$0x1E8A0] =	vst v57;
	v57 =	vld [tilespmem:$0x5A40]  }
0x77: {  	v0 =	vld [tilespmem:$0x3640];
	[tilespmem:$0x1E7E0] =	vst v22  }
0x78: {  	[tilespmem:$0x1E810] =	vst v24;
	v24 =	vld [tilespmem:$0x3E30]  }
0x79: {  	v8 =	vadd.f32 v8, v9;
	[tilespmem:$0x1E890] =	vst v29;
	v29 =	vld [tilespmem:$0x4030]  }
0x7a: {  	[tilespmem:$0x1E910] =	vst v35;
	v35 =	vld [tilespmem:$0x4230]  }
0x7b: {  	v8 =	vadd.f32 v11, v8;
	[tilespmem:$0x1E8E0] =	vst v57;
	v57 =	vld [tilespmem:$0x5C40]  }
0x7c: {  	[tilespmem:$0x1E990] =	vst v39;
	v39 =	vld [tilespmem:$0x4430]  }
0x7d: {  	v8 =	vadd.f32 v62, v8;
	[tilespmem:$0x1EA10] =	vst v45;
	v45 =	vld [tilespmem:$0x4630]  }
0x7e: {  	[tilespmem:$0x1E850] =	vst v25;
	v22 =	vld [tilespmem:$0x5A30]  }
0x7f: {  	[tilespmem:$0x1E8D0] =	vst v30;
	v25 =	vld [tilespmem:$0x5C30];
	v8 =	vadd.f32 v14, v8  }
0x80: {  	[tilespmem:$0x1E920] =	vst v57;
	v57 =	vld [tilespmem:$0x5E40]  }
0x81: {  	[tilespmem:$0x1E950] =	vst v36;
	v30 =	vld [tilespmem:$0x5E30];
	v8 =	vadd.f32 v15, v8  }
0x82: {  	[tilespmem:$0x1E9D0] =	vst v41;
	v36 =	vld [tilespmem:$0x6030]  }
0x83: {  	[tilespmem:$0x1E710] =	vst v48;
	v41 =	vld [tilespmem:$0x6230];
	v8 =	vadd.f32 v17, v8  }
0x84: {  	[tilespmem:$0x1E740] =	vst v56;
	v48 =	vld [tilespmem:$0x6430]  }
0x85: {  	v8 =	vadd.f32 v19, v8;
	[tilespmem:$0x1E960] =	vst v57;
	v57 =	vld [tilespmem:$0x6040]  }
0x86: {  	[tilespmem:$0x1E7A0] =	vst v4;
	v56 =	vld [tilespmem:$0x6630]  }
0x87: {  	[tilespmem:$0x1E7D0] =	vst v5;
	v4 =	vld [tilespmem:$0x3C40];
	v8 =	vadd.f32 v20, v8  }
0x88: {  	[tilespmem:$0x1E800] =	vst v10;
	v5 =	vld [tilespmem:$0x3E40]  }
0x89: {  	[tilespmem:$0x1E840] =	vst v13;
	v10 =	vld [tilespmem:$0x4040];
	v8 =	vadd.f32 v23, v8  }
0x8a: {  	[tilespmem:$0x1E9A0] =	vst v57;
	v57 =	vld [tilespmem:$0x6240]  }
0x8b: {  	[tilespmem:$0x1E880] =	vst v18;
	v13 =	vld [tilespmem:$0x4240];
	v8 =	vadd.f32 v58, v8  }
0x8c: {  	v18 =	vld [tilespmem:$0x4440];
	[tilespmem:$0x1E8C0] =	vst v22  }
0x8d: {  	[tilespmem:$0x1E900] =	vst v25;
	v22 =	vld [tilespmem:$0x4640];
	v8 =	vadd.f32 v47, v8  }
0x8e: {  	[tilespmem:$0x1E940] =	vst v30;
	v25 =	vld [tilespmem:$0x4840]  }
0x8f: {  	v8 =	vadd.f32 v32, v8;
	[tilespmem:$0x1E9E0] =	vst v57;
	v57 =	vld [tilespmem:$0x6440]  }
0x90: {  	[tilespmem:$0x1E980] =	vst v36;
	v30 =	vld [tilespmem:$0x4A40]  }
0x91: {  	[tilespmem:$0x1E9C0] =	vst v41;
	v36 =	vld [tilespmem:$0x4C40];
	v8 =	vadd.f32 v28, v8  }
0x92: {  	[tilespmem:$0x1EA00] =	vst v48;
	v41 =	vld [tilespmem:$0x4E40]  }
0x93: {  	[tilespmem:$0x1EA30] =	vst v56;
	v48 =	vld [tilespmem:$0x5040];
	v8 =	vadd.f32 v33, v8  }
0x94: {  	v56 =	vld [tilespmem:$0x5240];
	[tilespmem:$0x1EA20] =	vst v57  }
0x95: {  	v8 =	vadd.f32 v60, v8;
	v57 =	vld [tilespmem:$0x6640]  }
0x96: {  	v62 =	vld [tilespmem:$0x3660]  }
0x97: {  	v8 =	vadd.f32 v34, v8;
	v14 =	vld [tilespmem:$0x3C60]  }
0x98: {  	v15 =	vld [tilespmem:$0x3E60]  }
0x99: {  	v8 =	vadd.f32 v38, v8;
	v17 =	vld [tilespmem:$0x4860]  }
0x9a: {  	v19 =	vld [tilespmem:$0x4A60]  }
0x9b: {  	v8 =	vadd.f32 v40, v8;
	v20 =	vld [tilespmem:$0x4C60]  }
0x9c: {  	v23 =	vld [tilespmem:$0x5C60]  }
0x9d: {  	v8 =	vadd.f32 v42, v8;
	v32 =	vld [tilespmem:$0x5E60]  }
0x9e: {  	v47 =	vld [tilespmem:$0x6060]  }
0x9f: {  	v8 =	vadd.f32 v44, v8;
	v58 =	vld [tilespmem:$0x6460]  }
0xa0: {  	v34 =	vld [tilespmem:$0x3870]  }
0xa1: {  	v8 =	vadd.f32 v46, v8;
	v38 =	vld [tilespmem:$0x3E70]  }
0xa2: {  	v60 =	vld [tilespmem:$0x4270]  }
0xa3: {  	v8 =	vadd.f32 v50, v8;
	v50 =	vld [tilespmem:$0x4E70]  }
0xa4: {  	v28 =	vld [tilespmem:$0x5070]  }
0xa5: {  	v8 =	vadd.f32 v61, v8;
	v61 =	vld [tilespmem:$0x5270]  }
0xa6: {  	v33 =	vld [tilespmem:$0x5470]  }
0xa7: {  	v40 =	vld [tilespmem:$0x5670]  }
0xa8: {  	[tilespmem:$0x1EA60] =	vst v57;
	v57 =	vld [tilespmem:$0x3450]  }
0xa9: {  	v44 =	vld [tilespmem:$0x5870]  }
0xaa: {  	v42 =	vadd.f32 v52, v53;
	v52 =	vld [tilespmem:$0x5A70]  }
0xab: {  	v6 =	vadd.f32 v6, v7;
	v0 =	vadd.f32 v0, v1;
	v53 =	vld [tilespmem:$0x5C70]  }
0xac: {  	v9 =	vadd.f32 v59, v42;
	v8 =	vadd.f32 v55, v8;
	v59 =	vld [tilespmem:$0x1E620]  }
0xad: {  	v6 =	vadd.f32 v12, v6;
	[tilespmem:$0x1EA40] =	vst v57;
	v57 =	vld [tilespmem:$0x3650]  }
0xae: {  	v0 =	vadd.f32 v2, v0;
	v8 =	vadd.f32 v63, v8;
	v63 =	vld [tilespmem:$0x6070]  }
0xaf: {  	v46 =	vadd.f32 v26, v27;
	v11 =	vld [tilespmem:$0x1E630]  }
0xb0: {  	v12 =	vadd.f32 v16, v6;
	v0 =	vadd.f32 v3, v0;
	v26 =	vld [tilespmem:$0x1E650]  }
0xb1: {  	v55 =	vadd.f32 v31, v46;
	v31 =	vld [tilespmem:$0x3880]  }
0xb2: {  	v2 =	vadd.f32 v21, v12;
	v0 =	vadd.f32 v4, v0;
	[tilespmem:$0x1EA50] =	vst v57;
	v57 =	vld [tilespmem:$0x3850]  }
0xb3: {  	v21 =	vld [tilespmem:$0x3A80]  }
0xb4: {  	v2 =	vadd.f32 v24, v2;
	v0 =	vadd.f32 v5, v0;
	v27 =	vld [tilespmem:$0x1E660]  }
0xb5: {  	v42 =	vld [tilespmem:$0x3C80]  }
0xb6: {  	v2 =	vadd.f32 v29, v2;
	v29 =	vadd.f32 v10, v0;
	v0 =	vld [tilespmem:$0x3E80]  }
0xb7: {  	[tilespmem:$0x1EA90] =	vst v57;
	v57 =	vld [tilespmem:$0x3A50]  }
0xb8: {  	v7 =	vadd.f32 v37, v55;
	v37 =	vld [tilespmem:$0x1E690]  }
0xb9: {  	v46 =	vld [tilespmem:$0x4280]  }
0xba: {  	v4 =	vadd.f32 v13, v29;
	v13 =	vld [tilespmem:$0x4480]  }
0xbb: {  	v16 =	vadd.f32 v43, v7;
	v43 =	vld [tilespmem:$0x1E6B0]  }
0xbc: {  	[tilespmem:$0x1EAB0] =	vst v57;
	v57 =	vld [tilespmem:$0x3C50]  }
0xbd: {  	v12 =	vld [tilespmem:$0x4680]  }
0xbe: {  	v6 =	vld [tilespmem:$0x4880]  }
0xbf: {  	[tilespmem:$0x1EEC0] =	vst v8;
	v8 =	vld [tilespmem:$0x4C80]  }
0xc0: {  	v2 =	vadd.f32 v35, v2;
	v55 =	vld [tilespmem:$0x1E710]  }
0xc1: {  	[tilespmem:$0x1EAD0] =	vst v57;
	v57 =	vld [tilespmem:$0x3E50]  }
0xc2: {  	v2 =	vadd.f32 v39, v2;
	v39 =	vld [tilespmem:$0x5080]  }
0xc3: {  	v4 =	vadd.f32 v18, v4;
	v7 =	vld [tilespmem:$0x5280]  }
0xc4: {  	v18 =	vld [tilespmem:$0x1E730]  }
0xc5: {  	v4 =	vadd.f32 v22, v4;
	v22 =	vld [tilespmem:$0x1E750]  }
0xc6: {  	[tilespmem:$0x1EAF0] =	vst v57;
	v57 =	vld [tilespmem:$0x4050]  }
0xc7: {  	v24 =	vld [tilespmem:$0x5680]  }
0xc8: {  	v4 =	vadd.f32 v25, v4;
	v25 =	vld [tilespmem:$0x1E770]  }
0xc9: {  	v29 =	vld [tilespmem:$0x1E790]  }
0xca: {  	v35 =	vld [tilespmem:$0x1E7C0]  }
0xcb: {  	v2 =	vadd.f32 v45, v2;
	[tilespmem:$0x1EB10] =	vst v57;
	v57 =	vld [tilespmem:$0x4250]  }
0xcc: {  	v45 =	vld [tilespmem:$0x1E810]  }
0xcd: {  	v2 =	vadd.f32 v51, v2;
	v51 =	vld [tilespmem:$0x1E840]  }
0xce: {  	v10 =	vld [tilespmem:$0x1E890]  }
0xcf: {  	[tilespmem:$0x1EA80] =	vst v62;
	v62 =	vld [tilespmem:$0x3A60]  }
0xd0: {  	[tilespmem:$0x1EB30] =	vst v57;
	v57 =	vld [tilespmem:$0x4450]  }
0xd1: {  	[tilespmem:$0x1EAE0] =	vst v14;
	v14 =	vld [tilespmem:$0x4460]  }
0xd2: {  	[tilespmem:$0x1EB00] =	vst v15;
	v15 =	vld [tilespmem:$0x4660]  }
0xd3: {  	[tilespmem:$0x1EBB0] =	vst v17;
	v17 =	vld [tilespmem:$0x5660]  }
0xd4: {  	[tilespmem:$0x1EBE0] =	vst v19;
	v19 =	vld [tilespmem:$0x5860]  }
0xd5: {  	[tilespmem:$0x1EB50] =	vst v57;
	v57 =	vld [tilespmem:$0x4650]  }
0xd6: {  	[tilespmem:$0x1EC10] =	vst v20;
	v20 =	vld [tilespmem:$0x5A60]  }
0xd7: {  	[tilespmem:$0x1EDA0] =	vst v32;
	v32 =	vld [tilespmem:$0x3A70]  }
0xd8: {  	[tilespmem:$0x1EDD0] =	vst v47;
	v47 =	vld [tilespmem:$0x3C70]  }
0xd9: {  	[tilespmem:$0x1EE30] =	vst v58;
	v58 =	vld [tilespmem:$0x4070]  }
0xda: {  	[tilespmem:$0x1EB70] =	vst v57;
	v57 =	vld [tilespmem:$0x4850]  }
0xdb: {  	[tilespmem:$0x1ED70] =	vst v23;
	v23 =	vld [tilespmem:$0x4C70]  }
0xdc: {  	v1 =	vadd.f32 v59, v9;
	v9 =	vld [tilespmem:$0x6270]  }
0xdd: {  	[tilespmem:$0x1EC80] =	vst v28;
	v28 =	vld [tilespmem:$0x1E670]  }
0xde: {  	[tilespmem:$0x1ECD0] =	vst v33;
	v33 =	vld [tilespmem:$0x1E680]  }
0xdf: {  	[tilespmem:$0x1EB90] =	vst v57;
	v57 =	vld [tilespmem:$0x4A50]  }
0xe0: {  	[tilespmem:$0x1ED00] =	vst v40;
	v40 =	vld [tilespmem:$0x1E6A0]  }
0xe1: {  	[tilespmem:$0x1ED30] =	vst v44;
	v44 =	vld [tilespmem:$0x1E6C0]  }
0xe2: {  	[tilespmem:$0x1ED60] =	vst v52;
	v52 =	vld [tilespmem:$0x1E6E0]  }
0xe3: {  	[tilespmem:$0x1ED90] =	vst v53;
	v53 =	vld [tilespmem:$0x1E6F0]  }
0xe4: {  	[tilespmem:$0x1EBC0] =	vst v57;
	v57 =	vld [tilespmem:$0x4C50]  }
0xe5: {  	[tilespmem:$0x1EDF0] =	vst v63;
	v63 =	vld [tilespmem:$0x4E80]  }
0xe6: {  	v59 =	vadd.f32 v30, v4;
	v30 =	vld [tilespmem:$0x1E7A0]  }
0xe7: {  	v2 =	vadd.f32 v55, v2;
	v55 =	vld [tilespmem:$0x1E870]  }
0xe8: {  	v1 =	vadd.f32 v11, v1;
	v11 =	vadd.f32 v36, v59;
	v36 =	vld [tilespmem:$0x1E7D0]  }
0xe9: {  	[tilespmem:$0x1EBF0] =	vst v57;
	v57 =	vld [tilespmem:$0x4E50]  }
0xea: {  	v59 =	vld [tilespmem:$0x1E880]  }
0xeb: {  	[tilespmem:$0x1EAC0] =	vst v62;
	v62 =	vld [tilespmem:$0x4260]  }
0xec: {  	[tilespmem:$0x1EB60] =	vst v14;
	v14 =	vld [tilespmem:$0x5260]  }
0xed: {  	[tilespmem:$0x1EB80] =	vst v15;
	v15 =	vld [tilespmem:$0x5460]  }
0xee: {  	[tilespmem:$0x1EC20] =	vst v57;
	v57 =	vld [tilespmem:$0x5050]  }
0xef: {  	[tilespmem:$0x1ECE0] =	vst v17;
	v17 =	vld [tilespmem:$0x3670]  }
0xf0: {  	[tilespmem:$0x1ED10] =	vst v19;
	v19 =	vld [tilespmem:$0x4870]  }
0xf1: {  	[tilespmem:$0x1ED40] =	vst v20;
	v20 =	vld [tilespmem:$0x4A70]  }
0xf2: {  	[tilespmem:$0x1EE20] =	vst v9;
	v9 =	vld [tilespmem:$0x3480]  }
0xf3: {  	v11 =	vadd.f32 v41, v11;
	[tilespmem:$0x1EC50] =	vst v57;
	v57 =	vld [tilespmem:$0x5250]  }
0xf4: {  	[tilespmem:$0x1EC30] =	vst v23;
	v23 =	vadd.f32 v49, v16;
	v49 =	vld [tilespmem:$0x1E6D0]  }
0xf5: {  	v11 =	vadd.f32 v48, v11;
	v48 =	vld [tilespmem:$0x1E820]  }
0xf6: {  	v3 =	vadd.f32 v54, v23;
	v54 =	vld [tilespmem:$0x1E700]  }
0xf7: {  	v23 =	vld [tilespmem:$0x1E760]  }
0xf8: {  	[tilespmem:$0x1EC70] =	vst v57;
	v57 =	vld [tilespmem:$0x5450]  }
0xf9: {  	v41 =	vadd.f32 v56, v11;
	v11 =	vld [tilespmem:$0x6280]  }
0xfa: {  	[tilespmem:$0x1EB40] =	vst v62;
	v62 =	vld [tilespmem:$0x5060]  }
0xfb: {  	[tilespmem:$0x1ECB0] =	vst v15;
	v15 =	vld [tilespmem:$0x3470]  }
0xfc: {  	[tilespmem:$0x1EC90] =	vst v14;
	v14 =	vld [tilespmem:$0x4670]  }
0xfd: {  	v3 =	vadd.f32 v28, v3;
	[tilespmem:$0x1ECA0] =	vst v57;
	v57 =	vld [tilespmem:$0x5650]  }
0xfe: {  	[tilespmem:$0x1EBD0] =	vst v19;
	v19 =	vld [tilespmem:$0x6670]  }
0xff: {  	[tilespmem:$0x1EC00] =	vst v20;
	v20 =	vld [tilespmem:$0x1E640];
	v3 =	vadd.f32 v37, v3  }
0x100: {  	v37 =	vld [tilespmem:$0x1E7E0]  }
0x101: {  	v3 =	vadd.f32 v43, v3;
	v43 =	vld [tilespmem:$0x1E7F0]  }
0x102: {  	[tilespmem:$0x1ECC0] =	vst v57;
	v57 =	vld [tilespmem:$0x5850]  }
0x103: {  	[tilespmem:$0x1EC60] =	vst v62;
	v62 =	vld [tilespmem:$0x6660]  }
0x104: {  	[tilespmem:$0x1EBA0] =	vst v14;
	v14 =	vld [tilespmem:$0x6470]  }
0x105: {  	[tilespmem:$0x1EE70] =	vst v19;
	v19 =	vld [tilespmem:$0x1E740]  }
0x106: {  	v1 =	vadd.f32 v20, v1;
	v3 =	vadd.f32 v49, v3;
	v49 =	vld [tilespmem:$0x1E830]  }
0x107: {  	[tilespmem:$0x1ECF0] =	vst v57;
	v57 =	vld [tilespmem:$0x5A50]  }
0x108: {  	v15 =	vadd.f32 v17, v15;
	v1 =	vadd.f32 v26, v1;
	v26 =	vld [tilespmem:$0x1E780]  }
0x109: {  	v3 =	vadd.f32 v53, v3;
	v53 =	vld [tilespmem:$0x1E860]  }
0x10a: {  	v15 =	vadd.f32 v34, v15;
	v34 =	vld [tilespmem:$0x5E90]  }
0x10b: {  	v1 =	vadd.f32 v27, v1;
	v27 =	vld [tilespmem:$0x4A80]  }
0x10c: {  	[tilespmem:$0x1ED20] =	vst v57;
	v57 =	vld [tilespmem:$0x5C50]  }
0x10d: {  	v15 =	vadd.f32 v32, v15;
	v32 =	vld [tilespmem:$0x6690]  }
0x10e: {  	[tilespmem:$0x1EE60] =	vst v62;
	v62 =	vld [tilespmem:$0x4470]  }
0x10f: {  	[tilespmem:$0x1EE50] =	vst v14;
	v14 =	vld [tilespmem:$0x3680]  }
0x110: {  	v20 =	vadd.f32 v19, v2;
	v2 =	vld [tilespmem:$0x5480]  }
0x111: {  	[tilespmem:$0x1ED50] =	vst v57;
	v57 =	vld [tilespmem:$0x5E50]  }
0x112: {  	v19 =	vadd.f32 v48, v41;
	v41 =	vld [tilespmem:$0x3C90]  }
0x113: {  	v48 =	vld [tilespmem:$0x1E910]  }
0x114: {  	v5 =	vadd.f32 v33, v1;
	v1 =	vld [tilespmem:$0x4080]  }
0x115: {  	v33 =	vld [tilespmem:$0x1E7B0]  }
0x116: {  	[tilespmem:$0x1ED80] =	vst v57;
	v57 =	vld [tilespmem:$0x6050]  }
0x117: {  	v16 =	vadd.f32 v25, v20;
	v25 =	vld [tilespmem:$0x5C80]  }
0x118: {  	v20 =	vld [tilespmem:$0x1E8A0]  }
0x119: {  	v19 =	vadd.f32 v53, v19;
	v53 =	vld [tilespmem:$0x1E940]  }
0x11a: {  	v15 =	vadd.f32 v47, v15;
	v5 =	vadd.f32 v40, v5;
	v40 =	vld [tilespmem:$0x5880]  }
0x11b: {  	[tilespmem:$0x1EDB0] =	vst v57;
	v57 =	vld [tilespmem:$0x6250]  }
0x11c: {  	v15 =	vadd.f32 v38, v15;
	v38 =	vld [tilespmem:$0x46A0]  }
0x11d: {  	v16 =	vadd.f32 v30, v16;
	v30 =	vld [tilespmem:$0x1E8D0]  }
0x11e: {  	[tilespmem:$0x1EF40] =	vst v32;
	v32 =	vld [tilespmem:$0x1EBA0]  }
0x11f: {  	v5 =	vadd.f32 v44, v5;
	v44 =	vld [tilespmem:$0x1E800]  }
0x120: {  	[tilespmem:$0x1EDE0] =	vst v57;
	v57 =	vld [tilespmem:$0x6450]  }
0x121: {  	v15 =	vadd.f32 v58, v15;
	v58 =	vld [tilespmem:$0x1EB40]  }
0x122: {  	v16 =	vadd.f32 v36, v16;
	v36 =	vld [tilespmem:$0x6080]  }
0x123: {  	v9 =	vadd.f32 v14, v9;
	v5 =	vadd.f32 v52, v5;
	v52 =	vld [tilespmem:$0x1E850]  }
0x124: {  	v19 =	vadd.f32 v20, v19;
	v20 =	vld [tilespmem:$0x1E980]  }
0x125: {  	v31 =	vadd.f32 v31, v9;
	[tilespmem:$0x1EE10] =	vst v57;
	v57 =	vld [tilespmem:$0x6650]  }
0x126: {  	v9 =	vld [tilespmem:$0x1EAD0]  }
0x127: {  	v5 =	vadd.f32 v54, v5;
	v54 =	vld [tilespmem:$0x5A80];
	v21 =	vadd.f32 v21, v31  }
0x128: {  	v31 =	vld [tilespmem:$0x1EB00]  }
0x129: {  	v16 =	vadd.f32 v44, v16;
	v44 =	vld [tilespmem:$0x1E900];
	v21 =	vadd.f32 v42, v21  }
0x12a: {  	v5 =	vadd.f32 v18, v5;
	[tilespmem:$0x1EE40] =	vst v57;
	v57 =	vld [tilespmem:$0x3460]  }
0x12b: {  	v16 =	vadd.f32 v51, v16;
	v51 =	vld [tilespmem:$0x3690];
	v0 =	vadd.f32 v0, v21  }
0x12c: {  	v5 =	vadd.f32 v23, v5;
	v23 =	vld [tilespmem:$0x1E8B0]  }
0x12d: {  	v21 =	vld [tilespmem:$0x36A0];
	v0 =	vadd.f32 v1, v0  }
0x12e: {  	v16 =	vadd.f32 v59, v16;
	v59 =	vld [tilespmem:$0x3E90]  }
0x12f: {  	v0 =	vadd.f32 v46, v0;
	[tilespmem:$0x1EA70] =	vst v57;
	v57 =	vld [tilespmem:$0x3860]  }
0x130: {  	v5 =	vadd.f32 v29, v5;
	v29 =	vld [tilespmem:$0x1E8C0]  }
0x131: {  	[tilespmem:$0x1EEB0] =	vst v34;
	v34 =	vld [tilespmem:$0x1EB10];
	v0 =	vadd.f32 v13, v0  }
0x132: {  	v5 =	vadd.f32 v35, v5;
	v35 =	vld [tilespmem:$0x1E8F0]  }
0x133: {  	v46 =	vld [tilespmem:$0x3EA0];
	v0 =	vadd.f32 v12, v0  }
0x134: {  	[tilespmem:$0x1EAA0] =	vst v57;
	v57 =	vld [tilespmem:$0x4060]  }
0x135: {  	v5 =	vadd.f32 v43, v5;
	v43 =	vld [tilespmem:$0x3490];
	v0 =	vadd.f32 v6, v0  }
0x136: {  	v16 =	vadd.f32 v29, v16;
	v29 =	vld [tilespmem:$0x4090]  }
0x137: {  	v5 =	vadd.f32 v49, v5;
	v49 =	vld [tilespmem:$0x1E920];
	v0 =	vadd.f32 v27, v0  }
0x138: {  	v47 =	vld [tilespmem:$0x1EB30]  }
0x139: {  	v0 =	vadd.f32 v8, v0;
	[tilespmem:$0x1EB20] =	vst v57;
	v57 =	vld [tilespmem:$0x4E60]  }
0x13a: {  	v16 =	vadd.f32 v44, v16;
	v44 =	vld [tilespmem:$0x1E9B0]  }
0x13b: {  	v56 =	vadd.f32 v55, v5;
	v55 =	vld [tilespmem:$0x1E950];
	v0 =	vadd.f32 v63, v0  }
0x13c: {  	v16 =	vadd.f32 v53, v16;
	v53 =	vld [tilespmem:$0x4490]  }
0x13d: {  	v43 =	vadd.f32 v51, v43;
	v51 =	vld [tilespmem:$0x38C0];
	v0 =	vadd.f32 v39, v0  }
0x13e: {  	[tilespmem:$0x1EC40] =	vst v57;
	v57 =	vld [tilespmem:$0x6260]  }
0x13f: {  	v27 =	vld [tilespmem:$0x4EA0];
	v0 =	vadd.f32 v7, v0  }
0x140: {  	v16 =	vadd.f32 v20, v16;
	v20 =	vld [tilespmem:$0x1E9F0]  }
0x141: {  	v5 =	vld [tilespmem:$0x1EB50];
	v0 =	vadd.f32 v2, v0  }
0x142: {  	v39 =	vld [tilespmem:$0x5AA0]  }
0x143: {  	v24 =	vadd.f32 v24, v0;
	[tilespmem:$0x1EE00] =	vst v57;
	v57 =	vld [tilespmem:$0x5E70]  }
0x144: {  	v0 =	vld [tilespmem:$0x34B0]  }
0x145: {  	v24 =	vadd.f32 v40, v24;
	v40 =	vld [tilespmem:$0x36B0]  }
0x146: {  	v2 =	vld [tilespmem:$0x38B0]  }
0x147: {  	v12 =	vld [tilespmem:$0x1EBC0]  }
0x148: {  	v24 =	vadd.f32 v54, v24;
	[tilespmem:$0x1EDC0] =	vst v57;
	v57 =	vld [tilespmem:$0x1E720]  }
0x149: {  	v54 =	vld [tilespmem:$0x3AB0]  }
0x14a: {  	v24 =	vadd.f32 v25, v24;
	v25 =	vld [tilespmem:$0x3EB0];
	v0 =	vadd.f32 v40, v0  }
0x14b: {  	v40 =	vld [tilespmem:$0x58B0]  }
0x14c: {  	v0 =	vadd.f32 v2, v0;
	v2 =	vld [tilespmem:$0x54B0]  }
0x14d: {  	v42 =	vld [tilespmem:$0x1EB20];
	v3 =	vadd.f32 v57, v3  }
0x14e: {  	v57 =	vld [tilespmem:$0x5E80]  }
0x14f: {  	v3 =	vadd.f32 v22, v3;
	v22 =	vadd.f32 v23, v56;
	v56 =	vld [tilespmem:$0x1E960]  }
0x150: {  	v23 =	vld [tilespmem:$0x1E990]  }
0x151: {  	v28 =	vadd.f32 v26, v3;
	v26 =	vld [tilespmem:$0x6480]  }
0x152: {  	v22 =	vadd.f32 v35, v22;
	v35 =	vld [tilespmem:$0x1E9A0]  }
0x153: {  	v24 =	vadd.f32 v57, v24;
	v57 =	vld [tilespmem:$0x42B0]  }
0x154: {  	v18 =	vadd.f32 v33, v28;
	v28 =	vld [tilespmem:$0x3A90]  }
0x155: {  	v33 =	vld [tilespmem:$0x1E8E0]  }
0x156: {  	v24 =	vadd.f32 v36, v24;
	v36 =	vld [tilespmem:$0x1EE20]  }
0x157: {  	v18 =	vadd.f32 v37, v18;
	v37 =	vld [tilespmem:$0x6680]  }
0x158: {  	v11 =	vadd.f32 v11, v24;
	v24 =	vld [tilespmem:$0x34C0]  }
0x159: {  	v18 =	vadd.f32 v45, v18;
	v45 =	vld [tilespmem:$0x3890]  }
0x15a: {  	v19 =	vadd.f32 v33, v19;
	v33 =	vld [tilespmem:$0x4290]  }
0x15b: {  	v11 =	vadd.f32 v26, v11;
	v26 =	vld [tilespmem:$0x4AB0]  }
0x15c: {  	v18 =	vadd.f32 v52, v18;
	v52 =	vld [tilespmem:$0x1E930]  }
0x15d: {  	v19 =	vadd.f32 v49, v19;
	v49 =	vld [tilespmem:$0x4690]  }
0x15e: {  	v18 =	vadd.f32 v10, v18;
	v10 =	vld [tilespmem:$0x1E970]  }
0x15f: {  	v19 =	vadd.f32 v56, v19;
	v56 =	vld [tilespmem:$0x1E9E0]  }
0x160: {  	v11 =	vadd.f32 v37, v11;
	v37 =	vadd.f32 v45, v43;
	v45 =	vld [tilespmem:$0x3AC0]  }
0x161: {  	v43 =	vld [tilespmem:$0x40C0]  }
0x162: {  	v18 =	vadd.f32 v30, v18;
	v30 =	vld [tilespmem:$0x4890]  }
0x163: {  	v22 =	vadd.f32 v52, v22;
	v52 =	vld [tilespmem:$0x4A90]  }
0x164: {  	v19 =	vadd.f32 v35, v19;
	v35 =	vld [tilespmem:$0x4C90];
	v18 =	vadd.f32 v48, v18  }
0x165: {  	v28 =	vadd.f32 v28, v37;
	v37 =	vld [tilespmem:$0x3CC0]  }
0x166: {  	v18 =	vadd.f32 v55, v18;
	v55 =	vld [tilespmem:$0x1E9D0]  }
0x167: {  	v48 =	vld [tilespmem:$0x1E9C0]  }
0x168: {  	v22 =	vadd.f32 v10, v22;
	v10 =	vadd.f32 v56, v19;
	v56 =	vld [tilespmem:$0x1EA20]  }
0x169: {  	v19 =	vld [tilespmem:$0x1EA50];
	v18 =	vadd.f32 v23, v18  }
0x16a: {  	v28 =	vadd.f32 v41, v28;
	v22 =	vadd.f32 v44, v22;
	v44 =	vld [tilespmem:$0x4E90]  }
0x16b: {  	v18 =	vadd.f32 v55, v18;
	v55 =	vld [tilespmem:$0x1EA10]  }
0x16c: {  	v28 =	vadd.f32 v59, v28;
	v59 =	vld [tilespmem:$0x50C0]  }
0x16d: {  	v23 =	vld [tilespmem:$0x5490]  }
0x16e: {  	v16 =	vadd.f32 v48, v16;
	v3 =	vadd.f32 v20, v22;
	v48 =	vld [tilespmem:$0x1EA00]  }
0x16f: {  	v20 =	vld [tilespmem:$0x1EA60];
	v28 =	vadd.f32 v29, v28  }
0x170: {  	[tilespmem:$0x1EED0] =	vst v3;
	v3 =	vadd.f32 v55, v18;
	v18 =	vadd.f32 v56, v10;
	v10 =	vld [tilespmem:$0x1EA30]  }
0x171: {  	v22 =	vld [tilespmem:$0x1EA70];
	v28 =	vadd.f32 v33, v28  }
0x172: {  	v29 =	vld [tilespmem:$0x60D0]  }
0x173: {  	v41 =	vadd.f32 v53, v28;
	v53 =	vld [tilespmem:$0x4AC0];
	v16 =	vadd.f32 v48, v16  }
0x174: {  	v28 =	vld [tilespmem:$0x58C0]  }
0x175: {  	[tilespmem:$0x1EEF0] =	vst v3;
	v3 =	vadd.f32 v10, v16;
	v16 =	vld [tilespmem:$0x1EA40]  }
0x176: {  	v48 =	vld [tilespmem:$0x5090]  }
0x177: {  	v55 =	vld [tilespmem:$0x5290]  }
0x178: {  	v56 =	vld [tilespmem:$0x1EA80]  }
0x179: {  	[tilespmem:$0x1EF00] =	vst v3;
	v3 =	vadd.f32 v20, v18;
	v20 =	vld [tilespmem:$0x5A90]  }
0x17a: {  	v16 =	vadd.f32 v19, v16;
	v19 =	vld [tilespmem:$0x1EAA0]  }
0x17b: {  	v18 =	vld [tilespmem:$0x5890]  }
0x17c: {  	[tilespmem:$0x1EF20] =	vst v3;
	v3 =	vld [tilespmem:$0x3CB0]  }
0x17d: {  	v22 =	vadd.f32 v56, v22;
	v10 =	vld [tilespmem:$0x1EA90]  }
0x17e: {  	[tilespmem:$0x1EE90] =	vst v20;
	v20 =	vld [tilespmem:$0x1EAC0]  }
0x17f: {  	v0 =	vadd.f32 v54, v0;
	v17 =	vadd.f32 v19, v22;
	v22 =	vld [tilespmem:$0x1EAB0]  }
0x180: {  	v56 =	vld [tilespmem:$0x5690]  }
0x181: {  	[tilespmem:$0x1EE80] =	vst v18;
	v18 =	vld [tilespmem:$0x1EAE0];
	v0 =	vadd.f32 v3, v0;
	v3 =	vadd.f32 v49, v41  }
0x182: {  	v16 =	vadd.f32 v10, v16;
	v19 =	vld [tilespmem:$0x5C90]  }
0x183: {  	v0 =	vadd.f32 v25, v0;
	v25 =	vld [tilespmem:$0x5CB0];
	v3 =	vadd.f32 v30, v3  }
0x184: {  	v10 =	vadd.f32 v22, v16;
	v22 =	vadd.f32 v20, v17;
	v20 =	vld [tilespmem:$0x1EAF0]  }
0x185: {  	v30 =	vld [tilespmem:$0x5AC0]  }
0x186: {  	v3 =	vadd.f32 v52, v3;
	v52 =	vld [tilespmem:$0x1EEC0]  }
0x187: {  	[tilespmem:$0x1EEA0] =	vst v19;
	v19 =	vld [tilespmem:$0x6290];
	v14 =	vadd.f32 v9, v10  }
0x188: {  	v17 =	vld [tilespmem:$0x1EB60];
	v16 =	vadd.f32 v18, v22  }
0x189: {  	v3 =	vadd.f32 v35, v3;
	v35 =	vld [tilespmem:$0x1EE80];
	v14 =	vadd.f32 v20, v14  }
0x18a: {  	v49 =	vld [tilespmem:$0x1EEA0];
	v16 =	vadd.f32 v31, v16  }
0x18b: {  	v22 =	vld [tilespmem:$0x6490];
	v14 =	vadd.f32 v34, v14  }
0x18c: {  	v18 =	vld [tilespmem:$0x1EB70];
	v16 =	vadd.f32 v42, v16  }
0x18d: {  	[tilespmem:$0x1EF10] =	vst v19;
	v19 =	vld [tilespmem:$0x1EB80];
	v14 =	vadd.f32 v47, v14  }
0x18e: {  	v10 =	vld [tilespmem:$0x6090];
	v16 =	vadd.f32 v58, v16  }
0x18f: {  	v42 =	vld [tilespmem:$0x1EBB0];
	v1 =	vadd.f32 v5, v14  }
0x190: {  	[tilespmem:$0x1EF30] =	vst v22;
	v22 =	vld [tilespmem:$0x1EB90];
	v16 =	vadd.f32 v17, v16  }
0x191: {  	v9 =	vadd.f32 v60, v15;
	v1 =	vadd.f32 v18, v1;
	v18 =	vld [tilespmem:$0x1EBE0]  }
0x192: {  	v17 =	vld [tilespmem:$0x1EBD0];
	v16 =	vadd.f32 v19, v16  }
0x193: {  	v14 =	vadd.f32 v62, v9;
	v5 =	vld [tilespmem:$0x1EC20]  }
0x194: {  	v19 =	vld [tilespmem:$0x1EBF0];
	v62 =	vadd.f32 v42, v16  }
0x195: {  	v34 =	vadd.f32 v32, v14;
	v32 =	vld [tilespmem:$0x1EC00]  }
0x196: {  	v1 =	vadd.f32 v22, v1;
	v14 =	vadd.f32 v18, v62;
	v62 =	vld [tilespmem:$0x1EC10]  }
0x197: {  	v13 =	vadd.f32 v17, v34;
	v17 =	vld [tilespmem:$0x1EC30]  }
0x198: {  	v16 =	vadd.f32 v12, v1;
	v18 =	vld [tilespmem:$0x1EC40]  }
0x199: {  	v15 =	vld [tilespmem:$0x3CA0]  }
0x19a: {  	v42 =	vadd.f32 v32, v13;
	v22 =	vadd.f32 v19, v16;
	v19 =	vld [tilespmem:$0x1EC50]  }
0x19b: {  	v60 =	vld [tilespmem:$0x40A0];
	v4 =	vadd.f32 v62, v14  }
0x19c: {  	v12 =	vadd.f32 v17, v42;
	v42 =	vld [tilespmem:$0x1EC60]  }
0x19d: {  	v6 =	vadd.f32 v5, v22;
	v13 =	vadd.f32 v18, v4;
	v4 =	vld [tilespmem:$0x1EC70]  }
0x19e: {  	v31 =	vld [tilespmem:$0x38A0]  }
0x19f: {  	v22 =	vadd.f32 v19, v6;
	v6 =	vld [tilespmem:$0x1EC90]  }
0x1a0: {  	v18 =	vld [tilespmem:$0x1ECA0]  }
0x1a1: {  	v5 =	vld [tilespmem:$0x1EC80]  }
0x1a2: {  	v13 =	vadd.f32 v42, v13;
	v8 =	vadd.f32 v4, v22;
	v22 =	vld [tilespmem:$0x1ECC0]  }
0x1a3: {  	v3 =	vadd.f32 v44, v3;
	v19 =	vld [tilespmem:$0x1ECB0]  }
0x1a4: {  	v12 =	vadd.f32 v50, v12;
	v13 =	vadd.f32 v6, v13;
	v6 =	vld [tilespmem:$0x1ECF0]  }
0x1a5: {  	v3 =	vadd.f32 v48, v3;
	v20 =	vld [tilespmem:$0x3AA0];
	v8 =	vadd.f32 v18, v8  }
0x1a6: {  	v12 =	vadd.f32 v5, v12;
	v5 =	vld [tilespmem:$0x1ECE0]  }
0x1a7: {  	v3 =	vadd.f32 v55, v3;
	v55 =	vld [tilespmem:$0x1EEF0];
	v42 =	vadd.f32 v22, v8  }
0x1a8: {  	v4 =	vld [tilespmem:$0x1ECD0]  }
0x1a9: {  	v63 =	vadd.f32 v19, v13;
	v7 =	vadd.f32 v6, v42;
	v42 =	vld [tilespmem:$0x1ED20]  }
0x1aa: {  	v22 =	vld [tilespmem:$0x1ED10]  }
0x1ab: {  	v63 =	vadd.f32 v5, v63;
	v5 =	vld [tilespmem:$0x1ED40]  }
0x1ac: {  	v8 =	vld [tilespmem:$0x1ED00]  }
0x1ad: {  	[tilespmem:$0x1EEE0] =	vst v10;
	v10 =	vld [tilespmem:$0x34A0];
	v61 =	vadd.f32 v61, v12  }
0x1ae: {  	v7 =	vadd.f32 v42, v7;
	v42 =	vld [tilespmem:$0x1ED70]  }
0x1af: {  	v61 =	vadd.f32 v4, v61;
	v4 =	vld [tilespmem:$0x1ED30];
	v63 =	vadd.f32 v22, v63  }
0x1b0: {  	v58 =	vld [tilespmem:$0x42A0]  }
0x1b1: {  	v1 =	vadd.f32 v8, v61;
	v8 =	vld [tilespmem:$0x1ED60];
	v63 =	vadd.f32 v5, v63  }
0x1b2: {  	v3 =	vadd.f32 v23, v3;
	v23 =	vld [tilespmem:$0x54D0]  }
0x1b3: {  	v63 =	vadd.f32 v42, v63;
	v42 =	vld [tilespmem:$0x1EDA0]  }
0x1b4: {  	v6 =	vld [tilespmem:$0x1ED50];
	v1 =	vadd.f32 v4, v1  }
0x1b5: {  	v47 =	vld [tilespmem:$0x44A0]  }
0x1b6: {  	v1 =	vadd.f32 v8, v1;
	v8 =	vld [tilespmem:$0x1ED90]  }
0x1b7: {  	v9 =	vld [tilespmem:$0x48A0]  }
0x1b8: {  	v63 =	vadd.f32 v42, v63;
	v42 =	vld [tilespmem:$0x1EDC0]  }
0x1b9: {  	v7 =	vadd.f32 v6, v7;
	v6 =	vld [tilespmem:$0x1ED80]  }
0x1ba: {  	v10 =	vadd.f32 v21, v10;
	v21 =	vld [tilespmem:$0x4CB0]  }
0x1bb: {  	v1 =	vadd.f32 v8, v1;
	v8 =	vld [tilespmem:$0x1EDB0]  }
0x1bc: {  	v10 =	vadd.f32 v31, v10;
	v31 =	vld [tilespmem:$0x64D0]  }
0x1bd: {  	v1 =	vadd.f32 v42, v1;
	v42 =	vld [tilespmem:$0x1EDE0]  }
0x1be: {  	v34 =	vld [tilespmem:$0x4AA0];
	v7 =	vadd.f32 v6, v7  }
0x1bf: {  	v10 =	vadd.f32 v20, v10;
	v20 =	vld [tilespmem:$0x50B0]  }
0x1c0: {  	v7 =	vadd.f32 v8, v7;
	v8 =	vld [tilespmem:$0x1EDD0]  }
0x1c1: {  	v32 =	vld [tilespmem:$0x4CA0]  }
0x1c2: {  	v7 =	vadd.f32 v42, v7;
	v42 =	vld [tilespmem:$0x1EE00]  }
0x1c3: {  	v10 =	vadd.f32 v15, v10;
	v15 =	vld [tilespmem:$0x52B0]  }
0x1c4: {  	v16 =	vld [tilespmem:$0x52A0]  }
0x1c5: {  	v17 =	vld [tilespmem:$0x58A0];
	v63 =	vadd.f32 v8, v63  }
0x1c6: {  	v10 =	vadd.f32 v46, v10;
	v46 =	vld [tilespmem:$0x56B0]  }
0x1c7: {  	v63 =	vadd.f32 v42, v63;
	v42 =	vld [tilespmem:$0x1EE10]  }
0x1c8: {  	v50 =	vld [tilespmem:$0x54A0]  }
0x1c9: {  	v10 =	vadd.f32 v60, v10;
	v60 =	vld [tilespmem:$0x52C0]  }
0x1ca: {  	v62 =	vld [tilespmem:$0x50A0]  }
0x1cb: {  	v14 =	vld [tilespmem:$0x56A0]  }
0x1cc: {  	v10 =	vadd.f32 v58, v10;
	v7 =	vadd.f32 v42, v7;
	v42 =	vld [tilespmem:$0x1EE30]  }
0x1cd: {  	v58 =	vld [tilespmem:$0x4EC0]  }
0x1ce: {  	v10 =	vadd.f32 v47, v10;
	v47 =	vld [tilespmem:$0x66C0]  }
0x1cf: {  	v8 =	vld [tilespmem:$0x1EDF0]  }
0x1d0: {  	v12 =	vld [tilespmem:$0x5CA0]  }
0x1d1: {  	v10 =	vadd.f32 v38, v10;
	v63 =	vadd.f32 v42, v63;
	v42 =	vld [tilespmem:$0x1EE40]  }
0x1d2: {  	v38 =	vld [tilespmem:$0x62C0]  }
0x1d3: {  	v54 =	vadd.f32 v9, v10;
	v9 =	vld [tilespmem:$0x5EB0]  }
0x1d4: {  	v10 =	vld [tilespmem:$0x60B0];
	v1 =	vadd.f32 v8, v1  }
0x1d5: {  	v4 =	vld [tilespmem:$0x40B0]  }
0x1d6: {  	v1 =	vadd.f32 v36, v1;
	v36 =	vadd.f32 v42, v7;
	v42 =	vld [tilespmem:$0x1EE50]  }
0x1d7: {  	v13 =	vld [tilespmem:$0x5EA0]  }
0x1d8: {  	v19 =	vld [tilespmem:$0x62A0]  }
0x1d9: {  	v18 =	vld [tilespmem:$0x60A0]  }
0x1da: {  	v5 =	vld [tilespmem:$0x44B0]  }
0x1db: {  	v0 =	vadd.f32 v4, v0;
	v7 =	vadd.f32 v42, v1;
	v42 =	vld [tilespmem:$0x1EE60]  }
0x1dc: {  	v6 =	vld [tilespmem:$0x46B0]  }
0x1dd: {  	v0 =	vadd.f32 v57, v0;
	v1 =	vld [tilespmem:$0x36C0]  }
0x1de: {  	v61 =	vld [tilespmem:$0x64A0]  }
0x1df: {  	v22 =	vld [tilespmem:$0x66A0];
	v0 =	vadd.f32 v5, v0  }
0x1e0: {  	v63 =	vadd.f32 v42, v63;
	v42 =	vld [tilespmem:$0x1EE70]  }
0x1e1: {  	v57 =	vld [tilespmem:$0x4CC0];
	v0 =	vadd.f32 v6, v0;
	v6 =	vadd.f32 v34, v54  }
0x1e2: {  	v8 =	vld [tilespmem:$0x48B0];
	v1 =	vadd.f32 v1, v24  }
0x1e3: {  	v34 =	vld [tilespmem:$0x5EC0];
	v6 =	vadd.f32 v32, v6  }
0x1e4: {  	v54 =	vld [tilespmem:$0x1EEE0];
	v1 =	vadd.f32 v51, v1  }
0x1e5: {  	v6 =	vadd.f32 v27, v6;
	v7 =	vadd.f32 v42, v7;
	v42 =	vld [tilespmem:$0x3EC0]  }
0x1e6: {  	v32 =	vld [tilespmem:$0x5CC0];
	v1 =	vadd.f32 v45, v1  }
0x1e7: {  	v27 =	vld [tilespmem:$0x56C0];
	v6 =	vadd.f32 v62, v6;
	v0 =	vadd.f32 v8, v0  }
0x1e8: {  	v24 =	vld [tilespmem:$0x4EB0];
	v1 =	vadd.f32 v37, v1  }
0x1e9: {  	v6 =	vadd.f32 v16, v6;
	v0 =	vadd.f32 v26, v0;
	v45 =	vld [tilespmem:$0x42C0]  }
0x1ea: {  	v62 =	vld [tilespmem:$0x40D0];
	v1 =	vadd.f32 v42, v1  }
0x1eb: {  	v6 =	vadd.f32 v50, v6;
	v0 =	vadd.f32 v21, v0;
	v37 =	vld [tilespmem:$0x44C0]  }
0x1ec: {  	v50 =	vld [tilespmem:$0x34D0];
	v1 =	vadd.f32 v43, v1  }
0x1ed: {  	v6 =	vadd.f32 v14, v6;
	v0 =	vadd.f32 v24, v0;
	v42 =	vld [tilespmem:$0x46C0]  }
0x1ee: {  	v14 =	vld [tilespmem:$0x1EF40];
	v1 =	vadd.f32 v45, v1  }
0x1ef: {  	v6 =	vadd.f32 v17, v6;
	v51 =	vld [tilespmem:$0x48C0];
	v0 =	vadd.f32 v20, v0  }
0x1f0: {  	v17 =	vld [tilespmem:$0x48D0];
	v1 =	vadd.f32 v37, v1  }
0x1f1: {  	v6 =	vadd.f32 v39, v6;
	v8 =	vld [tilespmem:$0x1EF20];
	v0 =	vadd.f32 v15, v0  }
0x1f2: {  	[tilespmem:$0x6880] =	vst v11;
	v26 =	vld [tilespmem:$0x62B0];
	v1 =	vadd.f32 v42, v1  }
0x1f3: {  	[tilespmem:$0x1F0E0] =	vst v29;
	v6 =	vadd.f32 v12, v6;
	v12 =	vld [tilespmem:$0x44D0];
	v0 =	vadd.f32 v2, v0  }
0x1f4: {  	[tilespmem:$0x6800] =	vst v52;
	v43 =	vld [tilespmem:$0x5AB0];
	v1 =	vadd.f32 v51, v1  }
0x1f5: {  	[tilespmem:$0x6820] =	vst v55;
	v21 =	vld [tilespmem:$0x64B0];
	v6 =	vadd.f32 v13, v6;
	v0 =	vadd.f32 v46, v0  }
0x1f6: {  	v3 =	vadd.f32 v56, v3;
	[tilespmem:$0x1F020] =	vst v23;
	v13 =	vld [tilespmem:$0x46D0];
	v1 =	vadd.f32 v53, v1  }
0x1f7: {  	[tilespmem:$0x1F140] =	vst v31;
	v56 =	vadd.f32 v18, v6;
	v18 =	vld [tilespmem:$0x4AD0];
	v0 =	vadd.f32 v40, v0  }
0x1f8: {  	[tilespmem:$0x1EF70] =	vst v62;
	v45 =	vld [tilespmem:$0x1EE90];
	v1 =	vadd.f32 v57, v1  }
0x1f9: {  	[tilespmem:$0x1EF50] =	vst v50;
	v24 =	vld [tilespmem:$0x66B0];
	v0 =	vadd.f32 v43, v0  }
0x1fa: {  	[tilespmem:$0x1EFB0] =	vst v17;
	v20 =	vld [tilespmem:$0x54C0];
	v1 =	vadd.f32 v58, v1  }
0x1fb: {  	v3 =	vadd.f32 v35, v3;
	[tilespmem:$0x6840] =	vst v8;
	v37 =	vld [tilespmem:$0x60C0];
	v0 =	vadd.f32 v25, v0  }
0x1fc: {  	[tilespmem:$0x1EF90] =	vst v12;
	v51 =	vld [tilespmem:$0x1EEB0];
	v1 =	vadd.f32 v59, v1  }
0x1fd: {  	[tilespmem:$0x1EFA0] =	vst v13;
	v3 =	vadd.f32 v45, v3;
	v25 =	vld [tilespmem:$0x58D0];
	v0 =	vadd.f32 v9, v0  }
0x1fe: {  	[tilespmem:$0x1EFC0] =	vst v18;
	v9 =	vld [tilespmem:$0x42D0];
	v1 =	vadd.f32 v60, v1  }
0x1ff: {  	[tilespmem:$0x6850] =	vst v36;
	v3 =	vadd.f32 v49, v3;
	v53 =	vld [tilespmem:$0x1EED0];
	v0 =	vadd.f32 v10, v0  }
0x200: {  	[tilespmem:$0x6860] =	vst v63;
	v57 =	vld [tilespmem:$0x3ED0];
	v1 =	vadd.f32 v20, v1  }
0x201: {  	[tilespmem:$0x6870] =	vst v7;
	v3 =	vadd.f32 v51, v3;
	v0 =	vadd.f32 v26, v0;
	v26 =	vld [tilespmem:$0x5AD0]  }
0x202: {  	[tilespmem:$0x1F060] =	vst v25;
	v58 =	vld [tilespmem:$0x1EF00];
	v1 =	vadd.f32 v27, v1  }
0x203: {  	[tilespmem:$0x1EF80] =	vst v9;
	v2 =	vadd.f32 v54, v3;
	v3 =	vadd.f32 v19, v56;
	v19 =	vld [tilespmem:$0x4CD0]  }
0x204: {  	[tilespmem:$0x6810] =	vst v53;
	v0 =	vadd.f32 v21, v0;
	v21 =	vld [tilespmem:$0x50D0];
	v1 =	vadd.f32 v28, v1  }
0x205: {  	[tilespmem:$0x1EF60] =	vst v57;
	v3 =	vadd.f32 v61, v3;
	v60 =	vld [tilespmem:$0x1EF10]  }
0x206: {  	v10 =	vld [tilespmem:$0x1EF30];
	v0 =	vadd.f32 v24, v0;
	[tilespmem:$0x1F080] =	vst v26;
	v1 =	vadd.f32 v30, v1  }
0x207: {  	v24 =	vld [tilespmem:$0x56D0];
	[tilespmem:$0x6830] =	vst v58  }
0x208: {  	v3 =	vadd.f32 v22, v3;
	[tilespmem:$0x68B0] =	vst v0;
	v22 =	vld [tilespmem:$0x52D0];
	v1 =	vadd.f32 v32, v1  }
0x209: {  	[tilespmem:$0x1EFD0] =	vst v19;
	v20 =	vld [tilespmem:$0x4ED0]  }
0x20a: {  	[tilespmem:$0x1EFF0] =	vst v21;
	v27 =	vld [tilespmem:$0x5CD0];
	v2 =	vadd.f32 v60, v2;
	v1 =	vadd.f32 v34, v1  }
0x20b: {  	v46 =	vld [tilespmem:$0x64C0];
	[tilespmem:$0x68A0] =	vst v3  }
0x20c: {  	[tilespmem:$0x1F040] =	vst v24;
	v28 =	vld [tilespmem:$0x5ED0];
	v2 =	vadd.f32 v10, v2;
	v1 =	vadd.f32 v37, v1  }
0x20d: {  	[tilespmem:$0x1F000] =	vst v22;
	v30 =	vld [tilespmem:$0x62D0]  }
0x20e: {  	[tilespmem:$0x1EFE0] =	vst v20;
	v2 =	vadd.f32 v14, v2;
	v32 =	vld [tilespmem:$0x66D0];
	v1 =	vadd.f32 v38, v1  }
0x20f: {  	v41 =	vld [tilespmem:$0x36D0];
	[tilespmem:$0x1F0A0] =	vst v27  }
0x210: {  	v50 =	vld [tilespmem:$0x3AD0];
	[tilespmem:$0x6890] =	vst v2;
	v1 =	vadd.f32 v46, v1  }
0x211: {  	v8 =	vld [tilespmem:$0x36E0];
	[tilespmem:$0x1F0C0] =	vst v28  }
0x212: {  	v43 =	vld [tilespmem:$0x38D0];
	[tilespmem:$0x1F110] =	vst v30;
	v1 =	vadd.f32 v47, v1  }
0x213: {  	v9 =	vld [tilespmem:$0x34E0];
	[tilespmem:$0x1F170] =	vst v32  }
0x214: {  	v59 =	vld [tilespmem:$0x3CD0];
	[tilespmem:$0x68C0] =	vst v1  }
0x215: {  	v12 =	vld [tilespmem:$0x38E0]  }
0x216: {  	v58 =	vld [tilespmem:$0x66F0];
	_ =	sdelay $0x4  }
0x217: {  	[tilespmem:$0x1F1C0] =	vst v58;
	v58 =	vld [tilespmem:$0x6100];
	_ =	sdelay $0x4  }
0x218: {  	[tilespmem:$0x1F5A0] =	vst v58;
	v58 =	vld [tilespmem:$0x5B10];
	_ =	sdelay $0x4  }
0x219: {  	[tilespmem:$0x1F500] =	vst v58;
	v58 =	vld [tilespmem:$0x5120];
	_ =	sdelay $0x4  }
0x21a: {  	[tilespmem:$0x1F3F0] =	vst v58;
	v58 =	vld [tilespmem:$0x4D30];
	_ =	sdelay $0x4  }
0x21b: {  	[tilespmem:$0x1F390] =	vst v58;
	v58 =	vld [tilespmem:$0x4F30];
	_ =	sdelay $0x4  }
0x21c: {  	[tilespmem:$0x1F3D0] =	vst v58;
	v58 =	vld [tilespmem:$0x5130];
	_ =	sdelay $0x4  }
0x21d: {  	[tilespmem:$0x1F410] =	vst v58;
	v58 =	vld [tilespmem:$0x5330];
	_ =	sdelay $0x4  }
0x21e: {  	[tilespmem:$0x1F450] =	vst v58;
	v58 =	vld [tilespmem:$0x5530];
	_ =	sdelay $0x4  }
0x21f: {  	[tilespmem:$0x1F490] =	vst v58;
	v58 =	vld [tilespmem:$0x5730];
	_ =	sdelay $0x4  }
0x220: {  	[tilespmem:$0x1F4D0] =	vst v58;
	v58 =	vld [tilespmem:$0x5930];
	_ =	sdelay $0x4  }
0x221: {  	[tilespmem:$0x1F510] =	vst v58;
	v58 =	vld [tilespmem:$0x5B30];
	_ =	sdelay $0x4  }
0x222: {  	[tilespmem:$0x1F550] =	vst v58;
	v58 =	vld [tilespmem:$0x5D30];
	_ =	sdelay $0x4  }
0x223: {  	[tilespmem:$0x1F590] =	vst v58;
	v58 =	vld [tilespmem:$0x5F30];
	_ =	sdelay $0x4  }
0x224: {  	[tilespmem:$0x1F5D0] =	vst v58;
	v58 =	vld [tilespmem:$0x6130];
	_ =	sdelay $0x4  }
0x225: {  	[tilespmem:$0x1F610] =	vst v58;
	v58 =	vld [tilespmem:$0x6330];
	_ =	sdelay $0x4  }
0x226: {  	[tilespmem:$0x1F650] =	vst v58;
	v58 =	vld [tilespmem:$0x6530];
	_ =	sdelay $0x4  }
0x227: {  	[tilespmem:$0x1F690] =	vst v58;
	v58 =	vld [tilespmem:$0x6730];
	_ =	sdelay $0x4  }
0x228: {  	[tilespmem:$0x1F6D0] =	vst v58;
	v58 =	vld [tilespmem:$0x3540];
	_ =	sdelay $0x4  }
0x229: {  	[tilespmem:$0x1F6B0] =	vst v58;
	v58 =	vld [tilespmem:$0x3740];
	_ =	sdelay $0x4  }
0x22a: {  	[tilespmem:$0x1F6C0] =	vst v58;
	v58 =	vld [tilespmem:$0x3940];
	_ =	sdelay $0x4  }
0x22b: {  	[tilespmem:$0x1F700] =	vst v58;
	v58 =	vld [tilespmem:$0x3B40];
	_ =	sdelay $0x4  }
0x22c: {  	[tilespmem:$0x1F740] =	vst v58;
	v58 =	vld [tilespmem:$0x3D40];
	_ =	sdelay $0x4  }
0x22d: {  	[tilespmem:$0x1F770] =	vst v58;
	v58 =	vld [tilespmem:$0x3F40];
	_ =	sdelay $0x4  }
0x22e: {  	[tilespmem:$0x1F7A0] =	vst v58;
	v58 =	vld [tilespmem:$0x4140];
	_ =	sdelay $0x4  }
0x22f: {  	[tilespmem:$0x1F7D0] =	vst v58;
	v58 =	vld [tilespmem:$0x4340];
	_ =	sdelay $0x4  }
0x230: {  	[tilespmem:$0x1F800] =	vst v58;
	v58 =	vld [tilespmem:$0x4540];
	_ =	sdelay $0x4  }
0x231: {  	[tilespmem:$0x1F830] =	vst v58;
	v58 =	vld [tilespmem:$0x4740];
	_ =	sdelay $0x4  }
0x232: {  	[tilespmem:$0x1F860] =	vst v58;
	v58 =	vld [tilespmem:$0x4940];
	_ =	sdelay $0x4  }
0x233: {  	[tilespmem:$0x1F890] =	vst v58;
	v58 =	vld [tilespmem:$0x4B40];
	_ =	sdelay $0x4  }
0x234: {  	[tilespmem:$0x1F8C0] =	vst v58;
	v58 =	vld [tilespmem:$0x4D40];
	_ =	sdelay $0x4  }
0x235: {  	[tilespmem:$0x1F8F0] =	vst v58;
	v58 =	vld [tilespmem:$0x4F40];
	_ =	sdelay $0x4  }
0x236: {  	[tilespmem:$0x1F920] =	vst v58;
	v58 =	vld [tilespmem:$0x5140];
	_ =	sdelay $0x4  }
0x237: {  	[tilespmem:$0x1F950] =	vst v58;
	v58 =	vld [tilespmem:$0x5340];
	_ =	sdelay $0x4  }
0x238: {  	[tilespmem:$0x1F980] =	vst v58;
	v58 =	vld [tilespmem:$0x5540];
	_ =	sdelay $0x4  }
0x239: {  	[tilespmem:$0x1F9B0] =	vst v58;
	v58 =	vld [tilespmem:$0x5740];
	_ =	sdelay $0x4  }
0x23a: {  	[tilespmem:$0x1F9F0] =	vst v58;
	v58 =	vld [tilespmem:$0x5940];
	_ =	sdelay $0x4  }
0x23b: {  	[tilespmem:$0x1FA20] =	vst v58;
	v58 =	vld [tilespmem:$0x5B40];
	_ =	sdelay $0x4  }
0x23c: {  	[tilespmem:$0x1FA60] =	vst v58;
	v58 =	vld [tilespmem:$0x5D40];
	_ =	sdelay $0x4  }
0x23d: {  	[tilespmem:$0x1FA90] =	vst v58;
	v58 =	vld [tilespmem:$0x5F40];
	_ =	sdelay $0x4  }
0x23e: {  	[tilespmem:$0x1FAC0] =	vst v58;
	v58 =	vld [tilespmem:$0x6140];
	_ =	sdelay $0x4  }
0x23f: {  	[tilespmem:$0x1FAF0] =	vst v58;
	v58 =	vld [tilespmem:$0x6340];
	_ =	sdelay $0x4  }
0x240: {  	[tilespmem:$0x1FB30] =	vst v58;
	v58 =	vld [tilespmem:$0x6540];
	_ =	sdelay $0x4  }
0x241: {  	[tilespmem:$0x1FB60] =	vst v58;
	v58 =	vld [tilespmem:$0x6740];
	_ =	sdelay $0x4  }
0x242: {  	[tilespmem:$0x1FBA0] =	vst v58;
	v58 =	vld [tilespmem:$0x3550];
	_ =	sdelay $0x4  }
0x243: {  	[tilespmem:$0x1F6E0] =	vst v58;
	v58 =	vld [tilespmem:$0x3750];
	_ =	sdelay $0x4  }
0x244: {  	[tilespmem:$0x1F6F0] =	vst v58;
	v58 =	vld [tilespmem:$0x3950];
	_ =	sdelay $0x4  }
0x245: {  	[tilespmem:$0x1F730] =	vst v58;
	v58 =	vld [tilespmem:$0x3B50];
	_ =	sdelay $0x4  }
0x246: {  	[tilespmem:$0x1F760] =	vst v58;
	v58 =	vld [tilespmem:$0x3D50];
	_ =	sdelay $0x4  }
0x247: {  	[tilespmem:$0x1F790] =	vst v58;
	v58 =	vld [tilespmem:$0x3F50];
	_ =	sdelay $0x2  }
0x248: {  	v15 =	vld [tilespmem:$0x3AE0]  }
0x249: {  	v18 =	vld [tilespmem:$0x3CE0]  }
0x24a: {  	[tilespmem:$0x1F7C0] =	vst v58;
	v58 =	vld [tilespmem:$0x4150]  }
0x24b: {  	v21 =	vld [tilespmem:$0x3EE0]  }
0x24c: {  	v24 =	vld [tilespmem:$0x40E0]  }
0x24d: {  	v28 =	vld [tilespmem:$0x42E0]  }
0x24e: {  	v44 =	vld [tilespmem:$0x44E0]  }
0x24f: {  	[tilespmem:$0x1F7F0] =	vst v58;
	v58 =	vld [tilespmem:$0x4350]  }
0x250: {  	v34 =	vld [tilespmem:$0x46E0]  }
0x251: {  	v38 =	vld [tilespmem:$0x48E0]  }
0x252: {  	v42 =	vld [tilespmem:$0x4AE0]  }
0x253: {  	v48 =	vld [tilespmem:$0x4CE0]  }
0x254: {  	[tilespmem:$0x1F820] =	vst v58;
	v58 =	vld [tilespmem:$0x4550]  }
0x255: {  	v54 =	vld [tilespmem:$0x4EE0]  }
0x256: {  	v60 =	vld [tilespmem:$0x50E0]  }
0x257: {  	v33 =	vld [tilespmem:$0x52E0]  }
0x258: {  	v35 =	vld [tilespmem:$0x54E0]  }
0x259: {  	[tilespmem:$0x1F850] =	vst v58;
	v58 =	vld [tilespmem:$0x4750]  }
0x25a: {  	v36 =	vld [tilespmem:$0x56E0]  }
0x25b: {  	v37 =	vld [tilespmem:$0x58E0]  }
0x25c: {  	v39 =	vld [tilespmem:$0x5AE0]  }
0x25d: {  	v40 =	vld [tilespmem:$0x5CE0]  }
0x25e: {  	[tilespmem:$0x1F880] =	vst v58;
	v58 =	vld [tilespmem:$0x4950]  }
0x25f: {  	v45 =	vld [tilespmem:$0x5EE0]  }
0x260: {  	v46 =	vld [tilespmem:$0x60E0]  }
0x261: {  	v47 =	vld [tilespmem:$0x62E0]  }
0x262: {  	v49 =	vld [tilespmem:$0x64E0]  }
0x263: {  	[tilespmem:$0x1F8B0] =	vst v58;
	v58 =	vld [tilespmem:$0x4B50]  }
0x264: {  	v51 =	vld [tilespmem:$0x66E0]  }
0x265: {  	v1 =	vld [tilespmem:$0x34F0]  }
0x266: {  	v0 =	vld [tilespmem:$0x36F0]  }
0x267: {  	v2 =	vld [tilespmem:$0x38F0]  }
0x268: {  	[tilespmem:$0x1F8E0] =	vst v58;
	v58 =	vld [tilespmem:$0x4D50]  }
0x269: {  	v3 =	vld [tilespmem:$0x3AF0]  }
0x26a: {  	v4 =	vld [tilespmem:$0x3CF0]  }
0x26b: {  	v5 =	vld [tilespmem:$0x3EF0]  }
0x26c: {  	v6 =	vld [tilespmem:$0x40F0]  }
0x26d: {  	[tilespmem:$0x1F910] =	vst v58;
	v58 =	vld [tilespmem:$0x4F50]  }
0x26e: {  	v10 =	vld [tilespmem:$0x42F0]  }
0x26f: {  	v14 =	vld [tilespmem:$0x44F0]  }
0x270: {  	v16 =	vld [tilespmem:$0x46F0]  }
0x271: {  	v19 =	vld [tilespmem:$0x48F0]  }
0x272: {  	[tilespmem:$0x1F940] =	vst v58;
	v58 =	vld [tilespmem:$0x5150]  }
0x273: {  	v22 =	vld [tilespmem:$0x4AF0]  }
0x274: {  	v25 =	vld [tilespmem:$0x4CF0]  }
0x275: {  	v30 =	vld [tilespmem:$0x4EF0]  }
0x276: {  	v32 =	vld [tilespmem:$0x50F0]  }
0x277: {  	[tilespmem:$0x1F970] =	vst v58;
	v58 =	vld [tilespmem:$0x5350]  }
0x278: {  	v56 =	vld [tilespmem:$0x5AF0]  }
0x279: {  	v61 =	vld [tilespmem:$0x5CF0]  }
0x27a: {  	v52 =	vld [tilespmem:$0x5EF0]  }
0x27b: {  	v53 =	vld [tilespmem:$0x60F0]  }
0x27c: {  	[tilespmem:$0x1F9A0] =	vst v58;
	v58 =	vld [tilespmem:$0x5550]  }
0x27d: {  	v55 =	vld [tilespmem:$0x62F0]  }
0x27e: {  	v57 =	vld [tilespmem:$0x64F0]  }
0x27f: {  	v62 =	vld [tilespmem:$0x3500]  }
0x280: {  	v63 =	vld [tilespmem:$0x3700]  }
0x281: {  	[tilespmem:$0x1F9D0] =	vst v58;
	v58 =	vld [tilespmem:$0x5750]  }
0x282: {  	v11 =	vld [tilespmem:$0x3900]  }
0x283: {  	v13 =	vld [tilespmem:$0x3B00]  }
0x284: {  	v17 =	vld [tilespmem:$0x3D00]  }
0x285: {  	v20 =	vld [tilespmem:$0x3F00]  }
0x286: {  	[tilespmem:$0x1FA10] =	vst v58;
	v58 =	vld [tilespmem:$0x5950]  }
0x287: {  	v23 =	vld [tilespmem:$0x4100]  }
0x288: {  	v26 =	vld [tilespmem:$0x4300]  }
0x289: {  	v27 =	vld [tilespmem:$0x4500]  }
0x28a: {  	v29 =	vld [tilespmem:$0x4700]  }
0x28b: {  	[tilespmem:$0x1FA40] =	vst v58;
	v58 =	vld [tilespmem:$0x5B50]  }
0x28c: {  	v31 =	vld [tilespmem:$0x4900]  }
0x28d: {  	v7 =	vld [tilespmem:$0x3730]  }
0x28e: {  	[tilespmem:$0x1F050] =	vst v36;
	v36 =	vld [tilespmem:$0x52F0]  }
0x28f: {  	[tilespmem:$0x1F090] =	vst v39;
	v39 =	vld [tilespmem:$0x54F0]  }
0x290: {  	[tilespmem:$0x1FA80] =	vst v58;
	v58 =	vld [tilespmem:$0x5D50]  }
0x291: {  	[tilespmem:$0x1F100] =	vst v46;
	v46 =	vld [tilespmem:$0x56F0]  }
0x292: {  	[tilespmem:$0x1F190] =	vst v51;
	v51 =	vld [tilespmem:$0x58F0]  }
0x293: {  	[tilespmem:$0x1F010] =	vst v33;
	v33 =	vld [tilespmem:$0x4B00]  }
0x294: {  	[tilespmem:$0x1F030] =	vst v35;
	v35 =	vld [tilespmem:$0x4D00]  }
0x295: {  	[tilespmem:$0x1FAB0] =	vst v58;
	v58 =	vld [tilespmem:$0x5F50]  }
0x296: {  	[tilespmem:$0x1F070] =	vst v37;
	v37 =	vld [tilespmem:$0x4F00]  }
0x297: {  	[tilespmem:$0x1F0B0] =	vst v40;
	v40 =	vld [tilespmem:$0x5100]  }
0x298: {  	[tilespmem:$0x1F0D0] =	vst v45;
	v45 =	vld [tilespmem:$0x5300]  }
0x299: {  	[tilespmem:$0x1F130] =	vst v47;
	v47 =	vld [tilespmem:$0x5500]  }
0x29a: {  	[tilespmem:$0x1FAE0] =	vst v58;
	v58 =	vld [tilespmem:$0x6150]  }
0x29b: {  	[tilespmem:$0x1F160] =	vst v49;
	v49 =	vld [tilespmem:$0x5700]  }
0x29c: {  	[tilespmem:$0x1F0F0] =	vst v52;
	v52 =	vld [tilespmem:$0x5900]  }
0x29d: {  	[tilespmem:$0x1F120] =	vst v53;
	v53 =	vld [tilespmem:$0x5B00]  }
0x29e: {  	[tilespmem:$0x1F150] =	vst v55;
	v55 =	vld [tilespmem:$0x5D00]  }
0x29f: {  	[tilespmem:$0x1FB10] =	vst v58;
	v58 =	vld [tilespmem:$0x6350]  }
0x2a0: {  	[tilespmem:$0x1F180] =	vst v57;
	v57 =	vld [tilespmem:$0x5F00]  }
0x2a1: {  	[tilespmem:$0x1F1A0] =	vst v62;
	v62 =	vld [tilespmem:$0x6300]  }
0x2a2: {  	[tilespmem:$0x1F1B0] =	vst v63;
	v63 =	vld [tilespmem:$0x6500]  }
0x2a3: {  	[tilespmem:$0x1F1D0] =	vst v11;
	v11 =	vld [tilespmem:$0x6700]  }
0x2a4: {  	[tilespmem:$0x1FB50] =	vst v58;
	v58 =	vld [tilespmem:$0x6550]  }
0x2a5: {  	[tilespmem:$0x1F1E0] =	vst v13;
	v13 =	vld [tilespmem:$0x3B10]  }
0x2a6: {  	[tilespmem:$0x1F200] =	vst v17;
	v17 =	vld [tilespmem:$0x3D10]  }
0x2a7: {  	[tilespmem:$0x1F220] =	vst v20;
	v20 =	vld [tilespmem:$0x3F10]  }
0x2a8: {  	[tilespmem:$0x1F240] =	vst v23;
	v23 =	vld [tilespmem:$0x4110]  }
0x2a9: {  	[tilespmem:$0x1FB80] =	vst v58;
	v58 =	vld [tilespmem:$0x6750]  }
0x2aa: {  	[tilespmem:$0x1F260] =	vst v26;
	v26 =	vld [tilespmem:$0x4310]  }
0x2ab: {  	[tilespmem:$0x1F280] =	vst v27;
	v27 =	vld [tilespmem:$0x4510]  }
0x2ac: {  	[tilespmem:$0x1F2A0] =	vst v29;
	v29 =	vld [tilespmem:$0x4710]  }
0x2ad: {  	[tilespmem:$0x1F2D0] =	vst v31;
	v31 =	vld [tilespmem:$0x4910]  }
0x2ae: {  	[tilespmem:$0x1FBC0] =	vst v58;
	v58 =	vld [tilespmem:$0x3560]  }
0x2af: {  	[tilespmem:$0x1F4E0] =	vst v53;
	v53 =	vld [tilespmem:$0x3510]  }
0x2b0: {  	[tilespmem:$0x1F4A0] =	vst v52;
	v52 =	vld [tilespmem:$0x3710]  }
0x2b1: {  	[tilespmem:$0x1F560] =	vst v57;
	v57 =	vld [tilespmem:$0x3910]  }
0x2b2: {  	[tilespmem:$0x1F300] =	vst v33;
	v33 =	vld [tilespmem:$0x4B10]  }
0x2b3: {  	[tilespmem:$0x1F710] =	vst v58;
	v58 =	vld [tilespmem:$0x3760]  }
0x2b4: {  	[tilespmem:$0x1F330] =	vst v35;
	v35 =	vld [tilespmem:$0x4D10]  }
0x2b5: {  	[tilespmem:$0x1F360] =	vst v37;
	v37 =	vld [tilespmem:$0x4F10]  }
0x2b6: {  	[tilespmem:$0x1F3A0] =	vst v40;
	v40 =	vld [tilespmem:$0x5110]  }
0x2b7: {  	[tilespmem:$0x1F3E0] =	vst v45;
	v45 =	vld [tilespmem:$0x5310]  }
0x2b8: {  	[tilespmem:$0x1F720] =	vst v58;
	v58 =	vld [tilespmem:$0x3960]  }
0x2b9: {  	[tilespmem:$0x1F420] =	vst v47;
	v47 =	vld [tilespmem:$0x5510]  }
0x2ba: {  	[tilespmem:$0x1F460] =	vst v49;
	v49 =	vld [tilespmem:$0x5710]  }
0x2bb: {  	[tilespmem:$0x1F520] =	vst v55;
	v55 =	vld [tilespmem:$0x5910]  }
0x2bc: {  	[tilespmem:$0x1F5E0] =	vst v62;
	v62 =	vld [tilespmem:$0x5D10]  }
0x2bd: {  	[tilespmem:$0x1F750] =	vst v58;
	v58 =	vld [tilespmem:$0x3B60]  }
0x2be: {  	[tilespmem:$0x1F620] =	vst v63;
	v63 =	vld [tilespmem:$0x5F10]  }
0x2bf: {  	[tilespmem:$0x1F660] =	vst v11;
	v11 =	vld [tilespmem:$0x6110]  }
0x2c0: {  	[tilespmem:$0x1F1F0] =	vst v13;
	v13 =	vld [tilespmem:$0x6310]  }
0x2c1: {  	[tilespmem:$0x1F210] =	vst v17;
	v17 =	vld [tilespmem:$0x6510]  }
0x2c2: {  	[tilespmem:$0x1F780] =	vst v58;
	v58 =	vld [tilespmem:$0x3D60]  }
0x2c3: {  	v0 =	vadd.f32 v0, v1;
	[tilespmem:$0x1F230] =	vst v20;
	v20 =	vld [tilespmem:$0x6710]  }
0x2c4: {  	[tilespmem:$0x1F290] =	vst v27;
	v27 =	vld [tilespmem:$0x3520]  }
0x2c5: {  	v0 =	vadd.f32 v2, v0;
	[tilespmem:$0x1F270] =	vst v26;
	v26 =	vld [tilespmem:$0x3720]  }
0x2c6: {  	[tilespmem:$0x1F2F0] =	vst v31;
	v31 =	vld [tilespmem:$0x3920]  }
0x2c7: {  	v0 =	vadd.f32 v3, v0;
	[tilespmem:$0x1F7B0] =	vst v58;
	v58 =	vld [tilespmem:$0x3F60]  }
0x2c8: {  	[tilespmem:$0x1F250] =	vst v23;
	v23 =	vld [tilespmem:$0x4520]  }
0x2c9: {  	[tilespmem:$0x1F2C0] =	vst v29;
	v29 =	vld [tilespmem:$0x4720];
	v0 =	vadd.f32 v4, v0  }
0x2ca: {  	v4 =	vld [tilespmem:$0x3D70]  }
0x2cb: {  	v0 =	vadd.f32 v5, v0;
	v5 =	vld [tilespmem:$0x3F70]  }
0x2cc: {  	[tilespmem:$0x1F7E0] =	vst v58;
	v58 =	vld [tilespmem:$0x4160]  }
0x2cd: {  	[tilespmem:$0x1F350] =	vst v35;
	v35 =	vld [tilespmem:$0x3B20]  }
0x2ce: {  	[tilespmem:$0x1F3C0] =	vst v40;
	v40 =	vld [tilespmem:$0x3D20]  }
0x2cf: {  	[tilespmem:$0x1F440] =	vst v47;
	v47 =	vld [tilespmem:$0x3F20]  }
0x2d0: {  	[tilespmem:$0x1F4C0] =	vst v55;
	v55 =	vld [tilespmem:$0x4120]  }
0x2d1: {  	[tilespmem:$0x1F810] =	vst v58;
	v58 =	vld [tilespmem:$0x4360]  }
0x2d2: {  	[tilespmem:$0x1F540] =	vst v62;
	v62 =	vld [tilespmem:$0x4320]  }
0x2d3: {  	[tilespmem:$0x1F320] =	vst v33;
	v33 =	vld [tilespmem:$0x4920]  }
0x2d4: {  	[tilespmem:$0x1F380] =	vst v37;
	v37 =	vld [tilespmem:$0x4B20]  }
0x2d5: {  	[tilespmem:$0x1F400] =	vst v45;
	v45 =	vld [tilespmem:$0x4D20]  }
0x2d6: {  	[tilespmem:$0x1F840] =	vst v58;
	v58 =	vld [tilespmem:$0x4560]  }
0x2d7: {  	[tilespmem:$0x1F480] =	vst v49;
	v49 =	vld [tilespmem:$0x4F20]  }
0x2d8: {  	[tilespmem:$0x1F580] =	vst v63;
	v63 =	vld [tilespmem:$0x5320]  }
0x2d9: {  	[tilespmem:$0x1F5C0] =	vst v11;
	v11 =	vld [tilespmem:$0x5520]  }
0x2da: {  	[tilespmem:$0x1F600] =	vst v13;
	v13 =	vld [tilespmem:$0x5720]  }
0x2db: {  	[tilespmem:$0x1F870] =	vst v58;
	v58 =	vld [tilespmem:$0x4760]  }
0x2dc: {  	[tilespmem:$0x1F640] =	vst v17;
	v17 =	vld [tilespmem:$0x5920]  }
0x2dd: {  	[tilespmem:$0x1F680] =	vst v20;
	v20 =	vld [tilespmem:$0x5B20];
	v0 =	vadd.f32 v6, v0  }
0x2de: {  	[tilespmem:$0x1F2B0] =	vst v23;
	v23 =	vld [tilespmem:$0x5D20]  }
0x2df: {  	[tilespmem:$0x1F2E0] =	vst v29;
	v29 =	vld [tilespmem:$0x5F20];
	v0 =	vadd.f32 v10, v0  }
0x2e0: {  	[tilespmem:$0x1F8A0] =	vst v58;
	v58 =	vld [tilespmem:$0x4960]  }
0x2e1: {  	v0 =	vadd.f32 v14, v0;
	v14 =	vld [tilespmem:$0x4B70]  }
0x2e2: {  	[tilespmem:$0x1F310] =	vst v33;
	v33 =	vld [tilespmem:$0x6120]  }
0x2e3: {  	[tilespmem:$0x1F340] =	vst v37;
	v37 =	vld [tilespmem:$0x6320]  }
0x2e4: {  	[tilespmem:$0x1F370] =	vst v45;
	v45 =	vld [tilespmem:$0x6520]  }
0x2e5: {  	[tilespmem:$0x1F8D0] =	vst v58;
	v58 =	vld [tilespmem:$0x4B60]  }
0x2e6: {  	[tilespmem:$0x1F3B0] =	vst v49;
	v49 =	vld [tilespmem:$0x6720]  }
0x2e7: {  	[tilespmem:$0x1F470] =	vst v11;
	v11 =	vld [tilespmem:$0x3530]  }
0x2e8: {  	[tilespmem:$0x1F4B0] =	vst v13;
	v13 =	vld [tilespmem:$0x3930]  }
0x2e9: {  	[tilespmem:$0x1F4F0] =	vst v17;
	v17 =	vld [tilespmem:$0x3B30]  }
0x2ea: {  	v0 =	vadd.f32 v16, v0;
	[tilespmem:$0x1F900] =	vst v58;
	v58 =	vld [tilespmem:$0x4D60]  }
0x2eb: {  	[tilespmem:$0x1F530] =	vst v20;
	v20 =	vld [tilespmem:$0x3D30]  }
0x2ec: {  	[tilespmem:$0x1F570] =	vst v23;
	v23 =	vld [tilespmem:$0x3F30];
	v0 =	vadd.f32 v19, v0  }
0x2ed: {  	[tilespmem:$0x1F5B0] =	vst v29;
	v29 =	vld [tilespmem:$0x4130]  }
0x2ee: {  	v0 =	vadd.f32 v22, v0;
	v22 =	vld [tilespmem:$0x5370]  }
0x2ef: {  	[tilespmem:$0x1F930] =	vst v58;
	v58 =	vld [tilespmem:$0x4F60]  }
0x2f0: {  	[tilespmem:$0x1F430] =	vst v63;
	v63 =	vld [tilespmem:$0x4B30]  }
0x2f1: {  	v16 =	vld [tilespmem:$0x4770]  }
0x2f2: {  	v19 =	vld [tilespmem:$0x4D70]  }
0x2f3: {  	[tilespmem:$0x1F9E0] =	vst v22;
	v22 =	vld [tilespmem:$0x3580]  }
0x2f4: {  	[tilespmem:$0x1F960] =	vst v58;
	v58 =	vld [tilespmem:$0x1EF50]  }
0x2f5: {  	[tilespmem:$0x1F5F0] =	vst v33;
	v33 =	vld [tilespmem:$0x4330]  }
0x2f6: {  	[tilespmem:$0x1F630] =	vst v37;
	v37 =	vld [tilespmem:$0x4530]  }
0x2f7: {  	[tilespmem:$0x1F670] =	vst v45;
	v45 =	vld [tilespmem:$0x4730]  }
0x2f8: {  	[tilespmem:$0x1F6A0] =	vst v49;
	v49 =	vld [tilespmem:$0x4930]  }
0x2f9: {  	[tilespmem:$0x1FBF0] =	vst v22;
	v22 =	vld [tilespmem:$0x4380];
	v41 =	vadd.f32 v41, v58  }
0x2fa: {  	v8 =	vadd.f32 v8, v9;
	v58 =	vld [tilespmem:$0x5160]  }
0x2fb: {  	v9 =	vadd.f32 v43, v41;
	v43 =	vld [tilespmem:$0x5760]  }
0x2fc: {  	v41 =	vadd.f32 v12, v8;
	v12 =	vld [tilespmem:$0x5960]  }
0x2fd: {  	v8 =	vld [tilespmem:$0x6160]  }
0x2fe: {  	v1 =	vadd.f32 v15, v41;
	v41 =	vld [tilespmem:$0x5B60]  }
0x2ff: {  	v15 =	vld [tilespmem:$0x6560]  }
0x300: {  	[tilespmem:$0x1F990] =	vst v58;
	v58 =	vld [tilespmem:$0x5360]  }
0x301: {  	v1 =	vadd.f32 v18, v1;
	v18 =	vld [tilespmem:$0x6760]  }
0x302: {  	[tilespmem:$0x1FA70] =	vst v12;
	v12 =	vld [tilespmem:$0x1EF70]  }
0x303: {  	[tilespmem:$0x1FB40] =	vst v8;
	v8 =	vld [tilespmem:$0x3970]  }
0x304: {  	v1 =	vadd.f32 v21, v1;
	v21 =	vld [tilespmem:$0x1EF80]  }
0x305: {  	[tilespmem:$0x1FBB0] =	vst v15;
	v15 =	vld [tilespmem:$0x4F70]  }
0x306: {  	[tilespmem:$0x1F9C0] =	vst v58;
	v58 =	vld [tilespmem:$0x5560];
	v1 =	vadd.f32 v24, v1  }
0x307: {  	v24 =	vld [tilespmem:$0x1EF90]  }
0x308: {  	[tilespmem:$0x1FBE0] =	vst v18;
	v18 =	vld [tilespmem:$0x4970];
	v1 =	vadd.f32 v28, v1  }
0x309: {  	v28 =	vld [tilespmem:$0x1EFA0]  }
0x30a: {  	v1 =	vadd.f32 v44, v1;
	v44 =	vld [tilespmem:$0x3B70]  }
0x30b: {  	[tilespmem:$0x1FA00] =	vst v58;
	v58 =	vadd.f32 v50, v9;
	v50 =	vld [tilespmem:$0x5D60]  }
0x30c: {  	v9 =	vld [tilespmem:$0x6360]  }
0x30d: {  	v1 =	vadd.f32 v34, v1;
	v34 =	vld [tilespmem:$0x1EFB0]  }
0x30e: {  	[tilespmem:$0x1FA30] =	vst v43;
	v43 =	vadd.f32 v59, v58;
	v59 =	vld [tilespmem:$0x1EF60]  }
0x30f: {  	v58 =	vld [tilespmem:$0x5F60]  }
0x310: {  	v1 =	vadd.f32 v38, v1;
	v38 =	vld [tilespmem:$0x1EFC0]  }
0x311: {  	[tilespmem:$0x1FAD0] =	vst v50;
	v50 =	vld [tilespmem:$0x3770]  }
0x312: {  	[tilespmem:$0x1FAA0] =	vst v41;
	v41 =	vadd.f32 v42, v1;
	v42 =	vld [tilespmem:$0x1EFD0]  }
0x313: {  	v2 =	vadd.f32 v59, v43;
	v43 =	vld [tilespmem:$0x3570]  }
0x314: {  	[tilespmem:$0x1FB00] =	vst v58;
	v58 =	vld [tilespmem:$0x1EFE0]  }
0x315: {  	[tilespmem:$0x1FB70] =	vst v9;
	v9 =	vadd.f32 v48, v41;
	v48 =	vld [tilespmem:$0x5170]  }
0x316: {  	v59 =	vadd.f32 v25, v0;
	v25 =	vld [tilespmem:$0x1F010]  }
0x317: {  	v41 =	vld [tilespmem:$0x1F070]  }
0x318: {  	v2 =	vadd.f32 v12, v2;
	v12 =	vld [tilespmem:$0x4370]  }
0x319: {  	v10 =	vadd.f32 v30, v59;
	v30 =	vld [tilespmem:$0x1F020]  }
0x31a: {  	v9 =	vadd.f32 v54, v9;
	v54 =	vld [tilespmem:$0x6570]  }
0x31b: {  	v59 =	vld [tilespmem:$0x6770]  }
0x31c: {  	v2 =	vadd.f32 v21, v2;
	v21 =	vld [tilespmem:$0x1EFF0]  }
0x31d: {  	v10 =	vadd.f32 v32, v10;
	v32 =	vld [tilespmem:$0x1F030]  }
0x31e: {  	v9 =	vadd.f32 v60, v9;
	v60 =	vld [tilespmem:$0x1F0A0]  }
0x31f: {  	v2 =	vadd.f32 v24, v2;
	v24 =	vld [tilespmem:$0x1F000]  }
0x320: {  	v10 =	vadd.f32 v36, v10;
	v36 =	vld [tilespmem:$0x1F050]  }
0x321: {  	v9 =	vadd.f32 v25, v9;
	v25 =	vld [tilespmem:$0x1F0B0]  }
0x322: {  	[tilespmem:$0x1FBD0] =	vst v54;
	v54 =	vld [tilespmem:$0x1F100];
	v2 =	vadd.f32 v28, v2  }
0x323: {  	[tilespmem:$0x1FC10] =	vst v59;
	v59 =	vld [tilespmem:$0x1F120]  }
0x324: {  	v28 =	vld [tilespmem:$0x5770];
	v3 =	vadd.f32 v34, v2  }
0x325: {  	v10 =	vadd.f32 v39, v10;
	v39 =	vld [tilespmem:$0x1F060]  }
0x326: {  	v9 =	vadd.f32 v32, v9;
	v32 =	vld [tilespmem:$0x5B70];
	v6 =	vadd.f32 v38, v3  }
0x327: {  	v2 =	vld [tilespmem:$0x4170]  }
0x328: {  	v34 =	vld [tilespmem:$0x1F040];
	v6 =	vadd.f32 v42, v6  }
0x329: {  	v10 =	vadd.f32 v46, v10;
	v46 =	vld [tilespmem:$0x1F080]  }
0x32a: {  	v9 =	vadd.f32 v36, v9;
	v36 =	vld [tilespmem:$0x1F0C0];
	v6 =	vadd.f32 v58, v6  }
0x32b: {  	v3 =	vld [tilespmem:$0x4570]  }
0x32c: {  	v38 =	vld [tilespmem:$0x5F70];
	v6 =	vadd.f32 v21, v6  }
0x32d: {  	v10 =	vadd.f32 v51, v10;
	v51 =	vld [tilespmem:$0x3D80]  }
0x32e: {  	[tilespmem:$0x1FA50] =	vst v28;
	v28 =	vld [tilespmem:$0x3780];
	v6 =	vadd.f32 v24, v6  }
0x32f: {  	v9 =	vadd.f32 v41, v9;
	v41 =	vld [tilespmem:$0x3B80]  }
0x330: {  	v42 =	vld [tilespmem:$0x6370];
	v6 =	vadd.f32 v30, v6  }
0x331: {  	v10 =	vadd.f32 v56, v10;
	v56 =	vld [tilespmem:$0x3F80]  }
0x332: {  	v58 =	vld [tilespmem:$0x1F090];
	v6 =	vadd.f32 v34, v6  }
0x333: {  	v10 =	vadd.f32 v61, v10;
	v61 =	vld [tilespmem:$0x1F130]  }
0x334: {  	[tilespmem:$0x1FB20] =	vst v38;
	v38 =	vld [tilespmem:$0x3980];
	v6 =	vadd.f32 v39, v6  }
0x335: {  	[tilespmem:$0x1FC40] =	vst v51;
	v51 =	vld [tilespmem:$0x4980]  }
0x336: {  	[tilespmem:$0x1FB90] =	vst v42;
	v42 =	vld [tilespmem:$0x1F0E0];
	v6 =	vadd.f32 v46, v6  }
0x337: {  	v39 =	vld [tilespmem:$0x1F0D0]  }
0x338: {  	[tilespmem:$0x1FC30] =	vst v41;
	v41 =	vld [tilespmem:$0x1F170];
	v9 =	vadd.f32 v58, v9;
	v6 =	vadd.f32 v60, v6  }
0x339: {  	v58 =	vld [tilespmem:$0x1F110]  }
0x33a: {  	[tilespmem:$0x1FC20] =	vst v38;
	v38 =	vld [tilespmem:$0x1F160];
	v9 =	vadd.f32 v25, v9;
	v6 =	vadd.f32 v36, v6  }
0x33b: {  	v25 =	vld [tilespmem:$0x1F140]  }
0x33c: {  	v46 =	vld [tilespmem:$0x1F0F0];
	v9 =	vadd.f32 v39, v9;
	v6 =	vadd.f32 v42, v6  }
0x33d: {  	v60 =	vld [tilespmem:$0x4180]  }
0x33e: {  	[tilespmem:$0x1FC90] =	vst v22;
	v39 =	vld [tilespmem:$0x4780];
	v9 =	vadd.f32 v54, v9;
	v6 =	vadd.f32 v58, v6  }
0x33f: {  	[tilespmem:$0x1FC00] =	vst v28;
	v54 =	vld [tilespmem:$0x1F190]  }
0x340: {  	[tilespmem:$0x1FC50] =	vst v56;
	v36 =	vld [tilespmem:$0x4580];
	v9 =	vadd.f32 v61, v9;
	v6 =	vadd.f32 v25, v6  }
0x341: {  	v21 =	vld [tilespmem:$0x5570];
	[tilespmem:$0x1FCF0] =	vst v51  }
0x342: {  	v28 =	vld [tilespmem:$0x1F150];
	[tilespmem:$0x1FC70] =	vst v60;
	v9 =	vadd.f32 v38, v9;
	v0 =	vadd.f32 v41, v6  }
0x343: {  	v24 =	vld [tilespmem:$0x5970];
	[tilespmem:$0x1FCD0] =	vst v39  }
0x344: {  	v30 =	vld [tilespmem:$0x5D70];
	[tilespmem:$0x1FF40] =	vst v0;
	v0 =	vadd.f32 v54, v9  }
0x345: {  	v34 =	vld [tilespmem:$0x6170];
	v10 =	vadd.f32 v46, v10;
	[tilespmem:$0x1FCB0] =	vst v36  }
0x346: {  	v42 =	vld [tilespmem:$0x1F180];
	[tilespmem:$0x1FF50] =	vst v0  }
0x347: {  	v10 =	vadd.f32 v59, v10;
	v0 =	vld [tilespmem:$0x1F1A0]  }
0x348: {  	v56 =	vld [tilespmem:$0x1F1B0]  }
0x349: {  	v10 =	vadd.f32 v28, v10;
	v59 =	vld [tilespmem:$0x4B80]  }
0x34a: {  	v60 =	vld [tilespmem:$0x1F1C0]  }
0x34b: {  	v46 =	vadd.f32 v42, v10;
	v10 =	vld [tilespmem:$0x4D80]  }
0x34c: {  	v22 =	vld [tilespmem:$0x1F1D0]  }
0x34d: {  	v25 =	vadd.f32 v26, v27;
	v26 =	vld [tilespmem:$0x4F80]  }
0x34e: {  	v27 =	vld [tilespmem:$0x5180]  }
0x34f: {  	v28 =	vld [tilespmem:$0x1F1E0]  }
0x350: {  	v36 =	vld [tilespmem:$0x5380]  }
0x351: {  	v7 =	vadd.f32 v7, v11;
	v38 =	vld [tilespmem:$0x1F1F0]  }
0x352: {  	v39 =	vld [tilespmem:$0x5580]  }
0x353: {  	v7 =	vadd.f32 v13, v7;
	v41 =	vld [tilespmem:$0x1F200]  }
0x354: {  	v42 =	vld [tilespmem:$0x5780]  }
0x355: {  	v7 =	vadd.f32 v17, v7;
	v51 =	vld [tilespmem:$0x5980]  }
0x356: {  	v61 =	vadd.f32 v52, v53;
	v52 =	vld [tilespmem:$0x1F220]  }
0x357: {  	v7 =	vadd.f32 v20, v7;
	v53 =	vld [tilespmem:$0x5B80]  }
0x358: {  	v54 =	vld [tilespmem:$0x1F230]  }
0x359: {  	v7 =	vadd.f32 v23, v7;
	v6 =	vadd.f32 v57, v61;
	v57 =	vld [tilespmem:$0x1F240]  }
0x35a: {  	v61 =	vld [tilespmem:$0x1F260]  }
0x35b: {  	v7 =	vadd.f32 v29, v7;
	v11 =	vld [tilespmem:$0x6380]  }
0x35c: {  	v13 =	vld [tilespmem:$0x1F270]  }
0x35d: {  	v7 =	vadd.f32 v33, v7;
	v17 =	vld [tilespmem:$0x6580]  }
0x35e: {  	v20 =	vld [tilespmem:$0x1F280]  }
0x35f: {  	v7 =	vadd.f32 v37, v7;
	v23 =	vld [tilespmem:$0x1F290]  }
0x360: {  	v29 =	vld [tilespmem:$0x1F2E0]  }
0x361: {  	v7 =	vadd.f32 v45, v7;
	v33 =	vld [tilespmem:$0x1F300]  }
0x362: {  	v37 =	vld [tilespmem:$0x1F320]  }
0x363: {  	v7 =	vadd.f32 v49, v7;
	v45 =	vld [tilespmem:$0x4390]  }
0x364: {  	v49 =	vld [tilespmem:$0x1F360]  }
0x365: {  	v7 =	vadd.f32 v63, v7;
	v63 =	vld [tilespmem:$0x1F3D0]  }
0x366: {  	v58 =	vadd.f32 v56, v0;
	v0 =	vadd.f32 v60, v46;
	v46 =	vld [tilespmem:$0x1F210]  }
0x367: {  	v56 =	vld [tilespmem:$0x5D80]  }
0x368: {  	[tilespmem:$0x1FD10] =	vst v59;
	v59 =	vld [tilespmem:$0x1F250]  }
0x369: {  	v60 =	vld [tilespmem:$0x6180]  }
0x36a: {  	[tilespmem:$0x1FDD0] =	vst v42;
	v42 =	vld [tilespmem:$0x3590]  }
0x36b: {  	[tilespmem:$0x1FD30] =	vst v10;
	v10 =	vadd.f32 v31, v25;
	v25 =	vld [tilespmem:$0x1F2A0]  }
0x36c: {  	[tilespmem:$0x1FD50] =	vst v26;
	v26 =	vld [tilespmem:$0x1F2B0]  }
0x36d: {  	[tilespmem:$0x1FD70] =	vst v27;
	v27 =	vld [tilespmem:$0x1F2C0]  }
0x36e: {  	v31 =	vld [tilespmem:$0x1F2F0]  }
0x36f: {  	[tilespmem:$0x1FD90] =	vst v36;
	v36 =	vld [tilespmem:$0x3F90]  }
0x370: {  	v6 =	vadd.f32 v38, v6;
	v38 =	vld [tilespmem:$0x4190]  }
0x371: {  	[tilespmem:$0x1FDB0] =	vst v39;
	v39 =	vld [tilespmem:$0x1F330]  }
0x372: {  	[tilespmem:$0x1FDF0] =	vst v51;
	v51 =	vld [tilespmem:$0x1F370]  }
0x373: {  	[tilespmem:$0x1FE10] =	vst v53;
	v53 =	vld [tilespmem:$0x1F380]  }
0x374: {  	[tilespmem:$0x1FEA0] =	vst v11;
	v11 =	vld [tilespmem:$0x4D90]  }
0x375: {  	[tilespmem:$0x1FED0] =	vst v17;
	v17 =	vld [tilespmem:$0x1F3F0]  }
0x376: {  	[tilespmem:$0x1FCA0] =	vst v45;
	v45 =	vld [tilespmem:$0x1F4A0]  }
0x377: {  	v9 =	vadd.f32 v22, v58;
	v58 =	vld [tilespmem:$0x5F80]  }
0x378: {  	v10 =	vadd.f32 v35, v10;
	v22 =	vld [tilespmem:$0x6780]  }
0x379: {  	v35 =	vld [tilespmem:$0x1F310]  }
0x37a: {  	v10 =	vadd.f32 v40, v10;
	v40 =	vld [tilespmem:$0x3990]  }
0x37b: {  	v9 =	vadd.f32 v28, v9;
	v28 =	vld [tilespmem:$0x1F2D0]  }
0x37c: {  	[tilespmem:$0x1FE70] =	vst v60;
	v60 =	vld [tilespmem:$0x3D90]  }
0x37d: {  	v6 =	vadd.f32 v46, v6;
	v46 =	vld [tilespmem:$0x1F350]  }
0x37e: {  	[tilespmem:$0x1FE30] =	vst v56;
	v56 =	vld [tilespmem:$0x1F3A0]  }
0x37f: {  	[tilespmem:$0x1FC60] =	vst v36;
	v36 =	vld [tilespmem:$0x1F470]  }
0x380: {  	[tilespmem:$0x1FC80] =	vst v38;
	v38 =	vld [tilespmem:$0x1F480]  }
0x381: {  	[tilespmem:$0x1FD40] =	vst v11;
	v11 =	vld [tilespmem:$0x6390]  }
0x382: {  	v9 =	vadd.f32 v41, v9;
	v41 =	vld [tilespmem:$0x1F340]  }
0x383: {  	v10 =	vadd.f32 v47, v10;
	v47 =	vld [tilespmem:$0x4590]  }
0x384: {  	[tilespmem:$0x1FE50] =	vst v58;
	v58 =	vld [tilespmem:$0x3B90]  }
0x385: {  	v6 =	vadd.f32 v54, v6;
	v54 =	vld [tilespmem:$0x1F390]  }
0x386: {  	[tilespmem:$0x1FF00] =	vst v22;
	v22 =	vld [tilespmem:$0x1F400]  }
0x387: {  	v9 =	vadd.f32 v52, v9;
	v52 =	vld [tilespmem:$0x4790]  }
0x388: {  	v10 =	vadd.f32 v55, v10;
	v55 =	vld [tilespmem:$0x4990]  }
0x389: {  	v6 =	vadd.f32 v59, v6;
	v59 =	vld [tilespmem:$0x3790]  }
0x38a: {  	v9 =	vadd.f32 v57, v9;
	v57 =	vld [tilespmem:$0x1F3B0]  }
0x38b: {  	v10 =	vadd.f32 v62, v10;
	v62 =	vld [tilespmem:$0x1F3C0]  }
0x38c: {  	[tilespmem:$0x1FEC0] =	vst v11;
	v11 =	vld [tilespmem:$0x1F6C0]  }
0x38d: {  	v6 =	vadd.f32 v13, v6;
	v13 =	vld [tilespmem:$0x1F3E0]  }
0x38e: {  	[tilespmem:$0x1FCC0] =	vst v47;
	v47 =	vld [tilespmem:$0x5B90]  }
0x38f: {  	v9 =	vadd.f32 v61, v9;
	v61 =	vld [tilespmem:$0x4B90]  }
0x390: {  	v10 =	vadd.f32 v26, v10;
	v26 =	vld [tilespmem:$0x1F420]  }
0x391: {  	v7 =	vadd.f32 v54, v7;
	v54 =	vld [tilespmem:$0x1F4F0]  }
0x392: {  	v6 =	vadd.f32 v23, v6;
	v23 =	vld [tilespmem:$0x1F410]  }
0x393: {  	[tilespmem:$0x1FCE0] =	vst v52;
	v52 =	vld [tilespmem:$0x5D90]  }
0x394: {  	[tilespmem:$0x1FD00] =	vst v55;
	v55 =	vld [tilespmem:$0x5F90]  }
0x395: {  	v9 =	vadd.f32 v20, v9;
	v20 =	vld [tilespmem:$0x4F90]  }
0x396: {  	v10 =	vadd.f32 v29, v10;
	v29 =	vld [tilespmem:$0x1F440]  }
0x397: {  	v7 =	vadd.f32 v63, v7;
	v63 =	vld [tilespmem:$0x1F530]  }
0x398: {  	v6 =	vadd.f32 v27, v6;
	v27 =	vld [tilespmem:$0x1F430]  }
0x399: {  	v9 =	vadd.f32 v25, v9;
	v25 =	vld [tilespmem:$0x5190]  }
0x39a: {  	v10 =	vadd.f32 v35, v10;
	v35 =	vld [tilespmem:$0x1F460]  }
0x39b: {  	[tilespmem:$0x1FE20] =	vst v47;
	v47 =	vld [tilespmem:$0x1F650]  }
0x39c: {  	v6 =	vadd.f32 v31, v6;
	v31 =	vld [tilespmem:$0x1F450]  }
0x39d: {  	[tilespmem:$0x1FD20] =	vst v61;
	v61 =	vld [tilespmem:$0x6190]  }
0x39e: {  	v9 =	vadd.f32 v28, v9;
	v28 =	vld [tilespmem:$0x5390]  }
0x39f: {  	v10 =	vadd.f32 v41, v10;
	v41 =	vld [tilespmem:$0x5990]  }
0x3a0: {  	v7 =	vadd.f32 v23, v7;
	v23 =	vld [tilespmem:$0x1F570]  }
0x3a1: {  	[tilespmem:$0x1FE40] =	vst v52;
	v52 =	vld [tilespmem:$0x1F670]  }
0x3a2: {  	[tilespmem:$0x1FE60] =	vst v55;
	v55 =	vld [tilespmem:$0x1F680]  }
0x3a3: {  	v6 =	vadd.f32 v37, v6;
	v37 =	vld [tilespmem:$0x5790]  }
0x3a4: {  	[tilespmem:$0x1FD60] =	vst v20;
	v20 =	vld [tilespmem:$0x6590]  }
0x3a5: {  	v9 =	vadd.f32 v33, v9;
	v33 =	vld [tilespmem:$0x5590]  }
0x3a6: {  	v10 =	vadd.f32 v51, v10;
	v51 =	vld [tilespmem:$0x1F4D0]  }
0x3a7: {  	v6 =	vadd.f32 v46, v6;
	v46 =	vld [tilespmem:$0x1F4B0]  }
0x3a8: {  	[tilespmem:$0x1FD80] =	vst v25;
	v25 =	vld [tilespmem:$0x6790]  }
0x3a9: {  	v9 =	vadd.f32 v39, v9;
	v39 =	vld [tilespmem:$0x1F490]  }
0x3aa: {  	v10 =	vadd.f32 v57, v10;
	v57 =	vld [tilespmem:$0x1F510]  }
0x3ab: {  	v7 =	vadd.f32 v31, v7;
	v31 =	vld [tilespmem:$0x1F5C0]  }
0x3ac: {  	[tilespmem:$0x1FE90] =	vst v61;
	v61 =	vld [tilespmem:$0x49A0]  }
0x3ad: {  	v6 =	vadd.f32 v53, v6;
	v53 =	vld [tilespmem:$0x1F4E0]  }
0x3ae: {  	[tilespmem:$0x1FDA0] =	vst v28;
	v28 =	vld [tilespmem:$0x1F5A0]  }
0x3af: {  	[tilespmem:$0x1FE00] =	vst v41;
	v41 =	vld [tilespmem:$0x1F630]  }
0x3b0: {  	v9 =	vadd.f32 v49, v9;
	v49 =	vld [tilespmem:$0x1F4C0]  }
0x3b1: {  	v10 =	vadd.f32 v17, v10;
	v17 =	vld [tilespmem:$0x1F550]  }
0x3b2: {  	[tilespmem:$0x1FDE0] =	vst v37;
	v37 =	vld [tilespmem:$0x1F600]  }
0x3b3: {  	[tilespmem:$0x1FEF0] =	vst v20;
	v20 =	vld [tilespmem:$0x1F6E0]  }
0x3b4: {  	v6 =	vadd.f32 v62, v6;
	v62 =	vld [tilespmem:$0x1F520]  }
0x3b5: {  	[tilespmem:$0x1FDC0] =	vst v33;
	v33 =	vld [tilespmem:$0x1F5D0]  }
0x3b6: {  	v9 =	vadd.f32 v56, v9;
	v56 =	vld [tilespmem:$0x1F500]  }
0x3b7: {  	v10 =	vadd.f32 v27, v10;
	v27 =	vld [tilespmem:$0x1F590]  }
0x3b8: {  	[tilespmem:$0x1FF20] =	vst v25;
	v25 =	vld [tilespmem:$0x1F700]  }
0x3b9: {  	v6 =	vadd.f32 v22, v6;
	v22 =	vld [tilespmem:$0x1F560]  }
0x3ba: {  	v7 =	vadd.f32 v39, v7;
	v39 =	vld [tilespmem:$0x1F620]  }
0x3bb: {  	v9 =	vadd.f32 v13, v9;
	v13 =	vld [tilespmem:$0x1F540]  }
0x3bc: {  	v10 =	vadd.f32 v36, v10;
	v36 =	vld [tilespmem:$0x1F5F0]  }
0x3bd: {  	v6 =	vadd.f32 v29, v6;
	v29 =	vld [tilespmem:$0x1F5B0]  }
0x3be: {  	v7 =	vadd.f32 v51, v7;
	v51 =	vld [tilespmem:$0x39A0]  }
0x3bf: {  	v9 =	vadd.f32 v26, v9;
	v26 =	vld [tilespmem:$0x1F580]  }
0x3c0: {  	v10 =	vadd.f32 v46, v10;
	v46 =	vld [tilespmem:$0x35A0]  }
0x3c1: {  	v6 =	vadd.f32 v38, v6;
	v38 =	vld [tilespmem:$0x1F610]  }
0x3c2: {  	v10 =	vadd.f32 v54, v10;
	v54 =	vld [tilespmem:$0x37A0]  }
0x3c3: {  	v7 =	vadd.f32 v57, v7;
	v9 =	vadd.f32 v35, v9;
	v35 =	vld [tilespmem:$0x1F5E0]  }
0x3c4: {  	v6 =	vadd.f32 v49, v6;
	v49 =	vld [tilespmem:$0x1F660]  }
0x3c5: {  	v7 =	vadd.f32 v17, v7;
	v17 =	vld [tilespmem:$0x1F6D0]  }
0x3c6: {  	v9 =	vadd.f32 v45, v9;
	v45 =	vld [tilespmem:$0x1F640]  }
0x3c7: {  	v10 =	vadd.f32 v63, v10;
	v63 =	vld [tilespmem:$0x1F7B0]  }
0x3c8: {  	v6 =	vadd.f32 v56, v6;
	v7 =	vadd.f32 v27, v7;
	v56 =	vld [tilespmem:$0x1F690]  }
0x3c9: {  	v27 =	vld [tilespmem:$0x1F720];
	v9 =	vadd.f32 v53, v9  }
0x3ca: {  	v7 =	vadd.f32 v33, v7;
	v33 =	vadd.f32 v50, v43;
	v50 =	vld [tilespmem:$0x1F770]  }
0x3cb: {  	v10 =	vadd.f32 v23, v10;
	v43 =	vld [tilespmem:$0x57A0]  }
0x3cc: {  	v6 =	vadd.f32 v13, v6;
	v9 =	vadd.f32 v62, v9;
	v62 =	vld [tilespmem:$0x47A0]  }
0x3cd: {  	v10 =	vadd.f32 v29, v10;
	v7 =	vadd.f32 v38, v7;
	v38 =	vld [tilespmem:$0x43A0]  }
0x3ce: {  	v6 =	vadd.f32 v26, v6;
	v26 =	vld [tilespmem:$0x1F710]  }
0x3cf: {  	v10 =	vadd.f32 v36, v10;
	v36 =	vld [tilespmem:$0x3FA0]  }
0x3d0: {  	v9 =	vadd.f32 v22, v9;
	v22 =	vld [tilespmem:$0x1F6F0]  }
0x3d1: {  	v6 =	vadd.f32 v31, v6;
	v31 =	vld [tilespmem:$0x1F730]  }
0x3d2: {  	v7 =	vadd.f32 v47, v7;
	v47 =	vld [tilespmem:$0x1F750]  }
0x3d3: {  	v9 =	vadd.f32 v28, v9;
	v28 =	vld [tilespmem:$0x3BA0]  }
0x3d4: {  	v10 =	vadd.f32 v41, v10;
	v41 =	vld [tilespmem:$0x4FA0]  }
0x3d5: {  	v6 =	vadd.f32 v37, v6;
	v37 =	vld [tilespmem:$0x41A0]  }
0x3d6: {  	v57 =	vadd.f32 v56, v7;
	v7 =	vld [tilespmem:$0x1F6A0]  }
0x3d7: {  	v56 =	vld [tilespmem:$0x4DA0]  }
0x3d8: {  	v9 =	vadd.f32 v35, v9;
	v35 =	vld [tilespmem:$0x3DA0]  }
0x3d9: {  	v53 =	vadd.f32 v52, v10;
	v10 =	vld [tilespmem:$0x1F6B0]  }
0x3da: {  	v52 =	vld [tilespmem:$0x1F780]  }
0x3db: {  	v29 =	vadd.f32 v27, v26;
	v26 =	vld [tilespmem:$0x5FA0]  }
0x3dc: {  	v27 =	vld [tilespmem:$0x1F820]  }
0x3dd: {  	v6 =	vadd.f32 v45, v6;
	v45 =	vld [tilespmem:$0x1F740]  }
0x3de: {  	v23 =	vadd.f32 v22, v20;
	v20 =	vld [tilespmem:$0x1F800];
	v9 =	vadd.f32 v39, v9  }
0x3df: {  	v39 =	vld [tilespmem:$0x45A0]  }
0x3e0: {  	[tilespmem:$0x1FF60] =	vst v0;
	v0 =	vadd.f32 v49, v9;
	v49 =	vld [tilespmem:$0x1F760]  }
0x3e1: {  	v9 =	vadd.f32 v47, v29;
	v47 =	vld [tilespmem:$0x51A0]  }
0x3e2: {  	v29 =	vld [tilespmem:$0x61A0]  }
0x3e3: {  	v13 =	vadd.f32 v11, v10;
	v10 =	vadd.f32 v8, v33;
	v8 =	vld [tilespmem:$0x1F7C0]  }
0x3e4: {  	v11 =	vld [tilespmem:$0x1F7D0]  }
0x3e5: {  	[tilespmem:$0x1FE80] =	vst v26;
	v26 =	vld [tilespmem:$0x1F8C0]  }
0x3e6: {  	[tilespmem:$0x1FF70] =	vst v0;
	v0 =	vadd.f32 v55, v6;
	v55 =	vld [tilespmem:$0x1F7A0]  }
0x3e7: {  	v6 =	vadd.f32 v31, v23;
	v23 =	vld [tilespmem:$0x1F810]  }
0x3e8: {  	v31 =	vld [tilespmem:$0x1F830]  }
0x3e9: {  	v9 =	vadd.f32 v52, v9;
	v52 =	vld [tilespmem:$0x63A0]  }
0x3ea: {  	v10 =	vadd.f32 v44, v10;
	v44 =	vld [tilespmem:$0x55A0]  }
0x3eb: {  	[tilespmem:$0x1FF80] =	vst v0;
	v0 =	vadd.f32 v7, v53;
	v53 =	vld [tilespmem:$0x1F790]  }
0x3ec: {  	v7 =	vadd.f32 v25, v13;
	v13 =	vld [tilespmem:$0x1F7E0]  }
0x3ed: {  	v9 =	vadd.f32 v63, v9;
	v63 =	vld [tilespmem:$0x5DA0]  }
0x3ee: {  	v4 =	vadd.f32 v4, v10;
	v10 =	vld [tilespmem:$0x1F870]  }
0x3ef: {  	[tilespmem:$0x1FEB0] =	vst v29;
	v29 =	vld [tilespmem:$0x1F8E0]  }
0x3f0: {  	[tilespmem:$0x1FF90] =	vst v0;
	v0 =	vadd.f32 v17, v57;
	v57 =	vld [tilespmem:$0x4BA0]  }
0x3f1: {  	v17 =	vld [tilespmem:$0x1F7F0]  }
0x3f2: {  	v7 =	vadd.f32 v45, v7;
	v45 =	vld [tilespmem:$0x1F840]  }
0x3f3: {  	v6 =	vadd.f32 v49, v6;
	[tilespmem:$0x1FEE0] =	vst v52;
	v52 =	vld [tilespmem:$0x1F930]  }
0x3f4: {  	v7 =	vadd.f32 v50, v7;
	v50 =	vld [tilespmem:$0x53A0]  }
0x3f5: {  	v6 =	vadd.f32 v53, v6;
	v53 =	vld [tilespmem:$0x59A0]  }
0x3f6: {  	v4 =	vadd.f32 v5, v4;
	v9 =	vadd.f32 v13, v9;
	v13 =	vld [tilespmem:$0x1F890]  }
0x3f7: {  	v7 =	vadd.f32 v55, v7;
	v55 =	vld [tilespmem:$0x5BA0]  }
0x3f8: {  	v2 =	vadd.f32 v2, v4;
	v6 =	vadd.f32 v8, v6;
	v8 =	vld [tilespmem:$0x65A0]  }
0x3f9: {  	v25 =	vadd.f32 v23, v9;
	v9 =	vld [tilespmem:$0x1F860]  }
0x3fa: {  	v2 =	vadd.f32 v12, v2;
	v12 =	vld [tilespmem:$0x1F880]  }
0x3fb: {  	v23 =	vld [tilespmem:$0x1F8B0]  }
0x3fc: {  	v7 =	vadd.f32 v11, v7;
	v11 =	vld [tilespmem:$0x67A0]  }
0x3fd: {  	v49 =	vadd.f32 v45, v25;
	v45 =	vld [tilespmem:$0x1F910]  }
0x3fe: {  	v6 =	vadd.f32 v17, v6;
	v22 =	vadd.f32 v20, v7;
	v7 =	vld [tilespmem:$0x1F850]  }
0x3ff: {  	v20 =	vld [tilespmem:$0x1F8A0]  }
0x400: {  	v6 =	vadd.f32 v27, v6;
	v27 =	vld [tilespmem:$0x1F8D0]  }
0x401: {  	v2 =	vadd.f32 v3, v2;
	v5 =	vadd.f32 v10, v49;
	v10 =	vld [tilespmem:$0x3DB0]  }
0x402: {  	v49 =	vld [tilespmem:$0x1F920]  }
0x403: {  	v2 =	vadd.f32 v16, v2;
	v16 =	vld [tilespmem:$0x43B0]  }
0x404: {  	[tilespmem:$0x1FF10] =	vst v8;
	v8 =	vld [tilespmem:$0x35B0]  }
0x405: {  	v33 =	vadd.f32 v31, v22;
	v31 =	vld [tilespmem:$0x1F8F0]  }
0x406: {  	[tilespmem:$0x1FF30] =	vst v11;
	v11 =	vld [tilespmem:$0x3FB0]  }
0x407: {  	v2 =	vadd.f32 v18, v2;
	v18 =	vld [tilespmem:$0x1F970]  }
0x408: {  	v4 =	vadd.f32 v9, v33;
	v9 =	vld [tilespmem:$0x3BB0]  }
0x409: {  	v33 =	vld [tilespmem:$0x1F900]  }
0x40a: {  	v6 =	vadd.f32 v7, v6;
	v7 =	vld [tilespmem:$0x37B0]  }
0x40b: {  	v2 =	vadd.f32 v14, v2;
	v14 =	vld [tilespmem:$0x1F950]  }
0x40c: {  	v22 =	vadd.f32 v20, v5;
	v20 =	vld [tilespmem:$0x1F980]  }
0x40d: {  	v17 =	vadd.f32 v13, v4;
	v13 =	vld [tilespmem:$0x1F940]  }
0x40e: {  	v6 =	vadd.f32 v12, v6;
	v12 =	vld [tilespmem:$0x41B0]  }
0x40f: {  	v4 =	vadd.f32 v27, v22;
	v22 =	vld [tilespmem:$0x45B0]  }
0x410: {  	v27 =	vld [tilespmem:$0x1F990]  }
0x411: {  	v2 =	vadd.f32 v19, v2;
	v3 =	vadd.f32 v26, v17;
	v17 =	vld [tilespmem:$0x1F960]  }
0x412: {  	v25 =	vadd.f32 v23, v6;
	v6 =	vld [tilespmem:$0x39B0]  }
0x413: {  	v19 =	vadd.f32 v15, v2;
	v2 =	vld [tilespmem:$0x49B0]  }
0x414: {  	v4 =	vadd.f32 v33, v4;
	v33 =	vld [tilespmem:$0x1F9C0]  }
0x415: {  	v3 =	vadd.f32 v31, v3;
	v31 =	vld [tilespmem:$0x1F9B0]  }
0x416: {  	v5 =	vadd.f32 v29, v25;
	v4 =	vadd.f32 v52, v4;
	v52 =	vld [tilespmem:$0x47B0]  }
0x417: {  	v7 =	vadd.f32 v7, v8;
	v29 =	vld [tilespmem:$0x1F9A0];
	v3 =	vadd.f32 v49, v3  }
0x418: {  	v25 =	vld [tilespmem:$0x4DB0];
	v5 =	vadd.f32 v45, v5;
	v4 =	vadd.f32 v17, v4  }
0x419: {  	v3 =	vadd.f32 v14, v3;
	v7 =	vadd.f32 v6, v7;
	v6 =	vld [tilespmem:$0x4BD0]  }
0x41a: {  	v5 =	vadd.f32 v13, v5;
	v13 =	vadd.f32 v48, v19;
	v48 =	vld [tilespmem:$0x1F9D0]  }
0x41b: {  	v4 =	vadd.f32 v27, v4;
	v27 =	vld [tilespmem:$0x1F9F0]  }
0x41c: {  	v23 =	vadd.f32 v20, v3;
	v3 =	vld [tilespmem:$0x4BB0]  }
0x41d: {  	v9 =	vadd.f32 v9, v7;
	v7 =	vld [tilespmem:$0x4DD0]  }
0x41e: {  	v45 =	vadd.f32 v33, v4;
	v4 =	vld [tilespmem:$0x4FB0]  }
0x41f: {  	v33 =	vld [tilespmem:$0x1FA20]  }
0x420: {  	v14 =	vadd.f32 v31, v23;
	v23 =	vld [tilespmem:$0x1F9E0]  }
0x421: {  	v5 =	vadd.f32 v18, v5;
	v31 =	vld [tilespmem:$0x1FA10]  }
0x422: {  	v9 =	vadd.f32 v10, v9;
	v10 =	vld [tilespmem:$0x1FC70]  }
0x423: {  	v5 =	vadd.f32 v29, v5;
	v29 =	vld [tilespmem:$0x1FA00]  }
0x424: {  	v14 =	vadd.f32 v27, v14;
	v27 =	vld [tilespmem:$0x55B0]  }
0x425: {  	v9 =	vadd.f32 v11, v9;
	v11 =	vld [tilespmem:$0x1FC90]  }
0x426: {  	v49 =	vadd.f32 v48, v5;
	v5 =	vld [tilespmem:$0x51B0]  }
0x427: {  	v48 =	vld [tilespmem:$0x1FA30]  }
0x428: {  	v12 =	vadd.f32 v12, v9;
	v9 =	vld [tilespmem:$0x5FC0]  }
0x429: {  	v26 =	vadd.f32 v23, v13;
	v13 =	vld [tilespmem:$0x53B0]  }
0x42a: {  	v17 =	vadd.f32 v31, v49;
	v31 =	vld [tilespmem:$0x1FA50]  }
0x42b: {  	v15 =	vadd.f32 v29, v45;
	v45 =	vadd.f32 v33, v14;
	v14 =	vld [tilespmem:$0x57B0]  }
0x42c: {  	v33 =	vld [tilespmem:$0x1FA60]  }
0x42d: {  	v12 =	vadd.f32 v16, v12;
	v16 =	vld [tilespmem:$0x1FCD0]  }
0x42e: {  	v18 =	vadd.f32 v21, v26;
	v26 =	vld [tilespmem:$0x1FA40]  }
0x42f: {  	v49 =	vadd.f32 v48, v15;
	v15 =	vld [tilespmem:$0x59B0]  }
0x430: {  	v48 =	vld [tilespmem:$0x1FA80]  }
0x431: {  	v22 =	vadd.f32 v22, v12;
	v12 =	vld [tilespmem:$0x65C0]  }
0x432: {  	v18 =	vadd.f32 v31, v18;
	v31 =	vld [tilespmem:$0x1FAA0]  }
0x433: {  	v22 =	vadd.f32 v52, v22;
	v52 =	vld [tilespmem:$0x1FD30]  }
0x434: {  	v19 =	vadd.f32 v33, v45;
	v45 =	vld [tilespmem:$0x1FA70]  }
0x435: {  	v33 =	vld [tilespmem:$0x1FAB0]  }
0x436: {  	v29 =	vadd.f32 v26, v17;
	v17 =	vld [tilespmem:$0x5BB0]  }
0x437: {  	v26 =	vld [tilespmem:$0x1FA90]  }
0x438: {  	v2 =	vadd.f32 v2, v22;
	v21 =	vadd.f32 v48, v29;
	v48 =	vld [tilespmem:$0x1FAC0]  }
0x439: {  	v20 =	vadd.f32 v45, v49;
	v49 =	vadd.f32 v24, v18;
	v18 =	vld [tilespmem:$0x5DB0]  }
0x43a: {  	v45 =	vadd.f32 v33, v21;
	v21 =	vld [tilespmem:$0x61B0]  }
0x43b: {  	v2 =	vadd.f32 v3, v2;
	v24 =	vld [tilespmem:$0x63B0]  }
0x43c: {  	v33 =	vld [tilespmem:$0x1FAF0]  }
0x43d: {  	v2 =	vadd.f32 v25, v2;
	v25 =	vld [tilespmem:$0x1FD90]  }
0x43e: {  	v29 =	vadd.f32 v26, v19;
	v19 =	vld [tilespmem:$0x5FB0]  }
0x43f: {  	v20 =	vadd.f32 v31, v20;
	v31 =	vld [tilespmem:$0x1FAD0]  }
0x440: {  	v23 =	vadd.f32 v32, v49;
	v32 =	vld [tilespmem:$0x1FAE0]  }
0x441: {  	v2 =	vadd.f32 v4, v2;
	v4 =	vld [tilespmem:$0x47D0]  }
0x442: {  	v49 =	vadd.f32 v48, v29;
	v48 =	vld [tilespmem:$0x1FB10]  }
0x443: {  	v23 =	vadd.f32 v30, v23;
	v30 =	vld [tilespmem:$0x65B0]  }
0x444: {  	v2 =	vadd.f32 v5, v2;
	v5 =	vld [tilespmem:$0x49D0]  }
0x445: {  	v29 =	vadd.f32 v33, v49;
	v33 =	vld [tilespmem:$0x1FB30]  }
0x446: {  	v2 =	vadd.f32 v13, v2;
	v13 =	vld [tilespmem:$0x1FDD0]  }
0x447: {  	v26 =	vadd.f32 v32, v45;
	v45 =	vld [tilespmem:$0x1FB00]  }
0x448: {  	v20 =	vadd.f32 v31, v20;
	v31 =	vld [tilespmem:$0x67B0]  }
0x449: {  	v49 =	vadd.f32 v48, v26;
	v26 =	vld [tilespmem:$0x1FB20]  }
0x44a: {  	v2 =	vadd.f32 v27, v2;
	v48 =	vld [tilespmem:$0x1FB50]  }
0x44b: {  	v27 =	vld [tilespmem:$0x1FE40]  }
0x44c: {  	v2 =	vadd.f32 v14, v2;
	v14 =	vld [tilespmem:$0x61D0]  }
0x44d: {  	v20 =	vadd.f32 v45, v20;
	v45 =	vld [tilespmem:$0x1FB40]  }
0x44e: {  	v2 =	vadd.f32 v15, v2;
	v23 =	vadd.f32 v26, v23;
	v26 =	vld [tilespmem:$0x35C0]  }
0x44f: {  	v32 =	vadd.f32 v48, v49;
	v49 =	vld [tilespmem:$0x1FB60]  }
0x450: {  	v2 =	vadd.f32 v17, v2;
	v17 =	vld [tilespmem:$0x1FE80]  }
0x451: {  	v34 =	vadd.f32 v34, v23;
	v23 =	vld [tilespmem:$0x39C0]  }
0x452: {  	v29 =	vadd.f32 v33, v29;
	v33 =	vadd.f32 v45, v20;
	v45 =	vld [tilespmem:$0x1FB70]  }
0x453: {  	v2 =	vadd.f32 v18, v2;
	v18 =	vld [tilespmem:$0x1FE90]  }
0x454: {  	v48 =	vadd.f32 v49, v29;
	v49 =	vld [tilespmem:$0x1FB80]  }
0x455: {  	v20 =	vld [tilespmem:$0x37C0]  }
0x456: {  	v2 =	vadd.f32 v19, v2;
	v19 =	vld [tilespmem:$0x37E0]  }
0x457: {  	v33 =	vadd.f32 v45, v33;
	v45 =	vld [tilespmem:$0x1FB90]  }
0x458: {  	v29 =	vld [tilespmem:$0x3BC0]  }
0x459: {  	v2 =	vadd.f32 v21, v2;
	v1 =	vadd.f32 v49, v32;
	v49 =	vld [tilespmem:$0x1FBA0]  }
0x45a: {  	v21 =	vld [tilespmem:$0x35F0]  }
0x45b: {  	v2 =	vadd.f32 v24, v2;
	v24 =	vld [tilespmem:$0x37F0]  }
0x45c: {  	v34 =	vadd.f32 v45, v34;
	v45 =	vld [tilespmem:$0x1FBB0]  }
0x45d: {  	v20 =	vadd.f32 v20, v26;
	v26 =	vld [tilespmem:$0x39F0]  }
0x45e: {  	[tilespmem:$0x1FFA0] =	vst v0;
	v0 =	vadd.f32 v49, v48;
	v48 =	vld [tilespmem:$0x1FBC0]  }
0x45f: {  	v32 =	vld [tilespmem:$0x3DC0]  }
0x460: {  	v20 =	vadd.f32 v23, v20;
	v49 =	vld [tilespmem:$0x1FBD0]  }
0x461: {  	[tilespmem:$0x1FFB0] =	vst v0;
	v0 =	vadd.f32 v45, v33;
	v45 =	vld [tilespmem:$0x1FBE0]  }
0x462: {  	v20 =	vadd.f32 v29, v20;
	v29 =	vld [tilespmem:$0x59E0]  }
0x463: {  	v21 =	vadd.f32 v24, v21;
	v24 =	vld [tilespmem:$0x57E0];
	v1 =	vadd.f32 v48, v1  }
0x464: {  	v33 =	vld [tilespmem:$0x3FC0]  }
0x465: {  	[tilespmem:$0x1FFC0] =	vst v1;
	v1 =	vadd.f32 v49, v34;
	v49 =	vld [tilespmem:$0x1FBF0]  }
0x466: {  	v0 =	vadd.f32 v45, v0;
	v45 =	vld [tilespmem:$0x1FC00]  }
0x467: {  	v20 =	vadd.f32 v32, v20;
	v32 =	vld [tilespmem:$0x47F0]  }
0x468: {  	v48 =	vld [tilespmem:$0x41C0]  }
0x469: {  	v21 =	vadd.f32 v26, v21;
	v26 =	vld [tilespmem:$0x57F0]  }
0x46a: {  	v34 =	vld [tilespmem:$0x43C0]  }
0x46b: {  	v20 =	vadd.f32 v33, v20;
	[tilespmem:$0x1FFD0] =	vst v0;
	v0 =	vadd.f32 v45, v49;
	v49 =	vld [tilespmem:$0x1FC10]  }
0x46c: {  	v33 =	vld [tilespmem:$0x49E0]  }
0x46d: {  	v20 =	vadd.f32 v48, v20;
	v45 =	vld [tilespmem:$0x1FC20]  }
0x46e: {  	v48 =	vld [tilespmem:$0x4DF0]  }
0x46f: {  	v20 =	vadd.f32 v34, v20;
	v34 =	vld [tilespmem:$0x49F0]  }
0x470: {  	v1 =	vadd.f32 v49, v1;
	v49 =	vadd.f32 v54, v46;
	v54 =	vld [tilespmem:$0x47C0]  }
0x471: {  	v46 =	vld [tilespmem:$0x49C0]  }
0x472: {  	v0 =	vadd.f32 v45, v0;
	v45 =	vld [tilespmem:$0x1FC30]  }
0x473: {  	[tilespmem:$0x1FFF0] =	vst v1;
	v1 =	vadd.f32 v59, v42;
	v59 =	vld [tilespmem:$0x45C0]  }
0x474: {  	v42 =	vld [tilespmem:$0x4BC0]  }
0x475: {  	v49 =	vadd.f32 v51, v49;
	v51 =	vld [tilespmem:$0x1FC40]  }
0x476: {  	v1 =	vadd.f32 v40, v1;
	v40 =	vld [tilespmem:$0x4DC0]  }
0x477: {  	v8 =	vadd.f32 v28, v49;
	v49 =	vld [tilespmem:$0x51C0]  }
0x478: {  	v0 =	vadd.f32 v45, v0;
	v45 =	vld [tilespmem:$0x4FC0]  }
0x479: {  	v1 =	vadd.f32 v58, v1;
	v58 =	vld [tilespmem:$0x1FC50]  }
0x47a: {  	v28 =	vadd.f32 v35, v8;
	v35 =	vld [tilespmem:$0x53C0]  }
0x47b: {  	v8 =	vld [tilespmem:$0x1FD50]  }
0x47c: {  	v0 =	vadd.f32 v51, v0;
	v51 =	vld [tilespmem:$0x55C0]  }
0x47d: {  	v20 =	vadd.f32 v59, v20;
	v59 =	vld [tilespmem:$0x53F0]  }
0x47e: {  	v1 =	vadd.f32 v60, v1;
	v60 =	vld [tilespmem:$0x1FC60]  }
0x47f: {  	v20 =	vadd.f32 v54, v20;
	v54 =	vld [tilespmem:$0x4FF0]  }
0x480: {  	v0 =	vadd.f32 v58, v0;
	v58 =	vadd.f32 v36, v28;
	v36 =	vld [tilespmem:$0x57C0]  }
0x481: {  	v28 =	vld [tilespmem:$0x1FCA0]  }
0x482: {  	v20 =	vadd.f32 v46, v20;
	v46 =	vld [tilespmem:$0x4DE0]  }
0x483: {  	v1 =	vadd.f32 v60, v1;
	v60 =	vld [tilespmem:$0x1FC80]  }
0x484: {  	v0 =	vadd.f32 v10, v0;
	v10 =	vld [tilespmem:$0x5DC0]  }
0x485: {  	v20 =	vadd.f32 v42, v20;
	v42 =	vld [tilespmem:$0x61E0]  }
0x486: {  	v0 =	vadd.f32 v11, v0;
	v11 =	vadd.f32 v37, v58;
	v58 =	vld [tilespmem:$0x5BC0]  }
0x487: {  	v37 =	vld [tilespmem:$0x1FCB0]  }
0x488: {  	v20 =	vadd.f32 v40, v20;
	v40 =	vld [tilespmem:$0x5FF0]  }
0x489: {  	v38 =	vadd.f32 v38, v11;
	v11 =	vld [tilespmem:$0x1FCC0]  }
0x48a: {  	v20 =	vadd.f32 v45, v20;
	v45 =	vld [tilespmem:$0x1FFA0]  }
0x48b: {  	v1 =	vadd.f32 v60, v1;
	v60 =	vld [tilespmem:$0x59C0]  }
0x48c: {  	v20 =	vadd.f32 v49, v20;
	v49 =	vld [tilespmem:$0x1FFC0]  }
0x48d: {  	v0 =	vadd.f32 v37, v0;
	v37 =	vadd.f32 v39, v38;
	v38 =	vld [tilespmem:$0x63C0]  }
0x48e: {  	v39 =	vld [tilespmem:$0x1FCE0]  }
0x48f: {  	v1 =	vadd.f32 v28, v1;
	v28 =	vld [tilespmem:$0x1FCF0]  }
0x490: {  	v20 =	vadd.f32 v35, v20;
	v35 =	vld [tilespmem:$0x1FF50]  }
0x491: {  	v1 =	vadd.f32 v11, v1;
	v11 =	vld [tilespmem:$0x61C0]  }
0x492: {  	v0 =	vadd.f32 v16, v0;
	v16 =	vadd.f32 v62, v37;
	v62 =	vld [tilespmem:$0x67C0]  }
0x493: {  	v37 =	vld [tilespmem:$0x1FD00]  }
0x494: {  	v20 =	vadd.f32 v51, v20;
	v51 =	vld [tilespmem:$0x1FFD0]  }
0x495: {  	[tilespmem:$0x1FFE0] =	vst v38;
	v38 =	vld [tilespmem:$0x1FD10]  }
0x496: {  	v16 =	vadd.f32 v61, v16;
	v1 =	vadd.f32 v39, v1;
	v39 =	vld [tilespmem:$0x1FD20]  }
0x497: {  	v61 =	vld [tilespmem:$0x1FD40]  }
0x498: {  	v0 =	vadd.f32 v28, v0;
	v28 =	vld [tilespmem:$0x1FD60];
	v16 =	vadd.f32 v57, v16  }
0x499: {  	v20 =	vadd.f32 v36, v20;
	v36 =	vld [tilespmem:$0x5DF0];
	v1 =	vadd.f32 v37, v1  }
0x49a: {  	v57 =	vld [tilespmem:$0x3BD0];
	v22 =	vadd.f32 v56, v16;
	v0 =	vadd.f32 v38, v0  }
0x49b: {  	v37 =	vld [tilespmem:$0x35D0];
	v1 =	vadd.f32 v39, v1  }
0x49c: {  	v3 =	vadd.f32 v41, v22;
	v0 =	vadd.f32 v52, v0;
	v52 =	vld [tilespmem:$0x1FD70]  }
0x49d: {  	v22 =	vld [tilespmem:$0x1FD80];
	v1 =	vadd.f32 v61, v1  }
0x49e: {  	v56 =	vld [tilespmem:$0x3FD0];
	v3 =	vadd.f32 v47, v3  }
0x49f: {  	v0 =	vadd.f32 v8, v0;
	v1 =	vadd.f32 v28, v1;
	v28 =	vld [tilespmem:$0x1FDA0]  }
0x4a0: {  	v16 =	vld [tilespmem:$0x41D0]  }
0x4a1: {  	v3 =	vadd.f32 v50, v3;
	v0 =	vadd.f32 v52, v0;
	v52 =	vld [tilespmem:$0x1FDC0]  }
0x4a2: {  	v47 =	vld [tilespmem:$0x1FDB0];
	v1 =	vadd.f32 v22, v1  }
0x4a3: {  	v3 =	vadd.f32 v44, v3;
	v0 =	vadd.f32 v25, v0;
	v25 =	vld [tilespmem:$0x1FDE0]  }
0x4a4: {  	v38 =	vld [tilespmem:$0x37D0];
	v1 =	vadd.f32 v28, v1  }
0x4a5: {  	v3 =	vadd.f32 v43, v3;
	v43 =	vld [tilespmem:$0x1FE00]  }
0x4a6: {  	v28 =	vld [tilespmem:$0x1FDF0];
	v1 =	vadd.f32 v52, v1  }
0x4a7: {  	v3 =	vadd.f32 v53, v3;
	v53 =	vld [tilespmem:$0x1FE20];
	v0 =	vadd.f32 v47, v0  }
0x4a8: {  	v44 =	vld [tilespmem:$0x1FE10];
	v1 =	vadd.f32 v25, v1  }
0x4a9: {  	v39 =	vld [tilespmem:$0x39D0];
	v0 =	vadd.f32 v13, v0  }
0x4aa: {  	v25 =	vld [tilespmem:$0x1FE30];
	v1 =	vadd.f32 v43, v1  }
0x4ab: {  	v41 =	vld [tilespmem:$0x43D0];
	v0 =	vadd.f32 v28, v0  }
0x4ac: {  	v3 =	vadd.f32 v55, v3;
	v1 =	vadd.f32 v53, v1;
	v53 =	vld [tilespmem:$0x1FE50]  }
0x4ad: {  	v61 =	vld [tilespmem:$0x3DD0];
	v0 =	vadd.f32 v44, v0  }
0x4ae: {  	v3 =	vadd.f32 v63, v3;
	v63 =	vld [tilespmem:$0x1FE70]  }
0x4af: {  	v55 =	vld [tilespmem:$0x1FE60];
	v0 =	vadd.f32 v25, v0  }
0x4b0: {  	v8 =	vld [tilespmem:$0x4FD0]  }
0x4b1: {  	v50 =	vld [tilespmem:$0x53D0];
	v0 =	vadd.f32 v53, v0  }
0x4b2: {  	v1 =	vadd.f32 v27, v1;
	v53 =	vld [tilespmem:$0x1FEA0]  }
0x4b3: {  	v0 =	vadd.f32 v63, v0;
	v63 =	vld [tilespmem:$0x1FEC0]  }
0x4b4: {  	v37 =	vadd.f32 v38, v37;
	v38 =	vld [tilespmem:$0x3BE0];
	v1 =	vadd.f32 v55, v1  }
0x4b5: {  	v22 =	vld [tilespmem:$0x45D0]  }
0x4b6: {  	v55 =	vld [tilespmem:$0x1FEB0];
	v1 =	vadd.f32 v18, v1  }
0x4b7: {  	v15 =	vadd.f32 v53, v0;
	v53 =	vld [tilespmem:$0x1FED0]  }
0x4b8: {  	v39 =	vadd.f32 v39, v37;
	v1 =	vadd.f32 v63, v1;
	v63 =	vld [tilespmem:$0x1FEF0]  }
0x4b9: {  	v37 =	vld [tilespmem:$0x3FE0];
	v3 =	vadd.f32 v17, v3  }
0x4ba: {  	v23 =	vadd.f32 v57, v39;
	v39 =	vld [tilespmem:$0x41E0]  }
0x4bb: {  	v3 =	vadd.f32 v55, v3;
	v55 =	vld [tilespmem:$0x1FEE0]  }
0x4bc: {  	v15 =	vadd.f32 v53, v15;
	v53 =	vld [tilespmem:$0x1FF00]  }
0x4bd: {  	v1 =	vadd.f32 v63, v1;
	v63 =	vld [tilespmem:$0x1FF20]  }
0x4be: {  	v57 =	vld [tilespmem:$0x45E0]  }
0x4bf: {  	v18 =	vld [tilespmem:$0x35E0]  }
0x4c0: {  	v3 =	vadd.f32 v55, v3;
	v55 =	vld [tilespmem:$0x1FF10]  }
0x4c1: {  	v15 =	vadd.f32 v53, v15;
	v53 =	vld [tilespmem:$0x39E0]  }
0x4c2: {  	v1 =	vadd.f32 v63, v1;
	v63 =	vld [tilespmem:$0x1FF30]  }
0x4c3: {  	v47 =	vld [tilespmem:$0x55D0]  }
0x4c4: {  	v23 =	vadd.f32 v61, v23;
	v61 =	vld [tilespmem:$0x45F0]  }
0x4c5: {  	v18 =	vadd.f32 v19, v18;
	v19 =	vld [tilespmem:$0x3BF0];
	v3 =	vadd.f32 v55, v3  }
0x4c6: {  	v30 =	vadd.f32 v30, v2;
	v23 =	vadd.f32 v56, v23;
	v55 =	vld [tilespmem:$0x3DE0]  }
0x4c7: {  	v18 =	vadd.f32 v53, v18;
	v2 =	vadd.f32 v63, v3;
	v63 =	vld [tilespmem:$0x3DF0]  }
0x4c8: {  	v52 =	vld [tilespmem:$0x51D0]  }
0x4c9: {  	v16 =	vadd.f32 v16, v23;
	v18 =	vadd.f32 v38, v18;
	v38 =	vld [tilespmem:$0x3FF0]  }
0x4ca: {  	v13 =	vld [tilespmem:$0x63D0];
	v19 =	vadd.f32 v19, v21  }
0x4cb: {  	v16 =	vadd.f32 v41, v16;
	v53 =	vld [tilespmem:$0x41F0];
	v18 =	vadd.f32 v55, v18  }
0x4cc: {  	v55 =	vld [tilespmem:$0x43E0];
	v19 =	vadd.f32 v63, v19  }
0x4cd: {  	v56 =	vld [tilespmem:$0x43F0];
	v16 =	vadd.f32 v22, v16;
	v18 =	vadd.f32 v37, v18  }
0x4ce: {  	v28 =	vld [tilespmem:$0x5BD0];
	v19 =	vadd.f32 v38, v19  }
0x4cf: {  	v43 =	vld [tilespmem:$0x59D0];
	v4 =	vadd.f32 v4, v16;
	v18 =	vadd.f32 v39, v18  }
0x4d0: {  	v63 =	vld [tilespmem:$0x47E0];
	v19 =	vadd.f32 v53, v19  }
0x4d1: {  	v17 =	vld [tilespmem:$0x65D0];
	v4 =	vadd.f32 v5, v4;
	v18 =	vadd.f32 v55, v18  }
0x4d2: {  	v44 =	vld [tilespmem:$0x57D0];
	v19 =	vadd.f32 v56, v19  }
0x4d3: {  	v25 =	vld [tilespmem:$0x5DD0];
	v4 =	vadd.f32 v6, v4;
	v18 =	vadd.f32 v57, v18  }
0x4d4: {  	v38 =	vld [tilespmem:$0x4BE0];
	v37 =	vadd.f32 v61, v19  }
0x4d5: {  	v4 =	vadd.f32 v7, v4;
	v39 =	vld [tilespmem:$0x4BF0];
	v18 =	vadd.f32 v63, v18  }
0x4d6: {  	v27 =	vld [tilespmem:$0x5FD0];
	v41 =	vadd.f32 v32, v37  }
0x4d7: {  	v0 =	vld [tilespmem:$0x67D0];
	v4 =	vadd.f32 v8, v4;
	v18 =	vadd.f32 v33, v18  }
0x4d8: {  	v53 =	vld [tilespmem:$0x4FE0];
	v5 =	vadd.f32 v34, v41  }
0x4d9: {  	v4 =	vadd.f32 v52, v4;
	v52 =	vld [tilespmem:$0x1FFE0];
	v18 =	vadd.f32 v38, v18  }
0x4da: {  	v55 =	vld [tilespmem:$0x51E0];
	v5 =	vadd.f32 v39, v5  }
0x4db: {  	v56 =	vld [tilespmem:$0x51F0];
	v16 =	vadd.f32 v46, v18  }
0x4dc: {  	v4 =	vadd.f32 v50, v4;
	v57 =	vld [tilespmem:$0x53E0];
	v5 =	vadd.f32 v48, v5  }
0x4dd: {  	v50 =	vld [tilespmem:$0x65E0];
	v6 =	vadd.f32 v53, v16  }
0x4de: {  	v4 =	vadd.f32 v47, v4;
	v61 =	vld [tilespmem:$0x55E0];
	v5 =	vadd.f32 v54, v5  }
0x4df: {  	v63 =	vld [tilespmem:$0x55F0];
	v6 =	vadd.f32 v55, v6  }
0x4e0: {  	v47 =	vld [tilespmem:$0x1FFB0];
	v4 =	vadd.f32 v44, v4;
	v5 =	vadd.f32 v56, v5  }
0x4e1: {  	v44 =	vld [tilespmem:$0x61F0];
	v6 =	vadd.f32 v57, v6  }
0x4e2: {  	v4 =	vadd.f32 v43, v4;
	v43 =	vld [tilespmem:$0x1FF90];
	v5 =	vadd.f32 v59, v5  }
0x4e3: {  	v3 =	vadd.f32 v31, v30;
	v30 =	vld [tilespmem:$0x59F0];
	v6 =	vadd.f32 v61, v6  }
0x4e4: {  	v31 =	vld [tilespmem:$0x5BE0];
	v5 =	vadd.f32 v63, v5  }
0x4e5: {  	v32 =	vld [tilespmem:$0x5BF0];
	v6 =	vadd.f32 v24, v6  }
0x4e6: {  	[tilespmem:$0x6930] =	vst v45;
	v20 =	vadd.f32 v60, v20;
	v34 =	vld [tilespmem:$0x5DE0];
	v5 =	vadd.f32 v26, v5  }
0x4e7: {  	[tilespmem:$0x6950] =	vst v49;
	v4 =	vadd.f32 v28, v4;
	v33 =	vld [tilespmem:$0x1FF40];
	v6 =	vadd.f32 v29, v6  }
0x4e8: {  	[tilespmem:$0x68E0] =	vst v35;
	v20 =	vadd.f32 v58, v20;
	v38 =	vld [tilespmem:$0x5FE0];
	v5 =	vadd.f32 v30, v5  }
0x4e9: {  	[tilespmem:$0x6960] =	vst v51;
	v4 =	vadd.f32 v25, v4;
	v37 =	vld [tilespmem:$0x1FF60];
	v6 =	vadd.f32 v31, v6  }
0x4ea: {  	v10 =	vadd.f32 v10, v20;
	[tilespmem:$0x6940] =	vst v47;
	v41 =	vld [tilespmem:$0x1FF80];
	v5 =	vadd.f32 v32, v5  }
0x4eb: {  	[tilespmem:$0x6980] =	vst v15;
	v4 =	vadd.f32 v27, v4;
	v46 =	vld [tilespmem:$0x63E0];
	v6 =	vadd.f32 v34, v6  }
0x4ec: {  	v9 =	vadd.f32 v9, v10;
	[tilespmem:$0x6990] =	vst v1;
	v39 =	vld [tilespmem:$0x1FF70];
	v5 =	vadd.f32 v36, v5  }
0x4ed: {  	[tilespmem:$0x6920] =	vst v43;
	v4 =	vadd.f32 v14, v4;
	v48 =	vld [tilespmem:$0x63F0];
	v6 =	vadd.f32 v38, v6  }
0x4ee: {  	v9 =	vadd.f32 v11, v9;
	[tilespmem:$0x69A0] =	vst v2;
	v53 =	vld [tilespmem:$0x65F0];
	v5 =	vadd.f32 v40, v5  }
0x4ef: {  	[tilespmem:$0x69B0] =	vst v3;
	v4 =	vadd.f32 v13, v4;
	v54 =	vld [tilespmem:$0x1FFF0];
	v6 =	vadd.f32 v42, v6  }
0x4f0: {  	v9 =	vadd.f32 v52, v9;
	[tilespmem:$0x68D0] =	vst v33;
	v55 =	vld [tilespmem:$0x67E0];
	v5 =	vadd.f32 v44, v5  }
0x4f1: {  	[tilespmem:$0x68F0] =	vst v37;
	v57 =	vadd.f32 v17, v4;
	v56 =	vld [tilespmem:$0x67F0];
	v6 =	vadd.f32 v46, v6  }
0x4f2: {  	v9 =	vadd.f32 v12, v9;
	[tilespmem:$0x6910] =	vst v41;
	v58 =	vadd.f32 v48, v5  }
0x4f3: {  	[tilespmem:$0x6900] =	vst v39;
	v0 =	vadd.f32 v0, v57;
	v60 =	vadd.f32 v50, v6  }
0x4f4: {  	v59 =	vadd.f32 v62, v9;
	[tilespmem:$0x6970] =	vst v54;
	v61 =	vadd.f32 v53, v58  }
0x4f5: {  	[tilespmem:$0x69D0] =	vst v0;
	v62 =	vadd.f32 v55, v60  }
0x4f6: {  	[tilespmem:$0x69C0] =	vst v59;
	v63 =	vadd.f32 v56, v61  }
0x4f7: {  	p0 =	sne.s32 s6, $0x1;
	[tilespmem:$0x69E0] =	vst v62  }
.Ltmp0:
0x4f8: {  	[tilespmem:$0x69F0] =	vst v63;
	(pc) =	sbr.rel @p0 .LBB2_1-.Ltmp0, $4  }
0x4f9: {  	[hbm4b:s5+s2] =	stream.linear.scatter [tilespmem:s12], [sflag:$0x2], $0x200, $0x38;
	[tilespmem:$0x6A00] =	vst v63  }
0x4fa: {  	_ =	swait.ge [sflag:s9], $0x200  }
0x4fb: {  	[sflag:s9] =	ssyncset.done $0x0  }
0x4fc: {  	s6 =	sadd.s32 $0xFFFFFFFF, s6;
	[sflag:s9] =	ssyncadd.s32 $0xFFFFFE00  }
0x4fd: {  	_ =	sfence.sel $0x180000  }
0x4fe: {  	[bflag:$0x0] =	sbarrier.arrive $0xFFFF  }
0x4ff: {  	p0 =	sne.s32 s0, $0x0;
	_ =	strace $0x90000047  }
0x500: {  	s0 =	sadd.s32 @!p0 $0x100000, s1;
	[bflag:$0x2] =	sbarrier.arrive $0xFFFF  }
0x501: {  	[sflag:s0] =	ssyncadd.tile.s32 @!p0 $0x1;
	_ =	shalt  }
.Lfunc_end2:
_tile_overlayer_lowered:
.L_overlay_start_2:
0x502: {  	(tag) =	ssettag $0x2  }
0x503: {  	s0 =	rddreg [dreg:$0x0];
	s2 =	stileid.u32  }
0x504: {  	s1 =	rddreg [dreg:$0x1];
	p0 =	sne.s32 s2, $0x0  }
0x505: {  	s3 =	rddreg [dreg:$0x2];
	[bflag:$0x3] =	sbarrier.arrive $0xFFFF;
	s2 =	simm.s32 @!p0 $0x1C02  }
0x506: {  	[timem:s3], [sflag:s2] =	dma.local @!p0 [hbm:s0], s1  }
0x507: {  	s0 =	simm.s32 @!p0 $0x2  }
0x508: {  	_ =	swait.ge @!p0 [sflag:s0], s1  }
0x509: {  	s1 =	ssub.s32 @!p0 $0x0, s1;
	[sflag:s0] =	ssyncset.done @!p0 $0x0  }
0x50a: {  	[sflag:s0] =	ssyncadd.s32 @!p0 s1  }
0x50b: {  	[bflag:$0x3] =	sbarrier.arrive $0xFFFF  }
0x50c: {  	_ =	shalt  }

</sc_bundles>
